<compile_context>
chip_gen: v7x
topology: tpu7x:2x2x1
jax: 0.10.2.dev20260603
libtpu: 0.0.44.dev20260713+nightly
codegen_flags: <defaults>
</compile_context>

<pallas_src>
import functools

import jax
import jax.numpy as jnp
from jax import lax
from jax.experimental import pallas as pl
from jax.experimental.pallas import tpu as pltpu
from jax.experimental.pallas import tpu_sc as plsc

_L = 16
_NC = 2
_NS = 16
_NW = _NC * _NS
_CH = 16384
_SBW = 128


@functools.lru_cache(maxsize=None)
def _build(nnz: int, n: int):
    assert nnz % (_NW * _CH) == 0
    assert n & (n - 1) == 0
    shift = n.bit_length() - 1
    per_w = nnz // _NW
    nch = per_w // _CH
    cap = _CH + _SBW + _L

    mesh = plsc.VectorSubcoreMesh(
        core_axis_name="c", subcore_axis_name="s",
        num_cores=_NC, num_subcores=_NS)

    @functools.partial(
        pl.kernel,
        out_type=(),
        mesh=mesh,
        compiler_params=pltpu.CompilerParams(needs_layout_passes=False),
        scratch_types=[
            pltpu.VMEM((_CH,), jnp.int32),
            pltpu.VMEM((_CH,), jnp.int32),
            pltpu.VMEM((_CH,), jnp.int32),
            pltpu.VMEM((_CH,), jnp.int32),
            pltpu.VMEM((_CH,), jnp.float32),
            pltpu.VMEM((_CH,), jnp.float32),
            pltpu.VMEM((cap,), jnp.int32),
            pltpu.VMEM((_SBW,), jnp.float32),
            pltpu.SemaphoreType.DMA,
            pltpu.SemaphoreType.DMA,
            pltpu.SemaphoreType.DMA,
        ],
    )
    def scatter_zeros(out_hbm, rows_hbm, cols_hbm, samp_hbm,
                      rows_v0, rows_v1, cols_v0, cols_v1, samp_v0, samp_v1,
                      zidx_v, zeros_v, lsem, ssem0, ssem1):
        bufs = ((rows_v0, cols_v0, samp_v0), (rows_v1, cols_v1, samp_v1))
        wid = lax.axis_index("s") * _NC + lax.axis_index("c")

        for b in range(_SBW // _L):
            zeros_v[pl.ds(b * _L, _L)] = jnp.zeros((_L,), jnp.float32)

        def load_chunk(ch, buf):
            base = wid * per_w + ch * _CH
            r_v, c_v, s_v = bufs[buf]
            pltpu.async_copy(rows_hbm.at[pl.ds(base, _CH)], r_v, lsem)
            pltpu.async_copy(cols_hbm.at[pl.ds(base, _CH)], c_v, lsem)
            pltpu.async_copy(samp_hbm.at[pl.ds(base, _CH)], s_v, lsem)

        def wait_chunk(buf):
            r_v, c_v, s_v = bufs[buf]
            pltpu.make_async_copy(rows_hbm.at[pl.ds(0, _CH)], r_v, lsem).wait()
            pltpu.make_async_copy(cols_hbm.at[pl.ds(0, _CH)], c_v, lsem).wait()
            pltpu.make_async_copy(samp_hbm.at[pl.ds(0, _CH)], s_v, lsem).wait()

        def fire(j, sem):
            pltpu.async_copy(
                zeros_v, out_hbm.at[zidx_v.at[pl.ds(j * _SBW, _SBW)]], sem)

        def drain1(sem):
            pltpu.make_async_copy(
                zeros_v, out_hbm.at[zidx_v.at[pl.ds(0, _SBW)]], sem).wait()

        load_chunk(0, 0)

        for ch in range(nch):
            buf = ch & 1
            wait_chunk(buf)
            if ch + 1 < nch:
                load_chunk(ch + 1, 1 - buf)

            rows_b, cols_b, samp_b = bufs[buf]

            @plsc.parallel_loop(0, _CH, _L, unroll=8,
                                carry=jnp.zeros((_L,), jnp.int32))
            def cnt_vec(g, cv):
                r = rows_b[pl.ds(g, _L)]
                c = cols_b[pl.ds(g, _L)]
                s = samp_b[pl.ds(g, _L)]
                flat = (r << shift) | c
                m = s == 0.0
                pos = plsc.cumsum(m.astype(jnp.int32))
                plsc.store_scatter(zidx_v, [cv + pos - 1], flat, mask=m)
                return cv + plsc.all_reduce_population_count(m)

            cnt = cnt_vec[0]

            @pl.when(cnt > 0)
            def _():
                pad = jnp.full((_L,), zidx_v[pl.ds(0, _L)][0], jnp.int32)
                for k in range(_SBW // _L):
                    zidx_v[pl.ds(cnt + k * _L, _L)] = pad
                nb = (cnt + _SBW - 1) // _SBW
                nb2 = nb // 2

                def blk2(j, c2):
                    fire(2 * j, ssem0)
                    fire(2 * j + 1, ssem1)
                    return c2

                lax.fori_loop(0, nb2, blk2, 0)

                @pl.when(nb % 2 == 1)
                def _():
                    fire(nb - 1, ssem0)

                def drn2(j, c2):
                    drain1(ssem0)
                    drain1(ssem1)
                    return c2

                lax.fori_loop(0, nb2, drn2, 0)

                @pl.when(nb % 2 == 1)
                def _():
                    drain1(ssem0)

    return scatter_zeros


def kernel(input, new_sample, weight_rows, weight_cols, sample):
    n = input.shape[0]
    nnz = weight_rows.shape[0]
    out_ref = jax.new_ref(jnp.reshape(input, (-1,)))
    _build(nnz, n)(out_ref, weight_rows, weight_cols, sample)
    return jnp.reshape(out_ref[...], (n, n))

# --- scband reference (transcript-rebuilt; emitter-appended) ---
"""Pipeline reference for scband-dropout-1571958030889 (READ-ONLY COPY).

The authoritative reference and input builder live on the scoring server;
editing this copy changes nothing except your own understanding.
"""

import jax, jax.numpy as jnp
import numpy as np

P = 0.1
Q = 1.0 - P + 1e-18
N = 4096
NNZ = 4194304

def setup_inputs(seed: int = 0) -> dict:
    key = jax.random.key(seed)
    k1, k2, k3, k4 = jax.random.split(key, 4)
    inp = jax.random.normal(k1, (N, N), dtype=jnp.float32)
    weight_rows = jax.random.randint(k2, (NNZ,), 0, N, dtype=jnp.int32)
    weight_cols = jax.random.randint(k3, (NNZ,), 0, N, dtype=jnp.int32)
    # module state: Bernoulli(1-p) sample drawn with sample_shape == weight_idx[1].shape
    sample = (jax.random.uniform(k4, (NNZ,), dtype=jnp.float32) < (1.0 - P)).astype(jnp.float32)
    return {
        "input": inp,
        "new_sample": 1,
        "weight_rows": weight_rows,
        "weight_cols": weight_cols,
        "sample": sample,
    }

def reference(input, new_sample, weight_rows, weight_cols, sample):
    # training-mode forward, input does NOT require grad:
    #   input = input.clone(); input[weight_idx] *= sample
    # new_sample=True means the Bernoulli sample was (re)drawn; here it is the
    # precomputed `sample` from setup_inputs (module state).
    out = input.at[weight_rows, weight_cols].multiply(sample)
    return out

if __name__ == "__main__":
    import jax
    _d = setup_inputs()
    print(jax.jit(kernel)(*tuple(_d.values())))

</pallas_src>

<mosaic_0001>
#map = affine_map<(d0, d1) -> (0)>
module attributes {stable_mosaic.version = 14 : i64} {
  func.func @new_body(%arg0: i32, %arg1: i32, %arg2: memref<16777216xf32, #tpu.memory_space<hbm>>, %arg3: memref<4194304xi32, #tpu.memory_space<hbm>>, %arg4: memref<4194304xi32, #tpu.memory_space<hbm>>, %arg5: memref<4194304xf32, #tpu.memory_space<hbm>>, %arg6: memref<16777216xf32, #tpu.memory_space<hbm>>, %arg7: memref<16384xi32, #tpu.memory_space<vmem>>, %arg8: memref<16384xi32, #tpu.memory_space<vmem>>, %arg9: memref<16384xi32, #tpu.memory_space<vmem>>, %arg10: memref<16384xi32, #tpu.memory_space<vmem>>, %arg11: memref<16384xf32, #tpu.memory_space<vmem>>, %arg12: memref<16384xf32, #tpu.memory_space<vmem>>, %arg13: memref<16528xi32, #tpu.memory_space<vmem>>, %arg14: memref<128xf32, #tpu.memory_space<vmem>>, %arg15: memref<!tpu.dma_semaphore, #tpu.memory_space<semaphore_mem>>, %arg16: memref<!tpu.dma_semaphore, #tpu.memory_space<semaphore_mem>>, %arg17: memref<!tpu.dma_semaphore, #tpu.memory_space<semaphore_mem>>) attributes {dimension_semantics = [#tpu.dimension_semantics<core_parallel>, #tpu.dimension_semantics<subcore_parallel>], iteration_bounds = array<i64: 2, 16>, scalar_prefetch = 0 : i64, scratch_operands = 11 : i64, tpu.core_type = #tpu.core_type<sc_vector_subcore>, window_params = [{transform_indices = #map}, {transform_indices = #map}, {transform_indices = #map}, {transform_indices = #map}, {transform_indices = #map}]} {
    %mul3A = arith.constant 2 : i32
    %mul3A_0 = arith.muli %arg1, %mul3A : i32
    %add3A = arith.addi %mul3A_0, %arg0 : i32
    %broadcast_in_dim3A = arith.constant 0.000000e+00 : f32
    %broadcast_in_dim3A_1 = vector.broadcast %broadcast_in_dim3A : f32 to vector<16xf32>
    %swap3A = arith.constant 0 : index
    %swap3A_2 = tpu.vector_load %arg14[%swap3A] {strides = array<i32>} : memref<128xf32, #tpu.memory_space<vmem>>, vector<16xf32>,
    tpu.vector_store %arg14[%swap3A], %broadcast_in_dim3A_1 {strides = array<i32>} : memref<128xf32, #tpu.memory_space<vmem>>, vector<16xf32>,
    %broadcast_in_dim3A_3 = arith.constant 0.000000e+00 : f32
    %broadcast_in_dim3A_4 = vector.broadcast %broadcast_in_dim3A_3 : f32 to vector<16xf32>
    %swap3A_5 = arith.constant 16 : index
    %swap3A_6 = tpu.vector_load %arg14[%swap3A_5] {strides = array<i32>} : memref<128xf32, #tpu.memory_space<vmem>>, vector<16xf32>,
    tpu.vector_store %arg14[%swap3A_5], %broadcast_in_dim3A_4 {strides = array<i32>} : memref<128xf32, #tpu.memory_space<vmem>>, vector<16xf32>,
    %broadcast_in_dim3A_7 = arith.constant 0.000000e+00 : f32
    %broadcast_in_dim3A_8 = vector.broadcast %broadcast_in_dim3A_7 : f32 to vector<16xf32>
    %swap3A_9 = arith.constant 32 : index
    %swap3A_10 = tpu.vector_load %arg14[%swap3A_9] {strides = array<i32>} : memref<128xf32, #tpu.memory_space<vmem>>, vector<16xf32>,
    tpu.vector_store %arg14[%swap3A_9], %broadcast_in_dim3A_8 {strides = array<i32>} : memref<128xf32, #tpu.memory_space<vmem>>, vector<16xf32>,
    %broadcast_in_dim3A_11 = arith.constant 0.000000e+00 : f32
    %broadcast_in_dim3A_12 = vector.broadcast %broadcast_in_dim3A_11 : f32 to vector<16xf32>
    %swap3A_13 = arith.constant 48 : index
    %swap3A_14 = tpu.vector_load %arg14[%swap3A_13] {strides = array<i32>} : memref<128xf32, #tpu.memory_space<vmem>>, vector<16xf32>,
    tpu.vector_store %arg14[%swap3A_13], %broadcast_in_dim3A_12 {strides = array<i32>} : memref<128xf32, #tpu.memory_space<vmem>>, vector<16xf32>,
    %broadcast_in_dim3A_15 = arith.constant 0.000000e+00 : f32
    %broadcast_in_dim3A_16 = vector.broadcast %broadcast_in_dim3A_15 : f32 to vector<16xf32>
    %swap3A_17 = arith.constant 64 : index
    %swap3A_18 = tpu.vector_load %arg14[%swap3A_17] {strides = array<i32>} : memref<128xf32, #tpu.memory_space<vmem>>, vector<16xf32>,
    tpu.vector_store %arg14[%swap3A_17], %broadcast_in_dim3A_16 {strides = array<i32>} : memref<128xf32, #tpu.memory_space<vmem>>, vector<16xf32>,
    %broadcast_in_dim3A_19 = arith.constant 0.000000e+00 : f32
    %broadcast_in_dim3A_20 = vector.broadcast %broadcast_in_dim3A_19 : f32 to vector<16xf32>
    %swap3A_21 = arith.constant 80 : index
    %swap3A_22 = tpu.vector_load %arg14[%swap3A_21] {strides = array<i32>} : memref<128xf32, #tpu.memory_space<vmem>>, vector<16xf32>,
    tpu.vector_store %arg14[%swap3A_21], %broadcast_in_dim3A_20 {strides = array<i32>} : memref<128xf32, #tpu.memory_space<vmem>>, vector<16xf32>,
    %broadcast_in_dim3A_23 = arith.constant 0.000000e+00 : f32
    %broadcast_in_dim3A_24 = vector.broadcast %broadcast_in_dim3A_23 : f32 to vector<16xf32>
    %swap3A_25 = arith.constant 96 : index
    %swap3A_26 = tpu.vector_load %arg14[%swap3A_25] {strides = array<i32>} : memref<128xf32, #tpu.memory_space<vmem>>, vector<16xf32>,
    tpu.vector_store %arg14[%swap3A_25], %broadcast_in_dim3A_24 {strides = array<i32>} : memref<128xf32, #tpu.memory_space<vmem>>, vector<16xf32>,
    %broadcast_in_dim3A_27 = arith.constant 0.000000e+00 : f32
    %broadcast_in_dim3A_28 = vector.broadcast %broadcast_in_dim3A_27 : f32 to vector<16xf32>
    %swap3A_29 = arith.constant 112 : index
    %swap3A_30 = tpu.vector_load %arg14[%swap3A_29] {strides = array<i32>} : memref<128xf32, #tpu.memory_space<vmem>>, vector<16xf32>,
    tpu.vector_store %arg14[%swap3A_29], %broadcast_in_dim3A_28 {strides = array<i32>} : memref<128xf32, #tpu.memory_space<vmem>>, vector<16xf32>,
    %mul3A_31 = arith.constant 131072 : i32
    %mul3A_32 = arith.muli %add3A, %mul3A_31 : i32
    %add3A_33 = arith.constant 0 : i32
    %add3A_34 = arith.addi %mul3A_32, %add3A_33 : i32
    %dma_start3A = tpu.memref_slice %arg3[%add3A_34] : memref<4194304xi32, #tpu.memory_space<hbm>> -> memref<16384xi32, #tpu.memory_space<hbm>>
    %dma_start3A_35 = tpu.memref_slice %arg3[%add3A_34] : memref<4194304xi32, #tpu.memory_space<hbm>> -> memref<16384xi32, #tpu.memory_space<hbm>>
    tpu.enqueue_dma source(%dma_start3A_35 : memref<16384xi32, #tpu.memory_space<hbm>>) target(%arg7 : memref<16384xi32, #tpu.memory_space<vmem>>) target_semaphore(%arg15 : memref<!tpu.dma_semaphore, #tpu.memory_space<semaphore_mem>>)
    %dma_start3A_36 = tpu.memref_slice %arg4[%add3A_34] : memref<4194304xi32, #tpu.memory_space<hbm>> -> memref<16384xi32, #tpu.memory_space<hbm>>
    %dma_start3A_37 = tpu.memref_slice %arg4[%add3A_34] : memref<4194304xi32, #tpu.memory_space<hbm>> -> memref<16384xi32, #tpu.memory_space<hbm>>
    tpu.enqueue_dma source(%dma_start3A_37 : memref<16384xi32, #tpu.memory_space<hbm>>) target(%arg9 : memref<16384xi32, #tpu.memory_space<vmem>>) target_semaphore(%arg15 : memref<!tpu.dma_semaphore, #tpu.memory_space<semaphore_mem>>)
    %dma_start3A_38 = tpu.memref_slice %arg5[%add3A_34] : memref<4194304xf32, #tpu.memory_space<hbm>> -> memref<16384xf32, #tpu.memory_space<hbm>>
    %dma_start3A_39 = tpu.memref_slice %arg5[%add3A_34] : memref<4194304xf32, #tpu.memory_space<hbm>> -> memref<16384xf32, #tpu.memory_space<hbm>>
    tpu.enqueue_dma source(%dma_start3A_39 : memref<16384xf32, #tpu.memory_space<hbm>>) target(%arg11 : memref<16384xf32, #tpu.memory_space<vmem>>) target_semaphore(%arg15 : memref<!tpu.dma_semaphore, #tpu.memory_space<semaphore_mem>>)
    %dma_wait3A = arith.constant 0 : i32
    %dma_wait3A_40 = tpu.memref_slice %arg3[%dma_wait3A] : memref<4194304xi32, #tpu.memory_space<hbm>> -> memref<16384xi32, #tpu.memory_space<hbm>>
    %dma_wait3A_41 = arith.constant 0 : i32
    %dma_wait3A_42 = tpu.memref_slice %arg3[%dma_wait3A_41] : memref<4194304xi32, #tpu.memory_space<hbm>> -> memref<16384xi32, #tpu.memory_space<hbm>>
    tpu.wait_dma2 semaphore(%arg15 : memref<!tpu.dma_semaphore, #tpu.memory_space<semaphore_mem>>) src(%dma_wait3A_42 : memref<16384xi32, #tpu.memory_space<hbm>>) dst(%arg7 : memref<16384xi32, #tpu.memory_space<vmem>>)
    %dma_wait3A_43 = arith.constant 0 : i32
    %dma_wait3A_44 = tpu.memref_slice %arg4[%dma_wait3A_43] : memref<4194304xi32, #tpu.memory_space<hbm>> -> memref<16384xi32, #tpu.memory_space<hbm>>
    %dma_wait3A_45 = arith.constant 0 : i32
    %dma_wait3A_46 = tpu.memref_slice %arg4[%dma_wait3A_45] : memref<4194304xi32, #tpu.memory_space<hbm>> -> memref<16384xi32, #tpu.memory_space<hbm>>
    tpu.wait_dma2 semaphore(%arg15 : memref<!tpu.dma_semaphore, #tpu.memory_space<semaphore_mem>>) src(%dma_wait3A_46 : memref<16384xi32, #tpu.memory_space<hbm>>) dst(%arg9 : memref<16384xi32, #tpu.memory_space<vmem>>)
    %dma_wait3A_47 = arith.constant 0 : i32
    %dma_wait3A_48 = tpu.memref_slice %arg5[%dma_wait3A_47] : memref<4194304xf32, #tpu.memory_space<hbm>> -> memref<16384xf32, #tpu.memory_space<hbm>>
    %dma_wait3A_49 = arith.constant 0 : i32
    %dma_wait3A_50 = tpu.memref_slice %arg5[%dma_wait3A_49] : memref<4194304xf32, #tpu.memory_space<hbm>> -> memref<16384xf32, #tpu.memory_space<hbm>>
    tpu.wait_dma2 semaphore(%arg15 : memref<!tpu.dma_semaphore, #tpu.memory_space<semaphore_mem>>) src(%dma_wait3A_50 : memref<16384xf32, #tpu.memory_space<hbm>>) dst(%arg11 : memref<16384xf32, #tpu.memory_space<vmem>>)
    %mul3A_51 = arith.constant 131072 : i32
    %mul3A_52 = arith.muli %add3A, %mul3A_51 : i32
    %add3A_53 = arith.constant 16384 : i32
    %add3A_54 = arith.addi %mul3A_52, %add3A_53 : i32
    %dma_start3A_55 = tpu.memref_slice %arg3[%add3A_54] : memref<4194304xi32, #tpu.memory_space<hbm>> -> memref<16384xi32, #tpu.memory_space<hbm>>
    %dma_start3A_56 = tpu.memref_slice %arg3[%add3A_54] : memref<4194304xi32, #tpu.memory_space<hbm>> -> memref<16384xi32, #tpu.memory_space<hbm>>
    tpu.enqueue_dma source(%dma_start3A_56 : memref<16384xi32, #tpu.memory_space<hbm>>) target(%arg8 : memref<16384xi32, #tpu.memory_space<vmem>>) target_semaphore(%arg15 : memref<!tpu.dma_semaphore, #tpu.memory_space<semaphore_mem>>)
    %dma_start3A_57 = tpu.memref_slice %arg4[%add3A_54] : memref<4194304xi32, #tpu.memory_space<hbm>> -> memref<16384xi32, #tpu.memory_space<hbm>>
    %dma_start3A_58 = tpu.memref_slice %arg4[%add3A_54] : memref<4194304xi32, #tpu.memory_space<hbm>> -> memref<16384xi32, #tpu.memory_space<hbm>>
    tpu.enqueue_dma source(%dma_start3A_58 : memref<16384xi32, #tpu.memory_space<hbm>>) target(%arg10 : memref<16384xi32, #tpu.memory_space<vmem>>) target_semaphore(%arg15 : memref<!tpu.dma_semaphore, #tpu.memory_space<semaphore_mem>>)
    %dma_start3A_59 = tpu.memref_slice %arg5[%add3A_54] : memref<4194304xf32, #tpu.memory_space<hbm>> -> memref<16384xf32, #tpu.memory_space<hbm>>
    %dma_start3A_60 = tpu.memref_slice %arg5[%add3A_54] : memref<4194304xf32, #tpu.memory_space<hbm>> -> memref<16384xf32, #tpu.memory_space<hbm>>
    tpu.enqueue_dma source(%dma_start3A_60 : memref<16384xf32, #tpu.memory_space<hbm>>) target(%arg12 : memref<16384xf32, #tpu.memory_space<vmem>>) target_semaphore(%arg15 : memref<!tpu.dma_semaphore, #tpu.memory_space<semaphore_mem>>)
    %broadcast_in_dim3A_61 = arith.constant 0 : i32
    %broadcast_in_dim3A_62 = vector.broadcast %broadcast_in_dim3A_61 : i32 to vector<16xi32>
    %parallel_loop3A = arith.constant 0 : i32
    %parallel_loop3A_63 = arith.constant 16384 : i32
    %parallel_loop3A_64 = arith.constant 16 : i32
    %parallel_loop3A_65 = scf.for %parallel_loop3A_303 = %parallel_loop3A to %parallel_loop3A_63 step %parallel_loop3A_64 iter_args(%parallel_loop3A_304 = %broadcast_in_dim3A_62) -> (vector<16xi32>)  : i32 {
      %parallel_loop3A_305 = arith.index_cast %parallel_loop3A_303 : i32 to index
      %parallel_loop3A_306 = tpu.vector_load %arg7[%parallel_loop3A_305] {strides = array<i32>} : memref<16384xi32, #tpu.memory_space<vmem>>, vector<16xi32>,
      %parallel_loop3A_307 = arith.index_cast %parallel_loop3A_303 : i32 to index
      %parallel_loop3A_308 = tpu.vector_load %arg9[%parallel_loop3A_307] {strides = array<i32>} : memref<16384xi32, #tpu.memory_space<vmem>>, vector<16xi32>,
      %parallel_loop3A_309 = arith.index_cast %parallel_loop3A_303 : i32 to index
      %parallel_loop3A_310 = tpu.vector_load %arg11[%parallel_loop3A_309] {strides = array<i32>} : memref<16384xf32, #tpu.memory_space<vmem>>, vector<16xf32>,
      %parallel_loop3A_311 = arith.constant 12 : i32
      %parallel_loop3A_312 = vector.broadcast %parallel_loop3A_311 : i32 to vector<16xi32>
      %parallel_loop3A_313 = arith.shli %parallel_loop3A_306, %parallel_loop3A_312 : vector<16xi32>
      %parallel_loop3A_314 = arith.ori %parallel_loop3A_313, %parallel_loop3A_308 : vector<16xi32>
      %parallel_loop3A_315 = arith.constant 0.000000e+00 : f32
      %parallel_loop3A_316 = vector.broadcast %parallel_loop3A_315 : f32 to vector<16xf32>
      %parallel_loop3A_317 = arith.cmpf oeq, %parallel_loop3A_310, %parallel_loop3A_316 : vector<16xf32>
      %parallel_loop3A_318 = arith.extui %parallel_loop3A_317 : vector<16xi1> to vector<16xi32>
      %parallel_loop3A_319 = arith.constant true
      %parallel_loop3A_320 = vector.broadcast %parallel_loop3A_319 : i1 to vector<16xi1>
      %parallel_loop3A_321 = tpu.scan <sum>, %parallel_loop3A_318 masked %parallel_loop3A_320 : vector<16xi32>, vector<16xi1> -> vector<16xi32>
      %parallel_loop3A_322 = arith.addi %parallel_loop3A_304, %parallel_loop3A_321 : vector<16xi32>
      %parallel_loop3A_323 = arith.constant 1 : i32
      %parallel_loop3A_324 = vector.broadcast %parallel_loop3A_323 : i32 to vector<16xi32>
      %parallel_loop3A_325 = arith.subi %parallel_loop3A_322, %parallel_loop3A_324 : vector<16xi32>
      tpu.vector_store_idx %arg13[%parallel_loop3A_325], %parallel_loop3A_314 masked %parallel_loop3A_317 : memref<16528xi32, #tpu.memory_space<vmem>>[vector<16xi32>], vector<16xi32>, vector<16xi1>
      %parallel_loop3A_326 = tpu.all_reduce %parallel_loop3A_317 {dim = 0 : i64, kind = #tpu.reduction_kind<sum>} : vector<16xi1> -> vector<16xi32>
      %parallel_loop3A_327 = arith.addi %parallel_loop3A_304, %parallel_loop3A_326 : vector<16xi32>
      scf.yield %parallel_loop3A_327 : vector<16xi32>
    } {sc.loop_unroll_factor = 8 : i64, sc.parallel_access}
    %slice3A = vector.extract_strided_slice %parallel_loop3A_65 {offsets = [0], sizes = [1], strides = [1]} : vector<16xi32> to vector<1xi32>
    %squeeze3A = vector.extract %slice3A[0] : i32 from vector<1xi32>
    %gt3A = arith.constant 0 : i32
    %gt3A_66 = arith.cmpi sgt, %squeeze3A, %gt3A : i32
    %convert_element_type3A = arith.extui %gt3A_66 : i1 to i32
    %cond3A = arith.constant 0 : i32
    %cond3A_67 = arith.cmpi ne, %convert_element_type3A, %cond3A : i32
    scf.if %cond3A_67 {
      %get3A = arith.constant 0 : index
      %get3A_303 = tpu.vector_load %arg13[%get3A] {strides = array<i32>} : memref<16528xi32, #tpu.memory_space<vmem>>, vector<16xi32>,
      %slice3A_304 = vector.extract_strided_slice %get3A_303 {offsets = [0], sizes = [1], strides = [1]} : vector<16xi32> to vector<1xi32>
      %squeeze3A_305 = vector.extract %slice3A_304[0] : i32 from vector<1xi32>
      %broadcast_in_dim3A_306 = vector.broadcast %squeeze3A_305 : i32 to vector<16xi32>
      %add3A_307 = arith.constant 0 : i32
      %add3A_308 = arith.addi %squeeze3A, %add3A_307 : i32
      %swap3A_309 = arith.index_cast %add3A_308 : i32 to index
      %swap3A_310 = tpu.vector_load %arg13[%swap3A_309] {strides = array<i32>} : memref<16528xi32, #tpu.memory_space<vmem>>, vector<16xi32>,
      tpu.vector_store %arg13[%swap3A_309], %broadcast_in_dim3A_306 {strides = array<i32>} : memref<16528xi32, #tpu.memory_space<vmem>>, vector<16xi32>,
      %add3A_311 = arith.constant 16 : i32
      %add3A_312 = arith.addi %squeeze3A, %add3A_311 : i32
      %swap3A_313 = arith.index_cast %add3A_312 : i32 to index
      %swap3A_314 = tpu.vector_load %arg13[%swap3A_313] {strides = array<i32>} : memref<16528xi32, #tpu.memory_space<vmem>>, vector<16xi32>,
      tpu.vector_store %arg13[%swap3A_313], %broadcast_in_dim3A_306 {strides = array<i32>} : memref<16528xi32, #tpu.memory_space<vmem>>, vector<16xi32>,
      %add3A_315 = arith.constant 32 : i32
      %add3A_316 = arith.addi %squeeze3A, %add3A_315 : i32
      %swap3A_317 = arith.index_cast %add3A_316 : i32 to index
      %swap3A_318 = tpu.vector_load %arg13[%swap3A_317] {strides = array<i32>} : memref<16528xi32, #tpu.memory_space<vmem>>, vector<16xi32>,
      tpu.vector_store %arg13[%swap3A_317], %broadcast_in_dim3A_306 {strides = array<i32>} : memref<16528xi32, #tpu.memory_space<vmem>>, vector<16xi32>,
      %add3A_319 = arith.constant 48 : i32
      %add3A_320 = arith.addi %squeeze3A, %add3A_319 : i32
      %swap3A_321 = arith.index_cast %add3A_320 : i32 to index
      %swap3A_322 = tpu.vector_load %arg13[%swap3A_321] {strides = array<i32>} : memref<16528xi32, #tpu.memory_space<vmem>>, vector<16xi32>,
      tpu.vector_store %arg13[%swap3A_321], %broadcast_in_dim3A_306 {strides = array<i32>} : memref<16528xi32, #tpu.memory_space<vmem>>, vector<16xi32>,
      %add3A_323 = arith.constant 64 : i32
      %add3A_324 = arith.addi %squeeze3A, %add3A_323 : i32
      %swap3A_325 = arith.index_cast %add3A_324 : i32 to index
      %swap3A_326 = tpu.vector_load %arg13[%swap3A_325] {strides = array<i32>} : memref<16528xi32, #tpu.memory_space<vmem>>, vector<16xi32>,
      tpu.vector_store %arg13[%swap3A_325], %broadcast_in_dim3A_306 {strides = array<i32>} : memref<16528xi32, #tpu.memory_space<vmem>>, vector<16xi32>,
      %add3A_327 = arith.constant 80 : i32
      %add3A_328 = arith.addi %squeeze3A, %add3A_327 : i32
      %swap3A_329 = arith.index_cast %add3A_328 : i32 to index
      %swap3A_330 = tpu.vector_load %arg13[%swap3A_329] {strides = array<i32>} : memref<16528xi32, #tpu.memory_space<vmem>>, vector<16xi32>,
      tpu.vector_store %arg13[%swap3A_329], %broadcast_in_dim3A_306 {strides = array<i32>} : memref<16528xi32, #tpu.memory_space<vmem>>, vector<16xi32>,
      %add3A_331 = arith.constant 96 : i32
      %add3A_332 = arith.addi %squeeze3A, %add3A_331 : i32
      %swap3A_333 = arith.index_cast %add3A_332 : i32 to index
      %swap3A_334 = tpu.vector_load %arg13[%swap3A_333] {strides = array<i32>} : memref<16528xi32, #tpu.memory_space<vmem>>, vector<16xi32>,
      tpu.vector_store %arg13[%swap3A_333], %broadcast_in_dim3A_306 {strides = array<i32>} : memref<16528xi32, #tpu.memory_space<vmem>>, vector<16xi32>,
      %add3A_335 = arith.constant 112 : i32
      %add3A_336 = arith.addi %squeeze3A, %add3A_335 : i32
      %swap3A_337 = arith.index_cast %add3A_336 : i32 to index
      %swap3A_338 = tpu.vector_load %arg13[%swap3A_337] {strides = array<i32>} : memref<16528xi32, #tpu.memory_space<vmem>>, vector<16xi32>,
      tpu.vector_store %arg13[%swap3A_337], %broadcast_in_dim3A_306 {strides = array<i32>} : memref<16528xi32, #tpu.memory_space<vmem>>, vector<16xi32>,
      %add3A_339 = arith.constant 128 : i32
      %add3A_340 = arith.addi %squeeze3A, %add3A_339 : i32
      %sub3A = arith.constant 1 : i32
      %sub3A_341 = arith.subi %add3A_340, %sub3A : i32
      %jit3A = arith.constant 128 : i32
      %div3A = arith.divsi %sub3A_341, %jit3A : i32
      %sign3A = arith.constant 0 : i32
      %sign3A_342 = arith.cmpi sgt, %sub3A_341, %sign3A : i32
      %sign3A_343 = arith.extui %sign3A_342 : i1 to i32
      %sign3A_344 = arith.constant 0 : i32
      %sign3A_345 = arith.cmpi slt, %sub3A_341, %sign3A_344 : i32
      %sign3A_346 = arith.extui %sign3A_345 : i1 to i32
      %sign3A_347 = arith.subi %sign3A_343, %sign3A_346 : i32
      %sign3A_348 = arith.constant 0 : i32
      %sign3A_349 = arith.cmpi sgt, %jit3A, %sign3A_348 : i32
      %sign3A_350 = arith.extui %sign3A_349 : i1 to i32
      %sign3A_351 = arith.constant 0 : i32
      %sign3A_352 = arith.cmpi slt, %jit3A, %sign3A_351 : i32
      %sign3A_353 = arith.extui %sign3A_352 : i1 to i32
      %sign3A_354 = arith.subi %sign3A_350, %sign3A_353 : i32
      %ne3A = arith.cmpi ne, %sign3A_347, %sign3A_354 : i32
      %rem3A = arith.remsi %sub3A_341, %jit3A : i32
      %ne3A_355 = arith.constant 0 : i32
      %ne3A_356 = arith.cmpi ne, %rem3A, %ne3A_355 : i32
      %and3A = arith.andi %ne3A, %ne3A_356 : i1
      %sub3A_357 = arith.constant 1 : i32
      %sub3A_358 = arith.subi %div3A, %sub3A_357 : i32
      %select_n3A = arith.select %and3A, %sub3A_358, %div3A : i32
      %jit3A_359 = arith.constant 2 : i32
      %div3A_360 = arith.divsi %select_n3A, %jit3A_359 : i32
      %sign3A_361 = arith.constant 0 : i32
      %sign3A_362 = arith.cmpi sgt, %select_n3A, %sign3A_361 : i32
      %sign3A_363 = arith.extui %sign3A_362 : i1 to i32
      %sign3A_364 = arith.constant 0 : i32
      %sign3A_365 = arith.cmpi slt, %select_n3A, %sign3A_364 : i32
      %sign3A_366 = arith.extui %sign3A_365 : i1 to i32
      %sign3A_367 = arith.subi %sign3A_363, %sign3A_366 : i32
      %sign3A_368 = arith.constant 0 : i32
      %sign3A_369 = arith.cmpi sgt, %jit3A_359, %sign3A_368 : i32
      %sign3A_370 = arith.extui %sign3A_369 : i1 to i32
      %sign3A_371 = arith.constant 0 : i32
      %sign3A_372 = arith.cmpi slt, %jit3A_359, %sign3A_371 : i32
      %sign3A_373 = arith.extui %sign3A_372 : i1 to i32
      %sign3A_374 = arith.subi %sign3A_370, %sign3A_373 : i32
      %ne3A_375 = arith.cmpi ne, %sign3A_367, %sign3A_374 : i32
      %rem3A_376 = arith.remsi %select_n3A, %jit3A_359 : i32
      %ne3A_377 = arith.constant 0 : i32
      %ne3A_378 = arith.cmpi ne, %rem3A_376, %ne3A_377 : i32
      %and3A_379 = arith.andi %ne3A_375, %ne3A_378 : i1
      %sub3A_380 = arith.constant 1 : i32
      %sub3A_381 = arith.subi %div3A_360, %sub3A_380 : i32
      %select_n3A_382 = arith.select %and3A_379, %sub3A_381, %div3A_360 : i32
      %while3A = arith.constant 0 : i32
      %while3A_383 = arith.constant 0 : i32
      %while3A_384 = arith.subi %select_n3A_382, %while3A_383 : i32
      %while3A_385 = arith.addi %while3A_383, %while3A_384 : i32
      %while3A_386 = arith.constant 1 : i32
      %while3A_387 = arith.divsi %while3A_384, %while3A_386 : i32
      %while3A_388 = arith.muli %while3A_387, %while3A_386 : i32
      %while3A_389 = arith.addi %while3A_383, %while3A_388 : i32
      %while3A_390 = arith.constant 1 : i32
      scf.for %while3A_442 = %while3A_383 to %while3A_389 step %while3A_390  : i32 {
        %mul3A_443 = arith.constant 2 : i32
        %mul3A_444 = arith.muli %mul3A_443, %while3A_442 : i32
        %mul3A_445 = arith.constant 128 : i32
        %mul3A_446 = arith.muli %mul3A_444, %mul3A_445 : i32
        %dma_start3A_447 = tpu.memref_slice %arg13[%mul3A_446] : memref<16528xi32, #tpu.memory_space<vmem>> -> memref<128xi32, #tpu.memory_space<vmem>>
        %dma_start3A_448 = arith.constant 0 : i32
        %dma_start3A_449 = tpu.memref_slice %arg2[%dma_start3A_448] : memref<16777216xf32, #tpu.memory_space<hbm>> -> memref<16777216xf32, #tpu.memory_space<hbm>>
        tpu.enqueue_indirect_dma source(%arg14 : memref<128xf32, #tpu.memory_space<vmem>>) target(%dma_start3A_449 : memref<16777216xf32, #tpu.memory_space<hbm>>) offsets(%dma_start3A_447 : memref<128xi32, #tpu.memory_space<vmem>>) semaphore(%arg16 : memref<!tpu.dma_semaphore, #tpu.memory_space<semaphore_mem>>)
        %mul3A_450 = arith.constant 2 : i32
        %mul3A_451 = arith.muli %mul3A_450, %while3A_442 : i32
        %add3A_452 = arith.constant 1 : i32
        %add3A_453 = arith.addi %mul3A_451, %add3A_452 : i32
        %mul3A_454 = arith.constant 128 : i32
        %mul3A_455 = arith.muli %add3A_453, %mul3A_454 : i32
        %dma_start3A_456 = tpu.memref_slice %arg13[%mul3A_455] : memref<16528xi32, #tpu.memory_space<vmem>> -> memref<128xi32, #tpu.memory_space<vmem>>
        %dma_start3A_457 = arith.constant 0 : i32
        %dma_start3A_458 = tpu.memref_slice %arg2[%dma_start3A_457] : memref<16777216xf32, #tpu.memory_space<hbm>> -> memref<16777216xf32, #tpu.memory_space<hbm>>
        tpu.enqueue_indirect_dma source(%arg14 : memref<128xf32, #tpu.memory_space<vmem>>) target(%dma_start3A_458 : memref<16777216xf32, #tpu.memory_space<hbm>>) offsets(%dma_start3A_456 : memref<128xi32, #tpu.memory_space<vmem>>) semaphore(%arg17 : memref<!tpu.dma_semaphore, #tpu.memory_space<semaphore_mem>>)
      }
      %while3A_391 = arith.constant 1 : i32
      scf.for %while3A_442 = %while3A_389 to %while3A_385 step %while3A_391  : i32 {
        %mul3A_443 = arith.constant 2 : i32
        %mul3A_444 = arith.muli %mul3A_443, %while3A_442 : i32
        %mul3A_445 = arith.constant 128 : i32
        %mul3A_446 = arith.muli %mul3A_444, %mul3A_445 : i32
        %dma_start3A_447 = tpu.memref_slice %arg13[%mul3A_446] : memref<16528xi32, #tpu.memory_space<vmem>> -> memref<128xi32, #tpu.memory_space<vmem>>
        %dma_start3A_448 = arith.constant 0 : i32
        %dma_start3A_449 = tpu.memref_slice %arg2[%dma_start3A_448] : memref<16777216xf32, #tpu.memory_space<hbm>> -> memref<16777216xf32, #tpu.memory_space<hbm>>
        tpu.enqueue_indirect_dma source(%arg14 : memref<128xf32, #tpu.memory_space<vmem>>) target(%dma_start3A_449 : memref<16777216xf32, #tpu.memory_space<hbm>>) offsets(%dma_start3A_447 : memref<128xi32, #tpu.memory_space<vmem>>) semaphore(%arg16 : memref<!tpu.dma_semaphore, #tpu.memory_space<semaphore_mem>>)
        %mul3A_450 = arith.constant 2 : i32
        %mul3A_451 = arith.muli %mul3A_450, %while3A_442 : i32
        %add3A_452 = arith.constant 1 : i32
        %add3A_453 = arith.addi %mul3A_451, %add3A_452 : i32
        %mul3A_454 = arith.constant 128 : i32
        %mul3A_455 = arith.muli %add3A_453, %mul3A_454 : i32
        %dma_start3A_456 = tpu.memref_slice %arg13[%mul3A_455] : memref<16528xi32, #tpu.memory_space<vmem>> -> memref<128xi32, #tpu.memory_space<vmem>>
        %dma_start3A_457 = arith.constant 0 : i32
        %dma_start3A_458 = tpu.memref_slice %arg2[%dma_start3A_457] : memref<16777216xf32, #tpu.memory_space<hbm>> -> memref<16777216xf32, #tpu.memory_space<hbm>>
        tpu.enqueue_indirect_dma source(%arg14 : memref<128xf32, #tpu.memory_space<vmem>>) target(%dma_start3A_458 : memref<16777216xf32, #tpu.memory_space<hbm>>) offsets(%dma_start3A_456 : memref<128xi32, #tpu.memory_space<vmem>>) semaphore(%arg17 : memref<!tpu.dma_semaphore, #tpu.memory_space<semaphore_mem>>)
      }
      %jit3A_392 = arith.constant 2 : i32
      %eq3A = arith.constant 0 : i32
      %eq3A_393 = arith.cmpi eq, %jit3A_392, %eq3A : i32
      %jit3A_394 = arith.constant 1 : i32
      %select_n3A_395 = arith.select %eq3A_393, %jit3A_394, %jit3A_392 : i32
      %rem3A_396 = arith.remsi %select_n3A, %select_n3A_395 : i32
      %ne3A_397 = arith.constant 0 : i32
      %ne3A_398 = arith.cmpi ne, %rem3A_396, %ne3A_397 : i32
      %lt3A = arith.constant 0 : i32
      %lt3A_399 = arith.cmpi slt, %rem3A_396, %lt3A : i32
      %lt3A_400 = arith.constant 0 : i32
      %lt3A_401 = arith.cmpi slt, %select_n3A_395, %lt3A_400 : i32
      %ne3A_402 = arith.xori %lt3A_399, %lt3A_401 : i1
      %and3A_403 = arith.andi %ne3A_402, %ne3A_398 : i1
      %add3A_404 = arith.addi %rem3A_396, %select_n3A_395 : i32
      %select_n3A_405 = arith.select %and3A_403, %add3A_404, %rem3A_396 : i32
      %eq3A_406 = arith.constant 1 : i32
      %eq3A_407 = arith.cmpi eq, %select_n3A_405, %eq3A_406 : i32
      %convert_element_type3A_408 = arith.extui %eq3A_407 : i1 to i32
      %cond3A_409 = arith.constant 0 : i32
      %cond3A_410 = arith.cmpi ne, %convert_element_type3A_408, %cond3A_409 : i32
      scf.if %cond3A_410 {
        %sub3A_442 = arith.constant 1 : i32
        %sub3A_443 = arith.subi %select_n3A, %sub3A_442 : i32
        %mul3A_444 = arith.constant 128 : i32
        %mul3A_445 = arith.muli %sub3A_443, %mul3A_444 : i32
        %dma_start3A_446 = tpu.memref_slice %arg13[%mul3A_445] : memref<16528xi32, #tpu.memory_space<vmem>> -> memref<128xi32, #tpu.memory_space<vmem>>
        %dma_start3A_447 = arith.constant 0 : i32
        %dma_start3A_448 = tpu.memref_slice %arg2[%dma_start3A_447] : memref<16777216xf32, #tpu.memory_space<hbm>> -> memref<16777216xf32, #tpu.memory_space<hbm>>
        tpu.enqueue_indirect_dma source(%arg14 : memref<128xf32, #tpu.memory_space<vmem>>) target(%dma_start3A_448 : memref<16777216xf32, #tpu.memory_space<hbm>>) offsets(%dma_start3A_446 : memref<128xi32, #tpu.memory_space<vmem>>) semaphore(%arg16 : memref<!tpu.dma_semaphore, #tpu.memory_space<semaphore_mem>>)
      } else {
      }
      %while3A_411 = arith.constant 0 : i32
      %while3A_412 = arith.constant 0 : i32
      %while3A_413 = arith.subi %select_n3A_382, %while3A_412 : i32
      %while3A_414 = arith.addi %while3A_412, %while3A_413 : i32
      %while3A_415 = arith.constant 1 : i32
      %while3A_416 = arith.divsi %while3A_413, %while3A_415 : i32
      %while3A_417 = arith.muli %while3A_416, %while3A_415 : i32
      %while3A_418 = arith.addi %while3A_412, %while3A_417 : i32
      %while3A_419 = arith.constant 1 : i32
      scf.for %while3A_442 = %while3A_412 to %while3A_418 step %while3A_419  : i32 {
        %dma_wait3A_443 = arith.constant 0 : i32
        %dma_wait3A_444 = tpu.memref_slice %arg13[%dma_wait3A_443] : memref<16528xi32, #tpu.memory_space<vmem>> -> memref<128xi32, #tpu.memory_space<vmem>>
        %dma_wait3A_445 = arith.constant 0 : i32
        %dma_wait3A_446 = tpu.memref_slice %arg2[%dma_wait3A_445] : memref<16777216xf32, #tpu.memory_space<hbm>> -> memref<16777216xf32, #tpu.memory_space<hbm>>
        tpu.wait_indirect_dma semaphore(%arg16 : memref<!tpu.dma_semaphore, #tpu.memory_space<semaphore_mem>>) src(%arg14 : memref<128xf32, #tpu.memory_space<vmem>>) dst(%dma_wait3A_446 : memref<16777216xf32, #tpu.memory_space<hbm>>)
        %dma_wait3A_447 = arith.constant 0 : i32
        %dma_wait3A_448 = tpu.memref_slice %arg13[%dma_wait3A_447] : memref<16528xi32, #tpu.memory_space<vmem>> -> memref<128xi32, #tpu.memory_space<vmem>>
        %dma_wait3A_449 = arith.constant 0 : i32
        %dma_wait3A_450 = tpu.memref_slice %arg2[%dma_wait3A_449] : memref<16777216xf32, #tpu.memory_space<hbm>> -> memref<16777216xf32, #tpu.memory_space<hbm>>
        tpu.wait_indirect_dma semaphore(%arg17 : memref<!tpu.dma_semaphore, #tpu.memory_space<semaphore_mem>>) src(%arg14 : memref<128xf32, #tpu.memory_space<vmem>>) dst(%dma_wait3A_450 : memref<16777216xf32, #tpu.memory_space<hbm>>)
      }
      %while3A_420 = arith.constant 1 : i32
      scf.for %while3A_442 = %while3A_418 to %while3A_414 step %while3A_420  : i32 {
        %dma_wait3A_443 = arith.constant 0 : i32
        %dma_wait3A_444 = tpu.memref_slice %arg13[%dma_wait3A_443] : memref<16528xi32, #tpu.memory_space<vmem>> -> memref<128xi32, #tpu.memory_space<vmem>>
        %dma_wait3A_445 = arith.constant 0 : i32
        %dma_wait3A_446 = tpu.memref_slice %arg2[%dma_wait3A_445] : memref<16777216xf32, #tpu.memory_space<hbm>> -> memref<16777216xf32, #tpu.memory_space<hbm>>
        tpu.wait_indirect_dma semaphore(%arg16 : memref<!tpu.dma_semaphore, #tpu.memory_space<semaphore_mem>>) src(%arg14 : memref<128xf32, #tpu.memory_space<vmem>>) dst(%dma_wait3A_446 : memref<16777216xf32, #tpu.memory_space<hbm>>)
        %dma_wait3A_447 = arith.constant 0 : i32
        %dma_wait3A_448 = tpu.memref_slice %arg13[%dma_wait3A_447] : memref<16528xi32, #tpu.memory_space<vmem>> -> memref<128xi32, #tpu.memory_space<vmem>>
        %dma_wait3A_449 = arith.constant 0 : i32
        %dma_wait3A_450 = tpu.memref_slice %arg2[%dma_wait3A_449] : memref<16777216xf32, #tpu.memory_space<hbm>> -> memref<16777216xf32, #tpu.memory_space<hbm>>
        tpu.wait_indirect_dma semaphore(%arg17 : memref<!tpu.dma_semaphore, #tpu.memory_space<semaphore_mem>>) src(%arg14 : memref<128xf32, #tpu.memory_space<vmem>>) dst(%dma_wait3A_450 : memref<16777216xf32, #tpu.memory_space<hbm>>)
      }
      %jit3A_421 = arith.constant 2 : i32
      %eq3A_422 = arith.constant 0 : i32
      %eq3A_423 = arith.cmpi eq, %jit3A_421, %eq3A_422 : i32
      %jit3A_424 = arith.constant 1 : i32
      %select_n3A_425 = arith.select %eq3A_423, %jit3A_424, %jit3A_421 : i32
      %rem3A_426 = arith.remsi %select_n3A, %select_n3A_425 : i32
      %ne3A_427 = arith.constant 0 : i32
      %ne3A_428 = arith.cmpi ne, %rem3A_426, %ne3A_427 : i32
      %lt3A_429 = arith.constant 0 : i32
      %lt3A_430 = arith.cmpi slt, %rem3A_426, %lt3A_429 : i32
      %lt3A_431 = arith.constant 0 : i32
      %lt3A_432 = arith.cmpi slt, %select_n3A_425, %lt3A_431 : i32
      %ne3A_433 = arith.xori %lt3A_430, %lt3A_432 : i1
      %and3A_434 = arith.andi %ne3A_433, %ne3A_428 : i1
      %add3A_435 = arith.addi %rem3A_426, %select_n3A_425 : i32
      %select_n3A_436 = arith.select %and3A_434, %add3A_435, %rem3A_426 : i32
      %eq3A_437 = arith.constant 1 : i32
      %eq3A_438 = arith.cmpi eq, %select_n3A_436, %eq3A_437 : i32
      %convert_element_type3A_439 = arith.extui %eq3A_438 : i1 to i32
      %cond3A_440 = arith.constant 0 : i32
      %cond3A_441 = arith.cmpi ne, %convert_element_type3A_439, %cond3A_440 : i32
      scf.if %cond3A_441 {
        %dma_wait3A_442 = arith.constant 0 : i32
        %dma_wait3A_443 = tpu.memref_slice %arg13[%dma_wait3A_442] : memref<16528xi32, #tpu.memory_space<vmem>> -> memref<128xi32, #tpu.memory_space<vmem>>
        %dma_wait3A_444 = arith.constant 0 : i32
        %dma_wait3A_445 = tpu.memref_slice %arg2[%dma_wait3A_444] : memref<16777216xf32, #tpu.memory_space<hbm>> -> memref<16777216xf32, #tpu.memory_space<hbm>>
        tpu.wait_indirect_dma semaphore(%arg16 : memref<!tpu.dma_semaphore, #tpu.memory_space<semaphore_mem>>) src(%arg14 : memref<128xf32, #tpu.memory_space<vmem>>) dst(%dma_wait3A_445 : memref<16777216xf32, #tpu.memory_space<hbm>>)
      } else {
      }
    } else {
    }
    %dma_wait3A_68 = arith.constant 0 : i32
    %dma_wait3A_69 = tpu.memref_slice %arg3[%dma_wait3A_68] : memref<4194304xi32, #tpu.memory_space<hbm>> -> memref<16384xi32, #tpu.memory_space<hbm>>
    %dma_wait3A_70 = arith.constant 0 : i32
    %dma_wait3A_71 = tpu.memref_slice %arg3[%dma_wait3A_70] : memref<4194304xi32, #tpu.memory_space<hbm>> -> memref<16384xi32, #tpu.memory_space<hbm>>
    tpu.wait_dma2 semaphore(%arg15 : memref<!tpu.dma_semaphore, #tpu.memory_space<semaphore_mem>>) src(%dma_wait3A_71 : memref<16384xi32, #tpu.memory_space<hbm>>) dst(%arg8 : memref<16384xi32, #tpu.memory_space<vmem>>)
    %dma_wait3A_72 = arith.constant 0 : i32
    %dma_wait3A_73 = tpu.memref_slice %arg4[%dma_wait3A_72] : memref<4194304xi32, #tpu.memory_space<hbm>> -> memref<16384xi32, #tpu.memory_space<hbm>>
    %dma_wait3A_74 = arith.constant 0 : i32
    %dma_wait3A_75 = tpu.memref_slice %arg4[%dma_wait3A_74] : memref<4194304xi32, #tpu.memory_space<hbm>> -> memref<16384xi32, #tpu.memory_space<hbm>>
    tpu.wait_dma2 semaphore(%arg15 : memref<!tpu.dma_semaphore, #tpu.memory_space<semaphore_mem>>) src(%dma_wait3A_75 : memref<16384xi32, #tpu.memory_space<hbm>>) dst(%arg10 : memref<16384xi32, #tpu.memory_space<vmem>>)
    %dma_wait3A_76 = arith.constant 0 : i32
    %dma_wait3A_77 = tpu.memref_slice %arg5[%dma_wait3A_76] : memref<4194304xf32, #tpu.memory_space<hbm>> -> memref<16384xf32, #tpu.memory_space<hbm>>
    %dma_wait3A_78 = arith.constant 0 : i32
    %dma_wait3A_79 = tpu.memref_slice %arg5[%dma_wait3A_78] : memref<4194304xf32, #tpu.memory_space<hbm>> -> memref<16384xf32, #tpu.memory_space<hbm>>
    tpu.wait_dma2 semaphore(%arg15 : memref<!tpu.dma_semaphore, #tpu.memory_space<semaphore_mem>>) src(%dma_wait3A_79 : memref<16384xf32, #tpu.memory_space<hbm>>) dst(%arg12 : memref<16384xf32, #tpu.memory_space<vmem>>)
    %mul3A_80 = arith.constant 131072 : i32
    %mul3A_81 = arith.muli %add3A, %mul3A_80 : i32
    %add3A_82 = arith.constant 32768 : i32
    %add3A_83 = arith.addi %mul3A_81, %add3A_82 : i32
    %dma_start3A_84 = tpu.memref_slice %arg3[%add3A_83] : memref<4194304xi32, #tpu.memory_space<hbm>> -> memref<16384xi32, #tpu.memory_space<hbm>>
    %dma_start3A_85 = tpu.memref_slice %arg3[%add3A_83] : memref<4194304xi32, #tpu.memory_space<hbm>> -> memref<16384xi32, #tpu.memory_space<hbm>>
    tpu.enqueue_dma source(%dma_start3A_85 : memref<16384xi32, #tpu.memory_space<hbm>>) target(%arg7 : memref<16384xi32, #tpu.memory_space<vmem>>) target_semaphore(%arg15 : memref<!tpu.dma_semaphore, #tpu.memory_space<semaphore_mem>>)
    %dma_start3A_86 = tpu.memref_slice %arg4[%add3A_83] : memref<4194304xi32, #tpu.memory_space<hbm>> -> memref<16384xi32, #tpu.memory_space<hbm>>
    %dma_start3A_87 = tpu.memref_slice %arg4[%add3A_83] : memref<4194304xi32, #tpu.memory_space<hbm>> -> memref<16384xi32, #tpu.memory_space<hbm>>
    tpu.enqueue_dma source(%dma_start3A_87 : memref<16384xi32, #tpu.memory_space<hbm>>) target(%arg9 : memref<16384xi32, #tpu.memory_space<vmem>>) target_semaphore(%arg15 : memref<!tpu.dma_semaphore, #tpu.memory_space<semaphore_mem>>)
    %dma_start3A_88 = tpu.memref_slice %arg5[%add3A_83] : memref<4194304xf32, #tpu.memory_space<hbm>> -> memref<16384xf32, #tpu.memory_space<hbm>>
    %dma_start3A_89 = tpu.memref_slice %arg5[%add3A_83] : memref<4194304xf32, #tpu.memory_space<hbm>> -> memref<16384xf32, #tpu.memory_space<hbm>>
    tpu.enqueue_dma source(%dma_start3A_89 : memref<16384xf32, #tpu.memory_space<hbm>>) target(%arg11 : memref<16384xf32, #tpu.memory_space<vmem>>) target_semaphore(%arg15 : memref<!tpu.dma_semaphore, #tpu.memory_space<semaphore_mem>>)
    %broadcast_in_dim3A_90 = arith.constant 0 : i32
    %broadcast_in_dim3A_91 = vector.broadcast %broadcast_in_dim3A_90 : i32 to vector<16xi32>
    %parallel_loop3A_92 = arith.constant 0 : i32
    %parallel_loop3A_93 = arith.constant 16384 : i32
    %parallel_loop3A_94 = arith.constant 16 : i32
    %parallel_loop3A_95 = scf.for %parallel_loop3A_303 = %parallel_loop3A_92 to %parallel_loop3A_93 step %parallel_loop3A_94 iter_args(%parallel_loop3A_304 = %broadcast_in_dim3A_91) -> (vector<16xi32>)  : i32 {
      %parallel_loop3A_305 = arith.index_cast %parallel_loop3A_303 : i32 to index
      %parallel_loop3A_306 = tpu.vector_load %arg8[%parallel_loop3A_305] {strides = array<i32>} : memref<16384xi32, #tpu.memory_space<vmem>>, vector<16xi32>,
      %parallel_loop3A_307 = arith.index_cast %parallel_loop3A_303 : i32 to index
      %parallel_loop3A_308 = tpu.vector_load %arg10[%parallel_loop3A_307] {strides = array<i32>} : memref<16384xi32, #tpu.memory_space<vmem>>, vector<16xi32>,
      %parallel_loop3A_309 = arith.index_cast %parallel_loop3A_303 : i32 to index
      %parallel_loop3A_310 = tpu.vector_load %arg12[%parallel_loop3A_309] {strides = array<i32>} : memref<16384xf32, #tpu.memory_space<vmem>>, vector<16xf32>,
      %parallel_loop3A_311 = arith.constant 12 : i32
      %parallel_loop3A_312 = vector.broadcast %parallel_loop3A_311 : i32 to vector<16xi32>
      %parallel_loop3A_313 = arith.shli %parallel_loop3A_306, %parallel_loop3A_312 : vector<16xi32>
      %parallel_loop3A_314 = arith.ori %parallel_loop3A_313, %parallel_loop3A_308 : vector<16xi32>
      %parallel_loop3A_315 = arith.constant 0.000000e+00 : f32
      %parallel_loop3A_316 = vector.broadcast %parallel_loop3A_315 : f32 to vector<16xf32>
      %parallel_loop3A_317 = arith.cmpf oeq, %parallel_loop3A_310, %parallel_loop3A_316 : vector<16xf32>
      %parallel_loop3A_318 = arith.extui %parallel_loop3A_317 : vector<16xi1> to vector<16xi32>
      %parallel_loop3A_319 = arith.constant true
      %parallel_loop3A_320 = vector.broadcast %parallel_loop3A_319 : i1 to vector<16xi1>
      %parallel_loop3A_321 = tpu.scan <sum>, %parallel_loop3A_318 masked %parallel_loop3A_320 : vector<16xi32>, vector<16xi1> -> vector<16xi32>
      %parallel_loop3A_322 = arith.addi %parallel_loop3A_304, %parallel_loop3A_321 : vector<16xi32>
      %parallel_loop3A_323 = arith.constant 1 : i32
      %parallel_loop3A_324 = vector.broadcast %parallel_loop3A_323 : i32 to vector<16xi32>
      %parallel_loop3A_325 = arith.subi %parallel_loop3A_322, %parallel_loop3A_324 : vector<16xi32>
      tpu.vector_store_idx %arg13[%parallel_loop3A_325], %parallel_loop3A_314 masked %parallel_loop3A_317 : memref<16528xi32, #tpu.memory_space<vmem>>[vector<16xi32>], vector<16xi32>, vector<16xi1>
      %parallel_loop3A_326 = tpu.all_reduce %parallel_loop3A_317 {dim = 0 : i64, kind = #tpu.reduction_kind<sum>} : vector<16xi1> -> vector<16xi32>
      %parallel_loop3A_327 = arith.addi %parallel_loop3A_304, %parallel_loop3A_326 : vector<16xi32>
      scf.yield %parallel_loop3A_327 : vector<16xi32>
    } {sc.loop_unroll_factor = 8 : i64, sc.parallel_access}
    %slice3A_96 = vector.extract_strided_slice %parallel_loop3A_95 {offsets = [0], sizes = [1], strides = [1]} : vector<16xi32> to vector<1xi32>
    %squeeze3A_97 = vector.extract %slice3A_96[0] : i32 from vector<1xi32>
    %gt3A_98 = arith.constant 0 : i32
    %gt3A_99 = arith.cmpi sgt, %squeeze3A_97, %gt3A_98 : i32
    %convert_element_type3A_100 = arith.extui %gt3A_99 : i1 to i32
    %cond3A_101 = arith.constant 0 : i32
    %cond3A_102 = arith.cmpi ne, %convert_element_type3A_100, %cond3A_101 : i32
    scf.if %cond3A_102 {
      %get3A = arith.constant 0 : index
      %get3A_303 = tpu.vector_load %arg13[%get3A] {strides = array<i32>} : memref<16528xi32, #tpu.memory_space<vmem>>, vector<16xi32>,
      %slice3A_304 = vector.extract_strided_slice %get3A_303 {offsets = [0], sizes = [1], strides = [1]} : vector<16xi32> to vector<1xi32>
      %squeeze3A_305 = vector.extract %slice3A_304[0] : i32 from vector<1xi32>
      %broadcast_in_dim3A_306 = vector.broadcast %squeeze3A_305 : i32 to vector<16xi32>
      %add3A_307 = arith.constant 0 : i32
      %add3A_308 = arith.addi %squeeze3A_97, %add3A_307 : i32
      %swap3A_309 = arith.index_cast %add3A_308 : i32 to index
      %swap3A_310 = tpu.vector_load %arg13[%swap3A_309] {strides = array<i32>} : memref<16528xi32, #tpu.memory_space<vmem>>, vector<16xi32>,
      tpu.vector_store %arg13[%swap3A_309], %broadcast_in_dim3A_306 {strides = array<i32>} : memref<16528xi32, #tpu.memory_space<vmem>>, vector<16xi32>,
      %add3A_311 = arith.constant 16 : i32
      %add3A_312 = arith.addi %squeeze3A_97, %add3A_311 : i32
      %swap3A_313 = arith.index_cast %add3A_312 : i32 to index
      %swap3A_314 = tpu.vector_load %arg13[%swap3A_313] {strides = array<i32>} : memref<16528xi32, #tpu.memory_space<vmem>>, vector<16xi32>,
      tpu.vector_store %arg13[%swap3A_313], %broadcast_in_dim3A_306 {strides = array<i32>} : memref<16528xi32, #tpu.memory_space<vmem>>, vector<16xi32>,
      %add3A_315 = arith.constant 32 : i32
      %add3A_316 = arith.addi %squeeze3A_97, %add3A_315 : i32
      %swap3A_317 = arith.index_cast %add3A_316 : i32 to index
      %swap3A_318 = tpu.vector_load %arg13[%swap3A_317] {strides = array<i32>} : memref<16528xi32, #tpu.memory_space<vmem>>, vector<16xi32>,
      tpu.vector_store %arg13[%swap3A_317], %broadcast_in_dim3A_306 {strides = array<i32>} : memref<16528xi32, #tpu.memory_space<vmem>>, vector<16xi32>,
      %add3A_319 = arith.constant 48 : i32
      %add3A_320 = arith.addi %squeeze3A_97, %add3A_319 : i32
      %swap3A_321 = arith.index_cast %add3A_320 : i32 to index
      %swap3A_322 = tpu.vector_load %arg13[%swap3A_321] {strides = array<i32>} : memref<16528xi32, #tpu.memory_space<vmem>>, vector<16xi32>,
      tpu.vector_store %arg13[%swap3A_321], %broadcast_in_dim3A_306 {strides = array<i32>} : memref<16528xi32, #tpu.memory_space<vmem>>, vector<16xi32>,
      %add3A_323 = arith.constant 64 : i32
      %add3A_324 = arith.addi %squeeze3A_97, %add3A_323 : i32
      %swap3A_325 = arith.index_cast %add3A_324 : i32 to index
      %swap3A_326 = tpu.vector_load %arg13[%swap3A_325] {strides = array<i32>} : memref<16528xi32, #tpu.memory_space<vmem>>, vector<16xi32>,
      tpu.vector_store %arg13[%swap3A_325], %broadcast_in_dim3A_306 {strides = array<i32>} : memref<16528xi32, #tpu.memory_space<vmem>>, vector<16xi32>,
      %add3A_327 = arith.constant 80 : i32
      %add3A_328 = arith.addi %squeeze3A_97, %add3A_327 : i32
      %swap3A_329 = arith.index_cast %add3A_328 : i32 to index
      %swap3A_330 = tpu.vector_load %arg13[%swap3A_329] {strides = array<i32>} : memref<16528xi32, #tpu.memory_space<vmem>>, vector<16xi32>,
      tpu.vector_store %arg13[%swap3A_329], %broadcast_in_dim3A_306 {strides = array<i32>} : memref<16528xi32, #tpu.memory_space<vmem>>, vector<16xi32>,
      %add3A_331 = arith.constant 96 : i32
      %add3A_332 = arith.addi %squeeze3A_97, %add3A_331 : i32
      %swap3A_333 = arith.index_cast %add3A_332 : i32 to index
      %swap3A_334 = tpu.vector_load %arg13[%swap3A_333] {strides = array<i32>} : memref<16528xi32, #tpu.memory_space<vmem>>, vector<16xi32>,
      tpu.vector_store %arg13[%swap3A_333], %broadcast_in_dim3A_306 {strides = array<i32>} : memref<16528xi32, #tpu.memory_space<vmem>>, vector<16xi32>,
      %add3A_335 = arith.constant 112 : i32
      %add3A_336 = arith.addi %squeeze3A_97, %add3A_335 : i32
      %swap3A_337 = arith.index_cast %add3A_336 : i32 to index
      %swap3A_338 = tpu.vector_load %arg13[%swap3A_337] {strides = array<i32>} : memref<16528xi32, #tpu.memory_space<vmem>>, vector<16xi32>,
      tpu.vector_store %arg13[%swap3A_337], %broadcast_in_dim3A_306 {strides = array<i32>} : memref<16528xi32, #tpu.memory_space<vmem>>, vector<16xi32>,
      %add3A_339 = arith.constant 128 : i32
      %add3A_340 = arith.addi %squeeze3A_97, %add3A_339 : i32
      %sub3A = arith.constant 1 : i32
      %sub3A_341 = arith.subi %add3A_340, %sub3A : i32
      %jit3A = arith.constant 128 : i32
      %div3A = arith.divsi %sub3A_341, %jit3A : i32
      %sign3A = arith.constant 0 : i32
      %sign3A_342 = arith.cmpi sgt, %sub3A_341, %sign3A : i32
      %sign3A_343 = arith.extui %sign3A_342 : i1 to i32
      %sign3A_344 = arith.constant 0 : i32
      %sign3A_345 = arith.cmpi slt, %sub3A_341, %sign3A_344 : i32
      %sign3A_346 = arith.extui %sign3A_345 : i1 to i32
      %sign3A_347 = arith.subi %sign3A_343, %sign3A_346 : i32
      %sign3A_348 = arith.constant 0 : i32
      %sign3A_349 = arith.cmpi sgt, %jit3A, %sign3A_348 : i32
      %sign3A_350 = arith.extui %sign3A_349 : i1 to i32
      %sign3A_351 = arith.constant 0 : i32
      %sign3A_352 = arith.cmpi slt, %jit3A, %sign3A_351 : i32
      %sign3A_353 = arith.extui %sign3A_352 : i1 to i32
      %sign3A_354 = arith.subi %sign3A_350, %sign3A_353 : i32
      %ne3A = arith.cmpi ne, %sign3A_347, %sign3A_354 : i32
      %rem3A = arith.remsi %sub3A_341, %jit3A : i32
      %ne3A_355 = arith.constant 0 : i32
      %ne3A_356 = arith.cmpi ne, %rem3A, %ne3A_355 : i32
      %and3A = arith.andi %ne3A, %ne3A_356 : i1
      %sub3A_357 = arith.constant 1 : i32
      %sub3A_358 = arith.subi %div3A, %sub3A_357 : i32
      %select_n3A = arith.select %and3A, %sub3A_358, %div3A : i32
      %jit3A_359 = arith.constant 2 : i32
      %div3A_360 = arith.divsi %select_n3A, %jit3A_359 : i32
      %sign3A_361 = arith.constant 0 : i32
      %sign3A_362 = arith.cmpi sgt, %select_n3A, %sign3A_361 : i32
      %sign3A_363 = arith.extui %sign3A_362 : i1 to i32
      %sign3A_364 = arith.constant 0 : i32
      %sign3A_365 = arith.cmpi slt, %select_n3A, %sign3A_364 : i32
      %sign3A_366 = arith.extui %sign3A_365 : i1 to i32
      %sign3A_367 = arith.subi %sign3A_363, %sign3A_366 : i32
      %sign3A_368 = arith.constant 0 : i32
      %sign3A_369 = arith.cmpi sgt, %jit3A_359, %sign3A_368 : i32
      %sign3A_370 = arith.extui %sign3A_369 : i1 to i32
      %sign3A_371 = arith.constant 0 : i32
      %sign3A_372 = arith.cmpi slt, %jit3A_359, %sign3A_371 : i32
      %sign3A_373 = arith.extui %sign3A_372 : i1 to i32
      %sign3A_374 = arith.subi %sign3A_370, %sign3A_373 : i32
      %ne3A_375 = arith.cmpi ne, %sign3A_367, %sign3A_374 : i32
      %rem3A_376 = arith.remsi %select_n3A, %jit3A_359 : i32
      %ne3A_377 = arith.constant 0 : i32
      %ne3A_378 = arith.cmpi ne, %rem3A_376, %ne3A_377 : i32
      %and3A_379 = arith.andi %ne3A_375, %ne3A_378 : i1
      %sub3A_380 = arith.constant 1 : i32
      %sub3A_381 = arith.subi %div3A_360, %sub3A_380 : i32
      %select_n3A_382 = arith.select %and3A_379, %sub3A_381, %div3A_360 : i32
      %while3A = arith.constant 0 : i32
      %while3A_383 = arith.constant 0 : i32
      %while3A_384 = arith.subi %select_n3A_382, %while3A_383 : i32
      %while3A_385 = arith.addi %while3A_383, %while3A_384 : i32
      %while3A_386 = arith.constant 1 : i32
      %while3A_387 = arith.divsi %while3A_384, %while3A_386 : i32
      %while3A_388 = arith.muli %while3A_387, %while3A_386 : i32
      %while3A_389 = arith.addi %while3A_383, %while3A_388 : i32
      %while3A_390 = arith.constant 1 : i32
      scf.for %while3A_442 = %while3A_383 to %while3A_389 step %while3A_390  : i32 {
        %mul3A_443 = arith.constant 2 : i32
        %mul3A_444 = arith.muli %mul3A_443, %while3A_442 : i32
        %mul3A_445 = arith.constant 128 : i32
        %mul3A_446 = arith.muli %mul3A_444, %mul3A_445 : i32
        %dma_start3A_447 = tpu.memref_slice %arg13[%mul3A_446] : memref<16528xi32, #tpu.memory_space<vmem>> -> memref<128xi32, #tpu.memory_space<vmem>>
        %dma_start3A_448 = arith.constant 0 : i32
        %dma_start3A_449 = tpu.memref_slice %arg2[%dma_start3A_448] : memref<16777216xf32, #tpu.memory_space<hbm>> -> memref<16777216xf32, #tpu.memory_space<hbm>>
        tpu.enqueue_indirect_dma source(%arg14 : memref<128xf32, #tpu.memory_space<vmem>>) target(%dma_start3A_449 : memref<16777216xf32, #tpu.memory_space<hbm>>) offsets(%dma_start3A_447 : memref<128xi32, #tpu.memory_space<vmem>>) semaphore(%arg16 : memref<!tpu.dma_semaphore, #tpu.memory_space<semaphore_mem>>)
        %mul3A_450 = arith.constant 2 : i32
        %mul3A_451 = arith.muli %mul3A_450, %while3A_442 : i32
        %add3A_452 = arith.constant 1 : i32
        %add3A_453 = arith.addi %mul3A_451, %add3A_452 : i32
        %mul3A_454 = arith.constant 128 : i32
        %mul3A_455 = arith.muli %add3A_453, %mul3A_454 : i32
        %dma_start3A_456 = tpu.memref_slice %arg13[%mul3A_455] : memref<16528xi32, #tpu.memory_space<vmem>> -> memref<128xi32, #tpu.memory_space<vmem>>
        %dma_start3A_457 = arith.constant 0 : i32
        %dma_start3A_458 = tpu.memref_slice %arg2[%dma_start3A_457] : memref<16777216xf32, #tpu.memory_space<hbm>> -> memref<16777216xf32, #tpu.memory_space<hbm>>
        tpu.enqueue_indirect_dma source(%arg14 : memref<128xf32, #tpu.memory_space<vmem>>) target(%dma_start3A_458 : memref<16777216xf32, #tpu.memory_space<hbm>>) offsets(%dma_start3A_456 : memref<128xi32, #tpu.memory_space<vmem>>) semaphore(%arg17 : memref<!tpu.dma_semaphore, #tpu.memory_space<semaphore_mem>>)
      }
      %while3A_391 = arith.constant 1 : i32
      scf.for %while3A_442 = %while3A_389 to %while3A_385 step %while3A_391  : i32 {
        %mul3A_443 = arith.constant 2 : i32
        %mul3A_444 = arith.muli %mul3A_443, %while3A_442 : i32
        %mul3A_445 = arith.constant 128 : i32
        %mul3A_446 = arith.muli %mul3A_444, %mul3A_445 : i32
        %dma_start3A_447 = tpu.memref_slice %arg13[%mul3A_446] : memref<16528xi32, #tpu.memory_space<vmem>> -> memref<128xi32, #tpu.memory_space<vmem>>
        %dma_start3A_448 = arith.constant 0 : i32
        %dma_start3A_449 = tpu.memref_slice %arg2[%dma_start3A_448] : memref<16777216xf32, #tpu.memory_space<hbm>> -> memref<16777216xf32, #tpu.memory_space<hbm>>
        tpu.enqueue_indirect_dma source(%arg14 : memref<128xf32, #tpu.memory_space<vmem>>) target(%dma_start3A_449 : memref<16777216xf32, #tpu.memory_space<hbm>>) offsets(%dma_start3A_447 : memref<128xi32, #tpu.memory_space<vmem>>) semaphore(%arg16 : memref<!tpu.dma_semaphore, #tpu.memory_space<semaphore_mem>>)
        %mul3A_450 = arith.constant 2 : i32
        %mul3A_451 = arith.muli %mul3A_450, %while3A_442 : i32
        %add3A_452 = arith.constant 1 : i32
        %add3A_453 = arith.addi %mul3A_451, %add3A_452 : i32
        %mul3A_454 = arith.constant 128 : i32
        %mul3A_455 = arith.muli %add3A_453, %mul3A_454 : i32
        %dma_start3A_456 = tpu.memref_slice %arg13[%mul3A_455] : memref<16528xi32, #tpu.memory_space<vmem>> -> memref<128xi32, #tpu.memory_space<vmem>>
        %dma_start3A_457 = arith.constant 0 : i32
        %dma_start3A_458 = tpu.memref_slice %arg2[%dma_start3A_457] : memref<16777216xf32, #tpu.memory_space<hbm>> -> memref<16777216xf32, #tpu.memory_space<hbm>>
        tpu.enqueue_indirect_dma source(%arg14 : memref<128xf32, #tpu.memory_space<vmem>>) target(%dma_start3A_458 : memref<16777216xf32, #tpu.memory_space<hbm>>) offsets(%dma_start3A_456 : memref<128xi32, #tpu.memory_space<vmem>>) semaphore(%arg17 : memref<!tpu.dma_semaphore, #tpu.memory_space<semaphore_mem>>)
      }
      %jit3A_392 = arith.constant 2 : i32
      %eq3A = arith.constant 0 : i32
      %eq3A_393 = arith.cmpi eq, %jit3A_392, %eq3A : i32
      %jit3A_394 = arith.constant 1 : i32
      %select_n3A_395 = arith.select %eq3A_393, %jit3A_394, %jit3A_392 : i32
      %rem3A_396 = arith.remsi %select_n3A, %select_n3A_395 : i32
      %ne3A_397 = arith.constant 0 : i32
      %ne3A_398 = arith.cmpi ne, %rem3A_396, %ne3A_397 : i32
      %lt3A = arith.constant 0 : i32
      %lt3A_399 = arith.cmpi slt, %rem3A_396, %lt3A : i32
      %lt3A_400 = arith.constant 0 : i32
      %lt3A_401 = arith.cmpi slt, %select_n3A_395, %lt3A_400 : i32
      %ne3A_402 = arith.xori %lt3A_399, %lt3A_401 : i1
      %and3A_403 = arith.andi %ne3A_402, %ne3A_398 : i1
      %add3A_404 = arith.addi %rem3A_396, %select_n3A_395 : i32
      %select_n3A_405 = arith.select %and3A_403, %add3A_404, %rem3A_396 : i32
      %eq3A_406 = arith.constant 1 : i32
      %eq3A_407 = arith.cmpi eq, %select_n3A_405, %eq3A_406 : i32
      %convert_element_type3A_408 = arith.extui %eq3A_407 : i1 to i32
      %cond3A_409 = arith.constant 0 : i32
      %cond3A_410 = arith.cmpi ne, %convert_element_type3A_408, %cond3A_409 : i32
      scf.if %cond3A_410 {
        %sub3A_442 = arith.constant 1 : i32
        %sub3A_443 = arith.subi %select_n3A, %sub3A_442 : i32
        %mul3A_444 = arith.constant 128 : i32
        %mul3A_445 = arith.muli %sub3A_443, %mul3A_444 : i32
        %dma_start3A_446 = tpu.memref_slice %arg13[%mul3A_445] : memref<16528xi32, #tpu.memory_space<vmem>> -> memref<128xi32, #tpu.memory_space<vmem>>
        %dma_start3A_447 = arith.constant 0 : i32
        %dma_start3A_448 = tpu.memref_slice %arg2[%dma_start3A_447] : memref<16777216xf32, #tpu.memory_space<hbm>> -> memref<16777216xf32, #tpu.memory_space<hbm>>
        tpu.enqueue_indirect_dma source(%arg14 : memref<128xf32, #tpu.memory_space<vmem>>) target(%dma_start3A_448 : memref<16777216xf32, #tpu.memory_space<hbm>>) offsets(%dma_start3A_446 : memref<128xi32, #tpu.memory_space<vmem>>) semaphore(%arg16 : memref<!tpu.dma_semaphore, #tpu.memory_space<semaphore_mem>>)
      } else {
      }
      %while3A_411 = arith.constant 0 : i32
      %while3A_412 = arith.constant 0 : i32
      %while3A_413 = arith.subi %select_n3A_382, %while3A_412 : i32
      %while3A_414 = arith.addi %while3A_412, %while3A_413 : i32
      %while3A_415 = arith.constant 1 : i32
      %while3A_416 = arith.divsi %while3A_413, %while3A_415 : i32
      %while3A_417 = arith.muli %while3A_416, %while3A_415 : i32
      %while3A_418 = arith.addi %while3A_412, %while3A_417 : i32
      %while3A_419 = arith.constant 1 : i32
      scf.for %while3A_442 = %while3A_412 to %while3A_418 step %while3A_419  : i32 {
        %dma_wait3A_443 = arith.constant 0 : i32
        %dma_wait3A_444 = tpu.memref_slice %arg13[%dma_wait3A_443] : memref<16528xi32, #tpu.memory_space<vmem>> -> memref<128xi32, #tpu.memory_space<vmem>>
        %dma_wait3A_445 = arith.constant 0 : i32
        %dma_wait3A_446 = tpu.memref_slice %arg2[%dma_wait3A_445] : memref<16777216xf32, #tpu.memory_space<hbm>> -> memref<16777216xf32, #tpu.memory_space<hbm>>
        tpu.wait_indirect_dma semaphore(%arg16 : memref<!tpu.dma_semaphore, #tpu.memory_space<semaphore_mem>>) src(%arg14 : memref<128xf32, #tpu.memory_space<vmem>>) dst(%dma_wait3A_446 : memref<16777216xf32, #tpu.memory_space<hbm>>)
        %dma_wait3A_447 = arith.constant 0 : i32
        %dma_wait3A_448 = tpu.memref_slice %arg13[%dma_wait3A_447] : memref<16528xi32, #tpu.memory_space<vmem>> -> memref<128xi32, #tpu.memory_space<vmem>>
        %dma_wait3A_449 = arith.constant 0 : i32
        %dma_wait3A_450 = tpu.memref_slice %arg2[%dma_wait3A_449] : memref<16777216xf32, #tpu.memory_space<hbm>> -> memref<16777216xf32, #tpu.memory_space<hbm>>
        tpu.wait_indirect_dma semaphore(%arg17 : memref<!tpu.dma_semaphore, #tpu.memory_space<semaphore_mem>>) src(%arg14 : memref<128xf32, #tpu.memory_space<vmem>>) dst(%dma_wait3A_450 : memref<16777216xf32, #tpu.memory_space<hbm>>)
      }
      %while3A_420 = arith.constant 1 : i32
      scf.for %while3A_442 = %while3A_418 to %while3A_414 step %while3A_420  : i32 {
        %dma_wait3A_443 = arith.constant 0 : i32
        %dma_wait3A_444 = tpu.memref_slice %arg13[%dma_wait3A_443] : memref<16528xi32, #tpu.memory_space<vmem>> -> memref<128xi32, #tpu.memory_space<vmem>>
        %dma_wait3A_445 = arith.constant 0 : i32
        %dma_wait3A_446 = tpu.memref_slice %arg2[%dma_wait3A_445] : memref<16777216xf32, #tpu.memory_space<hbm>> -> memref<16777216xf32, #tpu.memory_space<hbm>>
        tpu.wait_indirect_dma semaphore(%arg16 : memref<!tpu.dma_semaphore, #tpu.memory_space<semaphore_mem>>) src(%arg14 : memref<128xf32, #tpu.memory_space<vmem>>) dst(%dma_wait3A_446 : memref<16777216xf32, #tpu.memory_space<hbm>>)
        %dma_wait3A_447 = arith.constant 0 : i32
        %dma_wait3A_448 = tpu.memref_slice %arg13[%dma_wait3A_447] : memref<16528xi32, #tpu.memory_space<vmem>> -> memref<128xi32, #tpu.memory_space<vmem>>
        %dma_wait3A_449 = arith.constant 0 : i32
        %dma_wait3A_450 = tpu.memref_slice %arg2[%dma_wait3A_449] : memref<16777216xf32, #tpu.memory_space<hbm>> -> memref<16777216xf32, #tpu.memory_space<hbm>>
        tpu.wait_indirect_dma semaphore(%arg17 : memref<!tpu.dma_semaphore, #tpu.memory_space<semaphore_mem>>) src(%arg14 : memref<128xf32, #tpu.memory_space<vmem>>) dst(%dma_wait3A_450 : memref<16777216xf32, #tpu.memory_space<hbm>>)
      }
      %jit3A_421 = arith.constant 2 : i32
      %eq3A_422 = arith.constant 0 : i32
      %eq3A_423 = arith.cmpi eq, %jit3A_421, %eq3A_422 : i32
      %jit3A_424 = arith.constant 1 : i32
      %select_n3A_425 = arith.select %eq3A_423, %jit3A_424, %jit3A_421 : i32
      %rem3A_426 = arith.remsi %select_n3A, %select_n3A_425 : i32
      %ne3A_427 = arith.constant 0 : i32
      %ne3A_428 = arith.cmpi ne, %rem3A_426, %ne3A_427 : i32
      %lt3A_429 = arith.constant 0 : i32
      %lt3A_430 = arith.cmpi slt, %rem3A_426, %lt3A_429 : i32
      %lt3A_431 = arith.constant 0 : i32
      %lt3A_432 = arith.cmpi slt, %select_n3A_425, %lt3A_431 : i32
      %ne3A_433 = arith.xori %lt3A_430, %lt3A_432 : i1
      %and3A_434 = arith.andi %ne3A_433, %ne3A_428 : i1
      %add3A_435 = arith.addi %rem3A_426, %select_n3A_425 : i32
      %select_n3A_436 = arith.select %and3A_434, %add3A_435, %rem3A_426 : i32
      %eq3A_437 = arith.constant 1 : i32
      %eq3A_438 = arith.cmpi eq, %select_n3A_436, %eq3A_437 : i32
      %convert_element_type3A_439 = arith.extui %eq3A_438 : i1 to i32
      %cond3A_440 = arith.constant 0 : i32
      %cond3A_441 = arith.cmpi ne, %convert_element_type3A_439, %cond3A_440 : i32
      scf.if %cond3A_441 {
        %dma_wait3A_442 = arith.constant 0 : i32
        %dma_wait3A_443 = tpu.memref_slice %arg13[%dma_wait3A_442] : memref<16528xi32, #tpu.memory_space<vmem>> -> memref<128xi32, #tpu.memory_space<vmem>>
        %dma_wait3A_444 = arith.constant 0 : i32
        %dma_wait3A_445 = tpu.memref_slice %arg2[%dma_wait3A_444] : memref<16777216xf32, #tpu.memory_space<hbm>> -> memref<16777216xf32, #tpu.memory_space<hbm>>
        tpu.wait_indirect_dma semaphore(%arg16 : memref<!tpu.dma_semaphore, #tpu.memory_space<semaphore_mem>>) src(%arg14 : memref<128xf32, #tpu.memory_space<vmem>>) dst(%dma_wait3A_445 : memref<16777216xf32, #tpu.memory_space<hbm>>)
      } else {
      }
    } else {
    }
    %dma_wait3A_103 = arith.constant 0 : i32
    %dma_wait3A_104 = tpu.memref_slice %arg3[%dma_wait3A_103] : memref<4194304xi32, #tpu.memory_space<hbm>> -> memref<16384xi32, #tpu.memory_space<hbm>>
    %dma_wait3A_105 = arith.constant 0 : i32
    %dma_wait3A_106 = tpu.memref_slice %arg3[%dma_wait3A_105] : memref<4194304xi32, #tpu.memory_space<hbm>> -> memref<16384xi32, #tpu.memory_space<hbm>>
    tpu.wait_dma2 semaphore(%arg15 : memref<!tpu.dma_semaphore, #tpu.memory_space<semaphore_mem>>) src(%dma_wait3A_106 : memref<16384xi32, #tpu.memory_space<hbm>>) dst(%arg7 : memref<16384xi32, #tpu.memory_space<vmem>>)
    %dma_wait3A_107 = arith.constant 0 : i32
    %dma_wait3A_108 = tpu.memref_slice %arg4[%dma_wait3A_107] : memref<4194304xi32, #tpu.memory_space<hbm>> -> memref<16384xi32, #tpu.memory_space<hbm>>
    %dma_wait3A_109 = arith.constant 0 : i32
    %dma_wait3A_110 = tpu.memref_slice %arg4[%dma_wait3A_109] : memref<4194304xi32, #tpu.memory_space<hbm>> -> memref<16384xi32, #tpu.memory_space<hbm>>
    tpu.wait_dma2 semaphore(%arg15 : memref<!tpu.dma_semaphore, #tpu.memory_space<semaphore_mem>>) src(%dma_wait3A_110 : memref<16384xi32, #tpu.memory_space<hbm>>) dst(%arg9 : memref<16384xi32, #tpu.memory_space<vmem>>)
    %dma_wait3A_111 = arith.constant 0 : i32
    %dma_wait3A_112 = tpu.memref_slice %arg5[%dma_wait3A_111] : memref<4194304xf32, #tpu.memory_space<hbm>> -> memref<16384xf32, #tpu.memory_space<hbm>>
    %dma_wait3A_113 = arith.constant 0 : i32
    %dma_wait3A_114 = tpu.memref_slice %arg5[%dma_wait3A_113] : memref<4194304xf32, #tpu.memory_space<hbm>> -> memref<16384xf32, #tpu.memory_space<hbm>>
    tpu.wait_dma2 semaphore(%arg15 : memref<!tpu.dma_semaphore, #tpu.memory_space<semaphore_mem>>) src(%dma_wait3A_114 : memref<16384xf32, #tpu.memory_space<hbm>>) dst(%arg11 : memref<16384xf32, #tpu.memory_space<vmem>>)
    %mul3A_115 = arith.constant 131072 : i32
    %mul3A_116 = arith.muli %add3A, %mul3A_115 : i32
    %add3A_117 = arith.constant 49152 : i32
    %add3A_118 = arith.addi %mul3A_116, %add3A_117 : i32
    %dma_start3A_119 = tpu.memref_slice %arg3[%add3A_118] : memref<4194304xi32, #tpu.memory_space<hbm>> -> memref<16384xi32, #tpu.memory_space<hbm>>
    %dma_start3A_120 = tpu.memref_slice %arg3[%add3A_118] : memref<4194304xi32, #tpu.memory_space<hbm>> -> memref<16384xi32, #tpu.memory_space<hbm>>
    tpu.enqueue_dma source(%dma_start3A_120 : memref<16384xi32, #tpu.memory_space<hbm>>) target(%arg8 : memref<16384xi32, #tpu.memory_space<vmem>>) target_semaphore(%arg15 : memref<!tpu.dma_semaphore, #tpu.memory_space<semaphore_mem>>)
    %dma_start3A_121 = tpu.memref_slice %arg4[%add3A_118] : memref<4194304xi32, #tpu.memory_space<hbm>> -> memref<16384xi32, #tpu.memory_space<hbm>>
    %dma_start3A_122 = tpu.memref_slice %arg4[%add3A_118] : memref<4194304xi32, #tpu.memory_space<hbm>> -> memref<16384xi32, #tpu.memory_space<hbm>>
    tpu.enqueue_dma source(%dma_start3A_122 : memref<16384xi32, #tpu.memory_space<hbm>>) target(%arg10 : memref<16384xi32, #tpu.memory_space<vmem>>) target_semaphore(%arg15 : memref<!tpu.dma_semaphore, #tpu.memory_space<semaphore_mem>>)
    %dma_start3A_123 = tpu.memref_slice %arg5[%add3A_118] : memref<4194304xf32, #tpu.memory_space<hbm>> -> memref<16384xf32, #tpu.memory_space<hbm>>
    %dma_start3A_124 = tpu.memref_slice %arg5[%add3A_118] : memref<4194304xf32, #tpu.memory_space<hbm>> -> memref<16384xf32, #tpu.memory_space<hbm>>
    tpu.enqueue_dma source(%dma_start3A_124 : memref<16384xf32, #tpu.memory_space<hbm>>) target(%arg12 : memref<16384xf32, #tpu.memory_space<vmem>>) target_semaphore(%arg15 : memref<!tpu.dma_semaphore, #tpu.memory_space<semaphore_mem>>)
    %broadcast_in_dim3A_125 = arith.constant 0 : i32
    %broadcast_in_dim3A_126 = vector.broadcast %broadcast_in_dim3A_125 : i32 to vector<16xi32>
    %parallel_loop3A_127 = arith.constant 0 : i32
    %parallel_loop3A_128 = arith.constant 16384 : i32
    %parallel_loop3A_129 = arith.constant 16 : i32
    %parallel_loop3A_130 = scf.for %parallel_loop3A_303 = %parallel_loop3A_127 to %parallel_loop3A_128 step %parallel_loop3A_129 iter_args(%parallel_loop3A_304 = %broadcast_in_dim3A_126) -> (vector<16xi32>)  : i32 {
      %parallel_loop3A_305 = arith.index_cast %parallel_loop3A_303 : i32 to index
      %parallel_loop3A_306 = tpu.vector_load %arg7[%parallel_loop3A_305] {strides = array<i32>} : memref<16384xi32, #tpu.memory_space<vmem>>, vector<16xi32>,
      %parallel_loop3A_307 = arith.index_cast %parallel_loop3A_303 : i32 to index
      %parallel_loop3A_308 = tpu.vector_load %arg9[%parallel_loop3A_307] {strides = array<i32>} : memref<16384xi32, #tpu.memory_space<vmem>>, vector<16xi32>,
      %parallel_loop3A_309 = arith.index_cast %parallel_loop3A_303 : i32 to index
      %parallel_loop3A_310 = tpu.vector_load %arg11[%parallel_loop3A_309] {strides = array<i32>} : memref<16384xf32, #tpu.memory_space<vmem>>, vector<16xf32>,
      %parallel_loop3A_311 = arith.constant 12 : i32
      %parallel_loop3A_312 = vector.broadcast %parallel_loop3A_311 : i32 to vector<16xi32>
      %parallel_loop3A_313 = arith.shli %parallel_loop3A_306, %parallel_loop3A_312 : vector<16xi32>
      %parallel_loop3A_314 = arith.ori %parallel_loop3A_313, %parallel_loop3A_308 : vector<16xi32>
      %parallel_loop3A_315 = arith.constant 0.000000e+00 : f32
      %parallel_loop3A_316 = vector.broadcast %parallel_loop3A_315 : f32 to vector<16xf32>
      %parallel_loop3A_317 = arith.cmpf oeq, %parallel_loop3A_310, %parallel_loop3A_316 : vector<16xf32>
      %parallel_loop3A_318 = arith.extui %parallel_loop3A_317 : vector<16xi1> to vector<16xi32>
      %parallel_loop3A_319 = arith.constant true
      %parallel_loop3A_320 = vector.broadcast %parallel_loop3A_319 : i1 to vector<16xi1>
      %parallel_loop3A_321 = tpu.scan <sum>, %parallel_loop3A_318 masked %parallel_loop3A_320 : vector<16xi32>, vector<16xi1> -> vector<16xi32>
      %parallel_loop3A_322 = arith.addi %parallel_loop3A_304, %parallel_loop3A_321 : vector<16xi32>
      %parallel_loop3A_323 = arith.constant 1 : i32
      %parallel_loop3A_324 = vector.broadcast %parallel_loop3A_323 : i32 to vector<16xi32>
      %parallel_loop3A_325 = arith.subi %parallel_loop3A_322, %parallel_loop3A_324 : vector<16xi32>
      tpu.vector_store_idx %arg13[%parallel_loop3A_325], %parallel_loop3A_314 masked %parallel_loop3A_317 : memref<16528xi32, #tpu.memory_space<vmem>>[vector<16xi32>], vector<16xi32>, vector<16xi1>
      %parallel_loop3A_326 = tpu.all_reduce %parallel_loop3A_317 {dim = 0 : i64, kind = #tpu.reduction_kind<sum>} : vector<16xi1> -> vector<16xi32>
      %parallel_loop3A_327 = arith.addi %parallel_loop3A_304, %parallel_loop3A_326 : vector<16xi32>
      scf.yield %parallel_loop3A_327 : vector<16xi32>
    } {sc.loop_unroll_factor = 8 : i64, sc.parallel_access}
    %slice3A_131 = vector.extract_strided_slice %parallel_loop3A_130 {offsets = [0], sizes = [1], strides = [1]} : vector<16xi32> to vector<1xi32>
    %squeeze3A_132 = vector.extract %slice3A_131[0] : i32 from vector<1xi32>
    %gt3A_133 = arith.constant 0 : i32
    %gt3A_134 = arith.cmpi sgt, %squeeze3A_132, %gt3A_133 : i32
    %convert_element_type3A_135 = arith.extui %gt3A_134 : i1 to i32
    %cond3A_136 = arith.constant 0 : i32
    %cond3A_137 = arith.cmpi ne, %convert_element_type3A_135, %cond3A_136 : i32
    scf.if %cond3A_137 {
      %get3A = arith.constant 0 : index
      %get3A_303 = tpu.vector_load %arg13[%get3A] {strides = array<i32>} : memref<16528xi32, #tpu.memory_space<vmem>>, vector<16xi32>,
      %slice3A_304 = vector.extract_strided_slice %get3A_303 {offsets = [0], sizes = [1], strides = [1]} : vector<16xi32> to vector<1xi32>
      %squeeze3A_305 = vector.extract %slice3A_304[0] : i32 from vector<1xi32>
      %broadcast_in_dim3A_306 = vector.broadcast %squeeze3A_305 : i32 to vector<16xi32>
      %add3A_307 = arith.constant 0 : i32
      %add3A_308 = arith.addi %squeeze3A_132, %add3A_307 : i32
      %swap3A_309 = arith.index_cast %add3A_308 : i32 to index
      %swap3A_310 = tpu.vector_load %arg13[%swap3A_309] {strides = array<i32>} : memref<16528xi32, #tpu.memory_space<vmem>>, vector<16xi32>,
      tpu.vector_store %arg13[%swap3A_309], %broadcast_in_dim3A_306 {strides = array<i32>} : memref<16528xi32, #tpu.memory_space<vmem>>, vector<16xi32>,
      %add3A_311 = arith.constant 16 : i32
      %add3A_312 = arith.addi %squeeze3A_132, %add3A_311 : i32
      %swap3A_313 = arith.index_cast %add3A_312 : i32 to index
      %swap3A_314 = tpu.vector_load %arg13[%swap3A_313] {strides = array<i32>} : memref<16528xi32, #tpu.memory_space<vmem>>, vector<16xi32>,
      tpu.vector_store %arg13[%swap3A_313], %broadcast_in_dim3A_306 {strides = array<i32>} : memref<16528xi32, #tpu.memory_space<vmem>>, vector<16xi32>,
      %add3A_315 = arith.constant 32 : i32
      %add3A_316 = arith.addi %squeeze3A_132, %add3A_315 : i32
      %swap3A_317 = arith.index_cast %add3A_316 : i32 to index
      %swap3A_318 = tpu.vector_load %arg13[%swap3A_317] {strides = array<i32>} : memref<16528xi32, #tpu.memory_space<vmem>>, vector<16xi32>,
      tpu.vector_store %arg13[%swap3A_317], %broadcast_in_dim3A_306 {strides = array<i32>} : memref<16528xi32, #tpu.memory_space<vmem>>, vector<16xi32>,
      %add3A_319 = arith.constant 48 : i32
      %add3A_320 = arith.addi %squeeze3A_132, %add3A_319 : i32
      %swap3A_321 = arith.index_cast %add3A_320 : i32 to index
      %swap3A_322 = tpu.vector_load %arg13[%swap3A_321] {strides = array<i32>} : memref<16528xi32, #tpu.memory_space<vmem>>, vector<16xi32>,
      tpu.vector_store %arg13[%swap3A_321], %broadcast_in_dim3A_306 {strides = array<i32>} : memref<16528xi32, #tpu.memory_space<vmem>>, vector<16xi32>,
      %add3A_323 = arith.constant 64 : i32
      %add3A_324 = arith.addi %squeeze3A_132, %add3A_323 : i32
      %swap3A_325 = arith.index_cast %add3A_324 : i32 to index
      %swap3A_326 = tpu.vector_load %arg13[%swap3A_325] {strides = array<i32>} : memref<16528xi32, #tpu.memory_space<vmem>>, vector<16xi32>,
      tpu.vector_store %arg13[%swap3A_325], %broadcast_in_dim3A_306 {strides = array<i32>} : memref<16528xi32, #tpu.memory_space<vmem>>, vector<16xi32>,
      %add3A_327 = arith.constant 80 : i32
      %add3A_328 = arith.addi %squeeze3A_132, %add3A_327 : i32
      %swap3A_329 = arith.index_cast %add3A_328 : i32 to index
      %swap3A_330 = tpu.vector_load %arg13[%swap3A_329] {strides = array<i32>} : memref<16528xi32, #tpu.memory_space<vmem>>, vector<16xi32>,
      tpu.vector_store %arg13[%swap3A_329], %broadcast_in_dim3A_306 {strides = array<i32>} : memref<16528xi32, #tpu.memory_space<vmem>>, vector<16xi32>,
      %add3A_331 = arith.constant 96 : i32
      %add3A_332 = arith.addi %squeeze3A_132, %add3A_331 : i32
      %swap3A_333 = arith.index_cast %add3A_332 : i32 to index
      %swap3A_334 = tpu.vector_load %arg13[%swap3A_333] {strides = array<i32>} : memref<16528xi32, #tpu.memory_space<vmem>>, vector<16xi32>,
      tpu.vector_store %arg13[%swap3A_333], %broadcast_in_dim3A_306 {strides = array<i32>} : memref<16528xi32, #tpu.memory_space<vmem>>, vector<16xi32>,
      %add3A_335 = arith.constant 112 : i32
      %add3A_336 = arith.addi %squeeze3A_132, %add3A_335 : i32
      %swap3A_337 = arith.index_cast %add3A_336 : i32 to index
      %swap3A_338 = tpu.vector_load %arg13[%swap3A_337] {strides = array<i32>} : memref<16528xi32, #tpu.memory_space<vmem>>, vector<16xi32>,
      tpu.vector_store %arg13[%swap3A_337], %broadcast_in_dim3A_306 {strides = array<i32>} : memref<16528xi32, #tpu.memory_space<vmem>>, vector<16xi32>,
      %add3A_339 = arith.constant 128 : i32
      %add3A_340 = arith.addi %squeeze3A_132, %add3A_339 : i32
      %sub3A = arith.constant 1 : i32
      %sub3A_341 = arith.subi %add3A_340, %sub3A : i32
      %jit3A = arith.constant 128 : i32
      %div3A = arith.divsi %sub3A_341, %jit3A : i32
      %sign3A = arith.constant 0 : i32
      %sign3A_342 = arith.cmpi sgt, %sub3A_341, %sign3A : i32
      %sign3A_343 = arith.extui %sign3A_342 : i1 to i32
      %sign3A_344 = arith.constant 0 : i32
      %sign3A_345 = arith.cmpi slt, %sub3A_341, %sign3A_344 : i32
      %sign3A_346 = arith.extui %sign3A_345 : i1 to i32
      %sign3A_347 = arith.subi %sign3A_343, %sign3A_346 : i32
      %sign3A_348 = arith.constant 0 : i32
      %sign3A_349 = arith.cmpi sgt, %jit3A, %sign3A_348 : i32
      %sign3A_350 = arith.extui %sign3A_349 : i1 to i32
      %sign3A_351 = arith.constant 0 : i32
      %sign3A_352 = arith.cmpi slt, %jit3A, %sign3A_351 : i32
      %sign3A_353 = arith.extui %sign3A_352 : i1 to i32
      %sign3A_354 = arith.subi %sign3A_350, %sign3A_353 : i32
      %ne3A = arith.cmpi ne, %sign3A_347, %sign3A_354 : i32
      %rem3A = arith.remsi %sub3A_341, %jit3A : i32
      %ne3A_355 = arith.constant 0 : i32
      %ne3A_356 = arith.cmpi ne, %rem3A, %ne3A_355 : i32
      %and3A = arith.andi %ne3A, %ne3A_356 : i1
      %sub3A_357 = arith.constant 1 : i32
      %sub3A_358 = arith.subi %div3A, %sub3A_357 : i32
      %select_n3A = arith.select %and3A, %sub3A_358, %div3A : i32
      %jit3A_359 = arith.constant 2 : i32
      %div3A_360 = arith.divsi %select_n3A, %jit3A_359 : i32
      %sign3A_361 = arith.constant 0 : i32
      %sign3A_362 = arith.cmpi sgt, %select_n3A, %sign3A_361 : i32
      %sign3A_363 = arith.extui %sign3A_362 : i1 to i32
      %sign3A_364 = arith.constant 0 : i32
      %sign3A_365 = arith.cmpi slt, %select_n3A, %sign3A_364 : i32
      %sign3A_366 = arith.extui %sign3A_365 : i1 to i32
      %sign3A_367 = arith.subi %sign3A_363, %sign3A_366 : i32
      %sign3A_368 = arith.constant 0 : i32
      %sign3A_369 = arith.cmpi sgt, %jit3A_359, %sign3A_368 : i32
      %sign3A_370 = arith.extui %sign3A_369 : i1 to i32
      %sign3A_371 = arith.constant 0 : i32
      %sign3A_372 = arith.cmpi slt, %jit3A_359, %sign3A_371 : i32
      %sign3A_373 = arith.extui %sign3A_372 : i1 to i32
      %sign3A_374 = arith.subi %sign3A_370, %sign3A_373 : i32
      %ne3A_375 = arith.cmpi ne, %sign3A_367, %sign3A_374 : i32
      %rem3A_376 = arith.remsi %select_n3A, %jit3A_359 : i32
      %ne3A_377 = arith.constant 0 : i32
      %ne3A_378 = arith.cmpi ne, %rem3A_376, %ne3A_377 : i32
      %and3A_379 = arith.andi %ne3A_375, %ne3A_378 : i1
      %sub3A_380 = arith.constant 1 : i32
      %sub3A_381 = arith.subi %div3A_360, %sub3A_380 : i32
      %select_n3A_382 = arith.select %and3A_379, %sub3A_381, %div3A_360 : i32
      %while3A = arith.constant 0 : i32
      %while3A_383 = arith.constant 0 : i32
      %while3A_384 = arith.subi %select_n3A_382, %while3A_383 : i32
      %while3A_385 = arith.addi %while3A_383, %while3A_384 : i32
      %while3A_386 = arith.constant 1 : i32
      %while3A_387 = arith.divsi %while3A_384, %while3A_386 : i32
      %while3A_388 = arith.muli %while3A_387, %while3A_386 : i32
      %while3A_389 = arith.addi %while3A_383, %while3A_388 : i32
      %while3A_390 = arith.constant 1 : i32
      scf.for %while3A_442 = %while3A_383 to %while3A_389 step %while3A_390  : i32 {
        %mul3A_443 = arith.constant 2 : i32
        %mul3A_444 = arith.muli %mul3A_443, %while3A_442 : i32
        %mul3A_445 = arith.constant 128 : i32
        %mul3A_446 = arith.muli %mul3A_444, %mul3A_445 : i32
        %dma_start3A_447 = tpu.memref_slice %arg13[%mul3A_446] : memref<16528xi32, #tpu.memory_space<vmem>> -> memref<128xi32, #tpu.memory_space<vmem>>
        %dma_start3A_448 = arith.constant 0 : i32
        %dma_start3A_449 = tpu.memref_slice %arg2[%dma_start3A_448] : memref<16777216xf32, #tpu.memory_space<hbm>> -> memref<16777216xf32, #tpu.memory_space<hbm>>
        tpu.enqueue_indirect_dma source(%arg14 : memref<128xf32, #tpu.memory_space<vmem>>) target(%dma_start3A_449 : memref<16777216xf32, #tpu.memory_space<hbm>>) offsets(%dma_start3A_447 : memref<128xi32, #tpu.memory_space<vmem>>) semaphore(%arg16 : memref<!tpu.dma_semaphore, #tpu.memory_space<semaphore_mem>>)
        %mul3A_450 = arith.constant 2 : i32
        %mul3A_451 = arith.muli %mul3A_450, %while3A_442 : i32
        %add3A_452 = arith.constant 1 : i32
        %add3A_453 = arith.addi %mul3A_451, %add3A_452 : i32
        %mul3A_454 = arith.constant 128 : i32
        %mul3A_455 = arith.muli %add3A_453, %mul3A_454 : i32
        %dma_start3A_456 = tpu.memref_slice %arg13[%mul3A_455] : memref<16528xi32, #tpu.memory_space<vmem>> -> memref<128xi32, #tpu.memory_space<vmem>>
        %dma_start3A_457 = arith.constant 0 : i32
        %dma_start3A_458 = tpu.memref_slice %arg2[%dma_start3A_457] : memref<16777216xf32, #tpu.memory_space<hbm>> -> memref<16777216xf32, #tpu.memory_space<hbm>>
        tpu.enqueue_indirect_dma source(%arg14 : memref<128xf32, #tpu.memory_space<vmem>>) target(%dma_start3A_458 : memref<16777216xf32, #tpu.memory_space<hbm>>) offsets(%dma_start3A_456 : memref<128xi32, #tpu.memory_space<vmem>>) semaphore(%arg17 : memref<!tpu.dma_semaphore, #tpu.memory_space<semaphore_mem>>)
      }
      %while3A_391 = arith.constant 1 : i32
      scf.for %while3A_442 = %while3A_389 to %while3A_385 step %while3A_391  : i32 {
        %mul3A_443 = arith.constant 2 : i32
        %mul3A_444 = arith.muli %mul3A_443, %while3A_442 : i32
        %mul3A_445 = arith.constant 128 : i32
        %mul3A_446 = arith.muli %mul3A_444, %mul3A_445 : i32
        %dma_start3A_447 = tpu.memref_slice %arg13[%mul3A_446] : memref<16528xi32, #tpu.memory_space<vmem>> -> memref<128xi32, #tpu.memory_space<vmem>>
        %dma_start3A_448 = arith.constant 0 : i32
        %dma_start3A_449 = tpu.memref_slice %arg2[%dma_start3A_448] : memref<16777216xf32, #tpu.memory_space<hbm>> -> memref<16777216xf32, #tpu.memory_space<hbm>>
        tpu.enqueue_indirect_dma source(%arg14 : memref<128xf32, #tpu.memory_space<vmem>>) target(%dma_start3A_449 : memref<16777216xf32, #tpu.memory_space<hbm>>) offsets(%dma_start3A_447 : memref<128xi32, #tpu.memory_space<vmem>>) semaphore(%arg16 : memref<!tpu.dma_semaphore, #tpu.memory_space<semaphore_mem>>)
        %mul3A_450 = arith.constant 2 : i32
        %mul3A_451 = arith.muli %mul3A_450, %while3A_442 : i32
        %add3A_452 = arith.constant 1 : i32
        %add3A_453 = arith.addi %mul3A_451, %add3A_452 : i32
        %mul3A_454 = arith.constant 128 : i32
        %mul3A_455 = arith.muli %add3A_453, %mul3A_454 : i32
        %dma_start3A_456 = tpu.memref_slice %arg13[%mul3A_455] : memref<16528xi32, #tpu.memory_space<vmem>> -> memref<128xi32, #tpu.memory_space<vmem>>
        %dma_start3A_457 = arith.constant 0 : i32
        %dma_start3A_458 = tpu.memref_slice %arg2[%dma_start3A_457] : memref<16777216xf32, #tpu.memory_space<hbm>> -> memref<16777216xf32, #tpu.memory_space<hbm>>
        tpu.enqueue_indirect_dma source(%arg14 : memref<128xf32, #tpu.memory_space<vmem>>) target(%dma_start3A_458 : memref<16777216xf32, #tpu.memory_space<hbm>>) offsets(%dma_start3A_456 : memref<128xi32, #tpu.memory_space<vmem>>) semaphore(%arg17 : memref<!tpu.dma_semaphore, #tpu.memory_space<semaphore_mem>>)
      }
      %jit3A_392 = arith.constant 2 : i32
      %eq3A = arith.constant 0 : i32
      %eq3A_393 = arith.cmpi eq, %jit3A_392, %eq3A : i32
      %jit3A_394 = arith.constant 1 : i32
      %select_n3A_395 = arith.select %eq3A_393, %jit3A_394, %jit3A_392 : i32
      %rem3A_396 = arith.remsi %select_n3A, %select_n3A_395 : i32
      %ne3A_397 = arith.constant 0 : i32
      %ne3A_398 = arith.cmpi ne, %rem3A_396, %ne3A_397 : i32
      %lt3A = arith.constant 0 : i32
      %lt3A_399 = arith.cmpi slt, %rem3A_396, %lt3A : i32
      %lt3A_400 = arith.constant 0 : i32
      %lt3A_401 = arith.cmpi slt, %select_n3A_395, %lt3A_400 : i32
      %ne3A_402 = arith.xori %lt3A_399, %lt3A_401 : i1
      %and3A_403 = arith.andi %ne3A_402, %ne3A_398 : i1
      %add3A_404 = arith.addi %rem3A_396, %select_n3A_395 : i32
      %select_n3A_405 = arith.select %and3A_403, %add3A_404, %rem3A_396 : i32
      %eq3A_406 = arith.constant 1 : i32
      %eq3A_407 = arith.cmpi eq, %select_n3A_405, %eq3A_406 : i32
      %convert_element_type3A_408 = arith.extui %eq3A_407 : i1 to i32
      %cond3A_409 = arith.constant 0 : i32
      %cond3A_410 = arith.cmpi ne, %convert_element_type3A_408, %cond3A_409 : i32
      scf.if %cond3A_410 {
        %sub3A_442 = arith.constant 1 : i32
        %sub3A_443 = arith.subi %select_n3A, %sub3A_442 : i32
        %mul3A_444 = arith.constant 128 : i32
        %mul3A_445 = arith.muli %sub3A_443, %mul3A_444 : i32
        %dma_start3A_446 = tpu.memref_slice %arg13[%mul3A_445] : memref<16528xi32, #tpu.memory_space<vmem>> -> memref<128xi32, #tpu.memory_space<vmem>>
        %dma_start3A_447 = arith.constant 0 : i32
        %dma_start3A_448 = tpu.memref_slice %arg2[%dma_start3A_447] : memref<16777216xf32, #tpu.memory_space<hbm>> -> memref<16777216xf32, #tpu.memory_space<hbm>>
        tpu.enqueue_indirect_dma source(%arg14 : memref<128xf32, #tpu.memory_space<vmem>>) target(%dma_start3A_448 : memref<16777216xf32, #tpu.memory_space<hbm>>) offsets(%dma_start3A_446 : memref<128xi32, #tpu.memory_space<vmem>>) semaphore(%arg16 : memref<!tpu.dma_semaphore, #tpu.memory_space<semaphore_mem>>)
      } else {
      }
      %while3A_411 = arith.constant 0 : i32
      %while3A_412 = arith.constant 0 : i32
      %while3A_413 = arith.subi %select_n3A_382, %while3A_412 : i32
      %while3A_414 = arith.addi %while3A_412, %while3A_413 : i32
      %while3A_415 = arith.constant 1 : i32
      %while3A_416 = arith.divsi %while3A_413, %while3A_415 : i32
      %while3A_417 = arith.muli %while3A_416, %while3A_415 : i32
      %while3A_418 = arith.addi %while3A_412, %while3A_417 : i32
      %while3A_419 = arith.constant 1 : i32
      scf.for %while3A_442 = %while3A_412 to %while3A_418 step %while3A_419  : i32 {
        %dma_wait3A_443 = arith.constant 0 : i32
        %dma_wait3A_444 = tpu.memref_slice %arg13[%dma_wait3A_443] : memref<16528xi32, #tpu.memory_space<vmem>> -> memref<128xi32, #tpu.memory_space<vmem>>
        %dma_wait3A_445 = arith.constant 0 : i32
        %dma_wait3A_446 = tpu.memref_slice %arg2[%dma_wait3A_445] : memref<16777216xf32, #tpu.memory_space<hbm>> -> memref<16777216xf32, #tpu.memory_space<hbm>>
        tpu.wait_indirect_dma semaphore(%arg16 : memref<!tpu.dma_semaphore, #tpu.memory_space<semaphore_mem>>) src(%arg14 : memref<128xf32, #tpu.memory_space<vmem>>) dst(%dma_wait3A_446 : memref<16777216xf32, #tpu.memory_space<hbm>>)
        %dma_wait3A_447 = arith.constant 0 : i32
        %dma_wait3A_448 = tpu.memref_slice %arg13[%dma_wait3A_447] : memref<16528xi32, #tpu.memory_space<vmem>> -> memref<128xi32, #tpu.memory_space<vmem>>
        %dma_wait3A_449 = arith.constant 0 : i32
        %dma_wait3A_450 = tpu.memref_slice %arg2[%dma_wait3A_449] : memref<16777216xf32, #tpu.memory_space<hbm>> -> memref<16777216xf32, #tpu.memory_space<hbm>>
        tpu.wait_indirect_dma semaphore(%arg17 : memref<!tpu.dma_semaphore, #tpu.memory_space<semaphore_mem>>) src(%arg14 : memref<128xf32, #tpu.memory_space<vmem>>) dst(%dma_wait3A_450 : memref<16777216xf32, #tpu.memory_space<hbm>>)
      }
      %while3A_420 = arith.constant 1 : i32
      scf.for %while3A_442 = %while3A_418 to %while3A_414 step %while3A_420  : i32 {
        %dma_wait3A_443 = arith.constant 0 : i32
        %dma_wait3A_444 = tpu.memref_slice %arg13[%dma_wait3A_443] : memref<16528xi32, #tpu.memory_space<vmem>> -> memref<128xi32, #tpu.memory_space<vmem>>
        %dma_wait3A_445 = arith.constant 0 : i32
        %dma_wait3A_446 = tpu.memref_slice %arg2[%dma_wait3A_445] : memref<16777216xf32, #tpu.memory_space<hbm>> -> memref<16777216xf32, #tpu.memory_space<hbm>>
        tpu.wait_indirect_dma semaphore(%arg16 : memref<!tpu.dma_semaphore, #tpu.memory_space<semaphore_mem>>) src(%arg14 : memref<128xf32, #tpu.memory_space<vmem>>) dst(%dma_wait3A_446 : memref<16777216xf32, #tpu.memory_space<hbm>>)
        %dma_wait3A_447 = arith.constant 0 : i32
        %dma_wait3A_448 = tpu.memref_slice %arg13[%dma_wait3A_447] : memref<16528xi32, #tpu.memory_space<vmem>> -> memref<128xi32, #tpu.memory_space<vmem>>
        %dma_wait3A_449 = arith.constant 0 : i32
        %dma_wait3A_450 = tpu.memref_slice %arg2[%dma_wait3A_449] : memref<16777216xf32, #tpu.memory_space<hbm>> -> memref<16777216xf32, #tpu.memory_space<hbm>>
        tpu.wait_indirect_dma semaphore(%arg17 : memref<!tpu.dma_semaphore, #tpu.memory_space<semaphore_mem>>) src(%arg14 : memref<128xf32, #tpu.memory_space<vmem>>) dst(%dma_wait3A_450 : memref<16777216xf32, #tpu.memory_space<hbm>>)
      }
      %jit3A_421 = arith.constant 2 : i32
      %eq3A_422 = arith.constant 0 : i32
      %eq3A_423 = arith.cmpi eq, %jit3A_421, %eq3A_422 : i32
      %jit3A_424 = arith.constant 1 : i32
      %select_n3A_425 = arith.select %eq3A_423, %jit3A_424, %jit3A_421 : i32
      %rem3A_426 = arith.remsi %select_n3A, %select_n3A_425 : i32
      %ne3A_427 = arith.constant 0 : i32
      %ne3A_428 = arith.cmpi ne, %rem3A_426, %ne3A_427 : i32
      %lt3A_429 = arith.constant 0 : i32
      %lt3A_430 = arith.cmpi slt, %rem3A_426, %lt3A_429 : i32
      %lt3A_431 = arith.constant 0 : i32
      %lt3A_432 = arith.cmpi slt, %select_n3A_425, %lt3A_431 : i32
      %ne3A_433 = arith.xori %lt3A_430, %lt3A_432 : i1
      %and3A_434 = arith.andi %ne3A_433, %ne3A_428 : i1
      %add3A_435 = arith.addi %rem3A_426, %select_n3A_425 : i32
      %select_n3A_436 = arith.select %and3A_434, %add3A_435, %rem3A_426 : i32
      %eq3A_437 = arith.constant 1 : i32
      %eq3A_438 = arith.cmpi eq, %select_n3A_436, %eq3A_437 : i32
      %convert_element_type3A_439 = arith.extui %eq3A_438 : i1 to i32
      %cond3A_440 = arith.constant 0 : i32
      %cond3A_441 = arith.cmpi ne, %convert_element_type3A_439, %cond3A_440 : i32
      scf.if %cond3A_441 {
        %dma_wait3A_442 = arith.constant 0 : i32
        %dma_wait3A_443 = tpu.memref_slice %arg13[%dma_wait3A_442] : memref<16528xi32, #tpu.memory_space<vmem>> -> memref<128xi32, #tpu.memory_space<vmem>>
        %dma_wait3A_444 = arith.constant 0 : i32
        %dma_wait3A_445 = tpu.memref_slice %arg2[%dma_wait3A_444] : memref<16777216xf32, #tpu.memory_space<hbm>> -> memref<16777216xf32, #tpu.memory_space<hbm>>
        tpu.wait_indirect_dma semaphore(%arg16 : memref<!tpu.dma_semaphore, #tpu.memory_space<semaphore_mem>>) src(%arg14 : memref<128xf32, #tpu.memory_space<vmem>>) dst(%dma_wait3A_445 : memref<16777216xf32, #tpu.memory_space<hbm>>)
      } else {
      }
    } else {
    }
    %dma_wait3A_138 = arith.constant 0 : i32
    %dma_wait3A_139 = tpu.memref_slice %arg3[%dma_wait3A_138] : memref<4194304xi32, #tpu.memory_space<hbm>> -> memref<16384xi32, #tpu.memory_space<hbm>>
    %dma_wait3A_140 = arith.constant 0 : i32
    %dma_wait3A_141 = tpu.memref_slice %arg3[%dma_wait3A_140] : memref<4194304xi32, #tpu.memory_space<hbm>> -> memref<16384xi32, #tpu.memory_space<hbm>>
    tpu.wait_dma2 semaphore(%arg15 : memref<!tpu.dma_semaphore, #tpu.memory_space<semaphore_mem>>) src(%dma_wait3A_141 : memref<16384xi32, #tpu.memory_space<hbm>>) dst(%arg8 : memref<16384xi32, #tpu.memory_space<vmem>>)
    %dma_wait3A_142 = arith.constant 0 : i32
    %dma_wait3A_143 = tpu.memref_slice %arg4[%dma_wait3A_142] : memref<4194304xi32, #tpu.memory_space<hbm>> -> memref<16384xi32, #tpu.memory_space<hbm>>
    %dma_wait3A_144 = arith.constant 0 : i32
    %dma_wait3A_145 = tpu.memref_slice %arg4[%dma_wait3A_144] : memref<4194304xi32, #tpu.memory_space<hbm>> -> memref<16384xi32, #tpu.memory_space<hbm>>
    tpu.wait_dma2 semaphore(%arg15 : memref<!tpu.dma_semaphore, #tpu.memory_space<semaphore_mem>>) src(%dma_wait3A_145 : memref<16384xi32, #tpu.memory_space<hbm>>) dst(%arg10 : memref<16384xi32, #tpu.memory_space<vmem>>)
    %dma_wait3A_146 = arith.constant 0 : i32
    %dma_wait3A_147 = tpu.memref_slice %arg5[%dma_wait3A_146] : memref<4194304xf32, #tpu.memory_space<hbm>> -> memref<16384xf32, #tpu.memory_space<hbm>>
    %dma_wait3A_148 = arith.constant 0 : i32
    %dma_wait3A_149 = tpu.memref_slice %arg5[%dma_wait3A_148] : memref<4194304xf32, #tpu.memory_space<hbm>> -> memref<16384xf32, #tpu.memory_space<hbm>>
    tpu.wait_dma2 semaphore(%arg15 : memref<!tpu.dma_semaphore, #tpu.memory_space<semaphore_mem>>) src(%dma_wait3A_149 : memref<16384xf32, #tpu.memory_space<hbm>>) dst(%arg12 : memref<16384xf32, #tpu.memory_space<vmem>>)
    %mul3A_150 = arith.constant 131072 : i32
    %mul3A_151 = arith.muli %add3A, %mul3A_150 : i32
    %add3A_152 = arith.constant 65536 : i32
    %add3A_153 = arith.addi %mul3A_151, %add3A_152 : i32
    %dma_start3A_154 = tpu.memref_slice %arg3[%add3A_153] : memref<4194304xi32, #tpu.memory_space<hbm>> -> memref<16384xi32, #tpu.memory_space<hbm>>
    %dma_start3A_155 = tpu.memref_slice %arg3[%add3A_153] : memref<4194304xi32, #tpu.memory_space<hbm>> -> memref<16384xi32, #tpu.memory_space<hbm>>
    tpu.enqueue_dma source(%dma_start3A_155 : memref<16384xi32, #tpu.memory_space<hbm>>) target(%arg7 : memref<16384xi32, #tpu.memory_space<vmem>>) target_semaphore(%arg15 : memref<!tpu.dma_semaphore, #tpu.memory_space<semaphore_mem>>)
    %dma_start3A_156 = tpu.memref_slice %arg4[%add3A_153] : memref<4194304xi32, #tpu.memory_space<hbm>> -> memref<16384xi32, #tpu.memory_space<hbm>>
    %dma_start3A_157 = tpu.memref_slice %arg4[%add3A_153] : memref<4194304xi32, #tpu.memory_space<hbm>> -> memref<16384xi32, #tpu.memory_space<hbm>>
    tpu.enqueue_dma source(%dma_start3A_157 : memref<16384xi32, #tpu.memory_space<hbm>>) target(%arg9 : memref<16384xi32, #tpu.memory_space<vmem>>) target_semaphore(%arg15 : memref<!tpu.dma_semaphore, #tpu.memory_space<semaphore_mem>>)
    %dma_start3A_158 = tpu.memref_slice %arg5[%add3A_153] : memref<4194304xf32, #tpu.memory_space<hbm>> -> memref<16384xf32, #tpu.memory_space<hbm>>
    %dma_start3A_159 = tpu.memref_slice %arg5[%add3A_153] : memref<4194304xf32, #tpu.memory_space<hbm>> -> memref<16384xf32, #tpu.memory_space<hbm>>
    tpu.enqueue_dma source(%dma_start3A_159 : memref<16384xf32, #tpu.memory_space<hbm>>) target(%arg11 : memref<16384xf32, #tpu.memory_space<vmem>>) target_semaphore(%arg15 : memref<!tpu.dma_semaphore, #tpu.memory_space<semaphore_mem>>)
    %broadcast_in_dim3A_160 = arith.constant 0 : i32
    %broadcast_in_dim3A_161 = vector.broadcast %broadcast_in_dim3A_160 : i32 to vector<16xi32>
    %parallel_loop3A_162 = arith.constant 0 : i32
    %parallel_loop3A_163 = arith.constant 16384 : i32
    %parallel_loop3A_164 = arith.constant 16 : i32
    %parallel_loop3A_165 = scf.for %parallel_loop3A_303 = %parallel_loop3A_162 to %parallel_loop3A_163 step %parallel_loop3A_164 iter_args(%parallel_loop3A_304 = %broadcast_in_dim3A_161) -> (vector<16xi32>)  : i32 {
      %parallel_loop3A_305 = arith.index_cast %parallel_loop3A_303 : i32 to index
      %parallel_loop3A_306 = tpu.vector_load %arg8[%parallel_loop3A_305] {strides = array<i32>} : memref<16384xi32, #tpu.memory_space<vmem>>, vector<16xi32>,
      %parallel_loop3A_307 = arith.index_cast %parallel_loop3A_303 : i32 to index
      %parallel_loop3A_308 = tpu.vector_load %arg10[%parallel_loop3A_307] {strides = array<i32>} : memref<16384xi32, #tpu.memory_space<vmem>>, vector<16xi32>,
      %parallel_loop3A_309 = arith.index_cast %parallel_loop3A_303 : i32 to index
      %parallel_loop3A_310 = tpu.vector_load %arg12[%parallel_loop3A_309] {strides = array<i32>} : memref<16384xf32, #tpu.memory_space<vmem>>, vector<16xf32>,
      %parallel_loop3A_311 = arith.constant 12 : i32
      %parallel_loop3A_312 = vector.broadcast %parallel_loop3A_311 : i32 to vector<16xi32>
      %parallel_loop3A_313 = arith.shli %parallel_loop3A_306, %parallel_loop3A_312 : vector<16xi32>
      %parallel_loop3A_314 = arith.ori %parallel_loop3A_313, %parallel_loop3A_308 : vector<16xi32>
      %parallel_loop3A_315 = arith.constant 0.000000e+00 : f32
      %parallel_loop3A_316 = vector.broadcast %parallel_loop3A_315 : f32 to vector<16xf32>
      %parallel_loop3A_317 = arith.cmpf oeq, %parallel_loop3A_310, %parallel_loop3A_316 : vector<16xf32>
      %parallel_loop3A_318 = arith.extui %parallel_loop3A_317 : vector<16xi1> to vector<16xi32>
      %parallel_loop3A_319 = arith.constant true
      %parallel_loop3A_320 = vector.broadcast %parallel_loop3A_319 : i1 to vector<16xi1>
      %parallel_loop3A_321 = tpu.scan <sum>, %parallel_loop3A_318 masked %parallel_loop3A_320 : vector<16xi32>, vector<16xi1> -> vector<16xi32>
      %parallel_loop3A_322 = arith.addi %parallel_loop3A_304, %parallel_loop3A_321 : vector<16xi32>
      %parallel_loop3A_323 = arith.constant 1 : i32
      %parallel_loop3A_324 = vector.broadcast %parallel_loop3A_323 : i32 to vector<16xi32>
      %parallel_loop3A_325 = arith.subi %parallel_loop3A_322, %parallel_loop3A_324 : vector<16xi32>
      tpu.vector_store_idx %arg13[%parallel_loop3A_325], %parallel_loop3A_314 masked %parallel_loop3A_317 : memref<16528xi32, #tpu.memory_space<vmem>>[vector<16xi32>], vector<16xi32>, vector<16xi1>
      %parallel_loop3A_326 = tpu.all_reduce %parallel_loop3A_317 {dim = 0 : i64, kind = #tpu.reduction_kind<sum>} : vector<16xi1> -> vector<16xi32>
      %parallel_loop3A_327 = arith.addi %parallel_loop3A_304, %parallel_loop3A_326 : vector<16xi32>
      scf.yield %parallel_loop3A_327 : vector<16xi32>
    } {sc.loop_unroll_factor = 8 : i64, sc.parallel_access}
    %slice3A_166 = vector.extract_strided_slice %parallel_loop3A_165 {offsets = [0], sizes = [1], strides = [1]} : vector<16xi32> to vector<1xi32>
    %squeeze3A_167 = vector.extract %slice3A_166[0] : i32 from vector<1xi32>
    %gt3A_168 = arith.constant 0 : i32
    %gt3A_169 = arith.cmpi sgt, %squeeze3A_167, %gt3A_168 : i32
    %convert_element_type3A_170 = arith.extui %gt3A_169 : i1 to i32
    %cond3A_171 = arith.constant 0 : i32
    %cond3A_172 = arith.cmpi ne, %convert_element_type3A_170, %cond3A_171 : i32
    scf.if %cond3A_172 {
      %get3A = arith.constant 0 : index
      %get3A_303 = tpu.vector_load %arg13[%get3A] {strides = array<i32>} : memref<16528xi32, #tpu.memory_space<vmem>>, vector<16xi32>,
      %slice3A_304 = vector.extract_strided_slice %get3A_303 {offsets = [0], sizes = [1], strides = [1]} : vector<16xi32> to vector<1xi32>
      %squeeze3A_305 = vector.extract %slice3A_304[0] : i32 from vector<1xi32>
      %broadcast_in_dim3A_306 = vector.broadcast %squeeze3A_305 : i32 to vector<16xi32>
      %add3A_307 = arith.constant 0 : i32
      %add3A_308 = arith.addi %squeeze3A_167, %add3A_307 : i32
      %swap3A_309 = arith.index_cast %add3A_308 : i32 to index
      %swap3A_310 = tpu.vector_load %arg13[%swap3A_309] {strides = array<i32>} : memref<16528xi32, #tpu.memory_space<vmem>>, vector<16xi32>,
      tpu.vector_store %arg13[%swap3A_309], %broadcast_in_dim3A_306 {strides = array<i32>} : memref<16528xi32, #tpu.memory_space<vmem>>, vector<16xi32>,
      %add3A_311 = arith.constant 16 : i32
      %add3A_312 = arith.addi %squeeze3A_167, %add3A_311 : i32
      %swap3A_313 = arith.index_cast %add3A_312 : i32 to index
      %swap3A_314 = tpu.vector_load %arg13[%swap3A_313] {strides = array<i32>} : memref<16528xi32, #tpu.memory_space<vmem>>, vector<16xi32>,
      tpu.vector_store %arg13[%swap3A_313], %broadcast_in_dim3A_306 {strides = array<i32>} : memref<16528xi32, #tpu.memory_space<vmem>>, vector<16xi32>,
      %add3A_315 = arith.constant 32 : i32
      %add3A_316 = arith.addi %squeeze3A_167, %add3A_315 : i32
      %swap3A_317 = arith.index_cast %add3A_316 : i32 to index
      %swap3A_318 = tpu.vector_load %arg13[%swap3A_317] {strides = array<i32>} : memref<16528xi32, #tpu.memory_space<vmem>>, vector<16xi32>,
      tpu.vector_store %arg13[%swap3A_317], %broadcast_in_dim3A_306 {strides = array<i32>} : memref<16528xi32, #tpu.memory_space<vmem>>, vector<16xi32>,
      %add3A_319 = arith.constant 48 : i32
      %add3A_320 = arith.addi %squeeze3A_167, %add3A_319 : i32
      %swap3A_321 = arith.index_cast %add3A_320 : i32 to index
      %swap3A_322 = tpu.vector_load %arg13[%swap3A_321] {strides = array<i32>} : memref<16528xi32, #tpu.memory_space<vmem>>, vector<16xi32>,
      tpu.vector_store %arg13[%swap3A_321], %broadcast_in_dim3A_306 {strides = array<i32>} : memref<16528xi32, #tpu.memory_space<vmem>>, vector<16xi32>,
      %add3A_323 = arith.constant 64 : i32
      %add3A_324 = arith.addi %squeeze3A_167, %add3A_323 : i32
      %swap3A_325 = arith.index_cast %add3A_324 : i32 to index
      %swap3A_326 = tpu.vector_load %arg13[%swap3A_325] {strides = array<i32>} : memref<16528xi32, #tpu.memory_space<vmem>>, vector<16xi32>,
      tpu.vector_store %arg13[%swap3A_325], %broadcast_in_dim3A_306 {strides = array<i32>} : memref<16528xi32, #tpu.memory_space<vmem>>, vector<16xi32>,
      %add3A_327 = arith.constant 80 : i32
      %add3A_328 = arith.addi %squeeze3A_167, %add3A_327 : i32
      %swap3A_329 = arith.index_cast %add3A_328 : i32 to index
      %swap3A_330 = tpu.vector_load %arg13[%swap3A_329] {strides = array<i32>} : memref<16528xi32, #tpu.memory_space<vmem>>, vector<16xi32>,
      tpu.vector_store %arg13[%swap3A_329], %broadcast_in_dim3A_306 {strides = array<i32>} : memref<16528xi32, #tpu.memory_space<vmem>>, vector<16xi32>,
      %add3A_331 = arith.constant 96 : i32
      %add3A_332 = arith.addi %squeeze3A_167, %add3A_331 : i32
      %swap3A_333 = arith.index_cast %add3A_332 : i32 to index
      %swap3A_334 = tpu.vector_load %arg13[%swap3A_333] {strides = array<i32>} : memref<16528xi32, #tpu.memory_space<vmem>>, vector<16xi32>,
      tpu.vector_store %arg13[%swap3A_333], %broadcast_in_dim3A_306 {strides = array<i32>} : memref<16528xi32, #tpu.memory_space<vmem>>, vector<16xi32>,
      %add3A_335 = arith.constant 112 : i32
      %add3A_336 = arith.addi %squeeze3A_167, %add3A_335 : i32
      %swap3A_337 = arith.index_cast %add3A_336 : i32 to index
      %swap3A_338 = tpu.vector_load %arg13[%swap3A_337] {strides = array<i32>} : memref<16528xi32, #tpu.memory_space<vmem>>, vector<16xi32>,
      tpu.vector_store %arg13[%swap3A_337], %broadcast_in_dim3A_306 {strides = array<i32>} : memref<16528xi32, #tpu.memory_space<vmem>>, vector<16xi32>,
      %add3A_339 = arith.constant 128 : i32
      %add3A_340 = arith.addi %squeeze3A_167, %add3A_339 : i32
      %sub3A = arith.constant 1 : i32
      %sub3A_341 = arith.subi %add3A_340, %sub3A : i32
      %jit3A = arith.constant 128 : i32
      %div3A = arith.divsi %sub3A_341, %jit3A : i32
      %sign3A = arith.constant 0 : i32
      %sign3A_342 = arith.cmpi sgt, %sub3A_341, %sign3A : i32
      %sign3A_343 = arith.extui %sign3A_342 : i1 to i32
      %sign3A_344 = arith.constant 0 : i32
      %sign3A_345 = arith.cmpi slt, %sub3A_341, %sign3A_344 : i32
      %sign3A_346 = arith.extui %sign3A_345 : i1 to i32
      %sign3A_347 = arith.subi %sign3A_343, %sign3A_346 : i32
      %sign3A_348 = arith.constant 0 : i32
      %sign3A_349 = arith.cmpi sgt, %jit3A, %sign3A_348 : i32
      %sign3A_350 = arith.extui %sign3A_349 : i1 to i32
      %sign3A_351 = arith.constant 0 : i32
      %sign3A_352 = arith.cmpi slt, %jit3A, %sign3A_351 : i32
      %sign3A_353 = arith.extui %sign3A_352 : i1 to i32
      %sign3A_354 = arith.subi %sign3A_350, %sign3A_353 : i32
      %ne3A = arith.cmpi ne, %sign3A_347, %sign3A_354 : i32
      %rem3A = arith.remsi %sub3A_341, %jit3A : i32
      %ne3A_355 = arith.constant 0 : i32
      %ne3A_356 = arith.cmpi ne, %rem3A, %ne3A_355 : i32
      %and3A = arith.andi %ne3A, %ne3A_356 : i1
      %sub3A_357 = arith.constant 1 : i32
      %sub3A_358 = arith.subi %div3A, %sub3A_357 : i32
      %select_n3A = arith.select %and3A, %sub3A_358, %div3A : i32
      %jit3A_359 = arith.constant 2 : i32
      %div3A_360 = arith.divsi %select_n3A, %jit3A_359 : i32
      %sign3A_361 = arith.constant 0 : i32
      %sign3A_362 = arith.cmpi sgt, %select_n3A, %sign3A_361 : i32
      %sign3A_363 = arith.extui %sign3A_362 : i1 to i32
      %sign3A_364 = arith.constant 0 : i32
      %sign3A_365 = arith.cmpi slt, %select_n3A, %sign3A_364 : i32
      %sign3A_366 = arith.extui %sign3A_365 : i1 to i32
      %sign3A_367 = arith.subi %sign3A_363, %sign3A_366 : i32
      %sign3A_368 = arith.constant 0 : i32
      %sign3A_369 = arith.cmpi sgt, %jit3A_359, %sign3A_368 : i32
      %sign3A_370 = arith.extui %sign3A_369 : i1 to i32
      %sign3A_371 = arith.constant 0 : i32
      %sign3A_372 = arith.cmpi slt, %jit3A_359, %sign3A_371 : i32
      %sign3A_373 = arith.extui %sign3A_372 : i1 to i32
      %sign3A_374 = arith.subi %sign3A_370, %sign3A_373 : i32
      %ne3A_375 = arith.cmpi ne, %sign3A_367, %sign3A_374 : i32
      %rem3A_376 = arith.remsi %select_n3A, %jit3A_359 : i32
      %ne3A_377 = arith.constant 0 : i32
      %ne3A_378 = arith.cmpi ne, %rem3A_376, %ne3A_377 : i32
      %and3A_379 = arith.andi %ne3A_375, %ne3A_378 : i1
      %sub3A_380 = arith.constant 1 : i32
      %sub3A_381 = arith.subi %div3A_360, %sub3A_380 : i32
      %select_n3A_382 = arith.select %and3A_379, %sub3A_381, %div3A_360 : i32
      %while3A = arith.constant 0 : i32
      %while3A_383 = arith.constant 0 : i32
      %while3A_384 = arith.subi %select_n3A_382, %while3A_383 : i32
      %while3A_385 = arith.addi %while3A_383, %while3A_384 : i32
      %while3A_386 = arith.constant 1 : i32
      %while3A_387 = arith.divsi %while3A_384, %while3A_386 : i32
      %while3A_388 = arith.muli %while3A_387, %while3A_386 : i32
      %while3A_389 = arith.addi %while3A_383, %while3A_388 : i32
      %while3A_390 = arith.constant 1 : i32
      scf.for %while3A_442 = %while3A_383 to %while3A_389 step %while3A_390  : i32 {
        %mul3A_443 = arith.constant 2 : i32
        %mul3A_444 = arith.muli %mul3A_443, %while3A_442 : i32
        %mul3A_445 = arith.constant 128 : i32
        %mul3A_446 = arith.muli %mul3A_444, %mul3A_445 : i32
        %dma_start3A_447 = tpu.memref_slice %arg13[%mul3A_446] : memref<16528xi32, #tpu.memory_space<vmem>> -> memref<128xi32, #tpu.memory_space<vmem>>
        %dma_start3A_448 = arith.constant 0 : i32
        %dma_start3A_449 = tpu.memref_slice %arg2[%dma_start3A_448] : memref<16777216xf32, #tpu.memory_space<hbm>> -> memref<16777216xf32, #tpu.memory_space<hbm>>
        tpu.enqueue_indirect_dma source(%arg14 : memref<128xf32, #tpu.memory_space<vmem>>) target(%dma_start3A_449 : memref<16777216xf32, #tpu.memory_space<hbm>>) offsets(%dma_start3A_447 : memref<128xi32, #tpu.memory_space<vmem>>) semaphore(%arg16 : memref<!tpu.dma_semaphore, #tpu.memory_space<semaphore_mem>>)
        %mul3A_450 = arith.constant 2 : i32
        %mul3A_451 = arith.muli %mul3A_450, %while3A_442 : i32
        %add3A_452 = arith.constant 1 : i32
        %add3A_453 = arith.addi %mul3A_451, %add3A_452 : i32
        %mul3A_454 = arith.constant 128 : i32
        %mul3A_455 = arith.muli %add3A_453, %mul3A_454 : i32
        %dma_start3A_456 = tpu.memref_slice %arg13[%mul3A_455] : memref<16528xi32, #tpu.memory_space<vmem>> -> memref<128xi32, #tpu.memory_space<vmem>>
        %dma_start3A_457 = arith.constant 0 : i32
        %dma_start3A_458 = tpu.memref_slice %arg2[%dma_start3A_457] : memref<16777216xf32, #tpu.memory_space<hbm>> -> memref<16777216xf32, #tpu.memory_space<hbm>>
        tpu.enqueue_indirect_dma source(%arg14 : memref<128xf32, #tpu.memory_space<vmem>>) target(%dma_start3A_458 : memref<16777216xf32, #tpu.memory_space<hbm>>) offsets(%dma_start3A_456 : memref<128xi32, #tpu.memory_space<vmem>>) semaphore(%arg17 : memref<!tpu.dma_semaphore, #tpu.memory_space<semaphore_mem>>)
      }
      %while3A_391 = arith.constant 1 : i32
      scf.for %while3A_442 = %while3A_389 to %while3A_385 step %while3A_391  : i32 {
        %mul3A_443 = arith.constant 2 : i32
        %mul3A_444 = arith.muli %mul3A_443, %while3A_442 : i32
        %mul3A_445 = arith.constant 128 : i32
        %mul3A_446 = arith.muli %mul3A_444, %mul3A_445 : i32
        %dma_start3A_447 = tpu.memref_slice %arg13[%mul3A_446] : memref<16528xi32, #tpu.memory_space<vmem>> -> memref<128xi32, #tpu.memory_space<vmem>>
        %dma_start3A_448 = arith.constant 0 : i32
        %dma_start3A_449 = tpu.memref_slice %arg2[%dma_start3A_448] : memref<16777216xf32, #tpu.memory_space<hbm>> -> memref<16777216xf32, #tpu.memory_space<hbm>>
        tpu.enqueue_indirect_dma source(%arg14 : memref<128xf32, #tpu.memory_space<vmem>>) target(%dma_start3A_449 : memref<16777216xf32, #tpu.memory_space<hbm>>) offsets(%dma_start3A_447 : memref<128xi32, #tpu.memory_space<vmem>>) semaphore(%arg16 : memref<!tpu.dma_semaphore, #tpu.memory_space<semaphore_mem>>)
        %mul3A_450 = arith.constant 2 : i32
        %mul3A_451 = arith.muli %mul3A_450, %while3A_442 : i32
        %add3A_452 = arith.constant 1 : i32
        %add3A_453 = arith.addi %mul3A_451, %add3A_452 : i32
        %mul3A_454 = arith.constant 128 : i32
        %mul3A_455 = arith.muli %add3A_453, %mul3A_454 : i32
        %dma_start3A_456 = tpu.memref_slice %arg13[%mul3A_455] : memref<16528xi32, #tpu.memory_space<vmem>> -> memref<128xi32, #tpu.memory_space<vmem>>
        %dma_start3A_457 = arith.constant 0 : i32
        %dma_start3A_458 = tpu.memref_slice %arg2[%dma_start3A_457] : memref<16777216xf32, #tpu.memory_space<hbm>> -> memref<16777216xf32, #tpu.memory_space<hbm>>
        tpu.enqueue_indirect_dma source(%arg14 : memref<128xf32, #tpu.memory_space<vmem>>) target(%dma_start3A_458 : memref<16777216xf32, #tpu.memory_space<hbm>>) offsets(%dma_start3A_456 : memref<128xi32, #tpu.memory_space<vmem>>) semaphore(%arg17 : memref<!tpu.dma_semaphore, #tpu.memory_space<semaphore_mem>>)
      }
      %jit3A_392 = arith.constant 2 : i32
      %eq3A = arith.constant 0 : i32
      %eq3A_393 = arith.cmpi eq, %jit3A_392, %eq3A : i32
      %jit3A_394 = arith.constant 1 : i32
      %select_n3A_395 = arith.select %eq3A_393, %jit3A_394, %jit3A_392 : i32
      %rem3A_396 = arith.remsi %select_n3A, %select_n3A_395 : i32
      %ne3A_397 = arith.constant 0 : i32
      %ne3A_398 = arith.cmpi ne, %rem3A_396, %ne3A_397 : i32
      %lt3A = arith.constant 0 : i32
      %lt3A_399 = arith.cmpi slt, %rem3A_396, %lt3A : i32
      %lt3A_400 = arith.constant 0 : i32
      %lt3A_401 = arith.cmpi slt, %select_n3A_395, %lt3A_400 : i32
      %ne3A_402 = arith.xori %lt3A_399, %lt3A_401 : i1
      %and3A_403 = arith.andi %ne3A_402, %ne3A_398 : i1
      %add3A_404 = arith.addi %rem3A_396, %select_n3A_395 : i32
      %select_n3A_405 = arith.select %and3A_403, %add3A_404, %rem3A_396 : i32
      %eq3A_406 = arith.constant 1 : i32
      %eq3A_407 = arith.cmpi eq, %select_n3A_405, %eq3A_406 : i32
      %convert_element_type3A_408 = arith.extui %eq3A_407 : i1 to i32
      %cond3A_409 = arith.constant 0 : i32
      %cond3A_410 = arith.cmpi ne, %convert_element_type3A_408, %cond3A_409 : i32
      scf.if %cond3A_410 {
        %sub3A_442 = arith.constant 1 : i32
        %sub3A_443 = arith.subi %select_n3A, %sub3A_442 : i32
        %mul3A_444 = arith.constant 128 : i32
        %mul3A_445 = arith.muli %sub3A_443, %mul3A_444 : i32
        %dma_start3A_446 = tpu.memref_slice %arg13[%mul3A_445] : memref<16528xi32, #tpu.memory_space<vmem>> -> memref<128xi32, #tpu.memory_space<vmem>>
        %dma_start3A_447 = arith.constant 0 : i32
        %dma_start3A_448 = tpu.memref_slice %arg2[%dma_start3A_447] : memref<16777216xf32, #tpu.memory_space<hbm>> -> memref<16777216xf32, #tpu.memory_space<hbm>>
        tpu.enqueue_indirect_dma source(%arg14 : memref<128xf32, #tpu.memory_space<vmem>>) target(%dma_start3A_448 : memref<16777216xf32, #tpu.memory_space<hbm>>) offsets(%dma_start3A_446 : memref<128xi32, #tpu.memory_space<vmem>>) semaphore(%arg16 : memref<!tpu.dma_semaphore, #tpu.memory_space<semaphore_mem>>)
      } else {
      }
      %while3A_411 = arith.constant 0 : i32
      %while3A_412 = arith.constant 0 : i32
      %while3A_413 = arith.subi %select_n3A_382, %while3A_412 : i32
      %while3A_414 = arith.addi %while3A_412, %while3A_413 : i32
      %while3A_415 = arith.constant 1 : i32
      %while3A_416 = arith.divsi %while3A_413, %while3A_415 : i32
      %while3A_417 = arith.muli %while3A_416, %while3A_415 : i32
      %while3A_418 = arith.addi %while3A_412, %while3A_417 : i32
      %while3A_419 = arith.constant 1 : i32
      scf.for %while3A_442 = %while3A_412 to %while3A_418 step %while3A_419  : i32 {
        %dma_wait3A_443 = arith.constant 0 : i32
        %dma_wait3A_444 = tpu.memref_slice %arg13[%dma_wait3A_443] : memref<16528xi32, #tpu.memory_space<vmem>> -> memref<128xi32, #tpu.memory_space<vmem>>
        %dma_wait3A_445 = arith.constant 0 : i32
        %dma_wait3A_446 = tpu.memref_slice %arg2[%dma_wait3A_445] : memref<16777216xf32, #tpu.memory_space<hbm>> -> memref<16777216xf32, #tpu.memory_space<hbm>>
        tpu.wait_indirect_dma semaphore(%arg16 : memref<!tpu.dma_semaphore, #tpu.memory_space<semaphore_mem>>) src(%arg14 : memref<128xf32, #tpu.memory_space<vmem>>) dst(%dma_wait3A_446 : memref<16777216xf32, #tpu.memory_space<hbm>>)
        %dma_wait3A_447 = arith.constant 0 : i32
        %dma_wait3A_448 = tpu.memref_slice %arg13[%dma_wait3A_447] : memref<16528xi32, #tpu.memory_space<vmem>> -> memref<128xi32, #tpu.memory_space<vmem>>
        %dma_wait3A_449 = arith.constant 0 : i32
        %dma_wait3A_450 = tpu.memref_slice %arg2[%dma_wait3A_449] : memref<16777216xf32, #tpu.memory_space<hbm>> -> memref<16777216xf32, #tpu.memory_space<hbm>>
        tpu.wait_indirect_dma semaphore(%arg17 : memref<!tpu.dma_semaphore, #tpu.memory_space<semaphore_mem>>) src(%arg14 : memref<128xf32, #tpu.memory_space<vmem>>) dst(%dma_wait3A_450 : memref<16777216xf32, #tpu.memory_space<hbm>>)
      }
      %while3A_420 = arith.constant 1 : i32
      scf.for %while3A_442 = %while3A_418 to %while3A_414 step %while3A_420  : i32 {
        %dma_wait3A_443 = arith.constant 0 : i32
        %dma_wait3A_444 = tpu.memref_slice %arg13[%dma_wait3A_443] : memref<16528xi32, #tpu.memory_space<vmem>> -> memref<128xi32, #tpu.memory_space<vmem>>
        %dma_wait3A_445 = arith.constant 0 : i32
        %dma_wait3A_446 = tpu.memref_slice %arg2[%dma_wait3A_445] : memref<16777216xf32, #tpu.memory_space<hbm>> -> memref<16777216xf32, #tpu.memory_space<hbm>>
        tpu.wait_indirect_dma semaphore(%arg16 : memref<!tpu.dma_semaphore, #tpu.memory_space<semaphore_mem>>) src(%arg14 : memref<128xf32, #tpu.memory_space<vmem>>) dst(%dma_wait3A_446 : memref<16777216xf32, #tpu.memory_space<hbm>>)
        %dma_wait3A_447 = arith.constant 0 : i32
        %dma_wait3A_448 = tpu.memref_slice %arg13[%dma_wait3A_447] : memref<16528xi32, #tpu.memory_space<vmem>> -> memref<128xi32, #tpu.memory_space<vmem>>
        %dma_wait3A_449 = arith.constant 0 : i32
        %dma_wait3A_450 = tpu.memref_slice %arg2[%dma_wait3A_449] : memref<16777216xf32, #tpu.memory_space<hbm>> -> memref<16777216xf32, #tpu.memory_space<hbm>>
        tpu.wait_indirect_dma semaphore(%arg17 : memref<!tpu.dma_semaphore, #tpu.memory_space<semaphore_mem>>) src(%arg14 : memref<128xf32, #tpu.memory_space<vmem>>) dst(%dma_wait3A_450 : memref<16777216xf32, #tpu.memory_space<hbm>>)
      }
      %jit3A_421 = arith.constant 2 : i32
      %eq3A_422 = arith.constant 0 : i32
      %eq3A_423 = arith.cmpi eq, %jit3A_421, %eq3A_422 : i32
      %jit3A_424 = arith.constant 1 : i32
      %select_n3A_425 = arith.select %eq3A_423, %jit3A_424, %jit3A_421 : i32
      %rem3A_426 = arith.remsi %select_n3A, %select_n3A_425 : i32
      %ne3A_427 = arith.constant 0 : i32
      %ne3A_428 = arith.cmpi ne, %rem3A_426, %ne3A_427 : i32
      %lt3A_429 = arith.constant 0 : i32
      %lt3A_430 = arith.cmpi slt, %rem3A_426, %lt3A_429 : i32
      %lt3A_431 = arith.constant 0 : i32
      %lt3A_432 = arith.cmpi slt, %select_n3A_425, %lt3A_431 : i32
      %ne3A_433 = arith.xori %lt3A_430, %lt3A_432 : i1
      %and3A_434 = arith.andi %ne3A_433, %ne3A_428 : i1
      %add3A_435 = arith.addi %rem3A_426, %select_n3A_425 : i32
      %select_n3A_436 = arith.select %and3A_434, %add3A_435, %rem3A_426 : i32
      %eq3A_437 = arith.constant 1 : i32
      %eq3A_438 = arith.cmpi eq, %select_n3A_436, %eq3A_437 : i32
      %convert_element_type3A_439 = arith.extui %eq3A_438 : i1 to i32
      %cond3A_440 = arith.constant 0 : i32
      %cond3A_441 = arith.cmpi ne, %convert_element_type3A_439, %cond3A_440 : i32
      scf.if %cond3A_441 {
        %dma_wait3A_442 = arith.constant 0 : i32
        %dma_wait3A_443 = tpu.memref_slice %arg13[%dma_wait3A_442] : memref<16528xi32, #tpu.memory_space<vmem>> -> memref<128xi32, #tpu.memory_space<vmem>>
        %dma_wait3A_444 = arith.constant 0 : i32
        %dma_wait3A_445 = tpu.memref_slice %arg2[%dma_wait3A_444] : memref<16777216xf32, #tpu.memory_space<hbm>> -> memref<16777216xf32, #tpu.memory_space<hbm>>
        tpu.wait_indirect_dma semaphore(%arg16 : memref<!tpu.dma_semaphore, #tpu.memory_space<semaphore_mem>>) src(%arg14 : memref<128xf32, #tpu.memory_space<vmem>>) dst(%dma_wait3A_445 : memref<16777216xf32, #tpu.memory_space<hbm>>)
      } else {
      }
    } else {
    }
    %dma_wait3A_173 = arith.constant 0 : i32
    %dma_wait3A_174 = tpu.memref_slice %arg3[%dma_wait3A_173] : memref<4194304xi32, #tpu.memory_space<hbm>> -> memref<16384xi32, #tpu.memory_space<hbm>>
    %dma_wait3A_175 = arith.constant 0 : i32
    %dma_wait3A_176 = tpu.memref_slice %arg3[%dma_wait3A_175] : memref<4194304xi32, #tpu.memory_space<hbm>> -> memref<16384xi32, #tpu.memory_space<hbm>>
    tpu.wait_dma2 semaphore(%arg15 : memref<!tpu.dma_semaphore, #tpu.memory_space<semaphore_mem>>) src(%dma_wait3A_176 : memref<16384xi32, #tpu.memory_space<hbm>>) dst(%arg7 : memref<16384xi32, #tpu.memory_space<vmem>>)
    %dma_wait3A_177 = arith.constant 0 : i32
    %dma_wait3A_178 = tpu.memref_slice %arg4[%dma_wait3A_177] : memref<4194304xi32, #tpu.memory_space<hbm>> -> memref<16384xi32, #tpu.memory_space<hbm>>
    %dma_wait3A_179 = arith.constant 0 : i32
    %dma_wait3A_180 = tpu.memref_slice %arg4[%dma_wait3A_179] : memref<4194304xi32, #tpu.memory_space<hbm>> -> memref<16384xi32, #tpu.memory_space<hbm>>
    tpu.wait_dma2 semaphore(%arg15 : memref<!tpu.dma_semaphore, #tpu.memory_space<semaphore_mem>>) src(%dma_wait3A_180 : memref<16384xi32, #tpu.memory_space<hbm>>) dst(%arg9 : memref<16384xi32, #tpu.memory_space<vmem>>)
    %dma_wait3A_181 = arith.constant 0 : i32
    %dma_wait3A_182 = tpu.memref_slice %arg5[%dma_wait3A_181] : memref<4194304xf32, #tpu.memory_space<hbm>> -> memref<16384xf32, #tpu.memory_space<hbm>>
    %dma_wait3A_183 = arith.constant 0 : i32
    %dma_wait3A_184 = tpu.memref_slice %arg5[%dma_wait3A_183] : memref<4194304xf32, #tpu.memory_space<hbm>> -> memref<16384xf32, #tpu.memory_space<hbm>>
    tpu.wait_dma2 semaphore(%arg15 : memref<!tpu.dma_semaphore, #tpu.memory_space<semaphore_mem>>) src(%dma_wait3A_184 : memref<16384xf32, #tpu.memory_space<hbm>>) dst(%arg11 : memref<16384xf32, #tpu.memory_space<vmem>>)
    %mul3A_185 = arith.constant 131072 : i32
    %mul3A_186 = arith.muli %add3A, %mul3A_185 : i32
    %add3A_187 = arith.constant 81920 : i32
    %add3A_188 = arith.addi %mul3A_186, %add3A_187 : i32
    %dma_start3A_189 = tpu.memref_slice %arg3[%add3A_188] : memref<4194304xi32, #tpu.memory_space<hbm>> -> memref<16384xi32, #tpu.memory_space<hbm>>
    %dma_start3A_190 = tpu.memref_slice %arg3[%add3A_188] : memref<4194304xi32, #tpu.memory_space<hbm>> -> memref<16384xi32, #tpu.memory_space<hbm>>
    tpu.enqueue_dma source(%dma_start3A_190 : memref<16384xi32, #tpu.memory_space<hbm>>) target(%arg8 : memref<16384xi32, #tpu.memory_space<vmem>>) target_semaphore(%arg15 : memref<!tpu.dma_semaphore, #tpu.memory_space<semaphore_mem>>)
    %dma_start3A_191 = tpu.memref_slice %arg4[%add3A_188] : memref<4194304xi32, #tpu.memory_space<hbm>> -> memref<16384xi32, #tpu.memory_space<hbm>>
    %dma_start3A_192 = tpu.memref_slice %arg4[%add3A_188] : memref<4194304xi32, #tpu.memory_space<hbm>> -> memref<16384xi32, #tpu.memory_space<hbm>>
    tpu.enqueue_dma source(%dma_start3A_192 : memref<16384xi32, #tpu.memory_space<hbm>>) target(%arg10 : memref<16384xi32, #tpu.memory_space<vmem>>) target_semaphore(%arg15 : memref<!tpu.dma_semaphore, #tpu.memory_space<semaphore_mem>>)
    %dma_start3A_193 = tpu.memref_slice %arg5[%add3A_188] : memref<4194304xf32, #tpu.memory_space<hbm>> -> memref<16384xf32, #tpu.memory_space<hbm>>
    %dma_start3A_194 = tpu.memref_slice %arg5[%add3A_188] : memref<4194304xf32, #tpu.memory_space<hbm>> -> memref<16384xf32, #tpu.memory_space<hbm>>
    tpu.enqueue_dma source(%dma_start3A_194 : memref<16384xf32, #tpu.memory_space<hbm>>) target(%arg12 : memref<16384xf32, #tpu.memory_space<vmem>>) target_semaphore(%arg15 : memref<!tpu.dma_semaphore, #tpu.memory_space<semaphore_mem>>)
    %broadcast_in_dim3A_195 = arith.constant 0 : i32
    %broadcast_in_dim3A_196 = vector.broadcast %broadcast_in_dim3A_195 : i32 to vector<16xi32>
    %parallel_loop3A_197 = arith.constant 0 : i32
    %parallel_loop3A_198 = arith.constant 16384 : i32
    %parallel_loop3A_199 = arith.constant 16 : i32
    %parallel_loop3A_200 = scf.for %parallel_loop3A_303 = %parallel_loop3A_197 to %parallel_loop3A_198 step %parallel_loop3A_199 iter_args(%parallel_loop3A_304 = %broadcast_in_dim3A_196) -> (vector<16xi32>)  : i32 {
      %parallel_loop3A_305 = arith.index_cast %parallel_loop3A_303 : i32 to index
      %parallel_loop3A_306 = tpu.vector_load %arg7[%parallel_loop3A_305] {strides = array<i32>} : memref<16384xi32, #tpu.memory_space<vmem>>, vector<16xi32>,
      %parallel_loop3A_307 = arith.index_cast %parallel_loop3A_303 : i32 to index
      %parallel_loop3A_308 = tpu.vector_load %arg9[%parallel_loop3A_307] {strides = array<i32>} : memref<16384xi32, #tpu.memory_space<vmem>>, vector<16xi32>,
      %parallel_loop3A_309 = arith.index_cast %parallel_loop3A_303 : i32 to index
      %parallel_loop3A_310 = tpu.vector_load %arg11[%parallel_loop3A_309] {strides = array<i32>} : memref<16384xf32, #tpu.memory_space<vmem>>, vector<16xf32>,
      %parallel_loop3A_311 = arith.constant 12 : i32
      %parallel_loop3A_312 = vector.broadcast %parallel_loop3A_311 : i32 to vector<16xi32>
      %parallel_loop3A_313 = arith.shli %parallel_loop3A_306, %parallel_loop3A_312 : vector<16xi32>
      %parallel_loop3A_314 = arith.ori %parallel_loop3A_313, %parallel_loop3A_308 : vector<16xi32>
      %parallel_loop3A_315 = arith.constant 0.000000e+00 : f32
      %parallel_loop3A_316 = vector.broadcast %parallel_loop3A_315 : f32 to vector<16xf32>
      %parallel_loop3A_317 = arith.cmpf oeq, %parallel_loop3A_310, %parallel_loop3A_316 : vector<16xf32>
      %parallel_loop3A_318 = arith.extui %parallel_loop3A_317 : vector<16xi1> to vector<16xi32>
      %parallel_loop3A_319 = arith.constant true
      %parallel_loop3A_320 = vector.broadcast %parallel_loop3A_319 : i1 to vector<16xi1>
      %parallel_loop3A_321 = tpu.scan <sum>, %parallel_loop3A_318 masked %parallel_loop3A_320 : vector<16xi32>, vector<16xi1> -> vector<16xi32>
      %parallel_loop3A_322 = arith.addi %parallel_loop3A_304, %parallel_loop3A_321 : vector<16xi32>
      %parallel_loop3A_323 = arith.constant 1 : i32
      %parallel_loop3A_324 = vector.broadcast %parallel_loop3A_323 : i32 to vector<16xi32>
      %parallel_loop3A_325 = arith.subi %parallel_loop3A_322, %parallel_loop3A_324 : vector<16xi32>
      tpu.vector_store_idx %arg13[%parallel_loop3A_325], %parallel_loop3A_314 masked %parallel_loop3A_317 : memref<16528xi32, #tpu.memory_space<vmem>>[vector<16xi32>], vector<16xi32>, vector<16xi1>
      %parallel_loop3A_326 = tpu.all_reduce %parallel_loop3A_317 {dim = 0 : i64, kind = #tpu.reduction_kind<sum>} : vector<16xi1> -> vector<16xi32>
      %parallel_loop3A_327 = arith.addi %parallel_loop3A_304, %parallel_loop3A_326 : vector<16xi32>
      scf.yield %parallel_loop3A_327 : vector<16xi32>
    } {sc.loop_unroll_factor = 8 : i64, sc.parallel_access}
    %slice3A_201 = vector.extract_strided_slice %parallel_loop3A_200 {offsets = [0], sizes = [1], strides = [1]} : vector<16xi32> to vector<1xi32>
    %squeeze3A_202 = vector.extract %slice3A_201[0] : i32 from vector<1xi32>
    %gt3A_203 = arith.constant 0 : i32
    %gt3A_204 = arith.cmpi sgt, %squeeze3A_202, %gt3A_203 : i32
    %convert_element_type3A_205 = arith.extui %gt3A_204 : i1 to i32
    %cond3A_206 = arith.constant 0 : i32
    %cond3A_207 = arith.cmpi ne, %convert_element_type3A_205, %cond3A_206 : i32
    scf.if %cond3A_207 {
      %get3A = arith.constant 0 : index
      %get3A_303 = tpu.vector_load %arg13[%get3A] {strides = array<i32>} : memref<16528xi32, #tpu.memory_space<vmem>>, vector<16xi32>,
      %slice3A_304 = vector.extract_strided_slice %get3A_303 {offsets = [0], sizes = [1], strides = [1]} : vector<16xi32> to vector<1xi32>
      %squeeze3A_305 = vector.extract %slice3A_304[0] : i32 from vector<1xi32>
      %broadcast_in_dim3A_306 = vector.broadcast %squeeze3A_305 : i32 to vector<16xi32>
      %add3A_307 = arith.constant 0 : i32
      %add3A_308 = arith.addi %squeeze3A_202, %add3A_307 : i32
      %swap3A_309 = arith.index_cast %add3A_308 : i32 to index
      %swap3A_310 = tpu.vector_load %arg13[%swap3A_309] {strides = array<i32>} : memref<16528xi32, #tpu.memory_space<vmem>>, vector<16xi32>,
      tpu.vector_store %arg13[%swap3A_309], %broadcast_in_dim3A_306 {strides = array<i32>} : memref<16528xi32, #tpu.memory_space<vmem>>, vector<16xi32>,
      %add3A_311 = arith.constant 16 : i32
      %add3A_312 = arith.addi %squeeze3A_202, %add3A_311 : i32
      %swap3A_313 = arith.index_cast %add3A_312 : i32 to index
      %swap3A_314 = tpu.vector_load %arg13[%swap3A_313] {strides = array<i32>} : memref<16528xi32, #tpu.memory_space<vmem>>, vector<16xi32>,
      tpu.vector_store %arg13[%swap3A_313], %broadcast_in_dim3A_306 {strides = array<i32>} : memref<16528xi32, #tpu.memory_space<vmem>>, vector<16xi32>,
      %add3A_315 = arith.constant 32 : i32
      %add3A_316 = arith.addi %squeeze3A_202, %add3A_315 : i32
      %swap3A_317 = arith.index_cast %add3A_316 : i32 to index
      %swap3A_318 = tpu.vector_load %arg13[%swap3A_317] {strides = array<i32>} : memref<16528xi32, #tpu.memory_space<vmem>>, vector<16xi32>,
      tpu.vector_store %arg13[%swap3A_317], %broadcast_in_dim3A_306 {strides = array<i32>} : memref<16528xi32, #tpu.memory_space<vmem>>, vector<16xi32>,
      %add3A_319 = arith.constant 48 : i32
      %add3A_320 = arith.addi %squeeze3A_202, %add3A_319 : i32
      %swap3A_321 = arith.index_cast %add3A_320 : i32 to index
      %swap3A_322 = tpu.vector_load %arg13[%swap3A_321] {strides = array<i32>} : memref<16528xi32, #tpu.memory_space<vmem>>, vector<16xi32>,
      tpu.vector_store %arg13[%swap3A_321], %broadcast_in_dim3A_306 {strides = array<i32>} : memref<16528xi32, #tpu.memory_space<vmem>>, vector<16xi32>,
      %add3A_323 = arith.constant 64 : i32
      %add3A_324 = arith.addi %squeeze3A_202, %add3A_323 : i32
      %swap3A_325 = arith.index_cast %add3A_324 : i32 to index
      %swap3A_326 = tpu.vector_load %arg13[%swap3A_325] {strides = array<i32>} : memref<16528xi32, #tpu.memory_space<vmem>>, vector<16xi32>,
      tpu.vector_store %arg13[%swap3A_325], %broadcast_in_dim3A_306 {strides = array<i32>} : memref<16528xi32, #tpu.memory_space<vmem>>, vector<16xi32>,
      %add3A_327 = arith.constant 80 : i32
      %add3A_328 = arith.addi %squeeze3A_202, %add3A_327 : i32
      %swap3A_329 = arith.index_cast %add3A_328 : i32 to index
      %swap3A_330 = tpu.vector_load %arg13[%swap3A_329] {strides = array<i32>} : memref<16528xi32, #tpu.memory_space<vmem>>, vector<16xi32>,
      tpu.vector_store %arg13[%swap3A_329], %broadcast_in_dim3A_306 {strides = array<i32>} : memref<16528xi32, #tpu.memory_space<vmem>>, vector<16xi32>,
      %add3A_331 = arith.constant 96 : i32
      %add3A_332 = arith.addi %squeeze3A_202, %add3A_331 : i32
      %swap3A_333 = arith.index_cast %add3A_332 : i32 to index
      %swap3A_334 = tpu.vector_load %arg13[%swap3A_333] {strides = array<i32>} : memref<16528xi32, #tpu.memory_space<vmem>>, vector<16xi32>,
      tpu.vector_store %arg13[%swap3A_333], %broadcast_in_dim3A_306 {strides = array<i32>} : memref<16528xi32, #tpu.memory_space<vmem>>, vector<16xi32>,
      %add3A_335 = arith.constant 112 : i32
      %add3A_336 = arith.addi %squeeze3A_202, %add3A_335 : i32
      %swap3A_337 = arith.index_cast %add3A_336 : i32 to index
      %swap3A_338 = tpu.vector_load %arg13[%swap3A_337] {strides = array<i32>} : memref<16528xi32, #tpu.memory_space<vmem>>, vector<16xi32>,
      tpu.vector_store %arg13[%swap3A_337], %broadcast_in_dim3A_306 {strides = array<i32>} : memref<16528xi32, #tpu.memory_space<vmem>>, vector<16xi32>,
      %add3A_339 = arith.constant 128 : i32
      %add3A_340 = arith.addi %squeeze3A_202, %add3A_339 : i32
      %sub3A = arith.constant 1 : i32
      %sub3A_341 = arith.subi %add3A_340, %sub3A : i32
      %jit3A = arith.constant 128 : i32
      %div3A = arith.divsi %sub3A_341, %jit3A : i32
      %sign3A = arith.constant 0 : i32
      %sign3A_342 = arith.cmpi sgt, %sub3A_341, %sign3A : i32
      %sign3A_343 = arith.extui %sign3A_342 : i1 to i32
      %sign3A_344 = arith.constant 0 : i32
      %sign3A_345 = arith.cmpi slt, %sub3A_341, %sign3A_344 : i32
      %sign3A_346 = arith.extui %sign3A_345 : i1 to i32
      %sign3A_347 = arith.subi %sign3A_343, %sign3A_346 : i32
      %sign3A_348 = arith.constant 0 : i32
      %sign3A_349 = arith.cmpi sgt, %jit3A, %sign3A_348 : i32
      %sign3A_350 = arith.extui %sign3A_349 : i1 to i32
      %sign3A_351 = arith.constant 0 : i32
      %sign3A_352 = arith.cmpi slt, %jit3A, %sign3A_351 : i32
      %sign3A_353 = arith.extui %sign3A_352 : i1 to i32
      %sign3A_354 = arith.subi %sign3A_350, %sign3A_353 : i32
      %ne3A = arith.cmpi ne, %sign3A_347, %sign3A_354 : i32
      %rem3A = arith.remsi %sub3A_341, %jit3A : i32
      %ne3A_355 = arith.constant 0 : i32
      %ne3A_356 = arith.cmpi ne, %rem3A, %ne3A_355 : i32
      %and3A = arith.andi %ne3A, %ne3A_356 : i1
      %sub3A_357 = arith.constant 1 : i32
      %sub3A_358 = arith.subi %div3A, %sub3A_357 : i32
      %select_n3A = arith.select %and3A, %sub3A_358, %div3A : i32
      %jit3A_359 = arith.constant 2 : i32
      %div3A_360 = arith.divsi %select_n3A, %jit3A_359 : i32
      %sign3A_361 = arith.constant 0 : i32
      %sign3A_362 = arith.cmpi sgt, %select_n3A, %sign3A_361 : i32
      %sign3A_363 = arith.extui %sign3A_362 : i1 to i32
      %sign3A_364 = arith.constant 0 : i32
      %sign3A_365 = arith.cmpi slt, %select_n3A, %sign3A_364 : i32
      %sign3A_366 = arith.extui %sign3A_365 : i1 to i32
      %sign3A_367 = arith.subi %sign3A_363, %sign3A_366 : i32
      %sign3A_368 = arith.constant 0 : i32
      %sign3A_369 = arith.cmpi sgt, %jit3A_359, %sign3A_368 : i32
      %sign3A_370 = arith.extui %sign3A_369 : i1 to i32
      %sign3A_371 = arith.constant 0 : i32
      %sign3A_372 = arith.cmpi slt, %jit3A_359, %sign3A_371 : i32
      %sign3A_373 = arith.extui %sign3A_372 : i1 to i32
      %sign3A_374 = arith.subi %sign3A_370, %sign3A_373 : i32
      %ne3A_375 = arith.cmpi ne, %sign3A_367, %sign3A_374 : i32
      %rem3A_376 = arith.remsi %select_n3A, %jit3A_359 : i32
      %ne3A_377 = arith.constant 0 : i32
      %ne3A_378 = arith.cmpi ne, %rem3A_376, %ne3A_377 : i32
      %and3A_379 = arith.andi %ne3A_375, %ne3A_378 : i1
      %sub3A_380 = arith.constant 1 : i32
      %sub3A_381 = arith.subi %div3A_360, %sub3A_380 : i32
      %select_n3A_382 = arith.select %and3A_379, %sub3A_381, %div3A_360 : i32
      %while3A = arith.constant 0 : i32
      %while3A_383 = arith.constant 0 : i32
      %while3A_384 = arith.subi %select_n3A_382, %while3A_383 : i32
      %while3A_385 = arith.addi %while3A_383, %while3A_384 : i32
      %while3A_386 = arith.constant 1 : i32
      %while3A_387 = arith.divsi %while3A_384, %while3A_386 : i32
      %while3A_388 = arith.muli %while3A_387, %while3A_386 : i32
      %while3A_389 = arith.addi %while3A_383, %while3A_388 : i32
      %while3A_390 = arith.constant 1 : i32
      scf.for %while3A_442 = %while3A_383 to %while3A_389 step %while3A_390  : i32 {
        %mul3A_443 = arith.constant 2 : i32
        %mul3A_444 = arith.muli %mul3A_443, %while3A_442 : i32
        %mul3A_445 = arith.constant 128 : i32
        %mul3A_446 = arith.muli %mul3A_444, %mul3A_445 : i32
        %dma_start3A_447 = tpu.memref_slice %arg13[%mul3A_446] : memref<16528xi32, #tpu.memory_space<vmem>> -> memref<128xi32, #tpu.memory_space<vmem>>
        %dma_start3A_448 = arith.constant 0 : i32
        %dma_start3A_449 = tpu.memref_slice %arg2[%dma_start3A_448] : memref<16777216xf32, #tpu.memory_space<hbm>> -> memref<16777216xf32, #tpu.memory_space<hbm>>
        tpu.enqueue_indirect_dma source(%arg14 : memref<128xf32, #tpu.memory_space<vmem>>) target(%dma_start3A_449 : memref<16777216xf32, #tpu.memory_space<hbm>>) offsets(%dma_start3A_447 : memref<128xi32, #tpu.memory_space<vmem>>) semaphore(%arg16 : memref<!tpu.dma_semaphore, #tpu.memory_space<semaphore_mem>>)
        %mul3A_450 = arith.constant 2 : i32
        %mul3A_451 = arith.muli %mul3A_450, %while3A_442 : i32
        %add3A_452 = arith.constant 1 : i32
        %add3A_453 = arith.addi %mul3A_451, %add3A_452 : i32
        %mul3A_454 = arith.constant 128 : i32
        %mul3A_455 = arith.muli %add3A_453, %mul3A_454 : i32
        %dma_start3A_456 = tpu.memref_slice %arg13[%mul3A_455] : memref<16528xi32, #tpu.memory_space<vmem>> -> memref<128xi32, #tpu.memory_space<vmem>>
        %dma_start3A_457 = arith.constant 0 : i32
        %dma_start3A_458 = tpu.memref_slice %arg2[%dma_start3A_457] : memref<16777216xf32, #tpu.memory_space<hbm>> -> memref<16777216xf32, #tpu.memory_space<hbm>>
        tpu.enqueue_indirect_dma source(%arg14 : memref<128xf32, #tpu.memory_space<vmem>>) target(%dma_start3A_458 : memref<16777216xf32, #tpu.memory_space<hbm>>) offsets(%dma_start3A_456 : memref<128xi32, #tpu.memory_space<vmem>>) semaphore(%arg17 : memref<!tpu.dma_semaphore, #tpu.memory_space<semaphore_mem>>)
      }
      %while3A_391 = arith.constant 1 : i32
      scf.for %while3A_442 = %while3A_389 to %while3A_385 step %while3A_391  : i32 {
        %mul3A_443 = arith.constant 2 : i32
        %mul3A_444 = arith.muli %mul3A_443, %while3A_442 : i32
        %mul3A_445 = arith.constant 128 : i32
        %mul3A_446 = arith.muli %mul3A_444, %mul3A_445 : i32
        %dma_start3A_447 = tpu.memref_slice %arg13[%mul3A_446] : memref<16528xi32, #tpu.memory_space<vmem>> -> memref<128xi32, #tpu.memory_space<vmem>>
        %dma_start3A_448 = arith.constant 0 : i32
        %dma_start3A_449 = tpu.memref_slice %arg2[%dma_start3A_448] : memref<16777216xf32, #tpu.memory_space<hbm>> -> memref<16777216xf32, #tpu.memory_space<hbm>>
        tpu.enqueue_indirect_dma source(%arg14 : memref<128xf32, #tpu.memory_space<vmem>>) target(%dma_start3A_449 : memref<16777216xf32, #tpu.memory_space<hbm>>) offsets(%dma_start3A_447 : memref<128xi32, #tpu.memory_space<vmem>>) semaphore(%arg16 : memref<!tpu.dma_semaphore, #tpu.memory_space<semaphore_mem>>)
        %mul3A_450 = arith.constant 2 : i32
        %mul3A_451 = arith.muli %mul3A_450, %while3A_442 : i32
        %add3A_452 = arith.constant 1 : i32
        %add3A_453 = arith.addi %mul3A_451, %add3A_452 : i32
        %mul3A_454 = arith.constant 128 : i32
        %mul3A_455 = arith.muli %add3A_453, %mul3A_454 : i32
        %dma_start3A_456 = tpu.memref_slice %arg13[%mul3A_455] : memref<16528xi32, #tpu.memory_space<vmem>> -> memref<128xi32, #tpu.memory_space<vmem>>
        %dma_start3A_457 = arith.constant 0 : i32
        %dma_start3A_458 = tpu.memref_slice %arg2[%dma_start3A_457] : memref<16777216xf32, #tpu.memory_space<hbm>> -> memref<16777216xf32, #tpu.memory_space<hbm>>
        tpu.enqueue_indirect_dma source(%arg14 : memref<128xf32, #tpu.memory_space<vmem>>) target(%dma_start3A_458 : memref<16777216xf32, #tpu.memory_space<hbm>>) offsets(%dma_start3A_456 : memref<128xi32, #tpu.memory_space<vmem>>) semaphore(%arg17 : memref<!tpu.dma_semaphore, #tpu.memory_space<semaphore_mem>>)
      }
      %jit3A_392 = arith.constant 2 : i32
      %eq3A = arith.constant 0 : i32
      %eq3A_393 = arith.cmpi eq, %jit3A_392, %eq3A : i32
      %jit3A_394 = arith.constant 1 : i32
      %select_n3A_395 = arith.select %eq3A_393, %jit3A_394, %jit3A_392 : i32
      %rem3A_396 = arith.remsi %select_n3A, %select_n3A_395 : i32
      %ne3A_397 = arith.constant 0 : i32
      %ne3A_398 = arith.cmpi ne, %rem3A_396, %ne3A_397 : i32
      %lt3A = arith.constant 0 : i32
      %lt3A_399 = arith.cmpi slt, %rem3A_396, %lt3A : i32
      %lt3A_400 = arith.constant 0 : i32
      %lt3A_401 = arith.cmpi slt, %select_n3A_395, %lt3A_400 : i32
      %ne3A_402 = arith.xori %lt3A_399, %lt3A_401 : i1
      %and3A_403 = arith.andi %ne3A_402, %ne3A_398 : i1
      %add3A_404 = arith.addi %rem3A_396, %select_n3A_395 : i32
      %select_n3A_405 = arith.select %and3A_403, %add3A_404, %rem3A_396 : i32
      %eq3A_406 = arith.constant 1 : i32
      %eq3A_407 = arith.cmpi eq, %select_n3A_405, %eq3A_406 : i32
      %convert_element_type3A_408 = arith.extui %eq3A_407 : i1 to i32
      %cond3A_409 = arith.constant 0 : i32
      %cond3A_410 = arith.cmpi ne, %convert_element_type3A_408, %cond3A_409 : i32
      scf.if %cond3A_410 {
        %sub3A_442 = arith.constant 1 : i32
        %sub3A_443 = arith.subi %select_n3A, %sub3A_442 : i32
        %mul3A_444 = arith.constant 128 : i32
        %mul3A_445 = arith.muli %sub3A_443, %mul3A_444 : i32
        %dma_start3A_446 = tpu.memref_slice %arg13[%mul3A_445] : memref<16528xi32, #tpu.memory_space<vmem>> -> memref<128xi32, #tpu.memory_space<vmem>>
        %dma_start3A_447 = arith.constant 0 : i32
        %dma_start3A_448 = tpu.memref_slice %arg2[%dma_start3A_447] : memref<16777216xf32, #tpu.memory_space<hbm>> -> memref<16777216xf32, #tpu.memory_space<hbm>>
        tpu.enqueue_indirect_dma source(%arg14 : memref<128xf32, #tpu.memory_space<vmem>>) target(%dma_start3A_448 : memref<16777216xf32, #tpu.memory_space<hbm>>) offsets(%dma_start3A_446 : memref<128xi32, #tpu.memory_space<vmem>>) semaphore(%arg16 : memref<!tpu.dma_semaphore, #tpu.memory_space<semaphore_mem>>)
      } else {
      }
      %while3A_411 = arith.constant 0 : i32
      %while3A_412 = arith.constant 0 : i32
      %while3A_413 = arith.subi %select_n3A_382, %while3A_412 : i32
      %while3A_414 = arith.addi %while3A_412, %while3A_413 : i32
      %while3A_415 = arith.constant 1 : i32
      %while3A_416 = arith.divsi %while3A_413, %while3A_415 : i32
      %while3A_417 = arith.muli %while3A_416, %while3A_415 : i32
      %while3A_418 = arith.addi %while3A_412, %while3A_417 : i32
      %while3A_419 = arith.constant 1 : i32
      scf.for %while3A_442 = %while3A_412 to %while3A_418 step %while3A_419  : i32 {
        %dma_wait3A_443 = arith.constant 0 : i32
        %dma_wait3A_444 = tpu.memref_slice %arg13[%dma_wait3A_443] : memref<16528xi32, #tpu.memory_space<vmem>> -> memref<128xi32, #tpu.memory_space<vmem>>
        %dma_wait3A_445 = arith.constant 0 : i32
        %dma_wait3A_446 = tpu.memref_slice %arg2[%dma_wait3A_445] : memref<16777216xf32, #tpu.memory_space<hbm>> -> memref<16777216xf32, #tpu.memory_space<hbm>>
        tpu.wait_indirect_dma semaphore(%arg16 : memref<!tpu.dma_semaphore, #tpu.memory_space<semaphore_mem>>) src(%arg14 : memref<128xf32, #tpu.memory_space<vmem>>) dst(%dma_wait3A_446 : memref<16777216xf32, #tpu.memory_space<hbm>>)
        %dma_wait3A_447 = arith.constant 0 : i32
        %dma_wait3A_448 = tpu.memref_slice %arg13[%dma_wait3A_447] : memref<16528xi32, #tpu.memory_space<vmem>> -> memref<128xi32, #tpu.memory_space<vmem>>
        %dma_wait3A_449 = arith.constant 0 : i32
        %dma_wait3A_450 = tpu.memref_slice %arg2[%dma_wait3A_449] : memref<16777216xf32, #tpu.memory_space<hbm>> -> memref<16777216xf32, #tpu.memory_space<hbm>>
        tpu.wait_indirect_dma semaphore(%arg17 : memref<!tpu.dma_semaphore, #tpu.memory_space<semaphore_mem>>) src(%arg14 : memref<128xf32, #tpu.memory_space<vmem>>) dst(%dma_wait3A_450 : memref<16777216xf32, #tpu.memory_space<hbm>>)
      }
      %while3A_420 = arith.constant 1 : i32
      scf.for %while3A_442 = %while3A_418 to %while3A_414 step %while3A_420  : i32 {
        %dma_wait3A_443 = arith.constant 0 : i32
        %dma_wait3A_444 = tpu.memref_slice %arg13[%dma_wait3A_443] : memref<16528xi32, #tpu.memory_space<vmem>> -> memref<128xi32, #tpu.memory_space<vmem>>
        %dma_wait3A_445 = arith.constant 0 : i32
        %dma_wait3A_446 = tpu.memref_slice %arg2[%dma_wait3A_445] : memref<16777216xf32, #tpu.memory_space<hbm>> -> memref<16777216xf32, #tpu.memory_space<hbm>>
        tpu.wait_indirect_dma semaphore(%arg16 : memref<!tpu.dma_semaphore, #tpu.memory_space<semaphore_mem>>) src(%arg14 : memref<128xf32, #tpu.memory_space<vmem>>) dst(%dma_wait3A_446 : memref<16777216xf32, #tpu.memory_space<hbm>>)
        %dma_wait3A_447 = arith.constant 0 : i32
        %dma_wait3A_448 = tpu.memref_slice %arg13[%dma_wait3A_447] : memref<16528xi32, #tpu.memory_space<vmem>> -> memref<128xi32, #tpu.memory_space<vmem>>
        %dma_wait3A_449 = arith.constant 0 : i32
        %dma_wait3A_450 = tpu.memref_slice %arg2[%dma_wait3A_449] : memref<16777216xf32, #tpu.memory_space<hbm>> -> memref<16777216xf32, #tpu.memory_space<hbm>>
        tpu.wait_indirect_dma semaphore(%arg17 : memref<!tpu.dma_semaphore, #tpu.memory_space<semaphore_mem>>) src(%arg14 : memref<128xf32, #tpu.memory_space<vmem>>) dst(%dma_wait3A_450 : memref<16777216xf32, #tpu.memory_space<hbm>>)
      }
      %jit3A_421 = arith.constant 2 : i32
      %eq3A_422 = arith.constant 0 : i32
      %eq3A_423 = arith.cmpi eq, %jit3A_421, %eq3A_422 : i32
      %jit3A_424 = arith.constant 1 : i32
      %select_n3A_425 = arith.select %eq3A_423, %jit3A_424, %jit3A_421 : i32
      %rem3A_426 = arith.remsi %select_n3A, %select_n3A_425 : i32
      %ne3A_427 = arith.constant 0 : i32
      %ne3A_428 = arith.cmpi ne, %rem3A_426, %ne3A_427 : i32
      %lt3A_429 = arith.constant 0 : i32
      %lt3A_430 = arith.cmpi slt, %rem3A_426, %lt3A_429 : i32
      %lt3A_431 = arith.constant 0 : i32
      %lt3A_432 = arith.cmpi slt, %select_n3A_425, %lt3A_431 : i32
      %ne3A_433 = arith.xori %lt3A_430, %lt3A_432 : i1
      %and3A_434 = arith.andi %ne3A_433, %ne3A_428 : i1
      %add3A_435 = arith.addi %rem3A_426, %select_n3A_425 : i32
      %select_n3A_436 = arith.select %and3A_434, %add3A_435, %rem3A_426 : i32
      %eq3A_437 = arith.constant 1 : i32
      %eq3A_438 = arith.cmpi eq, %select_n3A_436, %eq3A_437 : i32
      %convert_element_type3A_439 = arith.extui %eq3A_438 : i1 to i32
      %cond3A_440 = arith.constant 0 : i32
      %cond3A_441 = arith.cmpi ne, %convert_element_type3A_439, %cond3A_440 : i32
      scf.if %cond3A_441 {
        %dma_wait3A_442 = arith.constant 0 : i32
        %dma_wait3A_443 = tpu.memref_slice %arg13[%dma_wait3A_442] : memref<16528xi32, #tpu.memory_space<vmem>> -> memref<128xi32, #tpu.memory_space<vmem>>
        %dma_wait3A_444 = arith.constant 0 : i32
        %dma_wait3A_445 = tpu.memref_slice %arg2[%dma_wait3A_444] : memref<16777216xf32, #tpu.memory_space<hbm>> -> memref<16777216xf32, #tpu.memory_space<hbm>>
        tpu.wait_indirect_dma semaphore(%arg16 : memref<!tpu.dma_semaphore, #tpu.memory_space<semaphore_mem>>) src(%arg14 : memref<128xf32, #tpu.memory_space<vmem>>) dst(%dma_wait3A_445 : memref<16777216xf32, #tpu.memory_space<hbm>>)
      } else {
      }
    } else {
    }
    %dma_wait3A_208 = arith.constant 0 : i32
    %dma_wait3A_209 = tpu.memref_slice %arg3[%dma_wait3A_208] : memref<4194304xi32, #tpu.memory_space<hbm>> -> memref<16384xi32, #tpu.memory_space<hbm>>
    %dma_wait3A_210 = arith.constant 0 : i32
    %dma_wait3A_211 = tpu.memref_slice %arg3[%dma_wait3A_210] : memref<4194304xi32, #tpu.memory_space<hbm>> -> memref<16384xi32, #tpu.memory_space<hbm>>
    tpu.wait_dma2 semaphore(%arg15 : memref<!tpu.dma_semaphore, #tpu.memory_space<semaphore_mem>>) src(%dma_wait3A_211 : memref<16384xi32, #tpu.memory_space<hbm>>) dst(%arg8 : memref<16384xi32, #tpu.memory_space<vmem>>)
    %dma_wait3A_212 = arith.constant 0 : i32
    %dma_wait3A_213 = tpu.memref_slice %arg4[%dma_wait3A_212] : memref<4194304xi32, #tpu.memory_space<hbm>> -> memref<16384xi32, #tpu.memory_space<hbm>>
    %dma_wait3A_214 = arith.constant 0 : i32
    %dma_wait3A_215 = tpu.memref_slice %arg4[%dma_wait3A_214] : memref<4194304xi32, #tpu.memory_space<hbm>> -> memref<16384xi32, #tpu.memory_space<hbm>>
    tpu.wait_dma2 semaphore(%arg15 : memref<!tpu.dma_semaphore, #tpu.memory_space<semaphore_mem>>) src(%dma_wait3A_215 : memref<16384xi32, #tpu.memory_space<hbm>>) dst(%arg10 : memref<16384xi32, #tpu.memory_space<vmem>>)
    %dma_wait3A_216 = arith.constant 0 : i32
    %dma_wait3A_217 = tpu.memref_slice %arg5[%dma_wait3A_216] : memref<4194304xf32, #tpu.memory_space<hbm>> -> memref<16384xf32, #tpu.memory_space<hbm>>
    %dma_wait3A_218 = arith.constant 0 : i32
    %dma_wait3A_219 = tpu.memref_slice %arg5[%dma_wait3A_218] : memref<4194304xf32, #tpu.memory_space<hbm>> -> memref<16384xf32, #tpu.memory_space<hbm>>
    tpu.wait_dma2 semaphore(%arg15 : memref<!tpu.dma_semaphore, #tpu.memory_space<semaphore_mem>>) src(%dma_wait3A_219 : memref<16384xf32, #tpu.memory_space<hbm>>) dst(%arg12 : memref<16384xf32, #tpu.memory_space<vmem>>)
    %mul3A_220 = arith.constant 131072 : i32
    %mul3A_221 = arith.muli %add3A, %mul3A_220 : i32
    %add3A_222 = arith.constant 98304 : i32
    %add3A_223 = arith.addi %mul3A_221, %add3A_222 : i32
    %dma_start3A_224 = tpu.memref_slice %arg3[%add3A_223] : memref<4194304xi32, #tpu.memory_space<hbm>> -> memref<16384xi32, #tpu.memory_space<hbm>>
    %dma_start3A_225 = tpu.memref_slice %arg3[%add3A_223] : memref<4194304xi32, #tpu.memory_space<hbm>> -> memref<16384xi32, #tpu.memory_space<hbm>>
    tpu.enqueue_dma source(%dma_start3A_225 : memref<16384xi32, #tpu.memory_space<hbm>>) target(%arg7 : memref<16384xi32, #tpu.memory_space<vmem>>) target_semaphore(%arg15 : memref<!tpu.dma_semaphore, #tpu.memory_space<semaphore_mem>>)
    %dma_start3A_226 = tpu.memref_slice %arg4[%add3A_223] : memref<4194304xi32, #tpu.memory_space<hbm>> -> memref<16384xi32, #tpu.memory_space<hbm>>
    %dma_start3A_227 = tpu.memref_slice %arg4[%add3A_223] : memref<4194304xi32, #tpu.memory_space<hbm>> -> memref<16384xi32, #tpu.memory_space<hbm>>
    tpu.enqueue_dma source(%dma_start3A_227 : memref<16384xi32, #tpu.memory_space<hbm>>) target(%arg9 : memref<16384xi32, #tpu.memory_space<vmem>>) target_semaphore(%arg15 : memref<!tpu.dma_semaphore, #tpu.memory_space<semaphore_mem>>)
    %dma_start3A_228 = tpu.memref_slice %arg5[%add3A_223] : memref<4194304xf32, #tpu.memory_space<hbm>> -> memref<16384xf32, #tpu.memory_space<hbm>>
    %dma_start3A_229 = tpu.memref_slice %arg5[%add3A_223] : memref<4194304xf32, #tpu.memory_space<hbm>> -> memref<16384xf32, #tpu.memory_space<hbm>>
    tpu.enqueue_dma source(%dma_start3A_229 : memref<16384xf32, #tpu.memory_space<hbm>>) target(%arg11 : memref<16384xf32, #tpu.memory_space<vmem>>) target_semaphore(%arg15 : memref<!tpu.dma_semaphore, #tpu.memory_space<semaphore_mem>>)
    %broadcast_in_dim3A_230 = arith.constant 0 : i32
    %broadcast_in_dim3A_231 = vector.broadcast %broadcast_in_dim3A_230 : i32 to vector<16xi32>
    %parallel_loop3A_232 = arith.constant 0 : i32
    %parallel_loop3A_233 = arith.constant 16384 : i32
    %parallel_loop3A_234 = arith.constant 16 : i32
    %parallel_loop3A_235 = scf.for %parallel_loop3A_303 = %parallel_loop3A_232 to %parallel_loop3A_233 step %parallel_loop3A_234 iter_args(%parallel_loop3A_304 = %broadcast_in_dim3A_231) -> (vector<16xi32>)  : i32 {
      %parallel_loop3A_305 = arith.index_cast %parallel_loop3A_303 : i32 to index
      %parallel_loop3A_306 = tpu.vector_load %arg8[%parallel_loop3A_305] {strides = array<i32>} : memref<16384xi32, #tpu.memory_space<vmem>>, vector<16xi32>,
      %parallel_loop3A_307 = arith.index_cast %parallel_loop3A_303 : i32 to index
      %parallel_loop3A_308 = tpu.vector_load %arg10[%parallel_loop3A_307] {strides = array<i32>} : memref<16384xi32, #tpu.memory_space<vmem>>, vector<16xi32>,
      %parallel_loop3A_309 = arith.index_cast %parallel_loop3A_303 : i32 to index
      %parallel_loop3A_310 = tpu.vector_load %arg12[%parallel_loop3A_309] {strides = array<i32>} : memref<16384xf32, #tpu.memory_space<vmem>>, vector<16xf32>,
      %parallel_loop3A_311 = arith.constant 12 : i32
      %parallel_loop3A_312 = vector.broadcast %parallel_loop3A_311 : i32 to vector<16xi32>
      %parallel_loop3A_313 = arith.shli %parallel_loop3A_306, %parallel_loop3A_312 : vector<16xi32>
      %parallel_loop3A_314 = arith.ori %parallel_loop3A_313, %parallel_loop3A_308 : vector<16xi32>
      %parallel_loop3A_315 = arith.constant 0.000000e+00 : f32
      %parallel_loop3A_316 = vector.broadcast %parallel_loop3A_315 : f32 to vector<16xf32>
      %parallel_loop3A_317 = arith.cmpf oeq, %parallel_loop3A_310, %parallel_loop3A_316 : vector<16xf32>
      %parallel_loop3A_318 = arith.extui %parallel_loop3A_317 : vector<16xi1> to vector<16xi32>
      %parallel_loop3A_319 = arith.constant true
      %parallel_loop3A_320 = vector.broadcast %parallel_loop3A_319 : i1 to vector<16xi1>
      %parallel_loop3A_321 = tpu.scan <sum>, %parallel_loop3A_318 masked %parallel_loop3A_320 : vector<16xi32>, vector<16xi1> -> vector<16xi32>
      %parallel_loop3A_322 = arith.addi %parallel_loop3A_304, %parallel_loop3A_321 : vector<16xi32>
      %parallel_loop3A_323 = arith.constant 1 : i32
      %parallel_loop3A_324 = vector.broadcast %parallel_loop3A_323 : i32 to vector<16xi32>
      %parallel_loop3A_325 = arith.subi %parallel_loop3A_322, %parallel_loop3A_324 : vector<16xi32>
      tpu.vector_store_idx %arg13[%parallel_loop3A_325], %parallel_loop3A_314 masked %parallel_loop3A_317 : memref<16528xi32, #tpu.memory_space<vmem>>[vector<16xi32>], vector<16xi32>, vector<16xi1>
      %parallel_loop3A_326 = tpu.all_reduce %parallel_loop3A_317 {dim = 0 : i64, kind = #tpu.reduction_kind<sum>} : vector<16xi1> -> vector<16xi32>
      %parallel_loop3A_327 = arith.addi %parallel_loop3A_304, %parallel_loop3A_326 : vector<16xi32>
      scf.yield %parallel_loop3A_327 : vector<16xi32>
    } {sc.loop_unroll_factor = 8 : i64, sc.parallel_access}
    %slice3A_236 = vector.extract_strided_slice %parallel_loop3A_235 {offsets = [0], sizes = [1], strides = [1]} : vector<16xi32> to vector<1xi32>
    %squeeze3A_237 = vector.extract %slice3A_236[0] : i32 from vector<1xi32>
    %gt3A_238 = arith.constant 0 : i32
    %gt3A_239 = arith.cmpi sgt, %squeeze3A_237, %gt3A_238 : i32
    %convert_element_type3A_240 = arith.extui %gt3A_239 : i1 to i32
    %cond3A_241 = arith.constant 0 : i32
    %cond3A_242 = arith.cmpi ne, %convert_element_type3A_240, %cond3A_241 : i32
    scf.if %cond3A_242 {
      %get3A = arith.constant 0 : index
      %get3A_303 = tpu.vector_load %arg13[%get3A] {strides = array<i32>} : memref<16528xi32, #tpu.memory_space<vmem>>, vector<16xi32>,
      %slice3A_304 = vector.extract_strided_slice %get3A_303 {offsets = [0], sizes = [1], strides = [1]} : vector<16xi32> to vector<1xi32>
      %squeeze3A_305 = vector.extract %slice3A_304[0] : i32 from vector<1xi32>
      %broadcast_in_dim3A_306 = vector.broadcast %squeeze3A_305 : i32 to vector<16xi32>
      %add3A_307 = arith.constant 0 : i32
      %add3A_308 = arith.addi %squeeze3A_237, %add3A_307 : i32
      %swap3A_309 = arith.index_cast %add3A_308 : i32 to index
      %swap3A_310 = tpu.vector_load %arg13[%swap3A_309] {strides = array<i32>} : memref<16528xi32, #tpu.memory_space<vmem>>, vector<16xi32>,
      tpu.vector_store %arg13[%swap3A_309], %broadcast_in_dim3A_306 {strides = array<i32>} : memref<16528xi32, #tpu.memory_space<vmem>>, vector<16xi32>,
      %add3A_311 = arith.constant 16 : i32
      %add3A_312 = arith.addi %squeeze3A_237, %add3A_311 : i32
      %swap3A_313 = arith.index_cast %add3A_312 : i32 to index
      %swap3A_314 = tpu.vector_load %arg13[%swap3A_313] {strides = array<i32>} : memref<16528xi32, #tpu.memory_space<vmem>>, vector<16xi32>,
      tpu.vector_store %arg13[%swap3A_313], %broadcast_in_dim3A_306 {strides = array<i32>} : memref<16528xi32, #tpu.memory_space<vmem>>, vector<16xi32>,
      %add3A_315 = arith.constant 32 : i32
      %add3A_316 = arith.addi %squeeze3A_237, %add3A_315 : i32
      %swap3A_317 = arith.index_cast %add3A_316 : i32 to index
      %swap3A_318 = tpu.vector_load %arg13[%swap3A_317] {strides = array<i32>} : memref<16528xi32, #tpu.memory_space<vmem>>, vector<16xi32>,
      tpu.vector_store %arg13[%swap3A_317], %broadcast_in_dim3A_306 {strides = array<i32>} : memref<16528xi32, #tpu.memory_space<vmem>>, vector<16xi32>,
      %add3A_319 = arith.constant 48 : i32
      %add3A_320 = arith.addi %squeeze3A_237, %add3A_319 : i32
      %swap3A_321 = arith.index_cast %add3A_320 : i32 to index
      %swap3A_322 = tpu.vector_load %arg13[%swap3A_321] {strides = array<i32>} : memref<16528xi32, #tpu.memory_space<vmem>>, vector<16xi32>,
      tpu.vector_store %arg13[%swap3A_321], %broadcast_in_dim3A_306 {strides = array<i32>} : memref<16528xi32, #tpu.memory_space<vmem>>, vector<16xi32>,
      %add3A_323 = arith.constant 64 : i32
      %add3A_324 = arith.addi %squeeze3A_237, %add3A_323 : i32
      %swap3A_325 = arith.index_cast %add3A_324 : i32 to index
      %swap3A_326 = tpu.vector_load %arg13[%swap3A_325] {strides = array<i32>} : memref<16528xi32, #tpu.memory_space<vmem>>, vector<16xi32>,
      tpu.vector_store %arg13[%swap3A_325], %broadcast_in_dim3A_306 {strides = array<i32>} : memref<16528xi32, #tpu.memory_space<vmem>>, vector<16xi32>,
      %add3A_327 = arith.constant 80 : i32
      %add3A_328 = arith.addi %squeeze3A_237, %add3A_327 : i32
      %swap3A_329 = arith.index_cast %add3A_328 : i32 to index
      %swap3A_330 = tpu.vector_load %arg13[%swap3A_329] {strides = array<i32>} : memref<16528xi32, #tpu.memory_space<vmem>>, vector<16xi32>,
      tpu.vector_store %arg13[%swap3A_329], %broadcast_in_dim3A_306 {strides = array<i32>} : memref<16528xi32, #tpu.memory_space<vmem>>, vector<16xi32>,
      %add3A_331 = arith.constant 96 : i32
      %add3A_332 = arith.addi %squeeze3A_237, %add3A_331 : i32
      %swap3A_333 = arith.index_cast %add3A_332 : i32 to index
      %swap3A_334 = tpu.vector_load %arg13[%swap3A_333] {strides = array<i32>} : memref<16528xi32, #tpu.memory_space<vmem>>, vector<16xi32>,
      tpu.vector_store %arg13[%swap3A_333], %broadcast_in_dim3A_306 {strides = array<i32>} : memref<16528xi32, #tpu.memory_space<vmem>>, vector<16xi32>,
      %add3A_335 = arith.constant 112 : i32
      %add3A_336 = arith.addi %squeeze3A_237, %add3A_335 : i32
      %swap3A_337 = arith.index_cast %add3A_336 : i32 to index
      %swap3A_338 = tpu.vector_load %arg13[%swap3A_337] {strides = array<i32>} : memref<16528xi32, #tpu.memory_space<vmem>>, vector<16xi32>,
      tpu.vector_store %arg13[%swap3A_337], %broadcast_in_dim3A_306 {strides = array<i32>} : memref<16528xi32, #tpu.memory_space<vmem>>, vector<16xi32>,
      %add3A_339 = arith.constant 128 : i32
      %add3A_340 = arith.addi %squeeze3A_237, %add3A_339 : i32
      %sub3A = arith.constant 1 : i32
      %sub3A_341 = arith.subi %add3A_340, %sub3A : i32
      %jit3A = arith.constant 128 : i32
      %div3A = arith.divsi %sub3A_341, %jit3A : i32
      %sign3A = arith.constant 0 : i32
      %sign3A_342 = arith.cmpi sgt, %sub3A_341, %sign3A : i32
      %sign3A_343 = arith.extui %sign3A_342 : i1 to i32
      %sign3A_344 = arith.constant 0 : i32
      %sign3A_345 = arith.cmpi slt, %sub3A_341, %sign3A_344 : i32
      %sign3A_346 = arith.extui %sign3A_345 : i1 to i32
      %sign3A_347 = arith.subi %sign3A_343, %sign3A_346 : i32
      %sign3A_348 = arith.constant 0 : i32
      %sign3A_349 = arith.cmpi sgt, %jit3A, %sign3A_348 : i32
      %sign3A_350 = arith.extui %sign3A_349 : i1 to i32
      %sign3A_351 = arith.constant 0 : i32
      %sign3A_352 = arith.cmpi slt, %jit3A, %sign3A_351 : i32
      %sign3A_353 = arith.extui %sign3A_352 : i1 to i32
      %sign3A_354 = arith.subi %sign3A_350, %sign3A_353 : i32
      %ne3A = arith.cmpi ne, %sign3A_347, %sign3A_354 : i32
      %rem3A = arith.remsi %sub3A_341, %jit3A : i32
      %ne3A_355 = arith.constant 0 : i32
      %ne3A_356 = arith.cmpi ne, %rem3A, %ne3A_355 : i32
      %and3A = arith.andi %ne3A, %ne3A_356 : i1
      %sub3A_357 = arith.constant 1 : i32
      %sub3A_358 = arith.subi %div3A, %sub3A_357 : i32
      %select_n3A = arith.select %and3A, %sub3A_358, %div3A : i32
      %jit3A_359 = arith.constant 2 : i32
      %div3A_360 = arith.divsi %select_n3A, %jit3A_359 : i32
      %sign3A_361 = arith.constant 0 : i32
      %sign3A_362 = arith.cmpi sgt, %select_n3A, %sign3A_361 : i32
      %sign3A_363 = arith.extui %sign3A_362 : i1 to i32
      %sign3A_364 = arith.constant 0 : i32
      %sign3A_365 = arith.cmpi slt, %select_n3A, %sign3A_364 : i32
      %sign3A_366 = arith.extui %sign3A_365 : i1 to i32
      %sign3A_367 = arith.subi %sign3A_363, %sign3A_366 : i32
      %sign3A_368 = arith.constant 0 : i32
      %sign3A_369 = arith.cmpi sgt, %jit3A_359, %sign3A_368 : i32
      %sign3A_370 = arith.extui %sign3A_369 : i1 to i32
      %sign3A_371 = arith.constant 0 : i32
      %sign3A_372 = arith.cmpi slt, %jit3A_359, %sign3A_371 : i32
      %sign3A_373 = arith.extui %sign3A_372 : i1 to i32
      %sign3A_374 = arith.subi %sign3A_370, %sign3A_373 : i32
      %ne3A_375 = arith.cmpi ne, %sign3A_367, %sign3A_374 : i32
      %rem3A_376 = arith.remsi %select_n3A, %jit3A_359 : i32
      %ne3A_377 = arith.constant 0 : i32
      %ne3A_378 = arith.cmpi ne, %rem3A_376, %ne3A_377 : i32
      %and3A_379 = arith.andi %ne3A_375, %ne3A_378 : i1
      %sub3A_380 = arith.constant 1 : i32
      %sub3A_381 = arith.subi %div3A_360, %sub3A_380 : i32
      %select_n3A_382 = arith.select %and3A_379, %sub3A_381, %div3A_360 : i32
      %while3A = arith.constant 0 : i32
      %while3A_383 = arith.constant 0 : i32
      %while3A_384 = arith.subi %select_n3A_382, %while3A_383 : i32
      %while3A_385 = arith.addi %while3A_383, %while3A_384 : i32
      %while3A_386 = arith.constant 1 : i32
      %while3A_387 = arith.divsi %while3A_384, %while3A_386 : i32
      %while3A_388 = arith.muli %while3A_387, %while3A_386 : i32
      %while3A_389 = arith.addi %while3A_383, %while3A_388 : i32
      %while3A_390 = arith.constant 1 : i32
      scf.for %while3A_442 = %while3A_383 to %while3A_389 step %while3A_390  : i32 {
        %mul3A_443 = arith.constant 2 : i32
        %mul3A_444 = arith.muli %mul3A_443, %while3A_442 : i32
        %mul3A_445 = arith.constant 128 : i32
        %mul3A_446 = arith.muli %mul3A_444, %mul3A_445 : i32
        %dma_start3A_447 = tpu.memref_slice %arg13[%mul3A_446] : memref<16528xi32, #tpu.memory_space<vmem>> -> memref<128xi32, #tpu.memory_space<vmem>>
        %dma_start3A_448 = arith.constant 0 : i32
        %dma_start3A_449 = tpu.memref_slice %arg2[%dma_start3A_448] : memref<16777216xf32, #tpu.memory_space<hbm>> -> memref<16777216xf32, #tpu.memory_space<hbm>>
        tpu.enqueue_indirect_dma source(%arg14 : memref<128xf32, #tpu.memory_space<vmem>>) target(%dma_start3A_449 : memref<16777216xf32, #tpu.memory_space<hbm>>) offsets(%dma_start3A_447 : memref<128xi32, #tpu.memory_space<vmem>>) semaphore(%arg16 : memref<!tpu.dma_semaphore, #tpu.memory_space<semaphore_mem>>)
        %mul3A_450 = arith.constant 2 : i32
        %mul3A_451 = arith.muli %mul3A_450, %while3A_442 : i32
        %add3A_452 = arith.constant 1 : i32
        %add3A_453 = arith.addi %mul3A_451, %add3A_452 : i32
        %mul3A_454 = arith.constant 128 : i32
        %mul3A_455 = arith.muli %add3A_453, %mul3A_454 : i32
        %dma_start3A_456 = tpu.memref_slice %arg13[%mul3A_455] : memref<16528xi32, #tpu.memory_space<vmem>> -> memref<128xi32, #tpu.memory_space<vmem>>
        %dma_start3A_457 = arith.constant 0 : i32
        %dma_start3A_458 = tpu.memref_slice %arg2[%dma_start3A_457] : memref<16777216xf32, #tpu.memory_space<hbm>> -> memref<16777216xf32, #tpu.memory_space<hbm>>
        tpu.enqueue_indirect_dma source(%arg14 : memref<128xf32, #tpu.memory_space<vmem>>) target(%dma_start3A_458 : memref<16777216xf32, #tpu.memory_space<hbm>>) offsets(%dma_start3A_456 : memref<128xi32, #tpu.memory_space<vmem>>) semaphore(%arg17 : memref<!tpu.dma_semaphore, #tpu.memory_space<semaphore_mem>>)
      }
      %while3A_391 = arith.constant 1 : i32
      scf.for %while3A_442 = %while3A_389 to %while3A_385 step %while3A_391  : i32 {
        %mul3A_443 = arith.constant 2 : i32
        %mul3A_444 = arith.muli %mul3A_443, %while3A_442 : i32
        %mul3A_445 = arith.constant 128 : i32
        %mul3A_446 = arith.muli %mul3A_444, %mul3A_445 : i32
        %dma_start3A_447 = tpu.memref_slice %arg13[%mul3A_446] : memref<16528xi32, #tpu.memory_space<vmem>> -> memref<128xi32, #tpu.memory_space<vmem>>
        %dma_start3A_448 = arith.constant 0 : i32
        %dma_start3A_449 = tpu.memref_slice %arg2[%dma_start3A_448] : memref<16777216xf32, #tpu.memory_space<hbm>> -> memref<16777216xf32, #tpu.memory_space<hbm>>
        tpu.enqueue_indirect_dma source(%arg14 : memref<128xf32, #tpu.memory_space<vmem>>) target(%dma_start3A_449 : memref<16777216xf32, #tpu.memory_space<hbm>>) offsets(%dma_start3A_447 : memref<128xi32, #tpu.memory_space<vmem>>) semaphore(%arg16 : memref<!tpu.dma_semaphore, #tpu.memory_space<semaphore_mem>>)
        %mul3A_450 = arith.constant 2 : i32
        %mul3A_451 = arith.muli %mul3A_450, %while3A_442 : i32
        %add3A_452 = arith.constant 1 : i32
        %add3A_453 = arith.addi %mul3A_451, %add3A_452 : i32
        %mul3A_454 = arith.constant 128 : i32
        %mul3A_455 = arith.muli %add3A_453, %mul3A_454 : i32
        %dma_start3A_456 = tpu.memref_slice %arg13[%mul3A_455] : memref<16528xi32, #tpu.memory_space<vmem>> -> memref<128xi32, #tpu.memory_space<vmem>>
        %dma_start3A_457 = arith.constant 0 : i32
        %dma_start3A_458 = tpu.memref_slice %arg2[%dma_start3A_457] : memref<16777216xf32, #tpu.memory_space<hbm>> -> memref<16777216xf32, #tpu.memory_space<hbm>>
        tpu.enqueue_indirect_dma source(%arg14 : memref<128xf32, #tpu.memory_space<vmem>>) target(%dma_start3A_458 : memref<16777216xf32, #tpu.memory_space<hbm>>) offsets(%dma_start3A_456 : memref<128xi32, #tpu.memory_space<vmem>>) semaphore(%arg17 : memref<!tpu.dma_semaphore, #tpu.memory_space<semaphore_mem>>)
      }
      %jit3A_392 = arith.constant 2 : i32
      %eq3A = arith.constant 0 : i32
      %eq3A_393 = arith.cmpi eq, %jit3A_392, %eq3A : i32
      %jit3A_394 = arith.constant 1 : i32
      %select_n3A_395 = arith.select %eq3A_393, %jit3A_394, %jit3A_392 : i32
      %rem3A_396 = arith.remsi %select_n3A, %select_n3A_395 : i32
      %ne3A_397 = arith.constant 0 : i32
      %ne3A_398 = arith.cmpi ne, %rem3A_396, %ne3A_397 : i32
      %lt3A = arith.constant 0 : i32
      %lt3A_399 = arith.cmpi slt, %rem3A_396, %lt3A : i32
      %lt3A_400 = arith.constant 0 : i32
      %lt3A_401 = arith.cmpi slt, %select_n3A_395, %lt3A_400 : i32
      %ne3A_402 = arith.xori %lt3A_399, %lt3A_401 : i1
      %and3A_403 = arith.andi %ne3A_402, %ne3A_398 : i1
      %add3A_404 = arith.addi %rem3A_396, %select_n3A_395 : i32
      %select_n3A_405 = arith.select %and3A_403, %add3A_404, %rem3A_396 : i32
      %eq3A_406 = arith.constant 1 : i32
      %eq3A_407 = arith.cmpi eq, %select_n3A_405, %eq3A_406 : i32
      %convert_element_type3A_408 = arith.extui %eq3A_407 : i1 to i32
      %cond3A_409 = arith.constant 0 : i32
      %cond3A_410 = arith.cmpi ne, %convert_element_type3A_408, %cond3A_409 : i32
      scf.if %cond3A_410 {
        %sub3A_442 = arith.constant 1 : i32
        %sub3A_443 = arith.subi %select_n3A, %sub3A_442 : i32
        %mul3A_444 = arith.constant 128 : i32
        %mul3A_445 = arith.muli %sub3A_443, %mul3A_444 : i32
        %dma_start3A_446 = tpu.memref_slice %arg13[%mul3A_445] : memref<16528xi32, #tpu.memory_space<vmem>> -> memref<128xi32, #tpu.memory_space<vmem>>
        %dma_start3A_447 = arith.constant 0 : i32
        %dma_start3A_448 = tpu.memref_slice %arg2[%dma_start3A_447] : memref<16777216xf32, #tpu.memory_space<hbm>> -> memref<16777216xf32, #tpu.memory_space<hbm>>
        tpu.enqueue_indirect_dma source(%arg14 : memref<128xf32, #tpu.memory_space<vmem>>) target(%dma_start3A_448 : memref<16777216xf32, #tpu.memory_space<hbm>>) offsets(%dma_start3A_446 : memref<128xi32, #tpu.memory_space<vmem>>) semaphore(%arg16 : memref<!tpu.dma_semaphore, #tpu.memory_space<semaphore_mem>>)
      } else {
      }
      %while3A_411 = arith.constant 0 : i32
      %while3A_412 = arith.constant 0 : i32
      %while3A_413 = arith.subi %select_n3A_382, %while3A_412 : i32
      %while3A_414 = arith.addi %while3A_412, %while3A_413 : i32
      %while3A_415 = arith.constant 1 : i32
      %while3A_416 = arith.divsi %while3A_413, %while3A_415 : i32
      %while3A_417 = arith.muli %while3A_416, %while3A_415 : i32
      %while3A_418 = arith.addi %while3A_412, %while3A_417 : i32
      %while3A_419 = arith.constant 1 : i32
      scf.for %while3A_442 = %while3A_412 to %while3A_418 step %while3A_419  : i32 {
        %dma_wait3A_443 = arith.constant 0 : i32
        %dma_wait3A_444 = tpu.memref_slice %arg13[%dma_wait3A_443] : memref<16528xi32, #tpu.memory_space<vmem>> -> memref<128xi32, #tpu.memory_space<vmem>>
        %dma_wait3A_445 = arith.constant 0 : i32
        %dma_wait3A_446 = tpu.memref_slice %arg2[%dma_wait3A_445] : memref<16777216xf32, #tpu.memory_space<hbm>> -> memref<16777216xf32, #tpu.memory_space<hbm>>
        tpu.wait_indirect_dma semaphore(%arg16 : memref<!tpu.dma_semaphore, #tpu.memory_space<semaphore_mem>>) src(%arg14 : memref<128xf32, #tpu.memory_space<vmem>>) dst(%dma_wait3A_446 : memref<16777216xf32, #tpu.memory_space<hbm>>)
        %dma_wait3A_447 = arith.constant 0 : i32
        %dma_wait3A_448 = tpu.memref_slice %arg13[%dma_wait3A_447] : memref<16528xi32, #tpu.memory_space<vmem>> -> memref<128xi32, #tpu.memory_space<vmem>>
        %dma_wait3A_449 = arith.constant 0 : i32
        %dma_wait3A_450 = tpu.memref_slice %arg2[%dma_wait3A_449] : memref<16777216xf32, #tpu.memory_space<hbm>> -> memref<16777216xf32, #tpu.memory_space<hbm>>
        tpu.wait_indirect_dma semaphore(%arg17 : memref<!tpu.dma_semaphore, #tpu.memory_space<semaphore_mem>>) src(%arg14 : memref<128xf32, #tpu.memory_space<vmem>>) dst(%dma_wait3A_450 : memref<16777216xf32, #tpu.memory_space<hbm>>)
      }
      %while3A_420 = arith.constant 1 : i32
      scf.for %while3A_442 = %while3A_418 to %while3A_414 step %while3A_420  : i32 {
        %dma_wait3A_443 = arith.constant 0 : i32
        %dma_wait3A_444 = tpu.memref_slice %arg13[%dma_wait3A_443] : memref<16528xi32, #tpu.memory_space<vmem>> -> memref<128xi32, #tpu.memory_space<vmem>>
        %dma_wait3A_445 = arith.constant 0 : i32
        %dma_wait3A_446 = tpu.memref_slice %arg2[%dma_wait3A_445] : memref<16777216xf32, #tpu.memory_space<hbm>> -> memref<16777216xf32, #tpu.memory_space<hbm>>
        tpu.wait_indirect_dma semaphore(%arg16 : memref<!tpu.dma_semaphore, #tpu.memory_space<semaphore_mem>>) src(%arg14 : memref<128xf32, #tpu.memory_space<vmem>>) dst(%dma_wait3A_446 : memref<16777216xf32, #tpu.memory_space<hbm>>)
        %dma_wait3A_447 = arith.constant 0 : i32
        %dma_wait3A_448 = tpu.memref_slice %arg13[%dma_wait3A_447] : memref<16528xi32, #tpu.memory_space<vmem>> -> memref<128xi32, #tpu.memory_space<vmem>>
        %dma_wait3A_449 = arith.constant 0 : i32
        %dma_wait3A_450 = tpu.memref_slice %arg2[%dma_wait3A_449] : memref<16777216xf32, #tpu.memory_space<hbm>> -> memref<16777216xf32, #tpu.memory_space<hbm>>
        tpu.wait_indirect_dma semaphore(%arg17 : memref<!tpu.dma_semaphore, #tpu.memory_space<semaphore_mem>>) src(%arg14 : memref<128xf32, #tpu.memory_space<vmem>>) dst(%dma_wait3A_450 : memref<16777216xf32, #tpu.memory_space<hbm>>)
      }
      %jit3A_421 = arith.constant 2 : i32
      %eq3A_422 = arith.constant 0 : i32
      %eq3A_423 = arith.cmpi eq, %jit3A_421, %eq3A_422 : i32
      %jit3A_424 = arith.constant 1 : i32
      %select_n3A_425 = arith.select %eq3A_423, %jit3A_424, %jit3A_421 : i32
      %rem3A_426 = arith.remsi %select_n3A, %select_n3A_425 : i32
      %ne3A_427 = arith.constant 0 : i32
      %ne3A_428 = arith.cmpi ne, %rem3A_426, %ne3A_427 : i32
      %lt3A_429 = arith.constant 0 : i32
      %lt3A_430 = arith.cmpi slt, %rem3A_426, %lt3A_429 : i32
      %lt3A_431 = arith.constant 0 : i32
      %lt3A_432 = arith.cmpi slt, %select_n3A_425, %lt3A_431 : i32
      %ne3A_433 = arith.xori %lt3A_430, %lt3A_432 : i1
      %and3A_434 = arith.andi %ne3A_433, %ne3A_428 : i1
      %add3A_435 = arith.addi %rem3A_426, %select_n3A_425 : i32
      %select_n3A_436 = arith.select %and3A_434, %add3A_435, %rem3A_426 : i32
      %eq3A_437 = arith.constant 1 : i32
      %eq3A_438 = arith.cmpi eq, %select_n3A_436, %eq3A_437 : i32
      %convert_element_type3A_439 = arith.extui %eq3A_438 : i1 to i32
      %cond3A_440 = arith.constant 0 : i32
      %cond3A_441 = arith.cmpi ne, %convert_element_type3A_439, %cond3A_440 : i32
      scf.if %cond3A_441 {
        %dma_wait3A_442 = arith.constant 0 : i32
        %dma_wait3A_443 = tpu.memref_slice %arg13[%dma_wait3A_442] : memref<16528xi32, #tpu.memory_space<vmem>> -> memref<128xi32, #tpu.memory_space<vmem>>
        %dma_wait3A_444 = arith.constant 0 : i32
        %dma_wait3A_445 = tpu.memref_slice %arg2[%dma_wait3A_444] : memref<16777216xf32, #tpu.memory_space<hbm>> -> memref<16777216xf32, #tpu.memory_space<hbm>>
        tpu.wait_indirect_dma semaphore(%arg16 : memref<!tpu.dma_semaphore, #tpu.memory_space<semaphore_mem>>) src(%arg14 : memref<128xf32, #tpu.memory_space<vmem>>) dst(%dma_wait3A_445 : memref<16777216xf32, #tpu.memory_space<hbm>>)
      } else {
      }
    } else {
    }
    %dma_wait3A_243 = arith.constant 0 : i32
    %dma_wait3A_244 = tpu.memref_slice %arg3[%dma_wait3A_243] : memref<4194304xi32, #tpu.memory_space<hbm>> -> memref<16384xi32, #tpu.memory_space<hbm>>
    %dma_wait3A_245 = arith.constant 0 : i32
    %dma_wait3A_246 = tpu.memref_slice %arg3[%dma_wait3A_245] : memref<4194304xi32, #tpu.memory_space<hbm>> -> memref<16384xi32, #tpu.memory_space<hbm>>
    tpu.wait_dma2 semaphore(%arg15 : memref<!tpu.dma_semaphore, #tpu.memory_space<semaphore_mem>>) src(%dma_wait3A_246 : memref<16384xi32, #tpu.memory_space<hbm>>) dst(%arg7 : memref<16384xi32, #tpu.memory_space<vmem>>)
    %dma_wait3A_247 = arith.constant 0 : i32
    %dma_wait3A_248 = tpu.memref_slice %arg4[%dma_wait3A_247] : memref<4194304xi32, #tpu.memory_space<hbm>> -> memref<16384xi32, #tpu.memory_space<hbm>>
    %dma_wait3A_249 = arith.constant 0 : i32
    %dma_wait3A_250 = tpu.memref_slice %arg4[%dma_wait3A_249] : memref<4194304xi32, #tpu.memory_space<hbm>> -> memref<16384xi32, #tpu.memory_space<hbm>>
    tpu.wait_dma2 semaphore(%arg15 : memref<!tpu.dma_semaphore, #tpu.memory_space<semaphore_mem>>) src(%dma_wait3A_250 : memref<16384xi32, #tpu.memory_space<hbm>>) dst(%arg9 : memref<16384xi32, #tpu.memory_space<vmem>>)
    %dma_wait3A_251 = arith.constant 0 : i32
    %dma_wait3A_252 = tpu.memref_slice %arg5[%dma_wait3A_251] : memref<4194304xf32, #tpu.memory_space<hbm>> -> memref<16384xf32, #tpu.memory_space<hbm>>
    %dma_wait3A_253 = arith.constant 0 : i32
    %dma_wait3A_254 = tpu.memref_slice %arg5[%dma_wait3A_253] : memref<4194304xf32, #tpu.memory_space<hbm>> -> memref<16384xf32, #tpu.memory_space<hbm>>
    tpu.wait_dma2 semaphore(%arg15 : memref<!tpu.dma_semaphore, #tpu.memory_space<semaphore_mem>>) src(%dma_wait3A_254 : memref<16384xf32, #tpu.memory_space<hbm>>) dst(%arg11 : memref<16384xf32, #tpu.memory_space<vmem>>)
    %mul3A_255 = arith.constant 131072 : i32
    %mul3A_256 = arith.muli %add3A, %mul3A_255 : i32
    %add3A_257 = arith.constant 114688 : i32
    %add3A_258 = arith.addi %mul3A_256, %add3A_257 : i32
    %dma_start3A_259 = tpu.memref_slice %arg3[%add3A_258] : memref<4194304xi32, #tpu.memory_space<hbm>> -> memref<16384xi32, #tpu.memory_space<hbm>>
    %dma_start3A_260 = tpu.memref_slice %arg3[%add3A_258] : memref<4194304xi32, #tpu.memory_space<hbm>> -> memref<16384xi32, #tpu.memory_space<hbm>>
    tpu.enqueue_dma source(%dma_start3A_260 : memref<16384xi32, #tpu.memory_space<hbm>>) target(%arg8 : memref<16384xi32, #tpu.memory_space<vmem>>) target_semaphore(%arg15 : memref<!tpu.dma_semaphore, #tpu.memory_space<semaphore_mem>>)
    %dma_start3A_261 = tpu.memref_slice %arg4[%add3A_258] : memref<4194304xi32, #tpu.memory_space<hbm>> -> memref<16384xi32, #tpu.memory_space<hbm>>
    %dma_start3A_262 = tpu.memref_slice %arg4[%add3A_258] : memref<4194304xi32, #tpu.memory_space<hbm>> -> memref<16384xi32, #tpu.memory_space<hbm>>
    tpu.enqueue_dma source(%dma_start3A_262 : memref<16384xi32, #tpu.memory_space<hbm>>) target(%arg10 : memref<16384xi32, #tpu.memory_space<vmem>>) target_semaphore(%arg15 : memref<!tpu.dma_semaphore, #tpu.memory_space<semaphore_mem>>)
    %dma_start3A_263 = tpu.memref_slice %arg5[%add3A_258] : memref<4194304xf32, #tpu.memory_space<hbm>> -> memref<16384xf32, #tpu.memory_space<hbm>>
    %dma_start3A_264 = tpu.memref_slice %arg5[%add3A_258] : memref<4194304xf32, #tpu.memory_space<hbm>> -> memref<16384xf32, #tpu.memory_space<hbm>>
    tpu.enqueue_dma source(%dma_start3A_264 : memref<16384xf32, #tpu.memory_space<hbm>>) target(%arg12 : memref<16384xf32, #tpu.memory_space<vmem>>) target_semaphore(%arg15 : memref<!tpu.dma_semaphore, #tpu.memory_space<semaphore_mem>>)
    %broadcast_in_dim3A_265 = arith.constant 0 : i32
    %broadcast_in_dim3A_266 = vector.broadcast %broadcast_in_dim3A_265 : i32 to vector<16xi32>
    %parallel_loop3A_267 = arith.constant 0 : i32
    %parallel_loop3A_268 = arith.constant 16384 : i32
    %parallel_loop3A_269 = arith.constant 16 : i32
    %parallel_loop3A_270 = scf.for %parallel_loop3A_303 = %parallel_loop3A_267 to %parallel_loop3A_268 step %parallel_loop3A_269 iter_args(%parallel_loop3A_304 = %broadcast_in_dim3A_266) -> (vector<16xi32>)  : i32 {
      %parallel_loop3A_305 = arith.index_cast %parallel_loop3A_303 : i32 to index
      %parallel_loop3A_306 = tpu.vector_load %arg7[%parallel_loop3A_305] {strides = array<i32>} : memref<16384xi32, #tpu.memory_space<vmem>>, vector<16xi32>,
      %parallel_loop3A_307 = arith.index_cast %parallel_loop3A_303 : i32 to index
      %parallel_loop3A_308 = tpu.vector_load %arg9[%parallel_loop3A_307] {strides = array<i32>} : memref<16384xi32, #tpu.memory_space<vmem>>, vector<16xi32>,
      %parallel_loop3A_309 = arith.index_cast %parallel_loop3A_303 : i32 to index
      %parallel_loop3A_310 = tpu.vector_load %arg11[%parallel_loop3A_309] {strides = array<i32>} : memref<16384xf32, #tpu.memory_space<vmem>>, vector<16xf32>,
      %parallel_loop3A_311 = arith.constant 12 : i32
      %parallel_loop3A_312 = vector.broadcast %parallel_loop3A_311 : i32 to vector<16xi32>
      %parallel_loop3A_313 = arith.shli %parallel_loop3A_306, %parallel_loop3A_312 : vector<16xi32>
      %parallel_loop3A_314 = arith.ori %parallel_loop3A_313, %parallel_loop3A_308 : vector<16xi32>
      %parallel_loop3A_315 = arith.constant 0.000000e+00 : f32
      %parallel_loop3A_316 = vector.broadcast %parallel_loop3A_315 : f32 to vector<16xf32>
      %parallel_loop3A_317 = arith.cmpf oeq, %parallel_loop3A_310, %parallel_loop3A_316 : vector<16xf32>
      %parallel_loop3A_318 = arith.extui %parallel_loop3A_317 : vector<16xi1> to vector<16xi32>
      %parallel_loop3A_319 = arith.constant true
      %parallel_loop3A_320 = vector.broadcast %parallel_loop3A_319 : i1 to vector<16xi1>
      %parallel_loop3A_321 = tpu.scan <sum>, %parallel_loop3A_318 masked %parallel_loop3A_320 : vector<16xi32>, vector<16xi1> -> vector<16xi32>
      %parallel_loop3A_322 = arith.addi %parallel_loop3A_304, %parallel_loop3A_321 : vector<16xi32>
      %parallel_loop3A_323 = arith.constant 1 : i32
      %parallel_loop3A_324 = vector.broadcast %parallel_loop3A_323 : i32 to vector<16xi32>
      %parallel_loop3A_325 = arith.subi %parallel_loop3A_322, %parallel_loop3A_324 : vector<16xi32>
      tpu.vector_store_idx %arg13[%parallel_loop3A_325], %parallel_loop3A_314 masked %parallel_loop3A_317 : memref<16528xi32, #tpu.memory_space<vmem>>[vector<16xi32>], vector<16xi32>, vector<16xi1>
      %parallel_loop3A_326 = tpu.all_reduce %parallel_loop3A_317 {dim = 0 : i64, kind = #tpu.reduction_kind<sum>} : vector<16xi1> -> vector<16xi32>
      %parallel_loop3A_327 = arith.addi %parallel_loop3A_304, %parallel_loop3A_326 : vector<16xi32>
      scf.yield %parallel_loop3A_327 : vector<16xi32>
    } {sc.loop_unroll_factor = 8 : i64, sc.parallel_access}
    %slice3A_271 = vector.extract_strided_slice %parallel_loop3A_270 {offsets = [0], sizes = [1], strides = [1]} : vector<16xi32> to vector<1xi32>
    %squeeze3A_272 = vector.extract %slice3A_271[0] : i32 from vector<1xi32>
    %gt3A_273 = arith.constant 0 : i32
    %gt3A_274 = arith.cmpi sgt, %squeeze3A_272, %gt3A_273 : i32
    %convert_element_type3A_275 = arith.extui %gt3A_274 : i1 to i32
    %cond3A_276 = arith.constant 0 : i32
    %cond3A_277 = arith.cmpi ne, %convert_element_type3A_275, %cond3A_276 : i32
    scf.if %cond3A_277 {
      %get3A = arith.constant 0 : index
      %get3A_303 = tpu.vector_load %arg13[%get3A] {strides = array<i32>} : memref<16528xi32, #tpu.memory_space<vmem>>, vector<16xi32>,
      %slice3A_304 = vector.extract_strided_slice %get3A_303 {offsets = [0], sizes = [1], strides = [1]} : vector<16xi32> to vector<1xi32>
      %squeeze3A_305 = vector.extract %slice3A_304[0] : i32 from vector<1xi32>
      %broadcast_in_dim3A_306 = vector.broadcast %squeeze3A_305 : i32 to vector<16xi32>
      %add3A_307 = arith.constant 0 : i32
      %add3A_308 = arith.addi %squeeze3A_272, %add3A_307 : i32
      %swap3A_309 = arith.index_cast %add3A_308 : i32 to index
      %swap3A_310 = tpu.vector_load %arg13[%swap3A_309] {strides = array<i32>} : memref<16528xi32, #tpu.memory_space<vmem>>, vector<16xi32>,
      tpu.vector_store %arg13[%swap3A_309], %broadcast_in_dim3A_306 {strides = array<i32>} : memref<16528xi32, #tpu.memory_space<vmem>>, vector<16xi32>,
      %add3A_311 = arith.constant 16 : i32
      %add3A_312 = arith.addi %squeeze3A_272, %add3A_311 : i32
      %swap3A_313 = arith.index_cast %add3A_312 : i32 to index
      %swap3A_314 = tpu.vector_load %arg13[%swap3A_313] {strides = array<i32>} : memref<16528xi32, #tpu.memory_space<vmem>>, vector<16xi32>,
      tpu.vector_store %arg13[%swap3A_313], %broadcast_in_dim3A_306 {strides = array<i32>} : memref<16528xi32, #tpu.memory_space<vmem>>, vector<16xi32>,
      %add3A_315 = arith.constant 32 : i32
      %add3A_316 = arith.addi %squeeze3A_272, %add3A_315 : i32
      %swap3A_317 = arith.index_cast %add3A_316 : i32 to index
      %swap3A_318 = tpu.vector_load %arg13[%swap3A_317] {strides = array<i32>} : memref<16528xi32, #tpu.memory_space<vmem>>, vector<16xi32>,
      tpu.vector_store %arg13[%swap3A_317], %broadcast_in_dim3A_306 {strides = array<i32>} : memref<16528xi32, #tpu.memory_space<vmem>>, vector<16xi32>,
      %add3A_319 = arith.constant 48 : i32
      %add3A_320 = arith.addi %squeeze3A_272, %add3A_319 : i32
      %swap3A_321 = arith.index_cast %add3A_320 : i32 to index
      %swap3A_322 = tpu.vector_load %arg13[%swap3A_321] {strides = array<i32>} : memref<16528xi32, #tpu.memory_space<vmem>>, vector<16xi32>,
      tpu.vector_store %arg13[%swap3A_321], %broadcast_in_dim3A_306 {strides = array<i32>} : memref<16528xi32, #tpu.memory_space<vmem>>, vector<16xi32>,
      %add3A_323 = arith.constant 64 : i32
      %add3A_324 = arith.addi %squeeze3A_272, %add3A_323 : i32
      %swap3A_325 = arith.index_cast %add3A_324 : i32 to index
      %swap3A_326 = tpu.vector_load %arg13[%swap3A_325] {strides = array<i32>} : memref<16528xi32, #tpu.memory_space<vmem>>, vector<16xi32>,
      tpu.vector_store %arg13[%swap3A_325], %broadcast_in_dim3A_306 {strides = array<i32>} : memref<16528xi32, #tpu.memory_space<vmem>>, vector<16xi32>,
      %add3A_327 = arith.constant 80 : i32
      %add3A_328 = arith.addi %squeeze3A_272, %add3A_327 : i32
      %swap3A_329 = arith.index_cast %add3A_328 : i32 to index
      %swap3A_330 = tpu.vector_load %arg13[%swap3A_329] {strides = array<i32>} : memref<16528xi32, #tpu.memory_space<vmem>>, vector<16xi32>,
      tpu.vector_store %arg13[%swap3A_329], %broadcast_in_dim3A_306 {strides = array<i32>} : memref<16528xi32, #tpu.memory_space<vmem>>, vector<16xi32>,
      %add3A_331 = arith.constant 96 : i32
      %add3A_332 = arith.addi %squeeze3A_272, %add3A_331 : i32
      %swap3A_333 = arith.index_cast %add3A_332 : i32 to index
      %swap3A_334 = tpu.vector_load %arg13[%swap3A_333] {strides = array<i32>} : memref<16528xi32, #tpu.memory_space<vmem>>, vector<16xi32>,
      tpu.vector_store %arg13[%swap3A_333], %broadcast_in_dim3A_306 {strides = array<i32>} : memref<16528xi32, #tpu.memory_space<vmem>>, vector<16xi32>,
      %add3A_335 = arith.constant 112 : i32
      %add3A_336 = arith.addi %squeeze3A_272, %add3A_335 : i32
      %swap3A_337 = arith.index_cast %add3A_336 : i32 to index
      %swap3A_338 = tpu.vector_load %arg13[%swap3A_337] {strides = array<i32>} : memref<16528xi32, #tpu.memory_space<vmem>>, vector<16xi32>,
      tpu.vector_store %arg13[%swap3A_337], %broadcast_in_dim3A_306 {strides = array<i32>} : memref<16528xi32, #tpu.memory_space<vmem>>, vector<16xi32>,
      %add3A_339 = arith.constant 128 : i32
      %add3A_340 = arith.addi %squeeze3A_272, %add3A_339 : i32
      %sub3A = arith.constant 1 : i32
      %sub3A_341 = arith.subi %add3A_340, %sub3A : i32
      %jit3A = arith.constant 128 : i32
      %div3A = arith.divsi %sub3A_341, %jit3A : i32
      %sign3A = arith.constant 0 : i32
      %sign3A_342 = arith.cmpi sgt, %sub3A_341, %sign3A : i32
      %sign3A_343 = arith.extui %sign3A_342 : i1 to i32
      %sign3A_344 = arith.constant 0 : i32
      %sign3A_345 = arith.cmpi slt, %sub3A_341, %sign3A_344 : i32
      %sign3A_346 = arith.extui %sign3A_345 : i1 to i32
      %sign3A_347 = arith.subi %sign3A_343, %sign3A_346 : i32
      %sign3A_348 = arith.constant 0 : i32
      %sign3A_349 = arith.cmpi sgt, %jit3A, %sign3A_348 : i32
      %sign3A_350 = arith.extui %sign3A_349 : i1 to i32
      %sign3A_351 = arith.constant 0 : i32
      %sign3A_352 = arith.cmpi slt, %jit3A, %sign3A_351 : i32
      %sign3A_353 = arith.extui %sign3A_352 : i1 to i32
      %sign3A_354 = arith.subi %sign3A_350, %sign3A_353 : i32
      %ne3A = arith.cmpi ne, %sign3A_347, %sign3A_354 : i32
      %rem3A = arith.remsi %sub3A_341, %jit3A : i32
      %ne3A_355 = arith.constant 0 : i32
      %ne3A_356 = arith.cmpi ne, %rem3A, %ne3A_355 : i32
      %and3A = arith.andi %ne3A, %ne3A_356 : i1
      %sub3A_357 = arith.constant 1 : i32
      %sub3A_358 = arith.subi %div3A, %sub3A_357 : i32
      %select_n3A = arith.select %and3A, %sub3A_358, %div3A : i32
      %jit3A_359 = arith.constant 2 : i32
      %div3A_360 = arith.divsi %select_n3A, %jit3A_359 : i32
      %sign3A_361 = arith.constant 0 : i32
      %sign3A_362 = arith.cmpi sgt, %select_n3A, %sign3A_361 : i32
      %sign3A_363 = arith.extui %sign3A_362 : i1 to i32
      %sign3A_364 = arith.constant 0 : i32
      %sign3A_365 = arith.cmpi slt, %select_n3A, %sign3A_364 : i32
      %sign3A_366 = arith.extui %sign3A_365 : i1 to i32
      %sign3A_367 = arith.subi %sign3A_363, %sign3A_366 : i32
      %sign3A_368 = arith.constant 0 : i32
      %sign3A_369 = arith.cmpi sgt, %jit3A_359, %sign3A_368 : i32
      %sign3A_370 = arith.extui %sign3A_369 : i1 to i32
      %sign3A_371 = arith.constant 0 : i32
      %sign3A_372 = arith.cmpi slt, %jit3A_359, %sign3A_371 : i32
      %sign3A_373 = arith.extui %sign3A_372 : i1 to i32
      %sign3A_374 = arith.subi %sign3A_370, %sign3A_373 : i32
      %ne3A_375 = arith.cmpi ne, %sign3A_367, %sign3A_374 : i32
      %rem3A_376 = arith.remsi %select_n3A, %jit3A_359 : i32
      %ne3A_377 = arith.constant 0 : i32
      %ne3A_378 = arith.cmpi ne, %rem3A_376, %ne3A_377 : i32
      %and3A_379 = arith.andi %ne3A_375, %ne3A_378 : i1
      %sub3A_380 = arith.constant 1 : i32
      %sub3A_381 = arith.subi %div3A_360, %sub3A_380 : i32
      %select_n3A_382 = arith.select %and3A_379, %sub3A_381, %div3A_360 : i32
      %while3A = arith.constant 0 : i32
      %while3A_383 = arith.constant 0 : i32
      %while3A_384 = arith.subi %select_n3A_382, %while3A_383 : i32
      %while3A_385 = arith.addi %while3A_383, %while3A_384 : i32
      %while3A_386 = arith.constant 1 : i32
      %while3A_387 = arith.divsi %while3A_384, %while3A_386 : i32
      %while3A_388 = arith.muli %while3A_387, %while3A_386 : i32
      %while3A_389 = arith.addi %while3A_383, %while3A_388 : i32
      %while3A_390 = arith.constant 1 : i32
      scf.for %while3A_442 = %while3A_383 to %while3A_389 step %while3A_390  : i32 {
        %mul3A_443 = arith.constant 2 : i32
        %mul3A_444 = arith.muli %mul3A_443, %while3A_442 : i32
        %mul3A_445 = arith.constant 128 : i32
        %mul3A_446 = arith.muli %mul3A_444, %mul3A_445 : i32
        %dma_start3A_447 = tpu.memref_slice %arg13[%mul3A_446] : memref<16528xi32, #tpu.memory_space<vmem>> -> memref<128xi32, #tpu.memory_space<vmem>>
        %dma_start3A_448 = arith.constant 0 : i32
        %dma_start3A_449 = tpu.memref_slice %arg2[%dma_start3A_448] : memref<16777216xf32, #tpu.memory_space<hbm>> -> memref<16777216xf32, #tpu.memory_space<hbm>>
        tpu.enqueue_indirect_dma source(%arg14 : memref<128xf32, #tpu.memory_space<vmem>>) target(%dma_start3A_449 : memref<16777216xf32, #tpu.memory_space<hbm>>) offsets(%dma_start3A_447 : memref<128xi32, #tpu.memory_space<vmem>>) semaphore(%arg16 : memref<!tpu.dma_semaphore, #tpu.memory_space<semaphore_mem>>)
        %mul3A_450 = arith.constant 2 : i32
        %mul3A_451 = arith.muli %mul3A_450, %while3A_442 : i32
        %add3A_452 = arith.constant 1 : i32
        %add3A_453 = arith.addi %mul3A_451, %add3A_452 : i32
        %mul3A_454 = arith.constant 128 : i32
        %mul3A_455 = arith.muli %add3A_453, %mul3A_454 : i32
        %dma_start3A_456 = tpu.memref_slice %arg13[%mul3A_455] : memref<16528xi32, #tpu.memory_space<vmem>> -> memref<128xi32, #tpu.memory_space<vmem>>
        %dma_start3A_457 = arith.constant 0 : i32
        %dma_start3A_458 = tpu.memref_slice %arg2[%dma_start3A_457] : memref<16777216xf32, #tpu.memory_space<hbm>> -> memref<16777216xf32, #tpu.memory_space<hbm>>
        tpu.enqueue_indirect_dma source(%arg14 : memref<128xf32, #tpu.memory_space<vmem>>) target(%dma_start3A_458 : memref<16777216xf32, #tpu.memory_space<hbm>>) offsets(%dma_start3A_456 : memref<128xi32, #tpu.memory_space<vmem>>) semaphore(%arg17 : memref<!tpu.dma_semaphore, #tpu.memory_space<semaphore_mem>>)
      }
      %while3A_391 = arith.constant 1 : i32
      scf.for %while3A_442 = %while3A_389 to %while3A_385 step %while3A_391  : i32 {
        %mul3A_443 = arith.constant 2 : i32
        %mul3A_444 = arith.muli %mul3A_443, %while3A_442 : i32
        %mul3A_445 = arith.constant 128 : i32
        %mul3A_446 = arith.muli %mul3A_444, %mul3A_445 : i32
        %dma_start3A_447 = tpu.memref_slice %arg13[%mul3A_446] : memref<16528xi32, #tpu.memory_space<vmem>> -> memref<128xi32, #tpu.memory_space<vmem>>
        %dma_start3A_448 = arith.constant 0 : i32
        %dma_start3A_449 = tpu.memref_slice %arg2[%dma_start3A_448] : memref<16777216xf32, #tpu.memory_space<hbm>> -> memref<16777216xf32, #tpu.memory_space<hbm>>
        tpu.enqueue_indirect_dma source(%arg14 : memref<128xf32, #tpu.memory_space<vmem>>) target(%dma_start3A_449 : memref<16777216xf32, #tpu.memory_space<hbm>>) offsets(%dma_start3A_447 : memref<128xi32, #tpu.memory_space<vmem>>) semaphore(%arg16 : memref<!tpu.dma_semaphore, #tpu.memory_space<semaphore_mem>>)
        %mul3A_450 = arith.constant 2 : i32
        %mul3A_451 = arith.muli %mul3A_450, %while3A_442 : i32
        %add3A_452 = arith.constant 1 : i32
        %add3A_453 = arith.addi %mul3A_451, %add3A_452 : i32
        %mul3A_454 = arith.constant 128 : i32
        %mul3A_455 = arith.muli %add3A_453, %mul3A_454 : i32
        %dma_start3A_456 = tpu.memref_slice %arg13[%mul3A_455] : memref<16528xi32, #tpu.memory_space<vmem>> -> memref<128xi32, #tpu.memory_space<vmem>>
        %dma_start3A_457 = arith.constant 0 : i32
        %dma_start3A_458 = tpu.memref_slice %arg2[%dma_start3A_457] : memref<16777216xf32, #tpu.memory_space<hbm>> -> memref<16777216xf32, #tpu.memory_space<hbm>>
        tpu.enqueue_indirect_dma source(%arg14 : memref<128xf32, #tpu.memory_space<vmem>>) target(%dma_start3A_458 : memref<16777216xf32, #tpu.memory_space<hbm>>) offsets(%dma_start3A_456 : memref<128xi32, #tpu.memory_space<vmem>>) semaphore(%arg17 : memref<!tpu.dma_semaphore, #tpu.memory_space<semaphore_mem>>)
      }
      %jit3A_392 = arith.constant 2 : i32
      %eq3A = arith.constant 0 : i32
      %eq3A_393 = arith.cmpi eq, %jit3A_392, %eq3A : i32
      %jit3A_394 = arith.constant 1 : i32
      %select_n3A_395 = arith.select %eq3A_393, %jit3A_394, %jit3A_392 : i32
      %rem3A_396 = arith.remsi %select_n3A, %select_n3A_395 : i32
      %ne3A_397 = arith.constant 0 : i32
      %ne3A_398 = arith.cmpi ne, %rem3A_396, %ne3A_397 : i32
      %lt3A = arith.constant 0 : i32
      %lt3A_399 = arith.cmpi slt, %rem3A_396, %lt3A : i32
      %lt3A_400 = arith.constant 0 : i32
      %lt3A_401 = arith.cmpi slt, %select_n3A_395, %lt3A_400 : i32
      %ne3A_402 = arith.xori %lt3A_399, %lt3A_401 : i1
      %and3A_403 = arith.andi %ne3A_402, %ne3A_398 : i1
      %add3A_404 = arith.addi %rem3A_396, %select_n3A_395 : i32
      %select_n3A_405 = arith.select %and3A_403, %add3A_404, %rem3A_396 : i32
      %eq3A_406 = arith.constant 1 : i32
      %eq3A_407 = arith.cmpi eq, %select_n3A_405, %eq3A_406 : i32
      %convert_element_type3A_408 = arith.extui %eq3A_407 : i1 to i32
      %cond3A_409 = arith.constant 0 : i32
      %cond3A_410 = arith.cmpi ne, %convert_element_type3A_408, %cond3A_409 : i32
      scf.if %cond3A_410 {
        %sub3A_442 = arith.constant 1 : i32
        %sub3A_443 = arith.subi %select_n3A, %sub3A_442 : i32
        %mul3A_444 = arith.constant 128 : i32
        %mul3A_445 = arith.muli %sub3A_443, %mul3A_444 : i32
        %dma_start3A_446 = tpu.memref_slice %arg13[%mul3A_445] : memref<16528xi32, #tpu.memory_space<vmem>> -> memref<128xi32, #tpu.memory_space<vmem>>
        %dma_start3A_447 = arith.constant 0 : i32
        %dma_start3A_448 = tpu.memref_slice %arg2[%dma_start3A_447] : memref<16777216xf32, #tpu.memory_space<hbm>> -> memref<16777216xf32, #tpu.memory_space<hbm>>
        tpu.enqueue_indirect_dma source(%arg14 : memref<128xf32, #tpu.memory_space<vmem>>) target(%dma_start3A_448 : memref<16777216xf32, #tpu.memory_space<hbm>>) offsets(%dma_start3A_446 : memref<128xi32, #tpu.memory_space<vmem>>) semaphore(%arg16 : memref<!tpu.dma_semaphore, #tpu.memory_space<semaphore_mem>>)
      } else {
      }
      %while3A_411 = arith.constant 0 : i32
      %while3A_412 = arith.constant 0 : i32
      %while3A_413 = arith.subi %select_n3A_382, %while3A_412 : i32
      %while3A_414 = arith.addi %while3A_412, %while3A_413 : i32
      %while3A_415 = arith.constant 1 : i32
      %while3A_416 = arith.divsi %while3A_413, %while3A_415 : i32
      %while3A_417 = arith.muli %while3A_416, %while3A_415 : i32
      %while3A_418 = arith.addi %while3A_412, %while3A_417 : i32
      %while3A_419 = arith.constant 1 : i32
      scf.for %while3A_442 = %while3A_412 to %while3A_418 step %while3A_419  : i32 {
        %dma_wait3A_443 = arith.constant 0 : i32
        %dma_wait3A_444 = tpu.memref_slice %arg13[%dma_wait3A_443] : memref<16528xi32, #tpu.memory_space<vmem>> -> memref<128xi32, #tpu.memory_space<vmem>>
        %dma_wait3A_445 = arith.constant 0 : i32
        %dma_wait3A_446 = tpu.memref_slice %arg2[%dma_wait3A_445] : memref<16777216xf32, #tpu.memory_space<hbm>> -> memref<16777216xf32, #tpu.memory_space<hbm>>
        tpu.wait_indirect_dma semaphore(%arg16 : memref<!tpu.dma_semaphore, #tpu.memory_space<semaphore_mem>>) src(%arg14 : memref<128xf32, #tpu.memory_space<vmem>>) dst(%dma_wait3A_446 : memref<16777216xf32, #tpu.memory_space<hbm>>)
        %dma_wait3A_447 = arith.constant 0 : i32
        %dma_wait3A_448 = tpu.memref_slice %arg13[%dma_wait3A_447] : memref<16528xi32, #tpu.memory_space<vmem>> -> memref<128xi32, #tpu.memory_space<vmem>>
        %dma_wait3A_449 = arith.constant 0 : i32
        %dma_wait3A_450 = tpu.memref_slice %arg2[%dma_wait3A_449] : memref<16777216xf32, #tpu.memory_space<hbm>> -> memref<16777216xf32, #tpu.memory_space<hbm>>
        tpu.wait_indirect_dma semaphore(%arg17 : memref<!tpu.dma_semaphore, #tpu.memory_space<semaphore_mem>>) src(%arg14 : memref<128xf32, #tpu.memory_space<vmem>>) dst(%dma_wait3A_450 : memref<16777216xf32, #tpu.memory_space<hbm>>)
      }
      %while3A_420 = arith.constant 1 : i32
      scf.for %while3A_442 = %while3A_418 to %while3A_414 step %while3A_420  : i32 {
        %dma_wait3A_443 = arith.constant 0 : i32
        %dma_wait3A_444 = tpu.memref_slice %arg13[%dma_wait3A_443] : memref<16528xi32, #tpu.memory_space<vmem>> -> memref<128xi32, #tpu.memory_space<vmem>>
        %dma_wait3A_445 = arith.constant 0 : i32
        %dma_wait3A_446 = tpu.memref_slice %arg2[%dma_wait3A_445] : memref<16777216xf32, #tpu.memory_space<hbm>> -> memref<16777216xf32, #tpu.memory_space<hbm>>
        tpu.wait_indirect_dma semaphore(%arg16 : memref<!tpu.dma_semaphore, #tpu.memory_space<semaphore_mem>>) src(%arg14 : memref<128xf32, #tpu.memory_space<vmem>>) dst(%dma_wait3A_446 : memref<16777216xf32, #tpu.memory_space<hbm>>)
        %dma_wait3A_447 = arith.constant 0 : i32
        %dma_wait3A_448 = tpu.memref_slice %arg13[%dma_wait3A_447] : memref<16528xi32, #tpu.memory_space<vmem>> -> memref<128xi32, #tpu.memory_space<vmem>>
        %dma_wait3A_449 = arith.constant 0 : i32
        %dma_wait3A_450 = tpu.memref_slice %arg2[%dma_wait3A_449] : memref<16777216xf32, #tpu.memory_space<hbm>> -> memref<16777216xf32, #tpu.memory_space<hbm>>
        tpu.wait_indirect_dma semaphore(%arg17 : memref<!tpu.dma_semaphore, #tpu.memory_space<semaphore_mem>>) src(%arg14 : memref<128xf32, #tpu.memory_space<vmem>>) dst(%dma_wait3A_450 : memref<16777216xf32, #tpu.memory_space<hbm>>)
      }
      %jit3A_421 = arith.constant 2 : i32
      %eq3A_422 = arith.constant 0 : i32
      %eq3A_423 = arith.cmpi eq, %jit3A_421, %eq3A_422 : i32
      %jit3A_424 = arith.constant 1 : i32
      %select_n3A_425 = arith.select %eq3A_423, %jit3A_424, %jit3A_421 : i32
      %rem3A_426 = arith.remsi %select_n3A, %select_n3A_425 : i32
      %ne3A_427 = arith.constant 0 : i32
      %ne3A_428 = arith.cmpi ne, %rem3A_426, %ne3A_427 : i32
      %lt3A_429 = arith.constant 0 : i32
      %lt3A_430 = arith.cmpi slt, %rem3A_426, %lt3A_429 : i32
      %lt3A_431 = arith.constant 0 : i32
      %lt3A_432 = arith.cmpi slt, %select_n3A_425, %lt3A_431 : i32
      %ne3A_433 = arith.xori %lt3A_430, %lt3A_432 : i1
      %and3A_434 = arith.andi %ne3A_433, %ne3A_428 : i1
      %add3A_435 = arith.addi %rem3A_426, %select_n3A_425 : i32
      %select_n3A_436 = arith.select %and3A_434, %add3A_435, %rem3A_426 : i32
      %eq3A_437 = arith.constant 1 : i32
      %eq3A_438 = arith.cmpi eq, %select_n3A_436, %eq3A_437 : i32
      %convert_element_type3A_439 = arith.extui %eq3A_438 : i1 to i32
      %cond3A_440 = arith.constant 0 : i32
      %cond3A_441 = arith.cmpi ne, %convert_element_type3A_439, %cond3A_440 : i32
      scf.if %cond3A_441 {
        %dma_wait3A_442 = arith.constant 0 : i32
        %dma_wait3A_443 = tpu.memref_slice %arg13[%dma_wait3A_442] : memref<16528xi32, #tpu.memory_space<vmem>> -> memref<128xi32, #tpu.memory_space<vmem>>
        %dma_wait3A_444 = arith.constant 0 : i32
        %dma_wait3A_445 = tpu.memref_slice %arg2[%dma_wait3A_444] : memref<16777216xf32, #tpu.memory_space<hbm>> -> memref<16777216xf32, #tpu.memory_space<hbm>>
        tpu.wait_indirect_dma semaphore(%arg16 : memref<!tpu.dma_semaphore, #tpu.memory_space<semaphore_mem>>) src(%arg14 : memref<128xf32, #tpu.memory_space<vmem>>) dst(%dma_wait3A_445 : memref<16777216xf32, #tpu.memory_space<hbm>>)
      } else {
      }
    } else {
    }
    %dma_wait3A_278 = arith.constant 0 : i32
    %dma_wait3A_279 = tpu.memref_slice %arg3[%dma_wait3A_278] : memref<4194304xi32, #tpu.memory_space<hbm>> -> memref<16384xi32, #tpu.memory_space<hbm>>
    %dma_wait3A_280 = arith.constant 0 : i32
    %dma_wait3A_281 = tpu.memref_slice %arg3[%dma_wait3A_280] : memref<4194304xi32, #tpu.memory_space<hbm>> -> memref<16384xi32, #tpu.memory_space<hbm>>
    tpu.wait_dma2 semaphore(%arg15 : memref<!tpu.dma_semaphore, #tpu.memory_space<semaphore_mem>>) src(%dma_wait3A_281 : memref<16384xi32, #tpu.memory_space<hbm>>) dst(%arg8 : memref<16384xi32, #tpu.memory_space<vmem>>)
    %dma_wait3A_282 = arith.constant 0 : i32
    %dma_wait3A_283 = tpu.memref_slice %arg4[%dma_wait3A_282] : memref<4194304xi32, #tpu.memory_space<hbm>> -> memref<16384xi32, #tpu.memory_space<hbm>>
    %dma_wait3A_284 = arith.constant 0 : i32
    %dma_wait3A_285 = tpu.memref_slice %arg4[%dma_wait3A_284] : memref<4194304xi32, #tpu.memory_space<hbm>> -> memref<16384xi32, #tpu.memory_space<hbm>>
    tpu.wait_dma2 semaphore(%arg15 : memref<!tpu.dma_semaphore, #tpu.memory_space<semaphore_mem>>) src(%dma_wait3A_285 : memref<16384xi32, #tpu.memory_space<hbm>>) dst(%arg10 : memref<16384xi32, #tpu.memory_space<vmem>>)
    %dma_wait3A_286 = arith.constant 0 : i32
    %dma_wait3A_287 = tpu.memref_slice %arg5[%dma_wait3A_286] : memref<4194304xf32, #tpu.memory_space<hbm>> -> memref<16384xf32, #tpu.memory_space<hbm>>
    %dma_wait3A_288 = arith.constant 0 : i32
    %dma_wait3A_289 = tpu.memref_slice %arg5[%dma_wait3A_288] : memref<4194304xf32, #tpu.memory_space<hbm>> -> memref<16384xf32, #tpu.memory_space<hbm>>
    tpu.wait_dma2 semaphore(%arg15 : memref<!tpu.dma_semaphore, #tpu.memory_space<semaphore_mem>>) src(%dma_wait3A_289 : memref<16384xf32, #tpu.memory_space<hbm>>) dst(%arg12 : memref<16384xf32, #tpu.memory_space<vmem>>)
    %broadcast_in_dim3A_290 = arith.constant 0 : i32
    %broadcast_in_dim3A_291 = vector.broadcast %broadcast_in_dim3A_290 : i32 to vector<16xi32>
    %parallel_loop3A_292 = arith.constant 0 : i32
    %parallel_loop3A_293 = arith.constant 16384 : i32
    %parallel_loop3A_294 = arith.constant 16 : i32
    %parallel_loop3A_295 = scf.for %parallel_loop3A_303 = %parallel_loop3A_292 to %parallel_loop3A_293 step %parallel_loop3A_294 iter_args(%parallel_loop3A_304 = %broadcast_in_dim3A_291) -> (vector<16xi32>)  : i32 {
      %parallel_loop3A_305 = arith.index_cast %parallel_loop3A_303 : i32 to index
      %parallel_loop3A_306 = tpu.vector_load %arg8[%parallel_loop3A_305] {strides = array<i32>} : memref<16384xi32, #tpu.memory_space<vmem>>, vector<16xi32>,
      %parallel_loop3A_307 = arith.index_cast %parallel_loop3A_303 : i32 to index
      %parallel_loop3A_308 = tpu.vector_load %arg10[%parallel_loop3A_307] {strides = array<i32>} : memref<16384xi32, #tpu.memory_space<vmem>>, vector<16xi32>,
      %parallel_loop3A_309 = arith.index_cast %parallel_loop3A_303 : i32 to index
      %parallel_loop3A_310 = tpu.vector_load %arg12[%parallel_loop3A_309] {strides = array<i32>} : memref<16384xf32, #tpu.memory_space<vmem>>, vector<16xf32>,
      %parallel_loop3A_311 = arith.constant 12 : i32
      %parallel_loop3A_312 = vector.broadcast %parallel_loop3A_311 : i32 to vector<16xi32>
      %parallel_loop3A_313 = arith.shli %parallel_loop3A_306, %parallel_loop3A_312 : vector<16xi32>
      %parallel_loop3A_314 = arith.ori %parallel_loop3A_313, %parallel_loop3A_308 : vector<16xi32>
      %parallel_loop3A_315 = arith.constant 0.000000e+00 : f32
      %parallel_loop3A_316 = vector.broadcast %parallel_loop3A_315 : f32 to vector<16xf32>
      %parallel_loop3A_317 = arith.cmpf oeq, %parallel_loop3A_310, %parallel_loop3A_316 : vector<16xf32>
      %parallel_loop3A_318 = arith.extui %parallel_loop3A_317 : vector<16xi1> to vector<16xi32>
      %parallel_loop3A_319 = arith.constant true
      %parallel_loop3A_320 = vector.broadcast %parallel_loop3A_319 : i1 to vector<16xi1>
      %parallel_loop3A_321 = tpu.scan <sum>, %parallel_loop3A_318 masked %parallel_loop3A_320 : vector<16xi32>, vector<16xi1> -> vector<16xi32>
      %parallel_loop3A_322 = arith.addi %parallel_loop3A_304, %parallel_loop3A_321 : vector<16xi32>
      %parallel_loop3A_323 = arith.constant 1 : i32
      %parallel_loop3A_324 = vector.broadcast %parallel_loop3A_323 : i32 to vector<16xi32>
      %parallel_loop3A_325 = arith.subi %parallel_loop3A_322, %parallel_loop3A_324 : vector<16xi32>
      tpu.vector_store_idx %arg13[%parallel_loop3A_325], %parallel_loop3A_314 masked %parallel_loop3A_317 : memref<16528xi32, #tpu.memory_space<vmem>>[vector<16xi32>], vector<16xi32>, vector<16xi1>
      %parallel_loop3A_326 = tpu.all_reduce %parallel_loop3A_317 {dim = 0 : i64, kind = #tpu.reduction_kind<sum>} : vector<16xi1> -> vector<16xi32>
      %parallel_loop3A_327 = arith.addi %parallel_loop3A_304, %parallel_loop3A_326 : vector<16xi32>
      scf.yield %parallel_loop3A_327 : vector<16xi32>
    } {sc.loop_unroll_factor = 8 : i64, sc.parallel_access}
    %slice3A_296 = vector.extract_strided_slice %parallel_loop3A_295 {offsets = [0], sizes = [1], strides = [1]} : vector<16xi32> to vector<1xi32>
    %squeeze3A_297 = vector.extract %slice3A_296[0] : i32 from vector<1xi32>
    %gt3A_298 = arith.constant 0 : i32
    %gt3A_299 = arith.cmpi sgt, %squeeze3A_297, %gt3A_298 : i32
    %convert_element_type3A_300 = arith.extui %gt3A_299 : i1 to i32
    %cond3A_301 = arith.constant 0 : i32
    %cond3A_302 = arith.cmpi ne, %convert_element_type3A_300, %cond3A_301 : i32
    scf.if %cond3A_302 {
      %get3A = arith.constant 0 : index
      %get3A_303 = tpu.vector_load %arg13[%get3A] {strides = array<i32>} : memref<16528xi32, #tpu.memory_space<vmem>>, vector<16xi32>,
      %slice3A_304 = vector.extract_strided_slice %get3A_303 {offsets = [0], sizes = [1], strides = [1]} : vector<16xi32> to vector<1xi32>
      %squeeze3A_305 = vector.extract %slice3A_304[0] : i32 from vector<1xi32>
      %broadcast_in_dim3A_306 = vector.broadcast %squeeze3A_305 : i32 to vector<16xi32>
      %add3A_307 = arith.constant 0 : i32
      %add3A_308 = arith.addi %squeeze3A_297, %add3A_307 : i32
      %swap3A_309 = arith.index_cast %add3A_308 : i32 to index
      %swap3A_310 = tpu.vector_load %arg13[%swap3A_309] {strides = array<i32>} : memref<16528xi32, #tpu.memory_space<vmem>>, vector<16xi32>,
      tpu.vector_store %arg13[%swap3A_309], %broadcast_in_dim3A_306 {strides = array<i32>} : memref<16528xi32, #tpu.memory_space<vmem>>, vector<16xi32>,
      %add3A_311 = arith.constant 16 : i32
      %add3A_312 = arith.addi %squeeze3A_297, %add3A_311 : i32
      %swap3A_313 = arith.index_cast %add3A_312 : i32 to index
      %swap3A_314 = tpu.vector_load %arg13[%swap3A_313] {strides = array<i32>} : memref<16528xi32, #tpu.memory_space<vmem>>, vector<16xi32>,
      tpu.vector_store %arg13[%swap3A_313], %broadcast_in_dim3A_306 {strides = array<i32>} : memref<16528xi32, #tpu.memory_space<vmem>>, vector<16xi32>,
      %add3A_315 = arith.constant 32 : i32
      %add3A_316 = arith.addi %squeeze3A_297, %add3A_315 : i32
      %swap3A_317 = arith.index_cast %add3A_316 : i32 to index
      %swap3A_318 = tpu.vector_load %arg13[%swap3A_317] {strides = array<i32>} : memref<16528xi32, #tpu.memory_space<vmem>>, vector<16xi32>,
      tpu.vector_store %arg13[%swap3A_317], %broadcast_in_dim3A_306 {strides = array<i32>} : memref<16528xi32, #tpu.memory_space<vmem>>, vector<16xi32>,
      %add3A_319 = arith.constant 48 : i32
      %add3A_320 = arith.addi %squeeze3A_297, %add3A_319 : i32
      %swap3A_321 = arith.index_cast %add3A_320 : i32 to index
      %swap3A_322 = tpu.vector_load %arg13[%swap3A_321] {strides = array<i32>} : memref<16528xi32, #tpu.memory_space<vmem>>, vector<16xi32>,
      tpu.vector_store %arg13[%swap3A_321], %broadcast_in_dim3A_306 {strides = array<i32>} : memref<16528xi32, #tpu.memory_space<vmem>>, vector<16xi32>,
      %add3A_323 = arith.constant 64 : i32
      %add3A_324 = arith.addi %squeeze3A_297, %add3A_323 : i32
      %swap3A_325 = arith.index_cast %add3A_324 : i32 to index
      %swap3A_326 = tpu.vector_load %arg13[%swap3A_325] {strides = array<i32>} : memref<16528xi32, #tpu.memory_space<vmem>>, vector<16xi32>,
      tpu.vector_store %arg13[%swap3A_325], %broadcast_in_dim3A_306 {strides = array<i32>} : memref<16528xi32, #tpu.memory_space<vmem>>, vector<16xi32>,
      %add3A_327 = arith.constant 80 : i32
      %add3A_328 = arith.addi %squeeze3A_297, %add3A_327 : i32
      %swap3A_329 = arith.index_cast %add3A_328 : i32 to index
      %swap3A_330 = tpu.vector_load %arg13[%swap3A_329] {strides = array<i32>} : memref<16528xi32, #tpu.memory_space<vmem>>, vector<16xi32>,
      tpu.vector_store %arg13[%swap3A_329], %broadcast_in_dim3A_306 {strides = array<i32>} : memref<16528xi32, #tpu.memory_space<vmem>>, vector<16xi32>,
      %add3A_331 = arith.constant 96 : i32
      %add3A_332 = arith.addi %squeeze3A_297, %add3A_331 : i32
      %swap3A_333 = arith.index_cast %add3A_332 : i32 to index
      %swap3A_334 = tpu.vector_load %arg13[%swap3A_333] {strides = array<i32>} : memref<16528xi32, #tpu.memory_space<vmem>>, vector<16xi32>,
      tpu.vector_store %arg13[%swap3A_333], %broadcast_in_dim3A_306 {strides = array<i32>} : memref<16528xi32, #tpu.memory_space<vmem>>, vector<16xi32>,
      %add3A_335 = arith.constant 112 : i32
      %add3A_336 = arith.addi %squeeze3A_297, %add3A_335 : i32
      %swap3A_337 = arith.index_cast %add3A_336 : i32 to index
      %swap3A_338 = tpu.vector_load %arg13[%swap3A_337] {strides = array<i32>} : memref<16528xi32, #tpu.memory_space<vmem>>, vector<16xi32>,
      tpu.vector_store %arg13[%swap3A_337], %broadcast_in_dim3A_306 {strides = array<i32>} : memref<16528xi32, #tpu.memory_space<vmem>>, vector<16xi32>,
      %add3A_339 = arith.constant 128 : i32
      %add3A_340 = arith.addi %squeeze3A_297, %add3A_339 : i32
      %sub3A = arith.constant 1 : i32
      %sub3A_341 = arith.subi %add3A_340, %sub3A : i32
      %jit3A = arith.constant 128 : i32
      %div3A = arith.divsi %sub3A_341, %jit3A : i32
      %sign3A = arith.constant 0 : i32
      %sign3A_342 = arith.cmpi sgt, %sub3A_341, %sign3A : i32
      %sign3A_343 = arith.extui %sign3A_342 : i1 to i32
      %sign3A_344 = arith.constant 0 : i32
      %sign3A_345 = arith.cmpi slt, %sub3A_341, %sign3A_344 : i32
      %sign3A_346 = arith.extui %sign3A_345 : i1 to i32
      %sign3A_347 = arith.subi %sign3A_343, %sign3A_346 : i32
      %sign3A_348 = arith.constant 0 : i32
      %sign3A_349 = arith.cmpi sgt, %jit3A, %sign3A_348 : i32
      %sign3A_350 = arith.extui %sign3A_349 : i1 to i32
      %sign3A_351 = arith.constant 0 : i32
      %sign3A_352 = arith.cmpi slt, %jit3A, %sign3A_351 : i32
      %sign3A_353 = arith.extui %sign3A_352 : i1 to i32
      %sign3A_354 = arith.subi %sign3A_350, %sign3A_353 : i32
      %ne3A = arith.cmpi ne, %sign3A_347, %sign3A_354 : i32
      %rem3A = arith.remsi %sub3A_341, %jit3A : i32
      %ne3A_355 = arith.constant 0 : i32
      %ne3A_356 = arith.cmpi ne, %rem3A, %ne3A_355 : i32
      %and3A = arith.andi %ne3A, %ne3A_356 : i1
      %sub3A_357 = arith.constant 1 : i32
      %sub3A_358 = arith.subi %div3A, %sub3A_357 : i32
      %select_n3A = arith.select %and3A, %sub3A_358, %div3A : i32
      %jit3A_359 = arith.constant 2 : i32
      %div3A_360 = arith.divsi %select_n3A, %jit3A_359 : i32
      %sign3A_361 = arith.constant 0 : i32
      %sign3A_362 = arith.cmpi sgt, %select_n3A, %sign3A_361 : i32
      %sign3A_363 = arith.extui %sign3A_362 : i1 to i32
      %sign3A_364 = arith.constant 0 : i32
      %sign3A_365 = arith.cmpi slt, %select_n3A, %sign3A_364 : i32
      %sign3A_366 = arith.extui %sign3A_365 : i1 to i32
      %sign3A_367 = arith.subi %sign3A_363, %sign3A_366 : i32
      %sign3A_368 = arith.constant 0 : i32
      %sign3A_369 = arith.cmpi sgt, %jit3A_359, %sign3A_368 : i32
      %sign3A_370 = arith.extui %sign3A_369 : i1 to i32
      %sign3A_371 = arith.constant 0 : i32
      %sign3A_372 = arith.cmpi slt, %jit3A_359, %sign3A_371 : i32
      %sign3A_373 = arith.extui %sign3A_372 : i1 to i32
      %sign3A_374 = arith.subi %sign3A_370, %sign3A_373 : i32
      %ne3A_375 = arith.cmpi ne, %sign3A_367, %sign3A_374 : i32
      %rem3A_376 = arith.remsi %select_n3A, %jit3A_359 : i32
      %ne3A_377 = arith.constant 0 : i32
      %ne3A_378 = arith.cmpi ne, %rem3A_376, %ne3A_377 : i32
      %and3A_379 = arith.andi %ne3A_375, %ne3A_378 : i1
      %sub3A_380 = arith.constant 1 : i32
      %sub3A_381 = arith.subi %div3A_360, %sub3A_380 : i32
      %select_n3A_382 = arith.select %and3A_379, %sub3A_381, %div3A_360 : i32
      %while3A = arith.constant 0 : i32
      %while3A_383 = arith.constant 0 : i32
      %while3A_384 = arith.subi %select_n3A_382, %while3A_383 : i32
      %while3A_385 = arith.addi %while3A_383, %while3A_384 : i32
      %while3A_386 = arith.constant 1 : i32
      %while3A_387 = arith.divsi %while3A_384, %while3A_386 : i32
      %while3A_388 = arith.muli %while3A_387, %while3A_386 : i32
      %while3A_389 = arith.addi %while3A_383, %while3A_388 : i32
      %while3A_390 = arith.constant 1 : i32
      scf.for %while3A_442 = %while3A_383 to %while3A_389 step %while3A_390  : i32 {
        %mul3A_443 = arith.constant 2 : i32
        %mul3A_444 = arith.muli %mul3A_443, %while3A_442 : i32
        %mul3A_445 = arith.constant 128 : i32
        %mul3A_446 = arith.muli %mul3A_444, %mul3A_445 : i32
        %dma_start3A_447 = tpu.memref_slice %arg13[%mul3A_446] : memref<16528xi32, #tpu.memory_space<vmem>> -> memref<128xi32, #tpu.memory_space<vmem>>
        %dma_start3A_448 = arith.constant 0 : i32
        %dma_start3A_449 = tpu.memref_slice %arg2[%dma_start3A_448] : memref<16777216xf32, #tpu.memory_space<hbm>> -> memref<16777216xf32, #tpu.memory_space<hbm>>
        tpu.enqueue_indirect_dma source(%arg14 : memref<128xf32, #tpu.memory_space<vmem>>) target(%dma_start3A_449 : memref<16777216xf32, #tpu.memory_space<hbm>>) offsets(%dma_start3A_447 : memref<128xi32, #tpu.memory_space<vmem>>) semaphore(%arg16 : memref<!tpu.dma_semaphore, #tpu.memory_space<semaphore_mem>>)
        %mul3A_450 = arith.constant 2 : i32
        %mul3A_451 = arith.muli %mul3A_450, %while3A_442 : i32
        %add3A_452 = arith.constant 1 : i32
        %add3A_453 = arith.addi %mul3A_451, %add3A_452 : i32
        %mul3A_454 = arith.constant 128 : i32
        %mul3A_455 = arith.muli %add3A_453, %mul3A_454 : i32
        %dma_start3A_456 = tpu.memref_slice %arg13[%mul3A_455] : memref<16528xi32, #tpu.memory_space<vmem>> -> memref<128xi32, #tpu.memory_space<vmem>>
        %dma_start3A_457 = arith.constant 0 : i32
        %dma_start3A_458 = tpu.memref_slice %arg2[%dma_start3A_457] : memref<16777216xf32, #tpu.memory_space<hbm>> -> memref<16777216xf32, #tpu.memory_space<hbm>>
        tpu.enqueue_indirect_dma source(%arg14 : memref<128xf32, #tpu.memory_space<vmem>>) target(%dma_start3A_458 : memref<16777216xf32, #tpu.memory_space<hbm>>) offsets(%dma_start3A_456 : memref<128xi32, #tpu.memory_space<vmem>>) semaphore(%arg17 : memref<!tpu.dma_semaphore, #tpu.memory_space<semaphore_mem>>)
      }
      %while3A_391 = arith.constant 1 : i32
      scf.for %while3A_442 = %while3A_389 to %while3A_385 step %while3A_391  : i32 {
        %mul3A_443 = arith.constant 2 : i32
        %mul3A_444 = arith.muli %mul3A_443, %while3A_442 : i32
        %mul3A_445 = arith.constant 128 : i32
        %mul3A_446 = arith.muli %mul3A_444, %mul3A_445 : i32
        %dma_start3A_447 = tpu.memref_slice %arg13[%mul3A_446] : memref<16528xi32, #tpu.memory_space<vmem>> -> memref<128xi32, #tpu.memory_space<vmem>>
        %dma_start3A_448 = arith.constant 0 : i32
        %dma_start3A_449 = tpu.memref_slice %arg2[%dma_start3A_448] : memref<16777216xf32, #tpu.memory_space<hbm>> -> memref<16777216xf32, #tpu.memory_space<hbm>>
        tpu.enqueue_indirect_dma source(%arg14 : memref<128xf32, #tpu.memory_space<vmem>>) target(%dma_start3A_449 : memref<16777216xf32, #tpu.memory_space<hbm>>) offsets(%dma_start3A_447 : memref<128xi32, #tpu.memory_space<vmem>>) semaphore(%arg16 : memref<!tpu.dma_semaphore, #tpu.memory_space<semaphore_mem>>)
        %mul3A_450 = arith.constant 2 : i32
        %mul3A_451 = arith.muli %mul3A_450, %while3A_442 : i32
        %add3A_452 = arith.constant 1 : i32
        %add3A_453 = arith.addi %mul3A_451, %add3A_452 : i32
        %mul3A_454 = arith.constant 128 : i32
        %mul3A_455 = arith.muli %add3A_453, %mul3A_454 : i32
        %dma_start3A_456 = tpu.memref_slice %arg13[%mul3A_455] : memref<16528xi32, #tpu.memory_space<vmem>> -> memref<128xi32, #tpu.memory_space<vmem>>
        %dma_start3A_457 = arith.constant 0 : i32
        %dma_start3A_458 = tpu.memref_slice %arg2[%dma_start3A_457] : memref<16777216xf32, #tpu.memory_space<hbm>> -> memref<16777216xf32, #tpu.memory_space<hbm>>
        tpu.enqueue_indirect_dma source(%arg14 : memref<128xf32, #tpu.memory_space<vmem>>) target(%dma_start3A_458 : memref<16777216xf32, #tpu.memory_space<hbm>>) offsets(%dma_start3A_456 : memref<128xi32, #tpu.memory_space<vmem>>) semaphore(%arg17 : memref<!tpu.dma_semaphore, #tpu.memory_space<semaphore_mem>>)
      }
      %jit3A_392 = arith.constant 2 : i32
      %eq3A = arith.constant 0 : i32
      %eq3A_393 = arith.cmpi eq, %jit3A_392, %eq3A : i32
      %jit3A_394 = arith.constant 1 : i32
      %select_n3A_395 = arith.select %eq3A_393, %jit3A_394, %jit3A_392 : i32
      %rem3A_396 = arith.remsi %select_n3A, %select_n3A_395 : i32
      %ne3A_397 = arith.constant 0 : i32
      %ne3A_398 = arith.cmpi ne, %rem3A_396, %ne3A_397 : i32
      %lt3A = arith.constant 0 : i32
      %lt3A_399 = arith.cmpi slt, %rem3A_396, %lt3A : i32
      %lt3A_400 = arith.constant 0 : i32
      %lt3A_401 = arith.cmpi slt, %select_n3A_395, %lt3A_400 : i32
      %ne3A_402 = arith.xori %lt3A_399, %lt3A_401 : i1
      %and3A_403 = arith.andi %ne3A_402, %ne3A_398 : i1
      %add3A_404 = arith.addi %rem3A_396, %select_n3A_395 : i32
      %select_n3A_405 = arith.select %and3A_403, %add3A_404, %rem3A_396 : i32
      %eq3A_406 = arith.constant 1 : i32
      %eq3A_407 = arith.cmpi eq, %select_n3A_405, %eq3A_406 : i32
      %convert_element_type3A_408 = arith.extui %eq3A_407 : i1 to i32
      %cond3A_409 = arith.constant 0 : i32
      %cond3A_410 = arith.cmpi ne, %convert_element_type3A_408, %cond3A_409 : i32
      scf.if %cond3A_410 {
        %sub3A_442 = arith.constant 1 : i32
        %sub3A_443 = arith.subi %select_n3A, %sub3A_442 : i32
        %mul3A_444 = arith.constant 128 : i32
        %mul3A_445 = arith.muli %sub3A_443, %mul3A_444 : i32
        %dma_start3A_446 = tpu.memref_slice %arg13[%mul3A_445] : memref<16528xi32, #tpu.memory_space<vmem>> -> memref<128xi32, #tpu.memory_space<vmem>>
        %dma_start3A_447 = arith.constant 0 : i32
        %dma_start3A_448 = tpu.memref_slice %arg2[%dma_start3A_447] : memref<16777216xf32, #tpu.memory_space<hbm>> -> memref<16777216xf32, #tpu.memory_space<hbm>>
        tpu.enqueue_indirect_dma source(%arg14 : memref<128xf32, #tpu.memory_space<vmem>>) target(%dma_start3A_448 : memref<16777216xf32, #tpu.memory_space<hbm>>) offsets(%dma_start3A_446 : memref<128xi32, #tpu.memory_space<vmem>>) semaphore(%arg16 : memref<!tpu.dma_semaphore, #tpu.memory_space<semaphore_mem>>)
      } else {
      }
      %while3A_411 = arith.constant 0 : i32
      %while3A_412 = arith.constant 0 : i32
      %while3A_413 = arith.subi %select_n3A_382, %while3A_412 : i32
      %while3A_414 = arith.addi %while3A_412, %while3A_413 : i32
      %while3A_415 = arith.constant 1 : i32
      %while3A_416 = arith.divsi %while3A_413, %while3A_415 : i32
      %while3A_417 = arith.muli %while3A_416, %while3A_415 : i32
      %while3A_418 = arith.addi %while3A_412, %while3A_417 : i32
      %while3A_419 = arith.constant 1 : i32
      scf.for %while3A_442 = %while3A_412 to %while3A_418 step %while3A_419  : i32 {
        %dma_wait3A_443 = arith.constant 0 : i32
        %dma_wait3A_444 = tpu.memref_slice %arg13[%dma_wait3A_443] : memref<16528xi32, #tpu.memory_space<vmem>> -> memref<128xi32, #tpu.memory_space<vmem>>
        %dma_wait3A_445 = arith.constant 0 : i32
        %dma_wait3A_446 = tpu.memref_slice %arg2[%dma_wait3A_445] : memref<16777216xf32, #tpu.memory_space<hbm>> -> memref<16777216xf32, #tpu.memory_space<hbm>>
        tpu.wait_indirect_dma semaphore(%arg16 : memref<!tpu.dma_semaphore, #tpu.memory_space<semaphore_mem>>) src(%arg14 : memref<128xf32, #tpu.memory_space<vmem>>) dst(%dma_wait3A_446 : memref<16777216xf32, #tpu.memory_space<hbm>>)
        %dma_wait3A_447 = arith.constant 0 : i32
        %dma_wait3A_448 = tpu.memref_slice %arg13[%dma_wait3A_447] : memref<16528xi32, #tpu.memory_space<vmem>> -> memref<128xi32, #tpu.memory_space<vmem>>
        %dma_wait3A_449 = arith.constant 0 : i32
        %dma_wait3A_450 = tpu.memref_slice %arg2[%dma_wait3A_449] : memref<16777216xf32, #tpu.memory_space<hbm>> -> memref<16777216xf32, #tpu.memory_space<hbm>>
        tpu.wait_indirect_dma semaphore(%arg17 : memref<!tpu.dma_semaphore, #tpu.memory_space<semaphore_mem>>) src(%arg14 : memref<128xf32, #tpu.memory_space<vmem>>) dst(%dma_wait3A_450 : memref<16777216xf32, #tpu.memory_space<hbm>>)
      }
      %while3A_420 = arith.constant 1 : i32
      scf.for %while3A_442 = %while3A_418 to %while3A_414 step %while3A_420  : i32 {
        %dma_wait3A_443 = arith.constant 0 : i32
        %dma_wait3A_444 = tpu.memref_slice %arg13[%dma_wait3A_443] : memref<16528xi32, #tpu.memory_space<vmem>> -> memref<128xi32, #tpu.memory_space<vmem>>
        %dma_wait3A_445 = arith.constant 0 : i32
        %dma_wait3A_446 = tpu.memref_slice %arg2[%dma_wait3A_445] : memref<16777216xf32, #tpu.memory_space<hbm>> -> memref<16777216xf32, #tpu.memory_space<hbm>>
        tpu.wait_indirect_dma semaphore(%arg16 : memref<!tpu.dma_semaphore, #tpu.memory_space<semaphore_mem>>) src(%arg14 : memref<128xf32, #tpu.memory_space<vmem>>) dst(%dma_wait3A_446 : memref<16777216xf32, #tpu.memory_space<hbm>>)
        %dma_wait3A_447 = arith.constant 0 : i32
        %dma_wait3A_448 = tpu.memref_slice %arg13[%dma_wait3A_447] : memref<16528xi32, #tpu.memory_space<vmem>> -> memref<128xi32, #tpu.memory_space<vmem>>
        %dma_wait3A_449 = arith.constant 0 : i32
        %dma_wait3A_450 = tpu.memref_slice %arg2[%dma_wait3A_449] : memref<16777216xf32, #tpu.memory_space<hbm>> -> memref<16777216xf32, #tpu.memory_space<hbm>>
        tpu.wait_indirect_dma semaphore(%arg17 : memref<!tpu.dma_semaphore, #tpu.memory_space<semaphore_mem>>) src(%arg14 : memref<128xf32, #tpu.memory_space<vmem>>) dst(%dma_wait3A_450 : memref<16777216xf32, #tpu.memory_space<hbm>>)
      }
      %jit3A_421 = arith.constant 2 : i32
      %eq3A_422 = arith.constant 0 : i32
      %eq3A_423 = arith.cmpi eq, %jit3A_421, %eq3A_422 : i32
      %jit3A_424 = arith.constant 1 : i32
      %select_n3A_425 = arith.select %eq3A_423, %jit3A_424, %jit3A_421 : i32
      %rem3A_426 = arith.remsi %select_n3A, %select_n3A_425 : i32
      %ne3A_427 = arith.constant 0 : i32
      %ne3A_428 = arith.cmpi ne, %rem3A_426, %ne3A_427 : i32
      %lt3A_429 = arith.constant 0 : i32
      %lt3A_430 = arith.cmpi slt, %rem3A_426, %lt3A_429 : i32
      %lt3A_431 = arith.constant 0 : i32
      %lt3A_432 = arith.cmpi slt, %select_n3A_425, %lt3A_431 : i32
      %ne3A_433 = arith.xori %lt3A_430, %lt3A_432 : i1
      %and3A_434 = arith.andi %ne3A_433, %ne3A_428 : i1
      %add3A_435 = arith.addi %rem3A_426, %select_n3A_425 : i32
      %select_n3A_436 = arith.select %and3A_434, %add3A_435, %rem3A_426 : i32
      %eq3A_437 = arith.constant 1 : i32
      %eq3A_438 = arith.cmpi eq, %select_n3A_436, %eq3A_437 : i32
      %convert_element_type3A_439 = arith.extui %eq3A_438 : i1 to i32
      %cond3A_440 = arith.constant 0 : i32
      %cond3A_441 = arith.cmpi ne, %convert_element_type3A_439, %cond3A_440 : i32
      scf.if %cond3A_441 {
        %dma_wait3A_442 = arith.constant 0 : i32
        %dma_wait3A_443 = tpu.memref_slice %arg13[%dma_wait3A_442] : memref<16528xi32, #tpu.memory_space<vmem>> -> memref<128xi32, #tpu.memory_space<vmem>>
        %dma_wait3A_444 = arith.constant 0 : i32
        %dma_wait3A_445 = tpu.memref_slice %arg2[%dma_wait3A_444] : memref<16777216xf32, #tpu.memory_space<hbm>> -> memref<16777216xf32, #tpu.memory_space<hbm>>
        tpu.wait_indirect_dma semaphore(%arg16 : memref<!tpu.dma_semaphore, #tpu.memory_space<semaphore_mem>>) src(%arg14 : memref<128xf32, #tpu.memory_space<vmem>>) dst(%dma_wait3A_445 : memref<16777216xf32, #tpu.memory_space<hbm>>)
      } else {
      }
    } else {
    }
    return
  }
}

</mosaic_0001>

<sc_bundles>
// kernel: kernel.3.cloned.1.call-start
scs
__scs_entry_jumppad:
0x0: {  	(pc) =	sbr.rel $0x88, $3  }
0x1: {  	(tag) =	ssettag $0x0;
	lr =	simm.s32 $0x1  }
0x2: {  	[smem:$0x3F9D] =	sst lr;
	_ =	strace $0xD0000000  }
0x3: {  	_ = 	snop  }
0x4: {  	_ = 	snop  }
0x5: {  	_ = 	snop  }
0x6: {  	_ = 	snop  }
0x7: {  	_ = 	snop  }
__scs_overlays_trampoline_lowered:
0x8: {  	[smem:$0x3FAC] =	sst s0  }
0x9: {  	[smem:$0x3FAD] =	sst s1  }
0xa: {  	[smem:$0x3FAE] =	sst s2  }
0xb: {  	[smem:$0x3FAF] =	sst s3  }
0xc: {  	[smem:$0x3FB0] =	sst s4  }
0xd: {  	[smem:$0x3FB1] =	sst s5  }
0xe: {  	[smem:$0x3FB2] =	sst s6  }
0xf: {  	[smem:$0x3FB3] =	sst s7  }
0x10: {  	[smem:$0x3FB4] =	sst s8  }
0x11: {  	[smem:$0x3FB5] =	sst s9;
	s0 =	simm.s32 @!p0 $0x0  }
0x12: {  	s1 =	sld [smem:$0x3F9B];
	s0 =	simm.s32 @p0 $0x1  }
0x13: {  	[smem:$0x3FB6] =	sst s0;
	s0 =	simm.s32 @!p1 $0x0  }
0x14: {  	s2 =	sld [smem:$0x3F9A];
	s0 =	simm.s32 @p1 $0x1  }
0x15: {  	[smem:$0x3FB7] =	sst s0;
	s0 =	simm.s32 @!p2 $0x0  }
0x16: {  	s3 =	sld [smem:$0x3FDB];
	s0 =	simm.s32 @p2 $0x1  }
0x17: {  	s4 =	simm.s32 $0x1BF5;
	[smem:$0x3FB9] =	sst s0  }
0x18: {  	s0 =	sld [smem:$0x3F9C];
	_ =	swait.ge [sflag:s4], $0x0  }
0x19: {  	s7 =	sld [smem:$0x3F9D]  }
0x1a: {  	s8 =	sadd.s32 $0xFFFFE003, lr  }
0x1b: {  	s9 =	sadd.s32 $0xFFFFFEF7, lr;
	s5 =	simm.s32 $0xFFFFFFFF;
	p2 =	slt.u32 s8, $0xFFFFF086  }
0x1c: {  	p1 =	slt.u32 s9, $0xF7A;
	s5 =	simm.s32 @!p2 $0x0  }
0x1d: {  	s5 =	simm.s32 @p1 $0x1;
	p0 =	seq.s32 s7, s2  }
0x1e: {  	s7 =	smul.u32 @!p0 $0xF7A, s2;
	p2 =	seq.s32 @!p0 s5, $0x0  }
0x1f: {  	s9 =	smul.u32 $0xF7A, s1;
	s8 =	simm.s32 @!p0 $0x1BF5;
	p2 =	por !p2, p0  }
0x20: {  	[sflag:s8] =	ssyncset.s32 @!p0 $0xFFFFF086;
	s6 =	sadd.s32 @!p0 s3, s7;
	s7 =	simm.s32 @!p0 $0x108  }
0x21: {  	s3 =	sadd.s32 s3, s9;
	s6 =	sadd.s32 @!p0 $0x88, s6;
	s7 =	simm.s32 @p2 $0x1082  }
0x22: {  	[simem:s7], [sflag:s8] =	dma.local @!p0 [hbm:s6], $0xF7A  }
0x23: {  	s9 =	sor.u32 $0xD0000000, s2;
	s6 =	simm.s32 $0x108;
	_ =	swait.ge @!p0 [sflag:s8], $0x0  }
0x24: {  	s3 =	sadd.s32 $0x88, s3;
	s6 =	simm.s32 @!p1 $0x1082;
	[sflag:s4] =	ssyncset.s32 $0xFFFFF086  }
0x25: {  	[simem:s6], [sflag:s4] =	dma.local [hbm:s3], $0xF7A  }
0x26: {  	[smem:$0x3F9D] =	sst s1;
	(tag) =	ssettag s2;
	_ =	strace s9  }
0x27: {  	s1 =	sld [smem:$0x3FAD]  }
0x28: {  	s2 =	sld [smem:$0x3FAE]  }
0x29: {  	s4 =	sld [smem:$0x3FB0]  }
0x2a: {  	p0 =	seq.s32 s5, $0x0;
	s5 =	sld [smem:$0x3FB1]  }
0x2b: {  	s6 =	sld [smem:$0x3FB2]  }
0x2c: {  	s7 =	sld [smem:$0x3FB3]  }
0x2d: {  	s3 =	simm.s32 $0x108;
	s8 =	sld [smem:$0x3FB4]  }
0x2e: {  	s3 =	simm.s32 @!p0 $0x1082;
	s9 =	sld [smem:$0x3FB5]  }
0x2f: {  	lr =	sadd.s32 s0, s3;
	s0 =	sld [smem:$0x3FAC]  }
0x30: {  	s3 =	sld [smem:$0x3FAF]  }
0x31: {  	[smem:$0x3FB8] =	sst s10  }
0x32: {  	s10 =	sld [smem:$0x3FB6];
	_ =	sdelay $0x3  }
0x33: {  	p0 =	seq.s32 s10, $0x1;
	s10 =	sld [smem:$0x3FB8];
	_ =	sdelay $0x3  }
0x34: {  	[smem:$0x3FB8] =	sst s10  }
0x35: {  	s10 =	sld [smem:$0x3FB7];
	_ =	sdelay $0x3  }
0x36: {  	p1 =	seq.s32 s10, $0x1;
	s10 =	sld [smem:$0x3FB8];
	_ =	sdelay $0x3  }
0x37: {  	[smem:$0x3FB8] =	sst s10  }
0x38: {  	s10 =	sld [smem:$0x3FB9]  }
0x39: {  	_ = 	snop;
	(pc) =	sbr.ind lr, $3  }
0x3a: {  	_ = 	snop  }
0x3b: {  	_ = 	snop  }
0x3c: {  	p2 =	seq.s32 s10, $0x1;
	s10 =	sld [smem:$0x3FB8]  }
0x3d: {  	_ =	shalt  }
0x3e: {  	_ =	shalt  }
0x3f: {  	_ =	shalt  }
0x40: {  	_ =	shalt  }
0x41: {  	_ =	shalt  }
0x42: {  	_ =	shalt  }
0x43: {  	_ =	shalt  }
0x44: {  	_ =	shalt  }
0x45: {  	_ =	shalt  }
0x46: {  	_ =	shalt  }
0x47: {  	_ =	shalt  }
0x48: {  	_ =	shalt  }
0x49: {  	_ =	shalt  }
0x4a: {  	_ =	shalt  }
0x4b: {  	_ =	shalt  }
0x4c: {  	_ =	shalt  }
0x4d: {  	_ =	shalt  }
0x4e: {  	_ =	shalt  }
0x4f: {  	_ =	shalt  }
0x50: {  	_ =	shalt  }
0x51: {  	_ =	shalt  }
0x52: {  	_ =	shalt  }
0x53: {  	_ =	shalt  }
0x54: {  	_ =	shalt  }
0x55: {  	_ =	shalt  }
0x56: {  	_ =	shalt  }
0x57: {  	_ =	shalt  }
0x58: {  	_ =	shalt  }
0x59: {  	_ =	shalt  }
0x5a: {  	_ =	shalt  }
0x5b: {  	_ =	shalt  }
0x5c: {  	_ =	shalt  }
0x5d: {  	_ =	shalt  }
0x5e: {  	_ =	shalt  }
0x5f: {  	_ =	shalt  }
0x60: {  	_ =	shalt  }
0x61: {  	_ =	shalt  }
0x62: {  	_ =	shalt  }
0x63: {  	_ =	shalt  }
0x64: {  	_ =	shalt  }
0x65: {  	_ =	shalt  }
0x66: {  	_ =	shalt  }
0x67: {  	_ =	shalt  }
0x68: {  	_ =	shalt  }
0x69: {  	_ =	shalt  }
0x6a: {  	_ =	shalt  }
0x6b: {  	_ =	shalt  }
0x6c: {  	_ =	shalt  }
0x6d: {  	_ =	shalt  }
0x6e: {  	_ =	shalt  }
0x6f: {  	_ =	shalt  }
0x70: {  	_ =	shalt  }
0x71: {  	_ =	shalt  }
0x72: {  	_ =	shalt  }
0x73: {  	_ =	shalt  }
0x74: {  	_ =	shalt  }
0x75: {  	_ =	shalt  }
0x76: {  	_ =	shalt  }
0x77: {  	_ =	shalt  }
0x78: {  	_ =	shalt  }
0x79: {  	_ =	shalt  }
0x7a: {  	_ =	shalt  }
0x7b: {  	_ =	shalt  }
0x7c: {  	_ =	shalt  }
0x7d: {  	_ =	shalt  }
0x7e: {  	_ =	shalt  }
0x7f: {  	_ =	shalt  }
0x80: {  	_ =	shalt  }
0x81: {  	_ =	shalt  }
0x82: {  	_ =	shalt  }
0x83: {  	_ =	shalt  }
0x84: {  	_ =	shalt  }
0x85: {  	_ =	shalt  }
0x86: {  	_ =	shalt  }
0x87: {  	_ =	shalt  }
.Lfunc_end0:
.L_simem_size_0:
called_computation.1_lowered:
.L_overlay_start_0:
0x88: {  	s2 =	sld [smem:$0x3FD9]  }
0x89: {  	s3 =	sld [smem:$0x3FFE];
	_ =	sdelay $0x1  }
0x8a: {  	s1 =	srdreg.scid  }
0x8b: {  	s0 =	sand.u32 $0x1, s1  }
0x8c: {  	s17 =	sshll.u32 s0, $0xA;
	s2 =	sadd.s32 s3, s2  }
0x8d: {  	s2 =	sadd.s32 s2, s17  }
0x8e: {  	[smem:$0x3FC4] =	sst s2  }
0x8f: {  	_ = 	snop  }
0x90: {  	s2 =	sld [smem:$0x3FC8]  }
0x91: {  	s18 =	sld [smem:$0x3FC7]  }
0x92: {  	s4 =	sld [smem:$0x3FC6];
	(tm) =	ssettm $0x1  }
0x93: {  	s5 =	sld [smem:$0x3FFB];
	_ =	sdelay $0x3  }
0x94: {  	_ =	strace s5  }
0x95: {  	s5 =	sld [smem:$0x3FFC];
	_ =	sdelay $0x3  }
0x96: {  	_ =	strace s5  }
0x97: {  	s5 =	sld [smem:$0x3FFD];
	_ =	sdelay $0x3  }
0x98: {  	_ =	strace s5  }
0x99: {  	_ =	strace $0x8FFFFFFF  }
0x9a: {  	s19 =	sld [smem:$0x3FDB];
	_ =	sdelay $0x1  }
0x9b: {  	s6 =	simm.s32 $_scs_section_size  }
0x9c: {  	s7 =	simm.s32 $_size__tile_overlayer_lowered;
	s8 =	simm.s32 $_tile_overlayer_lowered  }
0x9d: {  	s22 =	simm.s32 $0x1BFF;
	s21 =	sshll.u32 s8, $0x1;
	s5 =	sadd.s32 s6, s19  }
0x9e: {  	s9 =	simm.s32 $0x0;
	s20 =	sshll.u32 s7, $0x1;
	s7 =	sadd.s32 s21, s5  }
0x9f: {  	[timem:s9], [sflag:s22] =	dma.local [hbm:s7], s20  }
0xa0: {  	_ =	swait.ge [sflag:s22], s20  }
0xa1: {  	s6 =	ssub.s32 $0x0, s20;
	[sflag:s22] =	ssyncset.done $0x0  }
0xa2: {  	[sflag:s22] =	ssyncadd.s32 s6;
	_ =	sdelay $0x1  }
0xa3: {  	s23 =	simm.s32 $0x1B8B  }
0xa4: {  	_ =	swait.ge [sflag:s23], $0x1  }
0xa5: {  	[sflag:s23] =	ssyncset.done $0x0  }
0xa6: {  	s25 =	simm.s32 $0x1B8E;
	s24 =	sld [smem:$0x3FFE];
	[sflag:s23] =	ssyncadd.s32 $0xFFFFFFFF  }
0xa7: {  	s26 =	simm.s32 $execute0_lowered;
	[smem:$0x3FD2] =	sst s25  }
0xa8: {  	s7 =	sshll.u32 s26, $0x1;
	_ =	strace $0x80000049;
	[dreg:$0x1] =	wrdreg $0xFFFFFFFF  }
0xa9: {  	s28 =	simm.s32 $_size_execute0_lowered;
	s5 =	sadd.s32 s5, s7;
	[dreg:$0x0] =	wrdreg $0x0  }
0xaa: {  	s7 =	sshll.u32 s28, $0x1;
	[dreg:$0x2] =	wrdreg s5  }
0xab: {  	[dreg:$0x3] =	wrdreg s7  }
0xac: {  	[dreg:$0x4] =	wrdreg $0xC0  }
0xad: {  	_ =	task [dreg:s9], $0x5FFFF  }
0xae: {  	[dreg:$0x1] =	wrdreg $0xFFFFFFFF  }
0xaf: {  	[dreg:$0x0] =	wrdreg $0x60  }
0xb0: {  	[dreg:$0x2] =	wrdreg s24  }
0xb1: {  	[dreg:$0x3] =	wrdreg s2  }
0xb2: {  	[dreg:$0x4] =	wrdreg s18  }
0xb3: {  	[dreg:$0x5] =	wrdreg s4  }
0xb4: {  	[dreg:$0x6] =	wrdreg $0x9  }
0xb5: {  	_ =	task.clear_ibuf [dreg:s9], $0x7FFFF;
	_ =	strace $0x90000049  }
0xb6: {  	s29 =	simm.s32 $0x9;
	_ =	strace $0x8000004B  }
0xb7: {  	_ =	swait.ge [sflag:s29], $0x1  }
0xb8: {  	[sflag:s29] =	ssyncadd.s32 $0xFFFFFFFF  }
0xb9: {  	_ =	strace $0x9000004B  }
0xba: {  	_ =	sfence  }
0xbb: {  	s30 =	sld [smem:$0x0];
	_ =	sdelay $0x2  }
0xbc: {  	s31 =	sshll.u32 s1, $0xD;
	s1 =	sshrl.u32 s1, $0x2  }
0xbd: {  	s3 =	sand.u32 $0x4000, s31;
	s1 =	sadd.s32 s1, s30  }
0xbe: {  	s0 =	sor.u32 s3, s0;
	s1 =	sshll.u32 s1, $0x11  }
0xbf: {  	s0 =	sor.u32 s1, s0  }
0xc0: {  	s0 =	sadd.s32 $0x8F2B, s0  }
0xc1: {  	[sflag:s0] =	ssyncadd.remote.s32 $0x1  }
0xc2: {  	_ =	sfence.sel $0xFFFF  }
0xc3: {  	[dreg:$0x0] =	wrdreg $0xFFFFFFFF;
	(pc) =	sbr.abs _section_cstart, $3  }
0xc4: {  	[dreg:$0x1] =	wrdreg $0xFFFFFFFF  }
0xc5: {  	_ =	task.clear_ibuf [dreg:s9], $0x2FFFF;
	_ =	strace $0x9FFFFFFF  }
0xc6: {  	(tm) =	ssettm $0x7FFFFFFF  }
0xc7: {  	_ =	shalt  }
tec
execute0_lowered:
.L_overlay_start_1:
0x0: {  	(tag) =	ssettag $0x1  }
0x1: {  	s0 =	rddreg [dreg:$0x1]  }
0x2: {  	s2 =	rddreg [dreg:$0x2]  }
0x3: {  	s1 =	srdreg.scid;
	s3 =	rddreg [dreg:$0x3]  }
0x4: {  	s7 =	stileid.u32;
	s30 =	simm.s32 $0x8000;
	s4 =	sand.u32 $0x1, s1  }
0x5: {  	s31 =	simm.s32 $0x10000;
	s1 =	simm.s32 $0x0;
	s5 =	ssub.s32 $0x2, s4  }
0x6: {  	s7 =	sshll.u32 s7, $0xF;
	s4 =	sshll.u32 s4, $0xE;
	s6 =	sshrl.u32 s5, $0x1  }
0x7: {  	[smem:$0x7FF] =	sst s1;
	s4 =	sor.u32 s4, s7;
	s5 =	ssub.s32 s5, s6  }
0x8: {  	s20 =	sadd.s32 s0, s4;
	s21 =	sadd.s32 s2, s4;
	s22 =	sor.u32 $0x800, s4  }
0x9: {  	s7 =	sadd.s32 s3, s4;
	s24 =	sor.u32 $0x1000, s4;
	[dreg:$0x5] =	wrdreg s20  }
0xa: {  	s11 =	sor.u32 $0x2000, s4;
	s13 =	sor.u32 $0x2800, s4;
	[dreg:$0x6] =	wrdreg s21  }
0xb: {  	s15 =	sor.u32 $0x3000, s4;
	[dreg:$0x7] =	wrdreg s7;
	s23 =	sadd.s32 s0, s22  }
0xc: {  	s8 =	sadd.s32 s2, s22;
	s6 =	sadd.s32 s3, s22;
	s21 =	rddreg [dreg:$0x0]  }
0xd: {  	s25 =	sadd.s32 s0, s24;
	s26 =	sadd.s32 s2, s24;
	[dreg:$0x8] =	wrdreg s23  }
0xe: {  	s7 =	sadd.s32 s3, s24;
	s12 =	sadd.s32 s0, s11;
	[dreg:$0x9] =	wrdreg s8  }
0xf: {  	s14 =	sadd.s32 s2, s11;
	s16 =	sadd.s32 s3, s11;
	[dreg:$0xa] =	wrdreg s6  }
0x10: {  	s17 =	sadd.s32 s0, s13;
	s18 =	sadd.s32 s2, s13;
	[dreg:$0xb] =	wrdreg s25  }
0x11: {  	s19 =	sadd.s32 s3, s13;
	s20 =	sadd.s32 s0, s15;
	[dreg:$0xc] =	wrdreg s26  }
0x12: {  	s22 =	sadd.s32 s2, s15;
	s29 =	smax.u32 s5, $0x1;
	[dreg:$0xd] =	wrdreg s7  }
0x13: {  	s5 =	simm.s32 $0x80;
	s8 =	sor.u32 $0x1800, s4;
	[dreg:$0x11] =	wrdreg s12  }
0x14: {  	[dreg:$0x12] =	wrdreg s14;
	s4 =	sor.u32 $0x3800, s4;
	s23 =	sadd.s32 s3, s15  }
0x15: {  	s28 =	sadd.s32 $0x800, s21;
	s21 =	simm.s32 $0x1;
	s7 =	simm.s32 $0x2  }
0x16: {  	s9 =	sadd.s32 s0, s8;
	s10 =	sadd.s32 s2, s8;
	s6 =	sadd.s32 s3, s8  }
.Ltmp0:
0x17: {  	s24 =	sadd.s32 s0, s4;
	s25 =	sadd.s32 s2, s4;
	(pc) =	sbr.rel .LBB2_1-.Ltmp0, $4  }
0x18: {  	s26 =	sadd.s32 s3, s4;
	s0 =	simm.s32 $0x4000;
	[dreg:$0xe] =	wrdreg s9  }
0x19: {  	s2 =	simm.s32 $0xC000;
	s3 =	simm.s32 $0x14000;
	[dreg:$0xf] =	wrdreg s10  }
0x1a: {  	s4 =	simm.s32 $0x18000;
	s8 =	simm.s32 $0x3;
	[dreg:$0x10] =	wrdreg s6  }
0x1b: {  	v0 =	vimm.f32 $0.0e+00;
	v1 =	vimm.s32 $0x0;
	s6 =	simm.s32 $0x1C100;
	s9 =	simm.s32 $0x0;
	_ =	strace $0x8000004A  }
.LBB2_95:
0x1c: {  	[sflag:s8] =	ssyncadd.s32 $0xFFFFFF80  }
.LBB2_96:
0x1d: {  	s10 =	simm.s32 @!p0 $0x2  }
0x1e: {  	_ =	swait.ge @!p0 [sflag:s10], $0x80  }
0x1f: {  	[sflag:s10] =	ssyncset.done @!p0 $0x0  }
0x20: {  	[sflag:s10] =	ssyncadd.s32 @!p0 $0xFFFFFF80  }
.LBB2_97:
0x21: {  	s9 =	sadd.s32 $0x1, s9  }
0x22: {  	p0 =	sne.s32 s9, s29  }
.Ltmp1:
0x23: {  	_ = 	snop;
	(pc) =	sbr.rel @!p0 .LBB2_98-.Ltmp1, $1  }
0x24: {  	_ =	sdelay $0x3  }
.LBB2_1:
0x25: {  	[tilespmem:$0x1C100] =	vst v0  }
0x26: {  	[tilespmem:$0x1C110] =	vst v0  }
0x27: {  	[tilespmem:$0x1C120] =	vst v0  }
0x28: {  	[tilespmem:$0x1C130] =	vst v0  }
0x29: {  	[tilespmem:$0x1C140] =	vst v0  }
0x2a: {  	[tilespmem:$0x1C150] =	vst v0  }
0x2b: {  	[tilespmem:$0x1C160] =	vst v0  }
0x2c: {  	[tilespmem:$0x1C170] =	vst v0;
	s10 =	rddreg [dreg:$0x5]  }
0x2d: {  	[tilespmem:s1], [sflag:$0x1] =	stream.linear.gather [hbm4b:s10+s1], $0x4000, $0x38;
	[tilespmem:$0x1C180] =	vst v63  }
0x2e: {  	s11 =	rddreg [dreg:$0x6]  }
0x2f: {  	[tilespmem:s30], [sflag:$0x1] =	stream.linear.gather [hbm4b:s11+s1], $0x4000, $0x38;
	[tilespmem:$0x1C180] =	vst v63  }
0x30: {  	s12 =	rddreg [dreg:$0x7]  }
0x31: {  	[tilespmem:s31], [sflag:$0x1] =	stream.linear.gather [hbm4b:s12+s1], $0x4000, $0x38;
	[tilespmem:$0x1C180] =	vst v63  }
0x32: {  	_ =	swait.ge [sflag:s21], $0x4000  }
0x33: {  	[sflag:s21] =	ssyncset.done $0x0  }
0x34: {  	[sflag:s21] =	ssyncadd.s32 $0xFFFFC000  }
0x35: {  	_ =	swait.ge [sflag:s21], $0x4000  }
0x36: {  	[sflag:s21] =	ssyncset.done $0x0  }
0x37: {  	[sflag:s21] =	ssyncadd.s32 $0xFFFFC000  }
0x38: {  	_ =	swait.ge [sflag:s21], $0x4000  }
0x39: {  	[sflag:s21] =	ssyncset.done $0x0  }
0x3a: {  	s13 =	rddreg [dreg:$0x8];
	[sflag:s21] =	ssyncadd.s32 $0xFFFFC000  }
0x3b: {  	[tilespmem:s0], [sflag:$0x1] =	stream.linear.gather [hbm4b:s13+s1], $0x4000, $0x38;
	[tilespmem:$0x1C180] =	vst v63  }
0x3c: {  	s14 =	rddreg [dreg:$0x9]  }
0x3d: {  	[tilespmem:s2], [sflag:$0x1] =	stream.linear.gather [hbm4b:s14+s1], $0x4000, $0x38;
	[tilespmem:$0x1C180] =	vst v63  }
0x3e: {  	s11 =	simm.s32 $0x10040;
	s15 =	rddreg [dreg:$0xa]  }
0x3f: {  	[tilespmem:s3], [sflag:$0x1] =	stream.linear.gather [hbm4b:s15+s1], $0x4000, $0x38;
	[tilespmem:$0x1C180] =	vst v63  }
0x40: {  	v2 =	vld [tilespmem:s11+$0xFFFFFFC0]  }
0x41: {  	v3 =	vld [tilespmem:s11+$0xFFFFFFD0]  }
0x42: {  	v4 =	vld [tilespmem:s11+$0xFFFFFFE0]  }
0x43: {  	v5 =	vld [tilespmem:s11+$0xFFFFFFF0]  }
0x44: {  	v8 =	vld [tilespmem:s11+$0x0]  }
0x45: {  	v12 =	vld [tilespmem:s11+$0x30];
	_ =	sdelay $0x1  }
0x46: {  	vm6 =	veq.f32 v2, $0.0e+00;
	v2 =	vld [tilespmem:s11+$0x10];
	vm7 =	veq.f32 v3, $0.0e+00;
	vm1 =	veq.f32 v4, $0.0e+00  }
0x47: {  	s10 =	simm.s32 $0x8040;
	v3 =	vld [tilespmem:s11+$0x20];
	vm4 =	veq.f32 v5, $0.0e+00;
	v6 =	vsel vm6, $0x1, v1;
	v9 =	vmpcnt.ones.xlane vm6  }
0x48: {  	s12 =	simm.s32 $0x40;
	v7 =	vld [tilespmem:s10+$0xFFFFFFC0];
	vm5 =	veq.f32 v8, $0.0e+00;
	v10 =	vsel vm7, $0x1, v1;
	v11 =	vmpcnt.ones.xlane vm7;
	(xrf0) =	vadd.scan.msk.s32 $0xffff, v6  }
0x49: {  	v17 =	vld [tilespmem:s12+$0xFFFFFFC0];
	vm2 =	veq.f32 v12, $0.0e+00;
	v16 =	vadd.s32 v1, v9;
	v9 =	vmpcnt.ones.xlane vm1;
	(xrf0) =	vadd.scan.msk.s32 $0xffff, v10  }
0x4a: {  	v19 =	vld [tilespmem:s12+$0xFFFFFFD0];
	v5 =	vmpcnt.ones.xlane vm4;
	v8 =	vmpcnt.ones.xlane vm5;
	v13 =	vadd.s32 v16, v11  }
0x4b: {  	v4 =	vld [tilespmem:s10+$0xFFFFFFE0];
	v12 =	vsel vm1, $0x1, v1;
	v11 =	vadd.s32 v13, v9;
	vm3 =	veq.f32 v2, $0.0e+00  }
0x4c: {  	v6 =	vld [tilespmem:s10+$0xFFFFFFD0];
	vm0 =	veq.f32 v3, $0.0e+00;
	v10 =	vadd.s32 v11, v5;
	v14 =	vmpcnt.ones.xlane vm3  }
0x4d: {  	v18 =	vmpcnt.ones.xlane vm2;
	v2 =	vld [tilespmem:s10+$0xFFFFFFF0];
	v15 =	vmpcnt.ones.xlane vm0;
	v9 =	vadd.s32 v10, v8  }
0x4e: {  	v22 =	vsel vm4, $0x1, v1;
	v23 =	vsel vm5, $0x1, v1;
	v3 =	vld [tilespmem:s10+$0x0];
	v8 =	vadd.s32 v9, v14;
	v20, _, _ =	vpop (xrf0);
	(xrf0) =	vadd.scan.msk.s32 $0xffff, v12  }
0x4f: {  	v5 =	vld [tilespmem:s10+$0x10];
	v24 =	vsel vm3, $0x1, v1;
	v21 =	vsel vm0, $0x1, v1;
	v14 =	vadd.s32 v8, v15;
	v12, _, _ =	vpop (xrf0);
	(xrf0) =	vadd.scan.msk.s32 $0xffff, v22  }
0x50: {  	v15 =	vadd.s32 v14, v18;
	v18 =	vadd.s32 v20, v1;
	v12 =	vadd.s32 v12, v16;
	v20 =	vld [tilespmem:s12+$0xFFFFFFE0];
	(xrf0) =	vadd.scan.msk.s32 $0xffff, v23  }
0x51: {  	s13 =	simm.s32 $0x0;
	v22 =	vsel vm2, $0x1, v1;
	v18 =	vadd.s32 $0xFFFFFFFF, v18;
	v16 =	vadd.s32 $0xFFFFFFFF, v12;
	v12 =	vld [tilespmem:s10+$0x20];
	(xrf0) =	vadd.scan.msk.s32 $0xffff, v24  }
.LBB2_2:
0x52: {  	s13 =	sadd.s32 $0x80, s13;
	v23 =	vld [tilespmem:s12+$0xFFFFFFF0];
	(xrf0) =	vadd.scan.msk.s32 $0xffff, v21;
	v24 =	vmov v15  }
0x53: {  	p0 =	slt.u32 s13, $0x3F80;
	v21 =	vld [tilespmem:s12+$0x0];
	(xrf0) =	vadd.scan.msk.s32 $0xffff, v22  }
0x54: {  	v17 =	vshll.u32 v17, $0xC;
	v19 =	vshll.u32 v19, $0xC;
	v22 =	vld [tilespmem:s12+$0x10];
	v25, _, _ =	vpop (xrf0)  }
0x55: {  	v7 =	vor.u32 v7, v17;
	v17 =	vshll.u32 v20, $0xC;
	v13 =	vadd.s32 v25, v13;
	v20 =	vld [tilespmem:s10+$0x30];
	v25, _, _ =	vpop (xrf0)  }
0x56: {  	v6 =	vor.u32 v6, v19;
	[tilespmem:v18+s4+$0x0] =	vst.idx.msk vm6, v7;
	v7 =	vadd.s32 $0xFFFFFFFF, v13;
	v11 =	vadd.s32 v25, v11;
	v13 =	vld [tilespmem:s12+$0x20];
	v18, _, _ =	vpop (xrf0)  }
0x57: {  	s11 =	sadd.s32 $0x80, s11;
	[tilespmem:v16+s4+$0x0] =	vst.idx.msk vm7, v6;
	v6 =	vshll.u32 v23, $0xC;
	v11 =	vadd.s32 $0xFFFFFFFF, v11;
	v10 =	vadd.s32 v18, v10;
	v16 =	vld [tilespmem:s12+$0x30];
	v18, _, _ =	vpop (xrf0)  }
0x58: {  	v19 =	vld [tilespmem:s11+$0xFFFFFFC0];
	v21 =	vshll.u32 v21, $0xC;
	v10 =	vadd.s32 $0xFFFFFFFF, v10;
	v9 =	vadd.s32 v18, v9;
	v18, _, _ =	vpop (xrf0)  }
0x59: {  	v23 =	vld [tilespmem:s11+$0xFFFFFFD0];
	v22 =	vshll.u32 v22, $0xC;
	v9 =	vadd.s32 $0xFFFFFFFF, v9;
	v8 =	vadd.s32 v18, v8;
	v18, _, _ =	vpop (xrf0)  }
0x5a: {  	v4 =	vor.u32 v4, v17;
	v25 =	vld [tilespmem:s11+$0xFFFFFFE0];
	v8 =	vadd.s32 $0xFFFFFFFF, v8;
	v14 =	vadd.s32 v18, v14  }
0x5b: {  	v2 =	vor.u32 v2, v6;
	v17 =	vld [tilespmem:s11+$0xFFFFFFF0];
	[tilespmem:v7+s4+$0x0] =	vst.idx.msk vm1, v4;
	v4 =	vshll.u32 v13, $0xC;
	v14 =	vadd.s32 $0xFFFFFFFF, v14  }
0x5c: {  	v18 =	vld [tilespmem:s11+$0x0];
	[tilespmem:v11+s4+$0x0] =	vst.idx.msk vm4, v2;
	v2 =	vor.u32 v3, v21;
	v3 =	vor.u32 v5, v22;
	v5 =	vshll.u32 v16, $0xC  }
0x5d: {  	vm6 =	veq.f32 v19, $0.0e+00;
	v16 =	vld [tilespmem:s11+$0x10];
	[tilespmem:v10+s4+$0x0] =	vst.idx.msk vm5, v2;
	v2 =	vor.u32 v12, v4;
	v4 =	vor.u32 v20, v5  }
0x5e: {  	v5 =	vsel vm6, $0x1, v1;
	v6 =	vmpcnt.ones.xlane vm6;
	vm7 =	veq.f32 v23, $0.0e+00;
	v12 =	vld [tilespmem:s11+$0x20];
	[tilespmem:v9+s4+$0x0] =	vst.idx.msk vm3, v3  }
0x5f: {  	s10 =	sadd.s32 $0x80, s10;
	v3 =	vsel vm7, $0x1, v1;
	v9 =	vmpcnt.ones.xlane vm7;
	vm1 =	veq.f32 v25, $0.0e+00;
	v19 =	vld [tilespmem:s11+$0x30];
	(xrf0) =	vadd.scan.msk.s32 $0xffff, v5  }
0x60: {  	v7 =	vld [tilespmem:s10+$0xFFFFFFC0];
	v20 =	vadd.s32 v15, v6;
	v5 =	vmpcnt.ones.xlane vm1;
	vm4 =	veq.f32 v17, $0.0e+00;
	(xrf0) =	vadd.scan.msk.s32 $0xffff, v3  }
0x61: {  	v6 =	vld [tilespmem:s10+$0xFFFFFFD0];
	v13 =	vadd.s32 v20, v9;
	v3 =	vmpcnt.ones.xlane vm4;
	vm5 =	veq.f32 v18, $0.0e+00;
	[tilespmem:v14+s4+$0x0] =	vst.idx.msk vm2, v4  }
0x62: {  	v4 =	vld [tilespmem:s10+$0xFFFFFFE0];
	v11 =	vadd.s32 v13, v5;
	v5 =	vmpcnt.ones.xlane vm5;
	vm3 =	veq.f32 v16, $0.0e+00;
	[tilespmem:v8+s4+$0x0] =	vst.idx.msk vm0, v2  }
0x63: {  	v2 =	vld [tilespmem:s10+$0xFFFFFFF0];
	v10 =	vadd.s32 v11, v3;
	v8 =	vmpcnt.ones.xlane vm3;
	vm0 =	veq.f32 v12, $0.0e+00  }
0x64: {  	v3 =	vld [tilespmem:s10+$0x0];
	v9 =	vadd.s32 v10, v5;
	v21 =	vmpcnt.ones.xlane vm0;
	vm2 =	veq.f32 v19, $0.0e+00  }
.Ltmp2:
0x65: {  	s12 =	sadd.s32 $0x80, s12;
	v15 =	vsel vm1, $0x1, v1;
	v5 =	vld [tilespmem:s10+$0x10];
	v8 =	vadd.s32 v9, v8;
	v16 =	vmpcnt.ones.xlane vm2;
	v18, _, _ =	vpop (xrf0);
	(pc) =	sbr.rel @p0 .LBB2_2-.Ltmp2, $4  }
0x66: {  	v22 =	vsel vm4, $0x1, v1;
	v23 =	vsel vm5, $0x1, v1;
	v17 =	vld [tilespmem:s12+$0xFFFFFFC0];
	v14 =	vadd.s32 v8, v21;
	v12, _, _ =	vpop (xrf0);
	(xrf0) =	vadd.scan.msk.s32 $0xffff, v15  }
0x67: {  	v25 =	vsel vm3, $0x1, v1;
	v21 =	vsel vm0, $0x1, v1;
	v19 =	vld [tilespmem:s12+$0xFFFFFFD0];
	v15 =	vadd.s32 v14, v16;
	(xrf0) =	vadd.scan.msk.s32 $0xffff, v22  }
0x68: {  	v16 =	vadd.s32 v18, v24;
	v12 =	vadd.s32 v12, v20;
	v22 =	vsel vm2, $0x1, v1;
	v20 =	vld [tilespmem:s12+$0xFFFFFFE0];
	(xrf0) =	vadd.scan.msk.s32 $0xffff, v23  }
0x69: {  	v18 =	vadd.s32 $0xFFFFFFFF, v16;
	v16 =	vadd.s32 $0xFFFFFFFF, v12;
	v12 =	vld [tilespmem:s10+$0x20];
	(xrf0) =	vadd.scan.msk.s32 $0xffff, v25  }
0x6a: {  	(v2sf) =	vpush v15, $0x0;
	_ =	sdelay $0x6  }
0x6b: {  	(xrf0) =	vadd.scan.msk.s32 $0xffff, v21  }
0x6c: {  	(xrf0) =	vadd.scan.msk.s32 $0xffff, v22  }
0x6d: {  	v48, _, _ =	vpop (xrf0)  }
0x6e: {  	v49 =	vld [tilespmem:s12+$0xFFFFFFF0];
	v17 =	vshll.u32 v17, $0xC;
	v19 =	vshll.u32 v19, $0xC;
	v50, _, _ =	vpop (xrf0);
	v13 =	vadd.s32 v48, v13  }
0x6f: {  	v23 =	vld [tilespmem:s12+$0x0];
	v7 =	vor.u32 v7, v17;
	v51, _, _ =	vpop (xrf0);
	v13 =	vadd.s32 $0xFFFFFFFF, v13;
	v11 =	vadd.s32 v50, v11  }
0x70: {  	v24 =	vld [tilespmem:s12+$0x10];
	v20 =	vshll.u32 v20, $0xC;
	v52, _, _ =	vpop (xrf0);
	v11 =	vadd.s32 $0xFFFFFFFF, v11;
	v10 =	vadd.s32 v51, v10  }
0x71: {  	v57 =	vld [tilespmem:s12+$0x20];
	v6 =	vor.u32 v6, v19;
	v54, _, _ =	vpop (xrf0);
	v10 =	vadd.s32 $0xFFFFFFFF, v10;
	v9 =	vadd.s32 v52, v9  }
0x72: {  	v55 =	vld [tilespmem:s12+$0x30];
	[tilespmem:v18+s4+$0x0] =	vst.idx.msk vm6, v7;
	v4 =	vor.u32 v4, v20;
	v56, _, _ =	vpop (xrf0);
	v9 =	vadd.s32 $0xFFFFFFFF, v9;
	v59 =	vadd.s32 v54, v8  }
0x73: {  	v53 =	vld [tilespmem:s10+$0x30];
	[tilespmem:v16+s4+$0x0] =	vst.idx.msk vm7, v6;
	v58 =	vshll.u32 v49, $0xC;
	v14 =	vadd.s32 v56, v14;
	v6 =	vadd.s32 $0xFFFFFFFF, v59;
	s12 =	spop (v2sf)  }
0x74: {  	v61 =	vshll.u32 v23, $0xC;
	v2 =	vor.u32 v2, v58;
	v60 =	vadd.s32 $0xFFFFFFFF, v14;
	[tilespmem:v13+s4+$0x0] =	vst.idx.msk vm1, v4;
	p0 =	slt.s32 s12, $0x1  }
.Ltmp3:
0x75: {  	v62 =	vshll.u32 v24, $0xC;
	[tilespmem:v11+s4+$0x0] =	vst.idx.msk vm4, v2;
	v2 =	vor.u32 v3, v61;
	(pc) =	sbr.rel @p0 .LBB2_13-.Ltmp3, $4  }
0x76: {  	v3 =	vor.u32 v5, v62;
	[tilespmem:v10+s4+$0x0] =	vst.idx.msk vm5, v2;
	v2 =	vshll.u32 v57, $0xC  }
0x77: {  	v63 =	vshll.u32 v55, $0xC;
	[tilespmem:v9+s4+$0x0] =	vst.idx.msk vm3, v3;
	v2 =	vor.u32 v12, v2  }
0x78: {  	v4 =	vor.u32 v53, v63;
	[tilespmem:v6+s4+$0x0] =	vst.idx.msk vm0, v2  }
0x79: {  	[tilespmem:v60+s4+$0x0] =	vst.idx.msk vm2, v4  }
0x7a: {  	s10 =	sadd.s32 $0x7F, s12  }
0x7b: {  	s11 =	sand.u32 $0x7F, s10  }
0x7c: {  	s13 =	sshra.s32 s10, $0x1F;
	p0 =	slt.s32 s10, $0x0;
	p1 =	sne.s32 s11, $0x0  }
0x7d: {  	s14 =	sshrl.u32 s13, $0x19;
	p0 =	por !p0, !p1  }
0x7e: {  	s11 =	simm.s32 $0x1;
	s10 =	sadd.s32 s14, s10;
	p0 =	por !p0, !p0  }
0x7f: {  	s10 =	sshra.s32 s10, $0x7;
	s11 =	simm.s32 @!p0 $0x0  }
0x80: {  	s10 =	ssub.s32 s10, s11  }
0x81: {  	s11 =	sshrl.u32 s10, $0x1F  }
0x82: {  	v2 =	vld.msk [tilespmem:$0x18000 ss:$0x0], $0xffff;
	s11 =	sadd.s32 s11, s10  }
0x83: {  	s15 =	sand.u32 $0xFFFFFFFE, s11  }
0x84: {  	p5 =	slt.s32 s10, $0x1;
	p6 =	sne.s32 s10, s15  }
0x85: {  	p0 =	por !p5, !p6  }
0x86: {  	s13 =	simm.s32 $0x1;
	p0 =	por !p0, !p0  }
0x87: {  	[tilespmem:s12+$0x18000] =	vst v2;
	s11 =	sshra.s32 s11, $0x1;
	s13 =	simm.s32 @!p0 $0x0  }
0x88: {  	[tilespmem:s12+$0x18010] =	vst v2;
	s11 =	ssub.s32 s11, s13  }
0x89: {  	[tilespmem:s12+$0x18020] =	vst v2;
	p1 =	slt.s32 s11, $0x1  }
.Ltmp4:
0x8a: {  	[tilespmem:s12+$0x18030] =	vst v2;
	(pc) =	sbr.rel @p1 .LBB2_8-.Ltmp4, $4  }
0x8b: {  	[tilespmem:s12+$0x18040] =	vst v2  }
0x8c: {  	[tilespmem:s12+$0x18050] =	vst v2  }
0x8d: {  	[tilespmem:s12+$0x18060] =	vst v2  }
0x8e: {  	[tilespmem:s12+$0x18070] =	vst v2;
	s12 =	simm.s32 $0x18080  }
0x8f: {  	p0 =	sne.s32 s11, $0x1  }
.Ltmp5:
0x90: {  	_ = 	snop;
	(pc) =	sbr.rel @!p0 .LBB2_7-.Ltmp5, $4  }
0x91: {  	_ = 	snop  }
0x92: {  	s13 =	simm.s32 $0x18000  }
0x93: {  	[hbm4b:s28+s5] =	stream.indirect.scatter [tilespmem:s6], [sflag:$0x2], $0x1, s13, s5, $0xb8;
	[tilespmem:$0x1C180] =	vst v63  }
0x94: {  	s14 =	simm.s32 $0x18180;
	s13 =	sadd.s32 $0xFFFFFFFF, s11  }
.LBB2_6:
0x95: {  	[hbm4b:s28+s5] =	stream.indirect.scatter [tilespmem:s6], [sflag:$0x3], $0x1, s12, s5, $0xb8;
	[tilespmem:$0x1C180] =	vst v63  }
0x96: {  	p0 =	sne.s32 s13, $0x1  }
.Ltmp6:
0x97: {  	s13 =	sadd.s32 $0xFFFFFFFF, s13;
	(pc) =	sbr.rel @p0 .LBB2_6-.Ltmp6, $4  }
0x98: {  	s12 =	smov.u32 s14  }
0x99: {  	s15 =	sadd.s32 $0xFFFFFF80, s14  }
0x9a: {  	[hbm4b:s28+s5] =	stream.indirect.scatter [tilespmem:s6], [sflag:$0x2], $0x1, s15, s5, $0xb8;
	[tilespmem:$0x1C180] =	vst v63  }
0x9b: {  	s14 =	sadd.s32 $0x100, s14  }
.LBB2_7:
0x9c: {  	[hbm4b:s28+s5] =	stream.indirect.scatter [tilespmem:s6], [sflag:$0x3], $0x1, s12, s5, $0xb8;
	[tilespmem:$0x1C180] =	vst v63  }
.LBB2_8:
0x9d: {  	s12 =	sand.u32 $0x1, s10  }
.Ltmp7:
0x9e: {  	p0 =	seq.s32 s12, $0x0;
	(pc) =	sbr.rel @p1 .LBB2_12-.Ltmp7, $4  }
0x9f: {  	s10 =	sshll.u32 @!p0 s10, $0x9  }
0xa0: {  	s10 =	sshra.s32 @!p0 s10, $0x2  }
0xa1: {  	s12 =	simm.s32 @!p0 $0x80;
	s13 =	simm.s32 @!p0 $0x1C100;
	s10 =	sadd.s32 @!p0 $0x17F80, s10  }
0xa2: {  	[hbm4b:s28+s12] =	stream.indirect.scatter @!p0 [tilespmem:s13], [sflag:$0x2], $0x1, s10, s12, $0xb8;
	[tilespmem:$0x1C180] =	vst v63  }
0xa3: {  	p1 =	sne.s32 s11, $0x1  }
.Ltmp8:
0xa4: {  	_ =	swait.ge [sflag:s7], $0x80;
	(pc) =	sbr.rel @!p1 .LBB2_11-.Ltmp8, $4  }
0xa5: {  	[sflag:s7] =	ssyncset.done $0x0  }
0xa6: {  	[sflag:s7] =	ssyncadd.s32 $0xFFFFFF80  }
0xa7: {  	_ =	swait.ge [sflag:s8], $0x80  }
0xa8: {  	s10 =	sadd.s32 $0xFFFFFFFF, s11;
	[sflag:s8] =	ssyncset.done $0x0  }
.LBB2_10:
0xa9: {  	p1 =	sne.s32 s10, $0x1;
	s10 =	sadd.s32 $0xFFFFFFFF, s10;
	[sflag:s8] =	ssyncadd.s32 $0xFFFFFF80  }
.Ltmp9:
0xaa: {  	_ =	swait.ge [sflag:s7], $0x80;
	(pc) =	sbr.rel @p1 .LBB2_10-.Ltmp9, $4  }
0xab: {  	[sflag:s7] =	ssyncset.done $0x0  }
0xac: {  	[sflag:s7] =	ssyncadd.s32 $0xFFFFFF80  }
0xad: {  	_ =	swait.ge [sflag:s8], $0x80  }
0xae: {  	[sflag:s8] =	ssyncset.done $0x0  }
.LBB2_11:
0xaf: {  	[sflag:s8] =	ssyncadd.s32 $0xFFFFFF80  }
.LBB2_12:
0xb0: {  	s10 =	simm.s32 @!p0 $0x2  }
0xb1: {  	_ =	swait.ge @!p0 [sflag:s10], $0x80  }
0xb2: {  	[sflag:s10] =	ssyncset.done @!p0 $0x0  }
0xb3: {  	[sflag:s10] =	ssyncadd.s32 @!p0 $0xFFFFFF80  }
.LBB2_13:
0xb4: {  	_ =	swait.ge [sflag:s21], $0x4000  }
0xb5: {  	[sflag:s21] =	ssyncset.done $0x0  }
0xb6: {  	[sflag:s21] =	ssyncadd.s32 $0xFFFFC000  }
0xb7: {  	_ =	swait.ge [sflag:s21], $0x4000  }
0xb8: {  	[sflag:s21] =	ssyncset.done $0x0  }
0xb9: {  	[sflag:s21] =	ssyncadd.s32 $0xFFFFC000  }
0xba: {  	_ =	swait.ge [sflag:s21], $0x4000  }
0xbb: {  	[sflag:s21] =	ssyncset.done $0x0  }
0xbc: {  	s10 =	rddreg [dreg:$0xb];
	[sflag:s21] =	ssyncadd.s32 $0xFFFFC000  }
0xbd: {  	[tilespmem:s1], [sflag:$0x1] =	stream.linear.gather [hbm4b:s10+s1], $0x4000, $0x38;
	[tilespmem:$0x1C180] =	vst v63  }
0xbe: {  	s14 =	rddreg [dreg:$0xc]  }
0xbf: {  	[tilespmem:s30], [sflag:$0x1] =	stream.linear.gather [hbm4b:s14+s1], $0x4000, $0x38;
	[tilespmem:$0x1C180] =	vst v63  }
0xc0: {  	s11 =	simm.s32 $0x14040;
	s15 =	rddreg [dreg:$0xd]  }
0xc1: {  	[tilespmem:s31], [sflag:$0x1] =	stream.linear.gather [hbm4b:s15+s1], $0x4000, $0x38;
	[tilespmem:$0x1C180] =	vst v63  }
0xc2: {  	v2 =	vld [tilespmem:s11+$0xFFFFFFC0]  }
0xc3: {  	v3 =	vld [tilespmem:s11+$0xFFFFFFD0]  }
0xc4: {  	v4 =	vld [tilespmem:s11+$0xFFFFFFE0]  }
0xc5: {  	v5 =	vld [tilespmem:s11+$0xFFFFFFF0]  }
0xc6: {  	v8 =	vld [tilespmem:s11+$0x0];
	_ =	sdelay $0x1  }
0xc7: {  	vm7 =	veq.f32 v3, $0.0e+00;
	v3 =	vld [tilespmem:s11+$0x20]  }
0xc8: {  	v12 =	vimm.s32 $0x0;
	vm6 =	veq.f32 v2, $0.0e+00;
	v2 =	vld [tilespmem:s11+$0x10];
	vm1 =	veq.f32 v4, $0.0e+00  }
0xc9: {  	s10 =	simm.s32 $0xC040;
	v14 =	vld [tilespmem:s11+$0x30];
	vm4 =	veq.f32 v5, $0.0e+00;
	v6 =	vsel vm6, $0x1, v1;
	v9 =	vmpcnt.ones.xlane vm6  }
0xca: {  	s12 =	simm.s32 $0x4040;
	v7 =	vld [tilespmem:s10+$0xFFFFFFC0];
	vm5 =	veq.f32 v8, $0.0e+00;
	v10 =	vsel vm7, $0x1, v1;
	v11 =	vmpcnt.ones.xlane vm7;
	(xrf0) =	vadd.scan.msk.s32 $0xffff, v6  }
0xcb: {  	v17 =	vld [tilespmem:s12+$0xFFFFFFC0];
	v5 =	vmpcnt.ones.xlane vm4;
	v16 =	vadd.s32 v12, v9;
	v9 =	vmpcnt.ones.xlane vm1;
	(xrf0) =	vadd.scan.msk.s32 $0xffff, v10  }
0xcc: {  	v19 =	vld [tilespmem:s12+$0xFFFFFFD0];
	v8 =	vmpcnt.ones.xlane vm5;
	v13 =	vadd.s32 v16, v11;
	vm0 =	veq.f32 v3, $0.0e+00  }
0xcd: {  	v4 =	vld [tilespmem:s10+$0xFFFFFFE0];
	v11 =	vadd.s32 v13, v9;
	vm3 =	veq.f32 v2, $0.0e+00;
	v18 =	vmpcnt.ones.xlane vm0  }
0xce: {  	vm2 =	veq.f32 v14, $0.0e+00;
	v6 =	vld [tilespmem:s10+$0xFFFFFFD0];
	v10 =	vadd.s32 v11, v5;
	v15 =	vmpcnt.ones.xlane vm3  }
0xcf: {  	v14 =	vsel vm1, $0x1, v1;
	v22 =	vsel vm4, $0x1, v1;
	v2 =	vld [tilespmem:s10+$0xFFFFFFF0];
	v9 =	vadd.s32 v10, v8  }
0xd0: {  	v23 =	vsel vm5, $0x1, v1;
	v3 =	vld [tilespmem:s10+$0x0];
	v24 =	vsel vm3, $0x1, v1;
	v8 =	vadd.s32 v9, v15;
	v20, _, _ =	vpop (xrf0);
	(xrf0) =	vadd.scan.msk.s32 $0xffff, v14  }
0xd1: {  	v5 =	vld [tilespmem:s10+$0x10];
	v21 =	vsel vm0, $0x1, v1;
	v15 =	vmpcnt.ones.xlane vm2;
	v14 =	vadd.s32 v8, v18;
	(xrf0) =	vadd.scan.msk.s32 $0xffff, v22;
	v18, _, _ =	vpop (xrf0)  }
0xd2: {  	v12 =	vadd.s32 v20, v12;
	v20 =	vld [tilespmem:s12+$0xFFFFFFE0];
	v22 =	vsel vm2, $0x1, v1;
	(xrf0) =	vadd.scan.msk.s32 $0xffff, v23;
	v16 =	vadd.s32 v18, v16  }
0xd3: {  	s13 =	simm.s32 $0x0;
	v15 =	vadd.s32 v14, v15;
	v18 =	vadd.s32 $0xFFFFFFFF, v12;
	v12 =	vld [tilespmem:s10+$0x20];
	(xrf0) =	vadd.scan.msk.s32 $0xffff, v24;
	v16 =	vadd.s32 $0xFFFFFFFF, v16  }
.LBB2_14:
0xd4: {  	s13 =	sadd.s32 $0x80, s13;
	v23 =	vld [tilespmem:s12+$0xFFFFFFF0];
	(xrf0) =	vadd.scan.msk.s32 $0xffff, v21;
	v24 =	vmov v15  }
0xd5: {  	p0 =	slt.u32 s13, $0x3F80;
	v21 =	vld [tilespmem:s12+$0x0];
	(xrf0) =	vadd.scan.msk.s32 $0xffff, v22  }
0xd6: {  	v17 =	vshll.u32 v17, $0xC;
	v19 =	vshll.u32 v19, $0xC;
	v22 =	vld [tilespmem:s12+$0x10];
	v25, _, _ =	vpop (xrf0)  }
0xd7: {  	v7 =	vor.u32 v7, v17;
	v17 =	vshll.u32 v20, $0xC;
	v13 =	vadd.s32 v25, v13;
	v20 =	vld [tilespmem:s10+$0x30];
	v25, _, _ =	vpop (xrf0)  }
0xd8: {  	v6 =	vor.u32 v6, v19;
	[tilespmem:v18+s4+$0x0] =	vst.idx.msk vm6, v7;
	v7 =	vadd.s32 $0xFFFFFFFF, v13;
	v11 =	vadd.s32 v25, v11;
	v13 =	vld [tilespmem:s12+$0x20];
	v18, _, _ =	vpop (xrf0)  }
0xd9: {  	s11 =	sadd.s32 $0x80, s11;
	[tilespmem:v16+s4+$0x0] =	vst.idx.msk vm7, v6;
	v6 =	vshll.u32 v23, $0xC;
	v11 =	vadd.s32 $0xFFFFFFFF, v11;
	v10 =	vadd.s32 v18, v10;
	v16 =	vld [tilespmem:s12+$0x30];
	v18, _, _ =	vpop (xrf0)  }
0xda: {  	v19 =	vld [tilespmem:s11+$0xFFFFFFC0];
	v21 =	vshll.u32 v21, $0xC;
	v10 =	vadd.s32 $0xFFFFFFFF, v10;
	v9 =	vadd.s32 v18, v9;
	v18, _, _ =	vpop (xrf0)  }
0xdb: {  	v23 =	vld [tilespmem:s11+$0xFFFFFFD0];
	v22 =	vshll.u32 v22, $0xC;
	v9 =	vadd.s32 $0xFFFFFFFF, v9;
	v8 =	vadd.s32 v18, v8;
	v18, _, _ =	vpop (xrf0)  }
0xdc: {  	v4 =	vor.u32 v4, v17;
	v25 =	vld [tilespmem:s11+$0xFFFFFFE0];
	v8 =	vadd.s32 $0xFFFFFFFF, v8;
	v14 =	vadd.s32 v18, v14  }
0xdd: {  	v2 =	vor.u32 v2, v6;
	v17 =	vld [tilespmem:s11+$0xFFFFFFF0];
	[tilespmem:v7+s4+$0x0] =	vst.idx.msk vm1, v4;
	v4 =	vshll.u32 v13, $0xC;
	v14 =	vadd.s32 $0xFFFFFFFF, v14  }
0xde: {  	v18 =	vld [tilespmem:s11+$0x0];
	[tilespmem:v11+s4+$0x0] =	vst.idx.msk vm4, v2;
	v2 =	vor.u32 v3, v21;
	v3 =	vor.u32 v5, v22;
	v5 =	vshll.u32 v16, $0xC  }
0xdf: {  	vm6 =	veq.f32 v19, $0.0e+00;
	v16 =	vld [tilespmem:s11+$0x10];
	[tilespmem:v10+s4+$0x0] =	vst.idx.msk vm5, v2;
	v2 =	vor.u32 v12, v4;
	v4 =	vor.u32 v20, v5  }
0xe0: {  	v5 =	vsel vm6, $0x1, v1;
	v6 =	vmpcnt.ones.xlane vm6;
	vm7 =	veq.f32 v23, $0.0e+00;
	v12 =	vld [tilespmem:s11+$0x20];
	[tilespmem:v9+s4+$0x0] =	vst.idx.msk vm3, v3  }
0xe1: {  	s10 =	sadd.s32 $0x80, s10;
	v3 =	vsel vm7, $0x1, v1;
	v9 =	vmpcnt.ones.xlane vm7;
	vm1 =	veq.f32 v25, $0.0e+00;
	v19 =	vld [tilespmem:s11+$0x30];
	(xrf0) =	vadd.scan.msk.s32 $0xffff, v5  }
0xe2: {  	v7 =	vld [tilespmem:s10+$0xFFFFFFC0];
	v20 =	vadd.s32 v15, v6;
	v5 =	vmpcnt.ones.xlane vm1;
	vm4 =	veq.f32 v17, $0.0e+00;
	(xrf0) =	vadd.scan.msk.s32 $0xffff, v3  }
0xe3: {  	v6 =	vld [tilespmem:s10+$0xFFFFFFD0];
	v13 =	vadd.s32 v20, v9;
	v3 =	vmpcnt.ones.xlane vm4;
	vm5 =	veq.f32 v18, $0.0e+00;
	[tilespmem:v14+s4+$0x0] =	vst.idx.msk vm2, v4  }
0xe4: {  	v4 =	vld [tilespmem:s10+$0xFFFFFFE0];
	v11 =	vadd.s32 v13, v5;
	v5 =	vmpcnt.ones.xlane vm5;
	vm3 =	veq.f32 v16, $0.0e+00;
	[tilespmem:v8+s4+$0x0] =	vst.idx.msk vm0, v2  }
0xe5: {  	v2 =	vld [tilespmem:s10+$0xFFFFFFF0];
	v10 =	vadd.s32 v11, v3;
	v8 =	vmpcnt.ones.xlane vm3;
	vm0 =	veq.f32 v12, $0.0e+00  }
0xe6: {  	v3 =	vld [tilespmem:s10+$0x0];
	v9 =	vadd.s32 v10, v5;
	v21 =	vmpcnt.ones.xlane vm0;
	vm2 =	veq.f32 v19, $0.0e+00  }
.Ltmp10:
0xe7: {  	s12 =	sadd.s32 $0x80, s12;
	v15 =	vsel vm1, $0x1, v1;
	v5 =	vld [tilespmem:s10+$0x10];
	v8 =	vadd.s32 v9, v8;
	v16 =	vmpcnt.ones.xlane vm2;
	v18, _, _ =	vpop (xrf0);
	(pc) =	sbr.rel @p0 .LBB2_14-.Ltmp10, $4  }
0xe8: {  	v22 =	vsel vm4, $0x1, v1;
	v23 =	vsel vm5, $0x1, v1;
	v17 =	vld [tilespmem:s12+$0xFFFFFFC0];
	v14 =	vadd.s32 v8, v21;
	v12, _, _ =	vpop (xrf0);
	(xrf0) =	vadd.scan.msk.s32 $0xffff, v15  }
0xe9: {  	v25 =	vsel vm3, $0x1, v1;
	v21 =	vsel vm0, $0x1, v1;
	v19 =	vld [tilespmem:s12+$0xFFFFFFD0];
	v15 =	vadd.s32 v14, v16;
	(xrf0) =	vadd.scan.msk.s32 $0xffff, v22  }
0xea: {  	v16 =	vadd.s32 v18, v24;
	v12 =	vadd.s32 v12, v20;
	v22 =	vsel vm2, $0x1, v1;
	v20 =	vld [tilespmem:s12+$0xFFFFFFE0];
	(xrf0) =	vadd.scan.msk.s32 $0xffff, v23  }
0xeb: {  	v18 =	vadd.s32 $0xFFFFFFFF, v16;
	v16 =	vadd.s32 $0xFFFFFFFF, v12;
	v12 =	vld [tilespmem:s10+$0x20];
	(xrf0) =	vadd.scan.msk.s32 $0xffff, v25  }
0xec: {  	(v2sf) =	vpush v15, $0x0;
	_ =	sdelay $0x6  }
0xed: {  	(xrf0) =	vadd.scan.msk.s32 $0xffff, v21  }
0xee: {  	(xrf0) =	vadd.scan.msk.s32 $0xffff, v22  }
0xef: {  	v48, _, _ =	vpop (xrf0)  }
0xf0: {  	v49 =	vld [tilespmem:s12+$0xFFFFFFF0];
	v17 =	vshll.u32 v17, $0xC;
	v19 =	vshll.u32 v19, $0xC;
	v50, _, _ =	vpop (xrf0);
	v13 =	vadd.s32 v48, v13  }
0xf1: {  	v23 =	vld [tilespmem:s12+$0x0];
	v7 =	vor.u32 v7, v17;
	v51, _, _ =	vpop (xrf0);
	v13 =	vadd.s32 $0xFFFFFFFF, v13;
	v11 =	vadd.s32 v50, v11  }
0xf2: {  	v24 =	vld [tilespmem:s12+$0x10];
	v20 =	vshll.u32 v20, $0xC;
	v52, _, _ =	vpop (xrf0);
	v11 =	vadd.s32 $0xFFFFFFFF, v11;
	v10 =	vadd.s32 v51, v10  }
0xf3: {  	v57 =	vld [tilespmem:s12+$0x20];
	v6 =	vor.u32 v6, v19;
	v54, _, _ =	vpop (xrf0);
	v10 =	vadd.s32 $0xFFFFFFFF, v10;
	v9 =	vadd.s32 v52, v9  }
0xf4: {  	v55 =	vld [tilespmem:s12+$0x30];
	[tilespmem:v18+s4+$0x0] =	vst.idx.msk vm6, v7;
	v4 =	vor.u32 v4, v20;
	v56, _, _ =	vpop (xrf0);
	v9 =	vadd.s32 $0xFFFFFFFF, v9;
	v59 =	vadd.s32 v54, v8  }
0xf5: {  	v53 =	vld [tilespmem:s10+$0x30];
	[tilespmem:v16+s4+$0x0] =	vst.idx.msk vm7, v6;
	v58 =	vshll.u32 v49, $0xC;
	v14 =	vadd.s32 v56, v14;
	v6 =	vadd.s32 $0xFFFFFFFF, v59;
	s12 =	spop (v2sf)  }
0xf6: {  	v61 =	vshll.u32 v23, $0xC;
	v2 =	vor.u32 v2, v58;
	v60 =	vadd.s32 $0xFFFFFFFF, v14;
	[tilespmem:v13+s4+$0x0] =	vst.idx.msk vm1, v4;
	p0 =	slt.s32 s12, $0x1  }
.Ltmp11:
0xf7: {  	v62 =	vshll.u32 v24, $0xC;
	[tilespmem:v11+s4+$0x0] =	vst.idx.msk vm4, v2;
	v2 =	vor.u32 v3, v61;
	(pc) =	sbr.rel @p0 .LBB2_25-.Ltmp11, $4  }
0xf8: {  	v3 =	vor.u32 v5, v62;
	[tilespmem:v10+s4+$0x0] =	vst.idx.msk vm5, v2;
	v2 =	vshll.u32 v57, $0xC  }
0xf9: {  	v63 =	vshll.u32 v55, $0xC;
	[tilespmem:v9+s4+$0x0] =	vst.idx.msk vm3, v3;
	v2 =	vor.u32 v12, v2  }
0xfa: {  	v4 =	vor.u32 v53, v63;
	[tilespmem:v6+s4+$0x0] =	vst.idx.msk vm0, v2  }
0xfb: {  	[tilespmem:v60+s4+$0x0] =	vst.idx.msk vm2, v4  }
0xfc: {  	s10 =	sadd.s32 $0x7F, s12  }
0xfd: {  	s11 =	sand.u32 $0x7F, s10  }
0xfe: {  	s13 =	sshra.s32 s10, $0x1F;
	p0 =	slt.s32 s10, $0x0;
	p1 =	sne.s32 s11, $0x0  }
0xff: {  	s14 =	sshrl.u32 s13, $0x19;
	p0 =	por !p0, !p1  }
0x100: {  	s11 =	simm.s32 $0x1;
	s10 =	sadd.s32 s14, s10;
	p0 =	por !p0, !p0  }
0x101: {  	s10 =	sshra.s32 s10, $0x7;
	s11 =	simm.s32 @!p0 $0x0  }
0x102: {  	s10 =	ssub.s32 s10, s11  }
0x103: {  	s11 =	sshrl.u32 s10, $0x1F  }
0x104: {  	v2 =	vld.msk [tilespmem:$0x18000 ss:$0x0], $0xffff;
	s11 =	sadd.s32 s11, s10  }
0x105: {  	s15 =	sand.u32 $0xFFFFFFFE, s11  }
0x106: {  	p5 =	slt.s32 s10, $0x1;
	p6 =	sne.s32 s10, s15  }
0x107: {  	p0 =	por !p5, !p6  }
0x108: {  	s13 =	simm.s32 $0x1;
	p0 =	por !p0, !p0  }
0x109: {  	[tilespmem:s12+$0x18000] =	vst v2;
	s11 =	sshra.s32 s11, $0x1;
	s13 =	simm.s32 @!p0 $0x0  }
0x10a: {  	[tilespmem:s12+$0x18010] =	vst v2;
	s11 =	ssub.s32 s11, s13  }
0x10b: {  	[tilespmem:s12+$0x18020] =	vst v2;
	p1 =	slt.s32 s11, $0x1  }
.Ltmp12:
0x10c: {  	[tilespmem:s12+$0x18030] =	vst v2;
	(pc) =	sbr.rel @p1 .LBB2_20-.Ltmp12, $4  }
0x10d: {  	[tilespmem:s12+$0x18040] =	vst v2  }
0x10e: {  	[tilespmem:s12+$0x18050] =	vst v2  }
0x10f: {  	[tilespmem:s12+$0x18060] =	vst v2  }
0x110: {  	[tilespmem:s12+$0x18070] =	vst v2;
	s12 =	simm.s32 $0x18080  }
0x111: {  	p0 =	sne.s32 s11, $0x1  }
.Ltmp13:
0x112: {  	_ = 	snop;
	(pc) =	sbr.rel @!p0 .LBB2_19-.Ltmp13, $4  }
0x113: {  	_ = 	snop  }
0x114: {  	s13 =	simm.s32 $0x18000  }
0x115: {  	[hbm4b:s28+s5] =	stream.indirect.scatter [tilespmem:s6], [sflag:$0x2], $0x1, s13, s5, $0xb8;
	[tilespmem:$0x1C180] =	vst v63  }
0x116: {  	s14 =	simm.s32 $0x18180;
	s13 =	sadd.s32 $0xFFFFFFFF, s11  }
.LBB2_18:
0x117: {  	[hbm4b:s28+s5] =	stream.indirect.scatter [tilespmem:s6], [sflag:$0x3], $0x1, s12, s5, $0xb8;
	[tilespmem:$0x1C180] =	vst v63  }
0x118: {  	p0 =	sne.s32 s13, $0x1  }
.Ltmp14:
0x119: {  	s13 =	sadd.s32 $0xFFFFFFFF, s13;
	(pc) =	sbr.rel @p0 .LBB2_18-.Ltmp14, $4  }
0x11a: {  	s12 =	smov.u32 s14  }
0x11b: {  	s15 =	sadd.s32 $0xFFFFFF80, s14  }
0x11c: {  	[hbm4b:s28+s5] =	stream.indirect.scatter [tilespmem:s6], [sflag:$0x2], $0x1, s15, s5, $0xb8;
	[tilespmem:$0x1C180] =	vst v63  }
0x11d: {  	s14 =	sadd.s32 $0x100, s14  }
.LBB2_19:
0x11e: {  	[hbm4b:s28+s5] =	stream.indirect.scatter [tilespmem:s6], [sflag:$0x3], $0x1, s12, s5, $0xb8;
	[tilespmem:$0x1C180] =	vst v63  }
.LBB2_20:
0x11f: {  	s12 =	sand.u32 $0x1, s10  }
.Ltmp15:
0x120: {  	p0 =	seq.s32 s12, $0x0;
	(pc) =	sbr.rel @p1 .LBB2_24-.Ltmp15, $4  }
0x121: {  	s10 =	sshll.u32 @!p0 s10, $0x9  }
0x122: {  	s10 =	sshra.s32 @!p0 s10, $0x2  }
0x123: {  	s12 =	simm.s32 @!p0 $0x80;
	s13 =	simm.s32 @!p0 $0x1C100;
	s10 =	sadd.s32 @!p0 $0x17F80, s10  }
0x124: {  	[hbm4b:s28+s12] =	stream.indirect.scatter @!p0 [tilespmem:s13], [sflag:$0x2], $0x1, s10, s12, $0xb8;
	[tilespmem:$0x1C180] =	vst v63  }
0x125: {  	p1 =	sne.s32 s11, $0x1  }
.Ltmp16:
0x126: {  	_ =	swait.ge [sflag:s7], $0x80;
	(pc) =	sbr.rel @!p1 .LBB2_23-.Ltmp16, $4  }
0x127: {  	[sflag:s7] =	ssyncset.done $0x0  }
0x128: {  	[sflag:s7] =	ssyncadd.s32 $0xFFFFFF80  }
0x129: {  	_ =	swait.ge [sflag:s8], $0x80  }
0x12a: {  	s10 =	sadd.s32 $0xFFFFFFFF, s11;
	[sflag:s8] =	ssyncset.done $0x0  }
.LBB2_22:
0x12b: {  	p1 =	sne.s32 s10, $0x1;
	s10 =	sadd.s32 $0xFFFFFFFF, s10;
	[sflag:s8] =	ssyncadd.s32 $0xFFFFFF80  }
.Ltmp17:
0x12c: {  	_ =	swait.ge [sflag:s7], $0x80;
	(pc) =	sbr.rel @p1 .LBB2_22-.Ltmp17, $4  }
0x12d: {  	[sflag:s7] =	ssyncset.done $0x0  }
0x12e: {  	[sflag:s7] =	ssyncadd.s32 $0xFFFFFF80  }
0x12f: {  	_ =	swait.ge [sflag:s8], $0x80  }
0x130: {  	[sflag:s8] =	ssyncset.done $0x0  }
.LBB2_23:
0x131: {  	[sflag:s8] =	ssyncadd.s32 $0xFFFFFF80  }
.LBB2_24:
0x132: {  	s10 =	simm.s32 @!p0 $0x2  }
0x133: {  	_ =	swait.ge @!p0 [sflag:s10], $0x80  }
0x134: {  	[sflag:s10] =	ssyncset.done @!p0 $0x0  }
0x135: {  	[sflag:s10] =	ssyncadd.s32 @!p0 $0xFFFFFF80  }
.LBB2_25:
0x136: {  	_ =	swait.ge [sflag:s21], $0x4000  }
0x137: {  	[sflag:s21] =	ssyncset.done $0x0  }
0x138: {  	[sflag:s21] =	ssyncadd.s32 $0xFFFFC000  }
0x139: {  	_ =	swait.ge [sflag:s21], $0x4000  }
0x13a: {  	[sflag:s21] =	ssyncset.done $0x0  }
0x13b: {  	[sflag:s21] =	ssyncadd.s32 $0xFFFFC000  }
0x13c: {  	_ =	swait.ge [sflag:s21], $0x4000  }
0x13d: {  	[sflag:s21] =	ssyncset.done $0x0  }
0x13e: {  	s10 =	rddreg [dreg:$0xe];
	[sflag:s21] =	ssyncadd.s32 $0xFFFFC000  }
0x13f: {  	[tilespmem:s0], [sflag:$0x1] =	stream.linear.gather [hbm4b:s10+s1], $0x4000, $0x38;
	[tilespmem:$0x1C180] =	vst v63  }
0x140: {  	s14 =	rddreg [dreg:$0xf]  }
0x141: {  	[tilespmem:s2], [sflag:$0x1] =	stream.linear.gather [hbm4b:s14+s1], $0x4000, $0x38;
	[tilespmem:$0x1C180] =	vst v63  }
0x142: {  	s11 =	simm.s32 $0x10040;
	s15 =	rddreg [dreg:$0x10]  }
0x143: {  	[tilespmem:s3], [sflag:$0x1] =	stream.linear.gather [hbm4b:s15+s1], $0x4000, $0x38;
	[tilespmem:$0x1C180] =	vst v63  }
0x144: {  	v2 =	vld [tilespmem:s11+$0xFFFFFFC0]  }
0x145: {  	v3 =	vld [tilespmem:s11+$0xFFFFFFD0]  }
0x146: {  	v4 =	vld [tilespmem:s11+$0xFFFFFFE0]  }
0x147: {  	v5 =	vld [tilespmem:s11+$0xFFFFFFF0]  }
0x148: {  	v8 =	vld [tilespmem:s11+$0x0];
	_ =	sdelay $0x1  }
0x149: {  	vm7 =	veq.f32 v3, $0.0e+00;
	v3 =	vld [tilespmem:s11+$0x20]  }
0x14a: {  	v12 =	vimm.s32 $0x0;
	vm6 =	veq.f32 v2, $0.0e+00;
	v2 =	vld [tilespmem:s11+$0x10];
	vm1 =	veq.f32 v4, $0.0e+00  }
0x14b: {  	s10 =	simm.s32 $0x8040;
	v14 =	vld [tilespmem:s11+$0x30];
	vm4 =	veq.f32 v5, $0.0e+00;
	v6 =	vsel vm6, $0x1, v1;
	v9 =	vmpcnt.ones.xlane vm6  }
0x14c: {  	s12 =	simm.s32 $0x40;
	v7 =	vld [tilespmem:s10+$0xFFFFFFC0];
	vm5 =	veq.f32 v8, $0.0e+00;
	v10 =	vsel vm7, $0x1, v1;
	v11 =	vmpcnt.ones.xlane vm7;
	(xrf0) =	vadd.scan.msk.s32 $0xffff, v6  }
0x14d: {  	v17 =	vld [tilespmem:s12+$0xFFFFFFC0];
	v5 =	vmpcnt.ones.xlane vm4;
	v16 =	vadd.s32 v12, v9;
	v9 =	vmpcnt.ones.xlane vm1;
	(xrf0) =	vadd.scan.msk.s32 $0xffff, v10  }
0x14e: {  	v19 =	vld [tilespmem:s12+$0xFFFFFFD0];
	v8 =	vmpcnt.ones.xlane vm5;
	v13 =	vadd.s32 v16, v11;
	vm0 =	veq.f32 v3, $0.0e+00  }
0x14f: {  	v4 =	vld [tilespmem:s10+$0xFFFFFFE0];
	v11 =	vadd.s32 v13, v9;
	vm3 =	veq.f32 v2, $0.0e+00;
	v18 =	vmpcnt.ones.xlane vm0  }
0x150: {  	vm2 =	veq.f32 v14, $0.0e+00;
	v6 =	vld [tilespmem:s10+$0xFFFFFFD0];
	v10 =	vadd.s32 v11, v5;
	v15 =	vmpcnt.ones.xlane vm3  }
0x151: {  	v14 =	vsel vm1, $0x1, v1;
	v22 =	vsel vm4, $0x1, v1;
	v2 =	vld [tilespmem:s10+$0xFFFFFFF0];
	v9 =	vadd.s32 v10, v8  }
0x152: {  	v23 =	vsel vm5, $0x1, v1;
	v3 =	vld [tilespmem:s10+$0x0];
	v24 =	vsel vm3, $0x1, v1;
	v8 =	vadd.s32 v9, v15;
	v20, _, _ =	vpop (xrf0);
	(xrf0) =	vadd.scan.msk.s32 $0xffff, v14  }
0x153: {  	v5 =	vld [tilespmem:s10+$0x10];
	v21 =	vsel vm0, $0x1, v1;
	v15 =	vmpcnt.ones.xlane vm2;
	v14 =	vadd.s32 v8, v18;
	(xrf0) =	vadd.scan.msk.s32 $0xffff, v22;
	v18, _, _ =	vpop (xrf0)  }
0x154: {  	v12 =	vadd.s32 v20, v12;
	v20 =	vld [tilespmem:s12+$0xFFFFFFE0];
	v22 =	vsel vm2, $0x1, v1;
	(xrf0) =	vadd.scan.msk.s32 $0xffff, v23;
	v16 =	vadd.s32 v18, v16  }
0x155: {  	s13 =	simm.s32 $0x0;
	v15 =	vadd.s32 v14, v15;
	v18 =	vadd.s32 $0xFFFFFFFF, v12;
	v12 =	vld [tilespmem:s10+$0x20];
	(xrf0) =	vadd.scan.msk.s32 $0xffff, v24;
	v16 =	vadd.s32 $0xFFFFFFFF, v16  }
.LBB2_26:
0x156: {  	s13 =	sadd.s32 $0x80, s13;
	v23 =	vld [tilespmem:s12+$0xFFFFFFF0];
	(xrf0) =	vadd.scan.msk.s32 $0xffff, v21;
	v24 =	vmov v15  }
0x157: {  	p0 =	slt.u32 s13, $0x3F80;
	v21 =	vld [tilespmem:s12+$0x0];
	(xrf0) =	vadd.scan.msk.s32 $0xffff, v22  }
0x158: {  	v17 =	vshll.u32 v17, $0xC;
	v19 =	vshll.u32 v19, $0xC;
	v22 =	vld [tilespmem:s12+$0x10];
	v25, _, _ =	vpop (xrf0)  }
0x159: {  	v7 =	vor.u32 v7, v17;
	v17 =	vshll.u32 v20, $0xC;
	v13 =	vadd.s32 v25, v13;
	v20 =	vld [tilespmem:s10+$0x30];
	v25, _, _ =	vpop (xrf0)  }
0x15a: {  	v6 =	vor.u32 v6, v19;
	[tilespmem:v18+s4+$0x0] =	vst.idx.msk vm6, v7;
	v7 =	vadd.s32 $0xFFFFFFFF, v13;
	v11 =	vadd.s32 v25, v11;
	v13 =	vld [tilespmem:s12+$0x20];
	v18, _, _ =	vpop (xrf0)  }
0x15b: {  	s11 =	sadd.s32 $0x80, s11;
	[tilespmem:v16+s4+$0x0] =	vst.idx.msk vm7, v6;
	v6 =	vshll.u32 v23, $0xC;
	v11 =	vadd.s32 $0xFFFFFFFF, v11;
	v10 =	vadd.s32 v18, v10;
	v16 =	vld [tilespmem:s12+$0x30];
	v18, _, _ =	vpop (xrf0)  }
0x15c: {  	v19 =	vld [tilespmem:s11+$0xFFFFFFC0];
	v21 =	vshll.u32 v21, $0xC;
	v10 =	vadd.s32 $0xFFFFFFFF, v10;
	v9 =	vadd.s32 v18, v9;
	v18, _, _ =	vpop (xrf0)  }
0x15d: {  	v23 =	vld [tilespmem:s11+$0xFFFFFFD0];
	v22 =	vshll.u32 v22, $0xC;
	v9 =	vadd.s32 $0xFFFFFFFF, v9;
	v8 =	vadd.s32 v18, v8;
	v18, _, _ =	vpop (xrf0)  }
0x15e: {  	v4 =	vor.u32 v4, v17;
	v25 =	vld [tilespmem:s11+$0xFFFFFFE0];
	v8 =	vadd.s32 $0xFFFFFFFF, v8;
	v14 =	vadd.s32 v18, v14  }
0x15f: {  	v2 =	vor.u32 v2, v6;
	v17 =	vld [tilespmem:s11+$0xFFFFFFF0];
	[tilespmem:v7+s4+$0x0] =	vst.idx.msk vm1, v4;
	v4 =	vshll.u32 v13, $0xC;
	v14 =	vadd.s32 $0xFFFFFFFF, v14  }
0x160: {  	v18 =	vld [tilespmem:s11+$0x0];
	[tilespmem:v11+s4+$0x0] =	vst.idx.msk vm4, v2;
	v2 =	vor.u32 v3, v21;
	v3 =	vor.u32 v5, v22;
	v5 =	vshll.u32 v16, $0xC  }
0x161: {  	vm6 =	veq.f32 v19, $0.0e+00;
	v16 =	vld [tilespmem:s11+$0x10];
	[tilespmem:v10+s4+$0x0] =	vst.idx.msk vm5, v2;
	v2 =	vor.u32 v12, v4;
	v4 =	vor.u32 v20, v5  }
0x162: {  	v5 =	vsel vm6, $0x1, v1;
	v6 =	vmpcnt.ones.xlane vm6;
	vm7 =	veq.f32 v23, $0.0e+00;
	v12 =	vld [tilespmem:s11+$0x20];
	[tilespmem:v9+s4+$0x0] =	vst.idx.msk vm3, v3  }
0x163: {  	s10 =	sadd.s32 $0x80, s10;
	v3 =	vsel vm7, $0x1, v1;
	v9 =	vmpcnt.ones.xlane vm7;
	vm1 =	veq.f32 v25, $0.0e+00;
	v19 =	vld [tilespmem:s11+$0x30];
	(xrf0) =	vadd.scan.msk.s32 $0xffff, v5  }
0x164: {  	v7 =	vld [tilespmem:s10+$0xFFFFFFC0];
	v20 =	vadd.s32 v15, v6;
	v5 =	vmpcnt.ones.xlane vm1;
	vm4 =	veq.f32 v17, $0.0e+00;
	(xrf0) =	vadd.scan.msk.s32 $0xffff, v3  }
0x165: {  	v6 =	vld [tilespmem:s10+$0xFFFFFFD0];
	v13 =	vadd.s32 v20, v9;
	v3 =	vmpcnt.ones.xlane vm4;
	vm5 =	veq.f32 v18, $0.0e+00;
	[tilespmem:v14+s4+$0x0] =	vst.idx.msk vm2, v4  }
0x166: {  	v4 =	vld [tilespmem:s10+$0xFFFFFFE0];
	v11 =	vadd.s32 v13, v5;
	v5 =	vmpcnt.ones.xlane vm5;
	vm3 =	veq.f32 v16, $0.0e+00;
	[tilespmem:v8+s4+$0x0] =	vst.idx.msk vm0, v2  }
0x167: {  	v2 =	vld [tilespmem:s10+$0xFFFFFFF0];
	v10 =	vadd.s32 v11, v3;
	v8 =	vmpcnt.ones.xlane vm3;
	vm0 =	veq.f32 v12, $0.0e+00  }
0x168: {  	v3 =	vld [tilespmem:s10+$0x0];
	v9 =	vadd.s32 v10, v5;
	v21 =	vmpcnt.ones.xlane vm0;
	vm2 =	veq.f32 v19, $0.0e+00  }
.Ltmp18:
0x169: {  	s12 =	sadd.s32 $0x80, s12;
	v15 =	vsel vm1, $0x1, v1;
	v5 =	vld [tilespmem:s10+$0x10];
	v8 =	vadd.s32 v9, v8;
	v16 =	vmpcnt.ones.xlane vm2;
	v18, _, _ =	vpop (xrf0);
	(pc) =	sbr.rel @p0 .LBB2_26-.Ltmp18, $4  }
0x16a: {  	v22 =	vsel vm4, $0x1, v1;
	v23 =	vsel vm5, $0x1, v1;
	v17 =	vld [tilespmem:s12+$0xFFFFFFC0];
	v14 =	vadd.s32 v8, v21;
	v12, _, _ =	vpop (xrf0);
	(xrf0) =	vadd.scan.msk.s32 $0xffff, v15  }
0x16b: {  	v25 =	vsel vm3, $0x1, v1;
	v21 =	vsel vm0, $0x1, v1;
	v19 =	vld [tilespmem:s12+$0xFFFFFFD0];
	v15 =	vadd.s32 v14, v16;
	(xrf0) =	vadd.scan.msk.s32 $0xffff, v22  }
0x16c: {  	v16 =	vadd.s32 v18, v24;
	v12 =	vadd.s32 v12, v20;
	v22 =	vsel vm2, $0x1, v1;
	v20 =	vld [tilespmem:s12+$0xFFFFFFE0];
	(xrf0) =	vadd.scan.msk.s32 $0xffff, v23  }
0x16d: {  	v18 =	vadd.s32 $0xFFFFFFFF, v16;
	v16 =	vadd.s32 $0xFFFFFFFF, v12;
	v12 =	vld [tilespmem:s10+$0x20];
	(xrf0) =	vadd.scan.msk.s32 $0xffff, v25  }
0x16e: {  	(v2sf) =	vpush v15, $0x0;
	_ =	sdelay $0x6  }
0x16f: {  	(xrf0) =	vadd.scan.msk.s32 $0xffff, v21  }
0x170: {  	(xrf0) =	vadd.scan.msk.s32 $0xffff, v22  }
0x171: {  	v48, _, _ =	vpop (xrf0)  }
0x172: {  	v49 =	vld [tilespmem:s12+$0xFFFFFFF0];
	v17 =	vshll.u32 v17, $0xC;
	v19 =	vshll.u32 v19, $0xC;
	v50, _, _ =	vpop (xrf0);
	v13 =	vadd.s32 v48, v13  }
0x173: {  	v23 =	vld [tilespmem:s12+$0x0];
	v7 =	vor.u32 v7, v17;
	v51, _, _ =	vpop (xrf0);
	v13 =	vadd.s32 $0xFFFFFFFF, v13;
	v11 =	vadd.s32 v50, v11  }
0x174: {  	v24 =	vld [tilespmem:s12+$0x10];
	v20 =	vshll.u32 v20, $0xC;
	v52, _, _ =	vpop (xrf0);
	v11 =	vadd.s32 $0xFFFFFFFF, v11;
	v10 =	vadd.s32 v51, v10  }
0x175: {  	v57 =	vld [tilespmem:s12+$0x20];
	v6 =	vor.u32 v6, v19;
	v54, _, _ =	vpop (xrf0);
	v10 =	vadd.s32 $0xFFFFFFFF, v10;
	v9 =	vadd.s32 v52, v9  }
0x176: {  	v55 =	vld [tilespmem:s12+$0x30];
	[tilespmem:v18+s4+$0x0] =	vst.idx.msk vm6, v7;
	v4 =	vor.u32 v4, v20;
	v56, _, _ =	vpop (xrf0);
	v9 =	vadd.s32 $0xFFFFFFFF, v9;
	v59 =	vadd.s32 v54, v8  }
0x177: {  	v53 =	vld [tilespmem:s10+$0x30];
	[tilespmem:v16+s4+$0x0] =	vst.idx.msk vm7, v6;
	v58 =	vshll.u32 v49, $0xC;
	v14 =	vadd.s32 v56, v14;
	v6 =	vadd.s32 $0xFFFFFFFF, v59;
	s12 =	spop (v2sf)  }
0x178: {  	v61 =	vshll.u32 v23, $0xC;
	v2 =	vor.u32 v2, v58;
	v60 =	vadd.s32 $0xFFFFFFFF, v14;
	[tilespmem:v13+s4+$0x0] =	vst.idx.msk vm1, v4;
	p0 =	slt.s32 s12, $0x1  }
.Ltmp19:
0x179: {  	v62 =	vshll.u32 v24, $0xC;
	[tilespmem:v11+s4+$0x0] =	vst.idx.msk vm4, v2;
	v2 =	vor.u32 v3, v61;
	(pc) =	sbr.rel @p0 .LBB2_37-.Ltmp19, $4  }
0x17a: {  	v3 =	vor.u32 v5, v62;
	[tilespmem:v10+s4+$0x0] =	vst.idx.msk vm5, v2;
	v2 =	vshll.u32 v57, $0xC  }
0x17b: {  	v63 =	vshll.u32 v55, $0xC;
	[tilespmem:v9+s4+$0x0] =	vst.idx.msk vm3, v3;
	v2 =	vor.u32 v12, v2  }
0x17c: {  	v4 =	vor.u32 v53, v63;
	[tilespmem:v6+s4+$0x0] =	vst.idx.msk vm0, v2  }
0x17d: {  	[tilespmem:v60+s4+$0x0] =	vst.idx.msk vm2, v4  }
0x17e: {  	s10 =	sadd.s32 $0x7F, s12  }
0x17f: {  	s11 =	sand.u32 $0x7F, s10  }
0x180: {  	s13 =	sshra.s32 s10, $0x1F;
	p0 =	slt.s32 s10, $0x0;
	p1 =	sne.s32 s11, $0x0  }
0x181: {  	s14 =	sshrl.u32 s13, $0x19;
	p0 =	por !p0, !p1  }
0x182: {  	s11 =	simm.s32 $0x1;
	s10 =	sadd.s32 s14, s10;
	p0 =	por !p0, !p0  }
0x183: {  	s10 =	sshra.s32 s10, $0x7;
	s11 =	simm.s32 @!p0 $0x0  }
0x184: {  	s10 =	ssub.s32 s10, s11  }
0x185: {  	s11 =	sshrl.u32 s10, $0x1F  }
0x186: {  	v2 =	vld.msk [tilespmem:$0x18000 ss:$0x0], $0xffff;
	s11 =	sadd.s32 s11, s10  }
0x187: {  	s15 =	sand.u32 $0xFFFFFFFE, s11  }
0x188: {  	p5 =	slt.s32 s10, $0x1;
	p6 =	sne.s32 s10, s15  }
0x189: {  	p0 =	por !p5, !p6  }
0x18a: {  	s13 =	simm.s32 $0x1;
	p0 =	por !p0, !p0  }
0x18b: {  	[tilespmem:s12+$0x18000] =	vst v2;
	s11 =	sshra.s32 s11, $0x1;
	s13 =	simm.s32 @!p0 $0x0  }
0x18c: {  	[tilespmem:s12+$0x18010] =	vst v2;
	s11 =	ssub.s32 s11, s13  }
0x18d: {  	[tilespmem:s12+$0x18020] =	vst v2;
	p1 =	slt.s32 s11, $0x1  }
.Ltmp20:
0x18e: {  	[tilespmem:s12+$0x18030] =	vst v2;
	(pc) =	sbr.rel @p1 .LBB2_32-.Ltmp20, $4  }
0x18f: {  	[tilespmem:s12+$0x18040] =	vst v2  }
0x190: {  	[tilespmem:s12+$0x18050] =	vst v2  }
0x191: {  	[tilespmem:s12+$0x18060] =	vst v2  }
0x192: {  	[tilespmem:s12+$0x18070] =	vst v2;
	s12 =	simm.s32 $0x18080  }
0x193: {  	p0 =	sne.s32 s11, $0x1  }
.Ltmp21:
0x194: {  	_ = 	snop;
	(pc) =	sbr.rel @!p0 .LBB2_31-.Ltmp21, $4  }
0x195: {  	_ = 	snop  }
0x196: {  	s13 =	simm.s32 $0x18000  }
0x197: {  	[hbm4b:s28+s5] =	stream.indirect.scatter [tilespmem:s6], [sflag:$0x2], $0x1, s13, s5, $0xb8;
	[tilespmem:$0x1C180] =	vst v63  }
0x198: {  	s14 =	simm.s32 $0x18180;
	s13 =	sadd.s32 $0xFFFFFFFF, s11  }
.LBB2_30:
0x199: {  	[hbm4b:s28+s5] =	stream.indirect.scatter [tilespmem:s6], [sflag:$0x3], $0x1, s12, s5, $0xb8;
	[tilespmem:$0x1C180] =	vst v63  }
0x19a: {  	p0 =	sne.s32 s13, $0x1  }
.Ltmp22:
0x19b: {  	s13 =	sadd.s32 $0xFFFFFFFF, s13;
	(pc) =	sbr.rel @p0 .LBB2_30-.Ltmp22, $4  }
0x19c: {  	s12 =	smov.u32 s14  }
0x19d: {  	s15 =	sadd.s32 $0xFFFFFF80, s14  }
0x19e: {  	[hbm4b:s28+s5] =	stream.indirect.scatter [tilespmem:s6], [sflag:$0x2], $0x1, s15, s5, $0xb8;
	[tilespmem:$0x1C180] =	vst v63  }
0x19f: {  	s14 =	sadd.s32 $0x100, s14  }
.LBB2_31:
0x1a0: {  	[hbm4b:s28+s5] =	stream.indirect.scatter [tilespmem:s6], [sflag:$0x3], $0x1, s12, s5, $0xb8;
	[tilespmem:$0x1C180] =	vst v63  }
.LBB2_32:
0x1a1: {  	s12 =	sand.u32 $0x1, s10  }
.Ltmp23:
0x1a2: {  	p0 =	seq.s32 s12, $0x0;
	(pc) =	sbr.rel @p1 .LBB2_36-.Ltmp23, $4  }
0x1a3: {  	s10 =	sshll.u32 @!p0 s10, $0x9  }
0x1a4: {  	s10 =	sshra.s32 @!p0 s10, $0x2  }
0x1a5: {  	s12 =	simm.s32 @!p0 $0x80;
	s13 =	simm.s32 @!p0 $0x1C100;
	s10 =	sadd.s32 @!p0 $0x17F80, s10  }
0x1a6: {  	[hbm4b:s28+s12] =	stream.indirect.scatter @!p0 [tilespmem:s13], [sflag:$0x2], $0x1, s10, s12, $0xb8;
	[tilespmem:$0x1C180] =	vst v63  }
0x1a7: {  	p1 =	sne.s32 s11, $0x1  }
.Ltmp24:
0x1a8: {  	_ =	swait.ge [sflag:s7], $0x80;
	(pc) =	sbr.rel @!p1 .LBB2_35-.Ltmp24, $4  }
0x1a9: {  	[sflag:s7] =	ssyncset.done $0x0  }
0x1aa: {  	[sflag:s7] =	ssyncadd.s32 $0xFFFFFF80  }
0x1ab: {  	_ =	swait.ge [sflag:s8], $0x80  }
0x1ac: {  	s10 =	sadd.s32 $0xFFFFFFFF, s11;
	[sflag:s8] =	ssyncset.done $0x0  }
.LBB2_34:
0x1ad: {  	p1 =	sne.s32 s10, $0x1;
	s10 =	sadd.s32 $0xFFFFFFFF, s10;
	[sflag:s8] =	ssyncadd.s32 $0xFFFFFF80  }
.Ltmp25:
0x1ae: {  	_ =	swait.ge [sflag:s7], $0x80;
	(pc) =	sbr.rel @p1 .LBB2_34-.Ltmp25, $4  }
0x1af: {  	[sflag:s7] =	ssyncset.done $0x0  }
0x1b0: {  	[sflag:s7] =	ssyncadd.s32 $0xFFFFFF80  }
0x1b1: {  	_ =	swait.ge [sflag:s8], $0x80  }
0x1b2: {  	[sflag:s8] =	ssyncset.done $0x0  }
.LBB2_35:
0x1b3: {  	[sflag:s8] =	ssyncadd.s32 $0xFFFFFF80  }
.LBB2_36:
0x1b4: {  	s10 =	simm.s32 @!p0 $0x2  }
0x1b5: {  	_ =	swait.ge @!p0 [sflag:s10], $0x80  }
0x1b6: {  	[sflag:s10] =	ssyncset.done @!p0 $0x0  }
0x1b7: {  	[sflag:s10] =	ssyncadd.s32 @!p0 $0xFFFFFF80  }
.LBB2_37:
0x1b8: {  	_ =	swait.ge [sflag:s21], $0x4000  }
0x1b9: {  	[sflag:s21] =	ssyncset.done $0x0  }
0x1ba: {  	[sflag:s21] =	ssyncadd.s32 $0xFFFFC000  }
0x1bb: {  	_ =	swait.ge [sflag:s21], $0x4000  }
0x1bc: {  	[sflag:s21] =	ssyncset.done $0x0  }
0x1bd: {  	[sflag:s21] =	ssyncadd.s32 $0xFFFFC000  }
0x1be: {  	_ =	swait.ge [sflag:s21], $0x4000  }
0x1bf: {  	[sflag:s21] =	ssyncset.done $0x0  }
0x1c0: {  	s10 =	rddreg [dreg:$0x11];
	[sflag:s21] =	ssyncadd.s32 $0xFFFFC000  }
0x1c1: {  	[tilespmem:s1], [sflag:$0x1] =	stream.linear.gather [hbm4b:s10+s1], $0x4000, $0x38;
	[tilespmem:$0x1C180] =	vst v63  }
0x1c2: {  	s15 =	rddreg [dreg:$0x12]  }
0x1c3: {  	[tilespmem:s30], [sflag:$0x1] =	stream.linear.gather [hbm4b:s15+s1], $0x4000, $0x38;
	[tilespmem:$0x1C180] =	vst v63  }
0x1c4: {  	s11 =	simm.s32 $0x14040  }
0x1c5: {  	[tilespmem:s31], [sflag:$0x1] =	stream.linear.gather [hbm4b:s16+s1], $0x4000, $0x38;
	[tilespmem:$0x1C180] =	vst v63  }
0x1c6: {  	v2 =	vld [tilespmem:s11+$0xFFFFFFC0]  }
0x1c7: {  	v3 =	vld [tilespmem:s11+$0xFFFFFFD0]  }
0x1c8: {  	v4 =	vld [tilespmem:s11+$0xFFFFFFE0]  }
0x1c9: {  	v5 =	vld [tilespmem:s11+$0xFFFFFFF0]  }
0x1ca: {  	v8 =	vld [tilespmem:s11+$0x0];
	_ =	sdelay $0x1  }
0x1cb: {  	vm7 =	veq.f32 v3, $0.0e+00;
	v3 =	vld [tilespmem:s11+$0x20]  }
0x1cc: {  	v12 =	vimm.s32 $0x0;
	vm6 =	veq.f32 v2, $0.0e+00;
	v2 =	vld [tilespmem:s11+$0x10];
	vm1 =	veq.f32 v4, $0.0e+00  }
0x1cd: {  	s10 =	simm.s32 $0xC040;
	v14 =	vld [tilespmem:s11+$0x30];
	vm4 =	veq.f32 v5, $0.0e+00;
	v6 =	vsel vm6, $0x1, v1;
	v9 =	vmpcnt.ones.xlane vm6  }
0x1ce: {  	s12 =	simm.s32 $0x4040;
	v7 =	vld [tilespmem:s10+$0xFFFFFFC0];
	vm5 =	veq.f32 v8, $0.0e+00;
	v10 =	vsel vm7, $0x1, v1;
	v11 =	vmpcnt.ones.xlane vm7;
	(xrf0) =	vadd.scan.msk.s32 $0xffff, v6  }
0x1cf: {  	v17 =	vld [tilespmem:s12+$0xFFFFFFC0];
	v5 =	vmpcnt.ones.xlane vm4;
	v16 =	vadd.s32 v12, v9;
	v9 =	vmpcnt.ones.xlane vm1;
	(xrf0) =	vadd.scan.msk.s32 $0xffff, v10  }
0x1d0: {  	v19 =	vld [tilespmem:s12+$0xFFFFFFD0];
	v8 =	vmpcnt.ones.xlane vm5;
	v13 =	vadd.s32 v16, v11;
	vm0 =	veq.f32 v3, $0.0e+00  }
0x1d1: {  	v4 =	vld [tilespmem:s10+$0xFFFFFFE0];
	v11 =	vadd.s32 v13, v9;
	vm3 =	veq.f32 v2, $0.0e+00;
	v18 =	vmpcnt.ones.xlane vm0  }
0x1d2: {  	vm2 =	veq.f32 v14, $0.0e+00;
	v6 =	vld [tilespmem:s10+$0xFFFFFFD0];
	v10 =	vadd.s32 v11, v5;
	v15 =	vmpcnt.ones.xlane vm3  }
0x1d3: {  	v14 =	vsel vm1, $0x1, v1;
	v22 =	vsel vm4, $0x1, v1;
	v2 =	vld [tilespmem:s10+$0xFFFFFFF0];
	v9 =	vadd.s32 v10, v8  }
0x1d4: {  	v23 =	vsel vm5, $0x1, v1;
	v3 =	vld [tilespmem:s10+$0x0];
	v24 =	vsel vm3, $0x1, v1;
	v8 =	vadd.s32 v9, v15;
	v20, _, _ =	vpop (xrf0);
	(xrf0) =	vadd.scan.msk.s32 $0xffff, v14  }
0x1d5: {  	v5 =	vld [tilespmem:s10+$0x10];
	v21 =	vsel vm0, $0x1, v1;
	v15 =	vmpcnt.ones.xlane vm2;
	v14 =	vadd.s32 v8, v18;
	(xrf0) =	vadd.scan.msk.s32 $0xffff, v22;
	v18, _, _ =	vpop (xrf0)  }
0x1d6: {  	v12 =	vadd.s32 v20, v12;
	v20 =	vld [tilespmem:s12+$0xFFFFFFE0];
	v22 =	vsel vm2, $0x1, v1;
	(xrf0) =	vadd.scan.msk.s32 $0xffff, v23;
	v16 =	vadd.s32 v18, v16  }
0x1d7: {  	s13 =	simm.s32 $0x0;
	v15 =	vadd.s32 v14, v15;
	v18 =	vadd.s32 $0xFFFFFFFF, v12;
	v12 =	vld [tilespmem:s10+$0x20];
	(xrf0) =	vadd.scan.msk.s32 $0xffff, v24;
	v16 =	vadd.s32 $0xFFFFFFFF, v16  }
.LBB2_38:
0x1d8: {  	s13 =	sadd.s32 $0x80, s13;
	v23 =	vld [tilespmem:s12+$0xFFFFFFF0];
	(xrf0) =	vadd.scan.msk.s32 $0xffff, v21;
	v24 =	vmov v15  }
0x1d9: {  	p0 =	slt.u32 s13, $0x3F80;
	v21 =	vld [tilespmem:s12+$0x0];
	(xrf0) =	vadd.scan.msk.s32 $0xffff, v22  }
0x1da: {  	v17 =	vshll.u32 v17, $0xC;
	v19 =	vshll.u32 v19, $0xC;
	v22 =	vld [tilespmem:s12+$0x10];
	v25, _, _ =	vpop (xrf0)  }
0x1db: {  	v7 =	vor.u32 v7, v17;
	v17 =	vshll.u32 v20, $0xC;
	v13 =	vadd.s32 v25, v13;
	v20 =	vld [tilespmem:s10+$0x30];
	v25, _, _ =	vpop (xrf0)  }
0x1dc: {  	v6 =	vor.u32 v6, v19;
	[tilespmem:v18+s4+$0x0] =	vst.idx.msk vm6, v7;
	v7 =	vadd.s32 $0xFFFFFFFF, v13;
	v11 =	vadd.s32 v25, v11;
	v13 =	vld [tilespmem:s12+$0x20];
	v18, _, _ =	vpop (xrf0)  }
0x1dd: {  	s11 =	sadd.s32 $0x80, s11;
	[tilespmem:v16+s4+$0x0] =	vst.idx.msk vm7, v6;
	v6 =	vshll.u32 v23, $0xC;
	v11 =	vadd.s32 $0xFFFFFFFF, v11;
	v10 =	vadd.s32 v18, v10;
	v16 =	vld [tilespmem:s12+$0x30];
	v18, _, _ =	vpop (xrf0)  }
0x1de: {  	v19 =	vld [tilespmem:s11+$0xFFFFFFC0];
	v21 =	vshll.u32 v21, $0xC;
	v10 =	vadd.s32 $0xFFFFFFFF, v10;
	v9 =	vadd.s32 v18, v9;
	v18, _, _ =	vpop (xrf0)  }
0x1df: {  	v23 =	vld [tilespmem:s11+$0xFFFFFFD0];
	v22 =	vshll.u32 v22, $0xC;
	v9 =	vadd.s32 $0xFFFFFFFF, v9;
	v8 =	vadd.s32 v18, v8;
	v18, _, _ =	vpop (xrf0)  }
0x1e0: {  	v4 =	vor.u32 v4, v17;
	v25 =	vld [tilespmem:s11+$0xFFFFFFE0];
	v8 =	vadd.s32 $0xFFFFFFFF, v8;
	v14 =	vadd.s32 v18, v14  }
0x1e1: {  	v2 =	vor.u32 v2, v6;
	v17 =	vld [tilespmem:s11+$0xFFFFFFF0];
	[tilespmem:v7+s4+$0x0] =	vst.idx.msk vm1, v4;
	v4 =	vshll.u32 v13, $0xC;
	v14 =	vadd.s32 $0xFFFFFFFF, v14  }
0x1e2: {  	v18 =	vld [tilespmem:s11+$0x0];
	[tilespmem:v11+s4+$0x0] =	vst.idx.msk vm4, v2;
	v2 =	vor.u32 v3, v21;
	v3 =	vor.u32 v5, v22;
	v5 =	vshll.u32 v16, $0xC  }
0x1e3: {  	vm6 =	veq.f32 v19, $0.0e+00;
	v16 =	vld [tilespmem:s11+$0x10];
	[tilespmem:v10+s4+$0x0] =	vst.idx.msk vm5, v2;
	v2 =	vor.u32 v12, v4;
	v4 =	vor.u32 v20, v5  }
0x1e4: {  	v5 =	vsel vm6, $0x1, v1;
	v6 =	vmpcnt.ones.xlane vm6;
	vm7 =	veq.f32 v23, $0.0e+00;
	v12 =	vld [tilespmem:s11+$0x20];
	[tilespmem:v9+s4+$0x0] =	vst.idx.msk vm3, v3  }
0x1e5: {  	s10 =	sadd.s32 $0x80, s10;
	v3 =	vsel vm7, $0x1, v1;
	v9 =	vmpcnt.ones.xlane vm7;
	vm1 =	veq.f32 v25, $0.0e+00;
	v19 =	vld [tilespmem:s11+$0x30];
	(xrf0) =	vadd.scan.msk.s32 $0xffff, v5  }
0x1e6: {  	v7 =	vld [tilespmem:s10+$0xFFFFFFC0];
	v20 =	vadd.s32 v15, v6;
	v5 =	vmpcnt.ones.xlane vm1;
	vm4 =	veq.f32 v17, $0.0e+00;
	(xrf0) =	vadd.scan.msk.s32 $0xffff, v3  }
0x1e7: {  	v6 =	vld [tilespmem:s10+$0xFFFFFFD0];
	v13 =	vadd.s32 v20, v9;
	v3 =	vmpcnt.ones.xlane vm4;
	vm5 =	veq.f32 v18, $0.0e+00;
	[tilespmem:v14+s4+$0x0] =	vst.idx.msk vm2, v4  }
0x1e8: {  	v4 =	vld [tilespmem:s10+$0xFFFFFFE0];
	v11 =	vadd.s32 v13, v5;
	v5 =	vmpcnt.ones.xlane vm5;
	vm3 =	veq.f32 v16, $0.0e+00;
	[tilespmem:v8+s4+$0x0] =	vst.idx.msk vm0, v2  }
0x1e9: {  	v2 =	vld [tilespmem:s10+$0xFFFFFFF0];
	v10 =	vadd.s32 v11, v3;
	v8 =	vmpcnt.ones.xlane vm3;
	vm0 =	veq.f32 v12, $0.0e+00  }
0x1ea: {  	v3 =	vld [tilespmem:s10+$0x0];
	v9 =	vadd.s32 v10, v5;
	v21 =	vmpcnt.ones.xlane vm0;
	vm2 =	veq.f32 v19, $0.0e+00  }
.Ltmp26:
0x1eb: {  	s12 =	sadd.s32 $0x80, s12;
	v15 =	vsel vm1, $0x1, v1;
	v5 =	vld [tilespmem:s10+$0x10];
	v8 =	vadd.s32 v9, v8;
	v16 =	vmpcnt.ones.xlane vm2;
	v18, _, _ =	vpop (xrf0);
	(pc) =	sbr.rel @p0 .LBB2_38-.Ltmp26, $4  }
0x1ec: {  	v22 =	vsel vm4, $0x1, v1;
	v23 =	vsel vm5, $0x1, v1;
	v17 =	vld [tilespmem:s12+$0xFFFFFFC0];
	v14 =	vadd.s32 v8, v21;
	v12, _, _ =	vpop (xrf0);
	(xrf0) =	vadd.scan.msk.s32 $0xffff, v15  }
0x1ed: {  	v25 =	vsel vm3, $0x1, v1;
	v21 =	vsel vm0, $0x1, v1;
	v19 =	vld [tilespmem:s12+$0xFFFFFFD0];
	v15 =	vadd.s32 v14, v16;
	(xrf0) =	vadd.scan.msk.s32 $0xffff, v22  }
0x1ee: {  	v16 =	vadd.s32 v18, v24;
	v12 =	vadd.s32 v12, v20;
	v22 =	vsel vm2, $0x1, v1;
	v20 =	vld [tilespmem:s12+$0xFFFFFFE0];
	(xrf0) =	vadd.scan.msk.s32 $0xffff, v23  }
0x1ef: {  	v18 =	vadd.s32 $0xFFFFFFFF, v16;
	v16 =	vadd.s32 $0xFFFFFFFF, v12;
	v12 =	vld [tilespmem:s10+$0x20];
	(xrf0) =	vadd.scan.msk.s32 $0xffff, v25  }
0x1f0: {  	(v2sf) =	vpush v15, $0x0;
	_ =	sdelay $0x6  }
0x1f1: {  	(xrf0) =	vadd.scan.msk.s32 $0xffff, v21  }
0x1f2: {  	(xrf0) =	vadd.scan.msk.s32 $0xffff, v22  }
0x1f3: {  	v48, _, _ =	vpop (xrf0)  }
0x1f4: {  	v49 =	vld [tilespmem:s12+$0xFFFFFFF0];
	v17 =	vshll.u32 v17, $0xC;
	v19 =	vshll.u32 v19, $0xC;
	v50, _, _ =	vpop (xrf0);
	v13 =	vadd.s32 v48, v13  }
0x1f5: {  	v23 =	vld [tilespmem:s12+$0x0];
	v7 =	vor.u32 v7, v17;
	v51, _, _ =	vpop (xrf0);
	v13 =	vadd.s32 $0xFFFFFFFF, v13;
	v11 =	vadd.s32 v50, v11  }
0x1f6: {  	v24 =	vld [tilespmem:s12+$0x10];
	v20 =	vshll.u32 v20, $0xC;
	v52, _, _ =	vpop (xrf0);
	v11 =	vadd.s32 $0xFFFFFFFF, v11;
	v10 =	vadd.s32 v51, v10  }
0x1f7: {  	v57 =	vld [tilespmem:s12+$0x20];
	v6 =	vor.u32 v6, v19;
	v54, _, _ =	vpop (xrf0);
	v10 =	vadd.s32 $0xFFFFFFFF, v10;
	v9 =	vadd.s32 v52, v9  }
0x1f8: {  	v55 =	vld [tilespmem:s12+$0x30];
	[tilespmem:v18+s4+$0x0] =	vst.idx.msk vm6, v7;
	v4 =	vor.u32 v4, v20;
	v56, _, _ =	vpop (xrf0);
	v9 =	vadd.s32 $0xFFFFFFFF, v9;
	v59 =	vadd.s32 v54, v8  }
0x1f9: {  	v53 =	vld [tilespmem:s10+$0x30];
	[tilespmem:v16+s4+$0x0] =	vst.idx.msk vm7, v6;
	v58 =	vshll.u32 v49, $0xC;
	v14 =	vadd.s32 v56, v14;
	v6 =	vadd.s32 $0xFFFFFFFF, v59;
	s12 =	spop (v2sf)  }
0x1fa: {  	v61 =	vshll.u32 v23, $0xC;
	v2 =	vor.u32 v2, v58;
	v60 =	vadd.s32 $0xFFFFFFFF, v14;
	[tilespmem:v13+s4+$0x0] =	vst.idx.msk vm1, v4;
	p0 =	slt.s32 s12, $0x1  }
.Ltmp27:
0x1fb: {  	v62 =	vshll.u32 v24, $0xC;
	[tilespmem:v11+s4+$0x0] =	vst.idx.msk vm4, v2;
	v2 =	vor.u32 v3, v61;
	(pc) =	sbr.rel @p0 .LBB2_49-.Ltmp27, $4  }
0x1fc: {  	v3 =	vor.u32 v5, v62;
	[tilespmem:v10+s4+$0x0] =	vst.idx.msk vm5, v2;
	v2 =	vshll.u32 v57, $0xC  }
0x1fd: {  	v63 =	vshll.u32 v55, $0xC;
	[tilespmem:v9+s4+$0x0] =	vst.idx.msk vm3, v3;
	v2 =	vor.u32 v12, v2  }
0x1fe: {  	v4 =	vor.u32 v53, v63;
	[tilespmem:v6+s4+$0x0] =	vst.idx.msk vm0, v2  }
0x1ff: {  	[tilespmem:v60+s4+$0x0] =	vst.idx.msk vm2, v4  }
0x200: {  	s10 =	sadd.s32 $0x7F, s12  }
0x201: {  	s11 =	sand.u32 $0x7F, s10  }
0x202: {  	s13 =	sshra.s32 s10, $0x1F;
	p0 =	slt.s32 s10, $0x0;
	p1 =	sne.s32 s11, $0x0  }
0x203: {  	s14 =	sshrl.u32 s13, $0x19;
	p0 =	por !p0, !p1  }
0x204: {  	s11 =	simm.s32 $0x1;
	s10 =	sadd.s32 s14, s10;
	p0 =	por !p0, !p0  }
0x205: {  	s10 =	sshra.s32 s10, $0x7;
	s11 =	simm.s32 @!p0 $0x0  }
0x206: {  	s10 =	ssub.s32 s10, s11  }
0x207: {  	s11 =	sshrl.u32 s10, $0x1F  }
0x208: {  	v2 =	vld.msk [tilespmem:$0x18000 ss:$0x0], $0xffff;
	s11 =	sadd.s32 s11, s10  }
0x209: {  	s15 =	sand.u32 $0xFFFFFFFE, s11  }
0x20a: {  	p5 =	slt.s32 s10, $0x1;
	p6 =	sne.s32 s10, s15  }
0x20b: {  	p0 =	por !p5, !p6  }
0x20c: {  	s13 =	simm.s32 $0x1;
	p0 =	por !p0, !p0  }
0x20d: {  	[tilespmem:s12+$0x18000] =	vst v2;
	s11 =	sshra.s32 s11, $0x1;
	s13 =	simm.s32 @!p0 $0x0  }
0x20e: {  	[tilespmem:s12+$0x18010] =	vst v2;
	s11 =	ssub.s32 s11, s13  }
0x20f: {  	[tilespmem:s12+$0x18020] =	vst v2;
	p1 =	slt.s32 s11, $0x1  }
.Ltmp28:
0x210: {  	[tilespmem:s12+$0x18030] =	vst v2;
	(pc) =	sbr.rel @p1 .LBB2_44-.Ltmp28, $4  }
0x211: {  	[tilespmem:s12+$0x18040] =	vst v2  }
0x212: {  	[tilespmem:s12+$0x18050] =	vst v2  }
0x213: {  	[tilespmem:s12+$0x18060] =	vst v2  }
0x214: {  	[tilespmem:s12+$0x18070] =	vst v2;
	s12 =	simm.s32 $0x18080  }
0x215: {  	p0 =	sne.s32 s11, $0x1  }
.Ltmp29:
0x216: {  	_ = 	snop;
	(pc) =	sbr.rel @!p0 .LBB2_43-.Ltmp29, $4  }
0x217: {  	_ = 	snop  }
0x218: {  	s13 =	simm.s32 $0x18000  }
0x219: {  	[hbm4b:s28+s5] =	stream.indirect.scatter [tilespmem:s6], [sflag:$0x2], $0x1, s13, s5, $0xb8;
	[tilespmem:$0x1C180] =	vst v63  }
0x21a: {  	s14 =	simm.s32 $0x18180;
	s13 =	sadd.s32 $0xFFFFFFFF, s11  }
.LBB2_42:
0x21b: {  	[hbm4b:s28+s5] =	stream.indirect.scatter [tilespmem:s6], [sflag:$0x3], $0x1, s12, s5, $0xb8;
	[tilespmem:$0x1C180] =	vst v63  }
0x21c: {  	p0 =	sne.s32 s13, $0x1  }
.Ltmp30:
0x21d: {  	s13 =	sadd.s32 $0xFFFFFFFF, s13;
	(pc) =	sbr.rel @p0 .LBB2_42-.Ltmp30, $4  }
0x21e: {  	s12 =	smov.u32 s14  }
0x21f: {  	s15 =	sadd.s32 $0xFFFFFF80, s14  }
0x220: {  	[hbm4b:s28+s5] =	stream.indirect.scatter [tilespmem:s6], [sflag:$0x2], $0x1, s15, s5, $0xb8;
	[tilespmem:$0x1C180] =	vst v63  }
0x221: {  	s14 =	sadd.s32 $0x100, s14  }
.LBB2_43:
0x222: {  	[hbm4b:s28+s5] =	stream.indirect.scatter [tilespmem:s6], [sflag:$0x3], $0x1, s12, s5, $0xb8;
	[tilespmem:$0x1C180] =	vst v63  }
.LBB2_44:
0x223: {  	s12 =	sand.u32 $0x1, s10  }
.Ltmp31:
0x224: {  	p0 =	seq.s32 s12, $0x0;
	(pc) =	sbr.rel @p1 .LBB2_48-.Ltmp31, $4  }
0x225: {  	s10 =	sshll.u32 @!p0 s10, $0x9  }
0x226: {  	s10 =	sshra.s32 @!p0 s10, $0x2  }
0x227: {  	s12 =	simm.s32 @!p0 $0x80;
	s13 =	simm.s32 @!p0 $0x1C100;
	s10 =	sadd.s32 @!p0 $0x17F80, s10  }
0x228: {  	[hbm4b:s28+s12] =	stream.indirect.scatter @!p0 [tilespmem:s13], [sflag:$0x2], $0x1, s10, s12, $0xb8;
	[tilespmem:$0x1C180] =	vst v63  }
0x229: {  	p1 =	sne.s32 s11, $0x1  }
.Ltmp32:
0x22a: {  	_ =	swait.ge [sflag:s7], $0x80;
	(pc) =	sbr.rel @!p1 .LBB2_47-.Ltmp32, $4  }
0x22b: {  	[sflag:s7] =	ssyncset.done $0x0  }
0x22c: {  	[sflag:s7] =	ssyncadd.s32 $0xFFFFFF80  }
0x22d: {  	_ =	swait.ge [sflag:s8], $0x80  }
0x22e: {  	s10 =	sadd.s32 $0xFFFFFFFF, s11;
	[sflag:s8] =	ssyncset.done $0x0  }
.LBB2_46:
0x22f: {  	p1 =	sne.s32 s10, $0x1;
	s10 =	sadd.s32 $0xFFFFFFFF, s10;
	[sflag:s8] =	ssyncadd.s32 $0xFFFFFF80  }
.Ltmp33:
0x230: {  	_ =	swait.ge [sflag:s7], $0x80;
	(pc) =	sbr.rel @p1 .LBB2_46-.Ltmp33, $4  }
0x231: {  	[sflag:s7] =	ssyncset.done $0x0  }
0x232: {  	[sflag:s7] =	ssyncadd.s32 $0xFFFFFF80  }
0x233: {  	_ =	swait.ge [sflag:s8], $0x80  }
0x234: {  	[sflag:s8] =	ssyncset.done $0x0  }
.LBB2_47:
0x235: {  	[sflag:s8] =	ssyncadd.s32 $0xFFFFFF80  }
.LBB2_48:
0x236: {  	s10 =	simm.s32 @!p0 $0x2  }
0x237: {  	_ =	swait.ge @!p0 [sflag:s10], $0x80  }
0x238: {  	[sflag:s10] =	ssyncset.done @!p0 $0x0  }
0x239: {  	[sflag:s10] =	ssyncadd.s32 @!p0 $0xFFFFFF80  }
.LBB2_49:
0x23a: {  	_ =	swait.ge [sflag:s21], $0x4000  }
0x23b: {  	[sflag:s21] =	ssyncset.done $0x0  }
0x23c: {  	[sflag:s21] =	ssyncadd.s32 $0xFFFFC000  }
0x23d: {  	_ =	swait.ge [sflag:s21], $0x4000  }
0x23e: {  	[sflag:s21] =	ssyncset.done $0x0  }
0x23f: {  	[sflag:s21] =	ssyncadd.s32 $0xFFFFC000  }
0x240: {  	_ =	swait.ge [sflag:s21], $0x4000  }
0x241: {  	[sflag:s21] =	ssyncset.done $0x0  }
0x242: {  	[sflag:s21] =	ssyncadd.s32 $0xFFFFC000  }
0x243: {  	[tilespmem:s0], [sflag:$0x1] =	stream.linear.gather [hbm4b:s17+s1], $0x4000, $0x38;
	[tilespmem:$0x1C180] =	vst v63  }
0x244: {  	_ = 	snop  }
0x245: {  	[tilespmem:s2], [sflag:$0x1] =	stream.linear.gather [hbm4b:s18+s1], $0x4000, $0x38;
	[tilespmem:$0x1C180] =	vst v63  }
0x246: {  	s11 =	simm.s32 $0x10040  }
0x247: {  	[tilespmem:s3], [sflag:$0x1] =	stream.linear.gather [hbm4b:s19+s1], $0x4000, $0x38;
	[tilespmem:$0x1C180] =	vst v63  }
0x248: {  	v2 =	vld [tilespmem:s11+$0xFFFFFFC0]  }
0x249: {  	v3 =	vld [tilespmem:s11+$0xFFFFFFD0]  }
0x24a: {  	v4 =	vld [tilespmem:s11+$0xFFFFFFE0]  }
0x24b: {  	v5 =	vld [tilespmem:s11+$0xFFFFFFF0]  }
0x24c: {  	v8 =	vld [tilespmem:s11+$0x0];
	_ =	sdelay $0x1  }
0x24d: {  	vm7 =	veq.f32 v3, $0.0e+00;
	v3 =	vld [tilespmem:s11+$0x20]  }
0x24e: {  	v12 =	vimm.s32 $0x0;
	vm6 =	veq.f32 v2, $0.0e+00;
	v2 =	vld [tilespmem:s11+$0x10];
	vm1 =	veq.f32 v4, $0.0e+00  }
0x24f: {  	s10 =	simm.s32 $0x8040;
	v14 =	vld [tilespmem:s11+$0x30];
	vm4 =	veq.f32 v5, $0.0e+00;
	v6 =	vsel vm6, $0x1, v1;
	v9 =	vmpcnt.ones.xlane vm6  }
0x250: {  	s12 =	simm.s32 $0x40;
	v7 =	vld [tilespmem:s10+$0xFFFFFFC0];
	vm5 =	veq.f32 v8, $0.0e+00;
	v10 =	vsel vm7, $0x1, v1;
	v11 =	vmpcnt.ones.xlane vm7;
	(xrf0) =	vadd.scan.msk.s32 $0xffff, v6  }
0x251: {  	v17 =	vld [tilespmem:s12+$0xFFFFFFC0];
	v5 =	vmpcnt.ones.xlane vm4;
	v16 =	vadd.s32 v12, v9;
	v9 =	vmpcnt.ones.xlane vm1;
	(xrf0) =	vadd.scan.msk.s32 $0xffff, v10  }
0x252: {  	v19 =	vld [tilespmem:s12+$0xFFFFFFD0];
	v8 =	vmpcnt.ones.xlane vm5;
	v13 =	vadd.s32 v16, v11;
	vm0 =	veq.f32 v3, $0.0e+00  }
0x253: {  	v4 =	vld [tilespmem:s10+$0xFFFFFFE0];
	v11 =	vadd.s32 v13, v9;
	vm3 =	veq.f32 v2, $0.0e+00;
	v18 =	vmpcnt.ones.xlane vm0  }
0x254: {  	vm2 =	veq.f32 v14, $0.0e+00;
	v6 =	vld [tilespmem:s10+$0xFFFFFFD0];
	v10 =	vadd.s32 v11, v5;
	v15 =	vmpcnt.ones.xlane vm3  }
0x255: {  	v14 =	vsel vm1, $0x1, v1;
	v22 =	vsel vm4, $0x1, v1;
	v2 =	vld [tilespmem:s10+$0xFFFFFFF0];
	v9 =	vadd.s32 v10, v8  }
0x256: {  	v23 =	vsel vm5, $0x1, v1;
	v3 =	vld [tilespmem:s10+$0x0];
	v24 =	vsel vm3, $0x1, v1;
	v8 =	vadd.s32 v9, v15;
	v20, _, _ =	vpop (xrf0);
	(xrf0) =	vadd.scan.msk.s32 $0xffff, v14  }
0x257: {  	v5 =	vld [tilespmem:s10+$0x10];
	v21 =	vsel vm0, $0x1, v1;
	v15 =	vmpcnt.ones.xlane vm2;
	v14 =	vadd.s32 v8, v18;
	(xrf0) =	vadd.scan.msk.s32 $0xffff, v22;
	v18, _, _ =	vpop (xrf0)  }
0x258: {  	v12 =	vadd.s32 v20, v12;
	v20 =	vld [tilespmem:s12+$0xFFFFFFE0];
	v22 =	vsel vm2, $0x1, v1;
	(xrf0) =	vadd.scan.msk.s32 $0xffff, v23;
	v16 =	vadd.s32 v18, v16  }
0x259: {  	s13 =	simm.s32 $0x0;
	v15 =	vadd.s32 v14, v15;
	v18 =	vadd.s32 $0xFFFFFFFF, v12;
	v12 =	vld [tilespmem:s10+$0x20];
	(xrf0) =	vadd.scan.msk.s32 $0xffff, v24;
	v16 =	vadd.s32 $0xFFFFFFFF, v16  }
.LBB2_50:
0x25a: {  	s13 =	sadd.s32 $0x80, s13;
	v23 =	vld [tilespmem:s12+$0xFFFFFFF0];
	(xrf0) =	vadd.scan.msk.s32 $0xffff, v21;
	v24 =	vmov v15  }
0x25b: {  	p0 =	slt.u32 s13, $0x3F80;
	v21 =	vld [tilespmem:s12+$0x0];
	(xrf0) =	vadd.scan.msk.s32 $0xffff, v22  }
0x25c: {  	v17 =	vshll.u32 v17, $0xC;
	v19 =	vshll.u32 v19, $0xC;
	v22 =	vld [tilespmem:s12+$0x10];
	v25, _, _ =	vpop (xrf0)  }
0x25d: {  	v7 =	vor.u32 v7, v17;
	v17 =	vshll.u32 v20, $0xC;
	v13 =	vadd.s32 v25, v13;
	v20 =	vld [tilespmem:s10+$0x30];
	v25, _, _ =	vpop (xrf0)  }
0x25e: {  	v6 =	vor.u32 v6, v19;
	[tilespmem:v18+s4+$0x0] =	vst.idx.msk vm6, v7;
	v7 =	vadd.s32 $0xFFFFFFFF, v13;
	v11 =	vadd.s32 v25, v11;
	v13 =	vld [tilespmem:s12+$0x20];
	v18, _, _ =	vpop (xrf0)  }
0x25f: {  	s11 =	sadd.s32 $0x80, s11;
	[tilespmem:v16+s4+$0x0] =	vst.idx.msk vm7, v6;
	v6 =	vshll.u32 v23, $0xC;
	v11 =	vadd.s32 $0xFFFFFFFF, v11;
	v10 =	vadd.s32 v18, v10;
	v16 =	vld [tilespmem:s12+$0x30];
	v18, _, _ =	vpop (xrf0)  }
0x260: {  	v19 =	vld [tilespmem:s11+$0xFFFFFFC0];
	v21 =	vshll.u32 v21, $0xC;
	v10 =	vadd.s32 $0xFFFFFFFF, v10;
	v9 =	vadd.s32 v18, v9;
	v18, _, _ =	vpop (xrf0)  }
0x261: {  	v23 =	vld [tilespmem:s11+$0xFFFFFFD0];
	v22 =	vshll.u32 v22, $0xC;
	v9 =	vadd.s32 $0xFFFFFFFF, v9;
	v8 =	vadd.s32 v18, v8;
	v18, _, _ =	vpop (xrf0)  }
0x262: {  	v4 =	vor.u32 v4, v17;
	v25 =	vld [tilespmem:s11+$0xFFFFFFE0];
	v8 =	vadd.s32 $0xFFFFFFFF, v8;
	v14 =	vadd.s32 v18, v14  }
0x263: {  	v2 =	vor.u32 v2, v6;
	v17 =	vld [tilespmem:s11+$0xFFFFFFF0];
	[tilespmem:v7+s4+$0x0] =	vst.idx.msk vm1, v4;
	v4 =	vshll.u32 v13, $0xC;
	v14 =	vadd.s32 $0xFFFFFFFF, v14  }
0x264: {  	v18 =	vld [tilespmem:s11+$0x0];
	[tilespmem:v11+s4+$0x0] =	vst.idx.msk vm4, v2;
	v2 =	vor.u32 v3, v21;
	v3 =	vor.u32 v5, v22;
	v5 =	vshll.u32 v16, $0xC  }
0x265: {  	vm6 =	veq.f32 v19, $0.0e+00;
	v16 =	vld [tilespmem:s11+$0x10];
	[tilespmem:v10+s4+$0x0] =	vst.idx.msk vm5, v2;
	v2 =	vor.u32 v12, v4;
	v4 =	vor.u32 v20, v5  }
0x266: {  	v5 =	vsel vm6, $0x1, v1;
	v6 =	vmpcnt.ones.xlane vm6;
	vm7 =	veq.f32 v23, $0.0e+00;
	v12 =	vld [tilespmem:s11+$0x20];
	[tilespmem:v9+s4+$0x0] =	vst.idx.msk vm3, v3  }
0x267: {  	s10 =	sadd.s32 $0x80, s10;
	v3 =	vsel vm7, $0x1, v1;
	v9 =	vmpcnt.ones.xlane vm7;
	vm1 =	veq.f32 v25, $0.0e+00;
	v19 =	vld [tilespmem:s11+$0x30];
	(xrf0) =	vadd.scan.msk.s32 $0xffff, v5  }
0x268: {  	v7 =	vld [tilespmem:s10+$0xFFFFFFC0];
	v20 =	vadd.s32 v15, v6;
	v5 =	vmpcnt.ones.xlane vm1;
	vm4 =	veq.f32 v17, $0.0e+00;
	(xrf0) =	vadd.scan.msk.s32 $0xffff, v3  }
0x269: {  	v6 =	vld [tilespmem:s10+$0xFFFFFFD0];
	v13 =	vadd.s32 v20, v9;
	v3 =	vmpcnt.ones.xlane vm4;
	vm5 =	veq.f32 v18, $0.0e+00;
	[tilespmem:v14+s4+$0x0] =	vst.idx.msk vm2, v4  }
0x26a: {  	v4 =	vld [tilespmem:s10+$0xFFFFFFE0];
	v11 =	vadd.s32 v13, v5;
	v5 =	vmpcnt.ones.xlane vm5;
	vm3 =	veq.f32 v16, $0.0e+00;
	[tilespmem:v8+s4+$0x0] =	vst.idx.msk vm0, v2  }
0x26b: {  	v2 =	vld [tilespmem:s10+$0xFFFFFFF0];
	v10 =	vadd.s32 v11, v3;
	v8 =	vmpcnt.ones.xlane vm3;
	vm0 =	veq.f32 v12, $0.0e+00  }
0x26c: {  	v3 =	vld [tilespmem:s10+$0x0];
	v9 =	vadd.s32 v10, v5;
	v21 =	vmpcnt.ones.xlane vm0;
	vm2 =	veq.f32 v19, $0.0e+00  }
.Ltmp34:
0x26d: {  	s12 =	sadd.s32 $0x80, s12;
	v15 =	vsel vm1, $0x1, v1;
	v5 =	vld [tilespmem:s10+$0x10];
	v8 =	vadd.s32 v9, v8;
	v16 =	vmpcnt.ones.xlane vm2;
	v18, _, _ =	vpop (xrf0);
	(pc) =	sbr.rel @p0 .LBB2_50-.Ltmp34, $4  }
0x26e: {  	v22 =	vsel vm4, $0x1, v1;
	v23 =	vsel vm5, $0x1, v1;
	v17 =	vld [tilespmem:s12+$0xFFFFFFC0];
	v14 =	vadd.s32 v8, v21;
	v12, _, _ =	vpop (xrf0);
	(xrf0) =	vadd.scan.msk.s32 $0xffff, v15  }
0x26f: {  	v25 =	vsel vm3, $0x1, v1;
	v21 =	vsel vm0, $0x1, v1;
	v19 =	vld [tilespmem:s12+$0xFFFFFFD0];
	v15 =	vadd.s32 v14, v16;
	(xrf0) =	vadd.scan.msk.s32 $0xffff, v22  }
0x270: {  	v16 =	vadd.s32 v18, v24;
	v12 =	vadd.s32 v12, v20;
	v22 =	vsel vm2, $0x1, v1;
	v20 =	vld [tilespmem:s12+$0xFFFFFFE0];
	(xrf0) =	vadd.scan.msk.s32 $0xffff, v23  }
0x271: {  	v18 =	vadd.s32 $0xFFFFFFFF, v16;
	v16 =	vadd.s32 $0xFFFFFFFF, v12;
	v12 =	vld [tilespmem:s10+$0x20];
	(xrf0) =	vadd.scan.msk.s32 $0xffff, v25  }
0x272: {  	(v2sf) =	vpush v15, $0x0;
	_ =	sdelay $0x6  }
0x273: {  	(xrf0) =	vadd.scan.msk.s32 $0xffff, v21  }
0x274: {  	(xrf0) =	vadd.scan.msk.s32 $0xffff, v22  }
0x275: {  	v48, _, _ =	vpop (xrf0)  }
0x276: {  	v49 =	vld [tilespmem:s12+$0xFFFFFFF0];
	v17 =	vshll.u32 v17, $0xC;
	v19 =	vshll.u32 v19, $0xC;
	v50, _, _ =	vpop (xrf0);
	v13 =	vadd.s32 v48, v13  }
0x277: {  	v23 =	vld [tilespmem:s12+$0x0];
	v7 =	vor.u32 v7, v17;
	v51, _, _ =	vpop (xrf0);
	v13 =	vadd.s32 $0xFFFFFFFF, v13;
	v11 =	vadd.s32 v50, v11  }
0x278: {  	v24 =	vld [tilespmem:s12+$0x10];
	v20 =	vshll.u32 v20, $0xC;
	v52, _, _ =	vpop (xrf0);
	v11 =	vadd.s32 $0xFFFFFFFF, v11;
	v10 =	vadd.s32 v51, v10  }
0x279: {  	v57 =	vld [tilespmem:s12+$0x20];
	v6 =	vor.u32 v6, v19;
	v54, _, _ =	vpop (xrf0);
	v10 =	vadd.s32 $0xFFFFFFFF, v10;
	v9 =	vadd.s32 v52, v9  }
0x27a: {  	v55 =	vld [tilespmem:s12+$0x30];
	[tilespmem:v18+s4+$0x0] =	vst.idx.msk vm6, v7;
	v4 =	vor.u32 v4, v20;
	v56, _, _ =	vpop (xrf0);
	v9 =	vadd.s32 $0xFFFFFFFF, v9;
	v59 =	vadd.s32 v54, v8  }
0x27b: {  	v53 =	vld [tilespmem:s10+$0x30];
	[tilespmem:v16+s4+$0x0] =	vst.idx.msk vm7, v6;
	v58 =	vshll.u32 v49, $0xC;
	v14 =	vadd.s32 v56, v14;
	v6 =	vadd.s32 $0xFFFFFFFF, v59;
	s12 =	spop (v2sf)  }
0x27c: {  	v61 =	vshll.u32 v23, $0xC;
	v2 =	vor.u32 v2, v58;
	v60 =	vadd.s32 $0xFFFFFFFF, v14;
	[tilespmem:v13+s4+$0x0] =	vst.idx.msk vm1, v4;
	p0 =	slt.s32 s12, $0x1  }
.Ltmp35:
0x27d: {  	v62 =	vshll.u32 v24, $0xC;
	[tilespmem:v11+s4+$0x0] =	vst.idx.msk vm4, v2;
	v2 =	vor.u32 v3, v61;
	(pc) =	sbr.rel @p0 .LBB2_61-.Ltmp35, $4  }
0x27e: {  	v3 =	vor.u32 v5, v62;
	[tilespmem:v10+s4+$0x0] =	vst.idx.msk vm5, v2;
	v2 =	vshll.u32 v57, $0xC  }
0x27f: {  	v63 =	vshll.u32 v55, $0xC;
	[tilespmem:v9+s4+$0x0] =	vst.idx.msk vm3, v3;
	v2 =	vor.u32 v12, v2  }
0x280: {  	v4 =	vor.u32 v53, v63;
	[tilespmem:v6+s4+$0x0] =	vst.idx.msk vm0, v2  }
0x281: {  	[tilespmem:v60+s4+$0x0] =	vst.idx.msk vm2, v4  }
0x282: {  	s10 =	sadd.s32 $0x7F, s12  }
0x283: {  	s11 =	sand.u32 $0x7F, s10  }
0x284: {  	s13 =	sshra.s32 s10, $0x1F;
	p0 =	slt.s32 s10, $0x0;
	p1 =	sne.s32 s11, $0x0  }
0x285: {  	s14 =	sshrl.u32 s13, $0x19;
	p0 =	por !p0, !p1  }
0x286: {  	s11 =	simm.s32 $0x1;
	s10 =	sadd.s32 s14, s10;
	p0 =	por !p0, !p0  }
0x287: {  	s10 =	sshra.s32 s10, $0x7;
	s11 =	simm.s32 @!p0 $0x0  }
0x288: {  	s10 =	ssub.s32 s10, s11  }
0x289: {  	s11 =	sshrl.u32 s10, $0x1F  }
0x28a: {  	v2 =	vld.msk [tilespmem:$0x18000 ss:$0x0], $0xffff;
	s11 =	sadd.s32 s11, s10  }
0x28b: {  	s15 =	sand.u32 $0xFFFFFFFE, s11  }
0x28c: {  	p5 =	slt.s32 s10, $0x1;
	p6 =	sne.s32 s10, s15  }
0x28d: {  	p0 =	por !p5, !p6  }
0x28e: {  	s13 =	simm.s32 $0x1;
	p0 =	por !p0, !p0  }
0x28f: {  	[tilespmem:s12+$0x18000] =	vst v2;
	s11 =	sshra.s32 s11, $0x1;
	s13 =	simm.s32 @!p0 $0x0  }
0x290: {  	[tilespmem:s12+$0x18010] =	vst v2;
	s11 =	ssub.s32 s11, s13  }
0x291: {  	[tilespmem:s12+$0x18020] =	vst v2;
	p1 =	slt.s32 s11, $0x1  }
.Ltmp36:
0x292: {  	[tilespmem:s12+$0x18030] =	vst v2;
	(pc) =	sbr.rel @p1 .LBB2_56-.Ltmp36, $4  }
0x293: {  	[tilespmem:s12+$0x18040] =	vst v2  }
0x294: {  	[tilespmem:s12+$0x18050] =	vst v2  }
0x295: {  	[tilespmem:s12+$0x18060] =	vst v2  }
0x296: {  	[tilespmem:s12+$0x18070] =	vst v2;
	s12 =	simm.s32 $0x18080  }
0x297: {  	p0 =	sne.s32 s11, $0x1  }
.Ltmp37:
0x298: {  	_ = 	snop;
	(pc) =	sbr.rel @!p0 .LBB2_55-.Ltmp37, $4  }
0x299: {  	_ = 	snop  }
0x29a: {  	s13 =	simm.s32 $0x18000  }
0x29b: {  	[hbm4b:s28+s5] =	stream.indirect.scatter [tilespmem:s6], [sflag:$0x2], $0x1, s13, s5, $0xb8;
	[tilespmem:$0x1C180] =	vst v63  }
0x29c: {  	s14 =	simm.s32 $0x18180;
	s13 =	sadd.s32 $0xFFFFFFFF, s11  }
.LBB2_54:
0x29d: {  	[hbm4b:s28+s5] =	stream.indirect.scatter [tilespmem:s6], [sflag:$0x3], $0x1, s12, s5, $0xb8;
	[tilespmem:$0x1C180] =	vst v63  }
0x29e: {  	p0 =	sne.s32 s13, $0x1  }
.Ltmp38:
0x29f: {  	s13 =	sadd.s32 $0xFFFFFFFF, s13;
	(pc) =	sbr.rel @p0 .LBB2_54-.Ltmp38, $4  }
0x2a0: {  	s12 =	smov.u32 s14  }
0x2a1: {  	s15 =	sadd.s32 $0xFFFFFF80, s14  }
0x2a2: {  	[hbm4b:s28+s5] =	stream.indirect.scatter [tilespmem:s6], [sflag:$0x2], $0x1, s15, s5, $0xb8;
	[tilespmem:$0x1C180] =	vst v63  }
0x2a3: {  	s14 =	sadd.s32 $0x100, s14  }
.LBB2_55:
0x2a4: {  	[hbm4b:s28+s5] =	stream.indirect.scatter [tilespmem:s6], [sflag:$0x3], $0x1, s12, s5, $0xb8;
	[tilespmem:$0x1C180] =	vst v63  }
.LBB2_56:
0x2a5: {  	s12 =	sand.u32 $0x1, s10  }
.Ltmp39:
0x2a6: {  	p0 =	seq.s32 s12, $0x0;
	(pc) =	sbr.rel @p1 .LBB2_60-.Ltmp39, $4  }
0x2a7: {  	s10 =	sshll.u32 @!p0 s10, $0x9  }
0x2a8: {  	s10 =	sshra.s32 @!p0 s10, $0x2  }
0x2a9: {  	s12 =	simm.s32 @!p0 $0x80;
	s13 =	simm.s32 @!p0 $0x1C100;
	s10 =	sadd.s32 @!p0 $0x17F80, s10  }
0x2aa: {  	[hbm4b:s28+s12] =	stream.indirect.scatter @!p0 [tilespmem:s13], [sflag:$0x2], $0x1, s10, s12, $0xb8;
	[tilespmem:$0x1C180] =	vst v63  }
0x2ab: {  	p1 =	sne.s32 s11, $0x1  }
.Ltmp40:
0x2ac: {  	_ =	swait.ge [sflag:s7], $0x80;
	(pc) =	sbr.rel @!p1 .LBB2_59-.Ltmp40, $4  }
0x2ad: {  	[sflag:s7] =	ssyncset.done $0x0  }
0x2ae: {  	[sflag:s7] =	ssyncadd.s32 $0xFFFFFF80  }
0x2af: {  	_ =	swait.ge [sflag:s8], $0x80  }
0x2b0: {  	s10 =	sadd.s32 $0xFFFFFFFF, s11;
	[sflag:s8] =	ssyncset.done $0x0  }
.LBB2_58:
0x2b1: {  	p1 =	sne.s32 s10, $0x1;
	s10 =	sadd.s32 $0xFFFFFFFF, s10;
	[sflag:s8] =	ssyncadd.s32 $0xFFFFFF80  }
.Ltmp41:
0x2b2: {  	_ =	swait.ge [sflag:s7], $0x80;
	(pc) =	sbr.rel @p1 .LBB2_58-.Ltmp41, $4  }
0x2b3: {  	[sflag:s7] =	ssyncset.done $0x0  }
0x2b4: {  	[sflag:s7] =	ssyncadd.s32 $0xFFFFFF80  }
0x2b5: {  	_ =	swait.ge [sflag:s8], $0x80  }
0x2b6: {  	[sflag:s8] =	ssyncset.done $0x0  }
.LBB2_59:
0x2b7: {  	[sflag:s8] =	ssyncadd.s32 $0xFFFFFF80  }
.LBB2_60:
0x2b8: {  	s10 =	simm.s32 @!p0 $0x2  }
0x2b9: {  	_ =	swait.ge @!p0 [sflag:s10], $0x80  }
0x2ba: {  	[sflag:s10] =	ssyncset.done @!p0 $0x0  }
0x2bb: {  	[sflag:s10] =	ssyncadd.s32 @!p0 $0xFFFFFF80  }
.LBB2_61:
0x2bc: {  	_ =	swait.ge [sflag:s21], $0x4000  }
0x2bd: {  	[sflag:s21] =	ssyncset.done $0x0  }
0x2be: {  	[sflag:s21] =	ssyncadd.s32 $0xFFFFC000  }
0x2bf: {  	_ =	swait.ge [sflag:s21], $0x4000  }
0x2c0: {  	[sflag:s21] =	ssyncset.done $0x0  }
0x2c1: {  	[sflag:s21] =	ssyncadd.s32 $0xFFFFC000  }
0x2c2: {  	_ =	swait.ge [sflag:s21], $0x4000  }
0x2c3: {  	[sflag:s21] =	ssyncset.done $0x0  }
0x2c4: {  	[sflag:s21] =	ssyncadd.s32 $0xFFFFC000  }
0x2c5: {  	[tilespmem:s1], [sflag:$0x1] =	stream.linear.gather [hbm4b:s20+s1], $0x4000, $0x38;
	[tilespmem:$0x1C180] =	vst v63  }
0x2c6: {  	_ = 	snop  }
0x2c7: {  	[tilespmem:s30], [sflag:$0x1] =	stream.linear.gather [hbm4b:s22+s1], $0x4000, $0x38;
	[tilespmem:$0x1C180] =	vst v63  }
0x2c8: {  	s11 =	simm.s32 $0x14040  }
0x2c9: {  	[tilespmem:s31], [sflag:$0x1] =	stream.linear.gather [hbm4b:s23+s1], $0x4000, $0x38;
	[tilespmem:$0x1C180] =	vst v63  }
0x2ca: {  	v2 =	vld [tilespmem:s11+$0xFFFFFFC0]  }
0x2cb: {  	v3 =	vld [tilespmem:s11+$0xFFFFFFD0]  }
0x2cc: {  	v4 =	vld [tilespmem:s11+$0xFFFFFFE0]  }
0x2cd: {  	v5 =	vld [tilespmem:s11+$0xFFFFFFF0]  }
0x2ce: {  	v8 =	vld [tilespmem:s11+$0x0];
	_ =	sdelay $0x1  }
0x2cf: {  	vm7 =	veq.f32 v3, $0.0e+00;
	v3 =	vld [tilespmem:s11+$0x20]  }
0x2d0: {  	v12 =	vimm.s32 $0x0;
	vm6 =	veq.f32 v2, $0.0e+00;
	v2 =	vld [tilespmem:s11+$0x10];
	vm1 =	veq.f32 v4, $0.0e+00  }
0x2d1: {  	s10 =	simm.s32 $0xC040;
	v14 =	vld [tilespmem:s11+$0x30];
	vm4 =	veq.f32 v5, $0.0e+00;
	v6 =	vsel vm6, $0x1, v1;
	v9 =	vmpcnt.ones.xlane vm6  }
0x2d2: {  	s12 =	simm.s32 $0x4040;
	v7 =	vld [tilespmem:s10+$0xFFFFFFC0];
	vm5 =	veq.f32 v8, $0.0e+00;
	v10 =	vsel vm7, $0x1, v1;
	v11 =	vmpcnt.ones.xlane vm7;
	(xrf0) =	vadd.scan.msk.s32 $0xffff, v6  }
0x2d3: {  	v17 =	vld [tilespmem:s12+$0xFFFFFFC0];
	v5 =	vmpcnt.ones.xlane vm4;
	v16 =	vadd.s32 v12, v9;
	v9 =	vmpcnt.ones.xlane vm1;
	(xrf0) =	vadd.scan.msk.s32 $0xffff, v10  }
0x2d4: {  	v19 =	vld [tilespmem:s12+$0xFFFFFFD0];
	v8 =	vmpcnt.ones.xlane vm5;
	v13 =	vadd.s32 v16, v11;
	vm0 =	veq.f32 v3, $0.0e+00  }
0x2d5: {  	v4 =	vld [tilespmem:s10+$0xFFFFFFE0];
	v11 =	vadd.s32 v13, v9;
	vm3 =	veq.f32 v2, $0.0e+00;
	v18 =	vmpcnt.ones.xlane vm0  }
0x2d6: {  	vm2 =	veq.f32 v14, $0.0e+00;
	v6 =	vld [tilespmem:s10+$0xFFFFFFD0];
	v10 =	vadd.s32 v11, v5;
	v15 =	vmpcnt.ones.xlane vm3  }
0x2d7: {  	v14 =	vsel vm1, $0x1, v1;
	v22 =	vsel vm4, $0x1, v1;
	v2 =	vld [tilespmem:s10+$0xFFFFFFF0];
	v9 =	vadd.s32 v10, v8  }
0x2d8: {  	v23 =	vsel vm5, $0x1, v1;
	v3 =	vld [tilespmem:s10+$0x0];
	v24 =	vsel vm3, $0x1, v1;
	v8 =	vadd.s32 v9, v15;
	v20, _, _ =	vpop (xrf0);
	(xrf0) =	vadd.scan.msk.s32 $0xffff, v14  }
0x2d9: {  	v5 =	vld [tilespmem:s10+$0x10];
	v21 =	vsel vm0, $0x1, v1;
	v15 =	vmpcnt.ones.xlane vm2;
	v14 =	vadd.s32 v8, v18;
	(xrf0) =	vadd.scan.msk.s32 $0xffff, v22;
	v18, _, _ =	vpop (xrf0)  }
0x2da: {  	v12 =	vadd.s32 v20, v12;
	v20 =	vld [tilespmem:s12+$0xFFFFFFE0];
	v22 =	vsel vm2, $0x1, v1;
	(xrf0) =	vadd.scan.msk.s32 $0xffff, v23;
	v16 =	vadd.s32 v18, v16  }
0x2db: {  	s13 =	simm.s32 $0x0;
	v15 =	vadd.s32 v14, v15;
	v18 =	vadd.s32 $0xFFFFFFFF, v12;
	v12 =	vld [tilespmem:s10+$0x20];
	(xrf0) =	vadd.scan.msk.s32 $0xffff, v24;
	v16 =	vadd.s32 $0xFFFFFFFF, v16  }
.LBB2_62:
0x2dc: {  	s13 =	sadd.s32 $0x80, s13;
	v23 =	vld [tilespmem:s12+$0xFFFFFFF0];
	(xrf0) =	vadd.scan.msk.s32 $0xffff, v21;
	v24 =	vmov v15  }
0x2dd: {  	p0 =	slt.u32 s13, $0x3F80;
	v21 =	vld [tilespmem:s12+$0x0];
	(xrf0) =	vadd.scan.msk.s32 $0xffff, v22  }
0x2de: {  	v17 =	vshll.u32 v17, $0xC;
	v19 =	vshll.u32 v19, $0xC;
	v22 =	vld [tilespmem:s12+$0x10];
	v25, _, _ =	vpop (xrf0)  }
0x2df: {  	v7 =	vor.u32 v7, v17;
	v17 =	vshll.u32 v20, $0xC;
	v13 =	vadd.s32 v25, v13;
	v20 =	vld [tilespmem:s10+$0x30];
	v25, _, _ =	vpop (xrf0)  }
0x2e0: {  	v6 =	vor.u32 v6, v19;
	[tilespmem:v18+s4+$0x0] =	vst.idx.msk vm6, v7;
	v7 =	vadd.s32 $0xFFFFFFFF, v13;
	v11 =	vadd.s32 v25, v11;
	v13 =	vld [tilespmem:s12+$0x20];
	v18, _, _ =	vpop (xrf0)  }
0x2e1: {  	s11 =	sadd.s32 $0x80, s11;
	[tilespmem:v16+s4+$0x0] =	vst.idx.msk vm7, v6;
	v6 =	vshll.u32 v23, $0xC;
	v11 =	vadd.s32 $0xFFFFFFFF, v11;
	v10 =	vadd.s32 v18, v10;
	v16 =	vld [tilespmem:s12+$0x30];
	v18, _, _ =	vpop (xrf0)  }
0x2e2: {  	v19 =	vld [tilespmem:s11+$0xFFFFFFC0];
	v21 =	vshll.u32 v21, $0xC;
	v10 =	vadd.s32 $0xFFFFFFFF, v10;
	v9 =	vadd.s32 v18, v9;
	v18, _, _ =	vpop (xrf0)  }
0x2e3: {  	v23 =	vld [tilespmem:s11+$0xFFFFFFD0];
	v22 =	vshll.u32 v22, $0xC;
	v9 =	vadd.s32 $0xFFFFFFFF, v9;
	v8 =	vadd.s32 v18, v8;
	v18, _, _ =	vpop (xrf0)  }
0x2e4: {  	v4 =	vor.u32 v4, v17;
	v25 =	vld [tilespmem:s11+$0xFFFFFFE0];
	v8 =	vadd.s32 $0xFFFFFFFF, v8;
	v14 =	vadd.s32 v18, v14  }
0x2e5: {  	v2 =	vor.u32 v2, v6;
	v17 =	vld [tilespmem:s11+$0xFFFFFFF0];
	[tilespmem:v7+s4+$0x0] =	vst.idx.msk vm1, v4;
	v4 =	vshll.u32 v13, $0xC;
	v14 =	vadd.s32 $0xFFFFFFFF, v14  }
0x2e6: {  	v18 =	vld [tilespmem:s11+$0x0];
	[tilespmem:v11+s4+$0x0] =	vst.idx.msk vm4, v2;
	v2 =	vor.u32 v3, v21;
	v3 =	vor.u32 v5, v22;
	v5 =	vshll.u32 v16, $0xC  }
0x2e7: {  	vm6 =	veq.f32 v19, $0.0e+00;
	v16 =	vld [tilespmem:s11+$0x10];
	[tilespmem:v10+s4+$0x0] =	vst.idx.msk vm5, v2;
	v2 =	vor.u32 v12, v4;
	v4 =	vor.u32 v20, v5  }
0x2e8: {  	v5 =	vsel vm6, $0x1, v1;
	v6 =	vmpcnt.ones.xlane vm6;
	vm7 =	veq.f32 v23, $0.0e+00;
	v12 =	vld [tilespmem:s11+$0x20];
	[tilespmem:v9+s4+$0x0] =	vst.idx.msk vm3, v3  }
0x2e9: {  	s10 =	sadd.s32 $0x80, s10;
	v3 =	vsel vm7, $0x1, v1;
	v9 =	vmpcnt.ones.xlane vm7;
	vm1 =	veq.f32 v25, $0.0e+00;
	v19 =	vld [tilespmem:s11+$0x30];
	(xrf0) =	vadd.scan.msk.s32 $0xffff, v5  }
0x2ea: {  	v7 =	vld [tilespmem:s10+$0xFFFFFFC0];
	v20 =	vadd.s32 v15, v6;
	v5 =	vmpcnt.ones.xlane vm1;
	vm4 =	veq.f32 v17, $0.0e+00;
	(xrf0) =	vadd.scan.msk.s32 $0xffff, v3  }
0x2eb: {  	v6 =	vld [tilespmem:s10+$0xFFFFFFD0];
	v13 =	vadd.s32 v20, v9;
	v3 =	vmpcnt.ones.xlane vm4;
	vm5 =	veq.f32 v18, $0.0e+00;
	[tilespmem:v14+s4+$0x0] =	vst.idx.msk vm2, v4  }
0x2ec: {  	v4 =	vld [tilespmem:s10+$0xFFFFFFE0];
	v11 =	vadd.s32 v13, v5;
	v5 =	vmpcnt.ones.xlane vm5;
	vm3 =	veq.f32 v16, $0.0e+00;
	[tilespmem:v8+s4+$0x0] =	vst.idx.msk vm0, v2  }
0x2ed: {  	v2 =	vld [tilespmem:s10+$0xFFFFFFF0];
	v10 =	vadd.s32 v11, v3;
	v8 =	vmpcnt.ones.xlane vm3;
	vm0 =	veq.f32 v12, $0.0e+00  }
0x2ee: {  	v3 =	vld [tilespmem:s10+$0x0];
	v9 =	vadd.s32 v10, v5;
	v21 =	vmpcnt.ones.xlane vm0;
	vm2 =	veq.f32 v19, $0.0e+00  }
.Ltmp42:
0x2ef: {  	s12 =	sadd.s32 $0x80, s12;
	v15 =	vsel vm1, $0x1, v1;
	v5 =	vld [tilespmem:s10+$0x10];
	v8 =	vadd.s32 v9, v8;
	v16 =	vmpcnt.ones.xlane vm2;
	v18, _, _ =	vpop (xrf0);
	(pc) =	sbr.rel @p0 .LBB2_62-.Ltmp42, $4  }
0x2f0: {  	v22 =	vsel vm4, $0x1, v1;
	v23 =	vsel vm5, $0x1, v1;
	v17 =	vld [tilespmem:s12+$0xFFFFFFC0];
	v14 =	vadd.s32 v8, v21;
	v12, _, _ =	vpop (xrf0);
	(xrf0) =	vadd.scan.msk.s32 $0xffff, v15  }
0x2f1: {  	v25 =	vsel vm3, $0x1, v1;
	v21 =	vsel vm0, $0x1, v1;
	v19 =	vld [tilespmem:s12+$0xFFFFFFD0];
	v15 =	vadd.s32 v14, v16;
	(xrf0) =	vadd.scan.msk.s32 $0xffff, v22  }
0x2f2: {  	v16 =	vadd.s32 v18, v24;
	v12 =	vadd.s32 v12, v20;
	v22 =	vsel vm2, $0x1, v1;
	v20 =	vld [tilespmem:s12+$0xFFFFFFE0];
	(xrf0) =	vadd.scan.msk.s32 $0xffff, v23  }
0x2f3: {  	v18 =	vadd.s32 $0xFFFFFFFF, v16;
	v16 =	vadd.s32 $0xFFFFFFFF, v12;
	v12 =	vld [tilespmem:s10+$0x20];
	(xrf0) =	vadd.scan.msk.s32 $0xffff, v25  }
0x2f4: {  	(v2sf) =	vpush v15, $0x0;
	_ =	sdelay $0x6  }
0x2f5: {  	(xrf0) =	vadd.scan.msk.s32 $0xffff, v21  }
0x2f6: {  	(xrf0) =	vadd.scan.msk.s32 $0xffff, v22  }
0x2f7: {  	v48, _, _ =	vpop (xrf0)  }
0x2f8: {  	v49 =	vld [tilespmem:s12+$0xFFFFFFF0];
	v17 =	vshll.u32 v17, $0xC;
	v19 =	vshll.u32 v19, $0xC;
	v50, _, _ =	vpop (xrf0);
	v13 =	vadd.s32 v48, v13  }
0x2f9: {  	v23 =	vld [tilespmem:s12+$0x0];
	v7 =	vor.u32 v7, v17;
	v51, _, _ =	vpop (xrf0);
	v13 =	vadd.s32 $0xFFFFFFFF, v13;
	v11 =	vadd.s32 v50, v11  }
0x2fa: {  	v24 =	vld [tilespmem:s12+$0x10];
	v20 =	vshll.u32 v20, $0xC;
	v52, _, _ =	vpop (xrf0);
	v11 =	vadd.s32 $0xFFFFFFFF, v11;
	v10 =	vadd.s32 v51, v10  }
0x2fb: {  	v57 =	vld [tilespmem:s12+$0x20];
	v6 =	vor.u32 v6, v19;
	v54, _, _ =	vpop (xrf0);
	v10 =	vadd.s32 $0xFFFFFFFF, v10;
	v9 =	vadd.s32 v52, v9  }
0x2fc: {  	v55 =	vld [tilespmem:s12+$0x30];
	[tilespmem:v18+s4+$0x0] =	vst.idx.msk vm6, v7;
	v4 =	vor.u32 v4, v20;
	v56, _, _ =	vpop (xrf0);
	v9 =	vadd.s32 $0xFFFFFFFF, v9;
	v59 =	vadd.s32 v54, v8  }
0x2fd: {  	v53 =	vld [tilespmem:s10+$0x30];
	[tilespmem:v16+s4+$0x0] =	vst.idx.msk vm7, v6;
	v58 =	vshll.u32 v49, $0xC;
	v14 =	vadd.s32 v56, v14;
	v6 =	vadd.s32 $0xFFFFFFFF, v59;
	s12 =	spop (v2sf)  }
0x2fe: {  	v61 =	vshll.u32 v23, $0xC;
	v2 =	vor.u32 v2, v58;
	v60 =	vadd.s32 $0xFFFFFFFF, v14;
	[tilespmem:v13+s4+$0x0] =	vst.idx.msk vm1, v4;
	p0 =	slt.s32 s12, $0x1  }
.Ltmp43:
0x2ff: {  	v62 =	vshll.u32 v24, $0xC;
	[tilespmem:v11+s4+$0x0] =	vst.idx.msk vm4, v2;
	v2 =	vor.u32 v3, v61;
	(pc) =	sbr.rel @p0 .LBB2_73-.Ltmp43, $4  }
0x300: {  	v3 =	vor.u32 v5, v62;
	[tilespmem:v10+s4+$0x0] =	vst.idx.msk vm5, v2;
	v2 =	vshll.u32 v57, $0xC  }
0x301: {  	v63 =	vshll.u32 v55, $0xC;
	[tilespmem:v9+s4+$0x0] =	vst.idx.msk vm3, v3;
	v2 =	vor.u32 v12, v2  }
0x302: {  	v4 =	vor.u32 v53, v63;
	[tilespmem:v6+s4+$0x0] =	vst.idx.msk vm0, v2  }
0x303: {  	[tilespmem:v60+s4+$0x0] =	vst.idx.msk vm2, v4  }
0x304: {  	s10 =	sadd.s32 $0x7F, s12  }
0x305: {  	s11 =	sand.u32 $0x7F, s10  }
0x306: {  	s13 =	sshra.s32 s10, $0x1F;
	p0 =	slt.s32 s10, $0x0;
	p1 =	sne.s32 s11, $0x0  }
0x307: {  	s14 =	sshrl.u32 s13, $0x19;
	p0 =	por !p0, !p1  }
0x308: {  	s11 =	simm.s32 $0x1;
	s10 =	sadd.s32 s14, s10;
	p0 =	por !p0, !p0  }
0x309: {  	s10 =	sshra.s32 s10, $0x7;
	s11 =	simm.s32 @!p0 $0x0  }
0x30a: {  	s10 =	ssub.s32 s10, s11  }
0x30b: {  	s11 =	sshrl.u32 s10, $0x1F  }
0x30c: {  	v2 =	vld.msk [tilespmem:$0x18000 ss:$0x0], $0xffff;
	s11 =	sadd.s32 s11, s10  }
0x30d: {  	s15 =	sand.u32 $0xFFFFFFFE, s11  }
0x30e: {  	p5 =	slt.s32 s10, $0x1;
	p6 =	sne.s32 s10, s15  }
0x30f: {  	p0 =	por !p5, !p6  }
0x310: {  	s13 =	simm.s32 $0x1;
	p0 =	por !p0, !p0  }
0x311: {  	[tilespmem:s12+$0x18000] =	vst v2;
	s11 =	sshra.s32 s11, $0x1;
	s13 =	simm.s32 @!p0 $0x0  }
0x312: {  	[tilespmem:s12+$0x18010] =	vst v2;
	s11 =	ssub.s32 s11, s13  }
0x313: {  	[tilespmem:s12+$0x18020] =	vst v2;
	p1 =	slt.s32 s11, $0x1  }
.Ltmp44:
0x314: {  	[tilespmem:s12+$0x18030] =	vst v2;
	(pc) =	sbr.rel @p1 .LBB2_68-.Ltmp44, $4  }
0x315: {  	[tilespmem:s12+$0x18040] =	vst v2  }
0x316: {  	[tilespmem:s12+$0x18050] =	vst v2  }
0x317: {  	[tilespmem:s12+$0x18060] =	vst v2  }
0x318: {  	[tilespmem:s12+$0x18070] =	vst v2;
	s12 =	simm.s32 $0x18080  }
0x319: {  	p0 =	sne.s32 s11, $0x1  }
.Ltmp45:
0x31a: {  	_ = 	snop;
	(pc) =	sbr.rel @!p0 .LBB2_67-.Ltmp45, $4  }
0x31b: {  	_ = 	snop  }
0x31c: {  	s13 =	simm.s32 $0x18000  }
0x31d: {  	[hbm4b:s28+s5] =	stream.indirect.scatter [tilespmem:s6], [sflag:$0x2], $0x1, s13, s5, $0xb8;
	[tilespmem:$0x1C180] =	vst v63  }
0x31e: {  	s14 =	simm.s32 $0x18180;
	s13 =	sadd.s32 $0xFFFFFFFF, s11  }
.LBB2_66:
0x31f: {  	[hbm4b:s28+s5] =	stream.indirect.scatter [tilespmem:s6], [sflag:$0x3], $0x1, s12, s5, $0xb8;
	[tilespmem:$0x1C180] =	vst v63  }
0x320: {  	p0 =	sne.s32 s13, $0x1  }
.Ltmp46:
0x321: {  	s13 =	sadd.s32 $0xFFFFFFFF, s13;
	(pc) =	sbr.rel @p0 .LBB2_66-.Ltmp46, $4  }
0x322: {  	s12 =	smov.u32 s14  }
0x323: {  	s15 =	sadd.s32 $0xFFFFFF80, s14  }
0x324: {  	[hbm4b:s28+s5] =	stream.indirect.scatter [tilespmem:s6], [sflag:$0x2], $0x1, s15, s5, $0xb8;
	[tilespmem:$0x1C180] =	vst v63  }
0x325: {  	s14 =	sadd.s32 $0x100, s14  }
.LBB2_67:
0x326: {  	[hbm4b:s28+s5] =	stream.indirect.scatter [tilespmem:s6], [sflag:$0x3], $0x1, s12, s5, $0xb8;
	[tilespmem:$0x1C180] =	vst v63  }
.LBB2_68:
0x327: {  	s12 =	sand.u32 $0x1, s10  }
.Ltmp47:
0x328: {  	p0 =	seq.s32 s12, $0x0;
	(pc) =	sbr.rel @p1 .LBB2_72-.Ltmp47, $4  }
0x329: {  	s10 =	sshll.u32 @!p0 s10, $0x9  }
0x32a: {  	s10 =	sshra.s32 @!p0 s10, $0x2  }
0x32b: {  	s12 =	simm.s32 @!p0 $0x80;
	s13 =	simm.s32 @!p0 $0x1C100;
	s10 =	sadd.s32 @!p0 $0x17F80, s10  }
0x32c: {  	[hbm4b:s28+s12] =	stream.indirect.scatter @!p0 [tilespmem:s13], [sflag:$0x2], $0x1, s10, s12, $0xb8;
	[tilespmem:$0x1C180] =	vst v63  }
0x32d: {  	p1 =	sne.s32 s11, $0x1  }
.Ltmp48:
0x32e: {  	_ =	swait.ge [sflag:s7], $0x80;
	(pc) =	sbr.rel @!p1 .LBB2_71-.Ltmp48, $4  }
0x32f: {  	[sflag:s7] =	ssyncset.done $0x0  }
0x330: {  	[sflag:s7] =	ssyncadd.s32 $0xFFFFFF80  }
0x331: {  	_ =	swait.ge [sflag:s8], $0x80  }
0x332: {  	s10 =	sadd.s32 $0xFFFFFFFF, s11;
	[sflag:s8] =	ssyncset.done $0x0  }
.LBB2_70:
0x333: {  	p1 =	sne.s32 s10, $0x1;
	s10 =	sadd.s32 $0xFFFFFFFF, s10;
	[sflag:s8] =	ssyncadd.s32 $0xFFFFFF80  }
.Ltmp49:
0x334: {  	_ =	swait.ge [sflag:s7], $0x80;
	(pc) =	sbr.rel @p1 .LBB2_70-.Ltmp49, $4  }
0x335: {  	[sflag:s7] =	ssyncset.done $0x0  }
0x336: {  	[sflag:s7] =	ssyncadd.s32 $0xFFFFFF80  }
0x337: {  	_ =	swait.ge [sflag:s8], $0x80  }
0x338: {  	[sflag:s8] =	ssyncset.done $0x0  }
.LBB2_71:
0x339: {  	[sflag:s8] =	ssyncadd.s32 $0xFFFFFF80  }
.LBB2_72:
0x33a: {  	s10 =	simm.s32 @!p0 $0x2  }
0x33b: {  	_ =	swait.ge @!p0 [sflag:s10], $0x80  }
0x33c: {  	[sflag:s10] =	ssyncset.done @!p0 $0x0  }
0x33d: {  	[sflag:s10] =	ssyncadd.s32 @!p0 $0xFFFFFF80  }
.LBB2_73:
0x33e: {  	_ =	swait.ge [sflag:s21], $0x4000  }
0x33f: {  	[sflag:s21] =	ssyncset.done $0x0  }
0x340: {  	[sflag:s21] =	ssyncadd.s32 $0xFFFFC000  }
0x341: {  	_ =	swait.ge [sflag:s21], $0x4000  }
0x342: {  	[sflag:s21] =	ssyncset.done $0x0  }
0x343: {  	[sflag:s21] =	ssyncadd.s32 $0xFFFFC000  }
0x344: {  	_ =	swait.ge [sflag:s21], $0x4000  }
0x345: {  	[sflag:s21] =	ssyncset.done $0x0  }
0x346: {  	[sflag:s21] =	ssyncadd.s32 $0xFFFFC000  }
0x347: {  	[tilespmem:s0], [sflag:$0x1] =	stream.linear.gather [hbm4b:s24+s1], $0x4000, $0x38;
	[tilespmem:$0x1C180] =	vst v63  }
0x348: {  	_ = 	snop  }
0x349: {  	[tilespmem:s2], [sflag:$0x1] =	stream.linear.gather [hbm4b:s25+s1], $0x4000, $0x38;
	[tilespmem:$0x1C180] =	vst v63  }
0x34a: {  	s11 =	simm.s32 $0x10040  }
0x34b: {  	[tilespmem:s3], [sflag:$0x1] =	stream.linear.gather [hbm4b:s26+s1], $0x4000, $0x38;
	[tilespmem:$0x1C180] =	vst v63  }
0x34c: {  	v2 =	vld [tilespmem:s11+$0xFFFFFFC0]  }
0x34d: {  	v3 =	vld [tilespmem:s11+$0xFFFFFFD0]  }
0x34e: {  	v4 =	vld [tilespmem:s11+$0xFFFFFFE0]  }
0x34f: {  	v5 =	vld [tilespmem:s11+$0xFFFFFFF0]  }
0x350: {  	v8 =	vld [tilespmem:s11+$0x0];
	_ =	sdelay $0x1  }
0x351: {  	vm7 =	veq.f32 v3, $0.0e+00;
	v3 =	vld [tilespmem:s11+$0x20]  }
0x352: {  	v12 =	vimm.s32 $0x0;
	vm6 =	veq.f32 v2, $0.0e+00;
	v2 =	vld [tilespmem:s11+$0x10];
	vm1 =	veq.f32 v4, $0.0e+00  }
0x353: {  	s10 =	simm.s32 $0x8040;
	v14 =	vld [tilespmem:s11+$0x30];
	vm4 =	veq.f32 v5, $0.0e+00;
	v6 =	vsel vm6, $0x1, v1;
	v9 =	vmpcnt.ones.xlane vm6  }
0x354: {  	s12 =	simm.s32 $0x40;
	v7 =	vld [tilespmem:s10+$0xFFFFFFC0];
	vm5 =	veq.f32 v8, $0.0e+00;
	v10 =	vsel vm7, $0x1, v1;
	v11 =	vmpcnt.ones.xlane vm7;
	(xrf0) =	vadd.scan.msk.s32 $0xffff, v6  }
0x355: {  	v17 =	vld [tilespmem:s12+$0xFFFFFFC0];
	v5 =	vmpcnt.ones.xlane vm4;
	v16 =	vadd.s32 v12, v9;
	v9 =	vmpcnt.ones.xlane vm1;
	(xrf0) =	vadd.scan.msk.s32 $0xffff, v10  }
0x356: {  	v19 =	vld [tilespmem:s12+$0xFFFFFFD0];
	v8 =	vmpcnt.ones.xlane vm5;
	v13 =	vadd.s32 v16, v11;
	vm0 =	veq.f32 v3, $0.0e+00  }
0x357: {  	v4 =	vld [tilespmem:s10+$0xFFFFFFE0];
	v11 =	vadd.s32 v13, v9;
	vm3 =	veq.f32 v2, $0.0e+00;
	v18 =	vmpcnt.ones.xlane vm0  }
0x358: {  	vm2 =	veq.f32 v14, $0.0e+00;
	v6 =	vld [tilespmem:s10+$0xFFFFFFD0];
	v10 =	vadd.s32 v11, v5;
	v15 =	vmpcnt.ones.xlane vm3  }
0x359: {  	v14 =	vsel vm1, $0x1, v1;
	v22 =	vsel vm4, $0x1, v1;
	v2 =	vld [tilespmem:s10+$0xFFFFFFF0];
	v9 =	vadd.s32 v10, v8  }
0x35a: {  	v23 =	vsel vm5, $0x1, v1;
	v3 =	vld [tilespmem:s10+$0x0];
	v24 =	vsel vm3, $0x1, v1;
	v8 =	vadd.s32 v9, v15;
	v20, _, _ =	vpop (xrf0);
	(xrf0) =	vadd.scan.msk.s32 $0xffff, v14  }
0x35b: {  	v5 =	vld [tilespmem:s10+$0x10];
	v21 =	vsel vm0, $0x1, v1;
	v15 =	vmpcnt.ones.xlane vm2;
	v14 =	vadd.s32 v8, v18;
	(xrf0) =	vadd.scan.msk.s32 $0xffff, v22;
	v18, _, _ =	vpop (xrf0)  }
0x35c: {  	v12 =	vadd.s32 v20, v12;
	v20 =	vld [tilespmem:s12+$0xFFFFFFE0];
	v22 =	vsel vm2, $0x1, v1;
	(xrf0) =	vadd.scan.msk.s32 $0xffff, v23;
	v16 =	vadd.s32 v18, v16  }
0x35d: {  	s13 =	simm.s32 $0x0;
	v15 =	vadd.s32 v14, v15;
	v18 =	vadd.s32 $0xFFFFFFFF, v12;
	v12 =	vld [tilespmem:s10+$0x20];
	(xrf0) =	vadd.scan.msk.s32 $0xffff, v24;
	v16 =	vadd.s32 $0xFFFFFFFF, v16  }
.LBB2_74:
0x35e: {  	s13 =	sadd.s32 $0x80, s13;
	v23 =	vld [tilespmem:s12+$0xFFFFFFF0];
	(xrf0) =	vadd.scan.msk.s32 $0xffff, v21;
	v24 =	vmov v15  }
0x35f: {  	p0 =	slt.u32 s13, $0x3F80;
	v21 =	vld [tilespmem:s12+$0x0];
	(xrf0) =	vadd.scan.msk.s32 $0xffff, v22  }
0x360: {  	v17 =	vshll.u32 v17, $0xC;
	v19 =	vshll.u32 v19, $0xC;
	v22 =	vld [tilespmem:s12+$0x10];
	v25, _, _ =	vpop (xrf0)  }
0x361: {  	v7 =	vor.u32 v7, v17;
	v17 =	vshll.u32 v20, $0xC;
	v13 =	vadd.s32 v25, v13;
	v20 =	vld [tilespmem:s10+$0x30];
	v25, _, _ =	vpop (xrf0)  }
0x362: {  	v6 =	vor.u32 v6, v19;
	[tilespmem:v18+s4+$0x0] =	vst.idx.msk vm6, v7;
	v7 =	vadd.s32 $0xFFFFFFFF, v13;
	v11 =	vadd.s32 v25, v11;
	v13 =	vld [tilespmem:s12+$0x20];
	v18, _, _ =	vpop (xrf0)  }
0x363: {  	s11 =	sadd.s32 $0x80, s11;
	[tilespmem:v16+s4+$0x0] =	vst.idx.msk vm7, v6;
	v6 =	vshll.u32 v23, $0xC;
	v11 =	vadd.s32 $0xFFFFFFFF, v11;
	v10 =	vadd.s32 v18, v10;
	v16 =	vld [tilespmem:s12+$0x30];
	v18, _, _ =	vpop (xrf0)  }
0x364: {  	v19 =	vld [tilespmem:s11+$0xFFFFFFC0];
	v21 =	vshll.u32 v21, $0xC;
	v10 =	vadd.s32 $0xFFFFFFFF, v10;
	v9 =	vadd.s32 v18, v9;
	v18, _, _ =	vpop (xrf0)  }
0x365: {  	v23 =	vld [tilespmem:s11+$0xFFFFFFD0];
	v22 =	vshll.u32 v22, $0xC;
	v9 =	vadd.s32 $0xFFFFFFFF, v9;
	v8 =	vadd.s32 v18, v8;
	v18, _, _ =	vpop (xrf0)  }
0x366: {  	v4 =	vor.u32 v4, v17;
	v25 =	vld [tilespmem:s11+$0xFFFFFFE0];
	v8 =	vadd.s32 $0xFFFFFFFF, v8;
	v14 =	vadd.s32 v18, v14  }
0x367: {  	v2 =	vor.u32 v2, v6;
	v17 =	vld [tilespmem:s11+$0xFFFFFFF0];
	[tilespmem:v7+s4+$0x0] =	vst.idx.msk vm1, v4;
	v4 =	vshll.u32 v13, $0xC;
	v14 =	vadd.s32 $0xFFFFFFFF, v14  }
0x368: {  	v18 =	vld [tilespmem:s11+$0x0];
	[tilespmem:v11+s4+$0x0] =	vst.idx.msk vm4, v2;
	v2 =	vor.u32 v3, v21;
	v3 =	vor.u32 v5, v22;
	v5 =	vshll.u32 v16, $0xC  }
0x369: {  	vm6 =	veq.f32 v19, $0.0e+00;
	v16 =	vld [tilespmem:s11+$0x10];
	[tilespmem:v10+s4+$0x0] =	vst.idx.msk vm5, v2;
	v2 =	vor.u32 v12, v4;
	v4 =	vor.u32 v20, v5  }
0x36a: {  	v5 =	vsel vm6, $0x1, v1;
	v6 =	vmpcnt.ones.xlane vm6;
	vm7 =	veq.f32 v23, $0.0e+00;
	v12 =	vld [tilespmem:s11+$0x20];
	[tilespmem:v9+s4+$0x0] =	vst.idx.msk vm3, v3  }
0x36b: {  	s10 =	sadd.s32 $0x80, s10;
	v3 =	vsel vm7, $0x1, v1;
	v9 =	vmpcnt.ones.xlane vm7;
	vm1 =	veq.f32 v25, $0.0e+00;
	v19 =	vld [tilespmem:s11+$0x30];
	(xrf0) =	vadd.scan.msk.s32 $0xffff, v5  }
0x36c: {  	v7 =	vld [tilespmem:s10+$0xFFFFFFC0];
	v20 =	vadd.s32 v15, v6;
	v5 =	vmpcnt.ones.xlane vm1;
	vm4 =	veq.f32 v17, $0.0e+00;
	(xrf0) =	vadd.scan.msk.s32 $0xffff, v3  }
0x36d: {  	v6 =	vld [tilespmem:s10+$0xFFFFFFD0];
	v13 =	vadd.s32 v20, v9;
	v3 =	vmpcnt.ones.xlane vm4;
	vm5 =	veq.f32 v18, $0.0e+00;
	[tilespmem:v14+s4+$0x0] =	vst.idx.msk vm2, v4  }
0x36e: {  	v4 =	vld [tilespmem:s10+$0xFFFFFFE0];
	v11 =	vadd.s32 v13, v5;
	v5 =	vmpcnt.ones.xlane vm5;
	vm3 =	veq.f32 v16, $0.0e+00;
	[tilespmem:v8+s4+$0x0] =	vst.idx.msk vm0, v2  }
0x36f: {  	v2 =	vld [tilespmem:s10+$0xFFFFFFF0];
	v10 =	vadd.s32 v11, v3;
	v8 =	vmpcnt.ones.xlane vm3;
	vm0 =	veq.f32 v12, $0.0e+00  }
0x370: {  	v3 =	vld [tilespmem:s10+$0x0];
	v9 =	vadd.s32 v10, v5;
	v21 =	vmpcnt.ones.xlane vm0;
	vm2 =	veq.f32 v19, $0.0e+00  }
.Ltmp50:
0x371: {  	s12 =	sadd.s32 $0x80, s12;
	v15 =	vsel vm1, $0x1, v1;
	v5 =	vld [tilespmem:s10+$0x10];
	v8 =	vadd.s32 v9, v8;
	v16 =	vmpcnt.ones.xlane vm2;
	v18, _, _ =	vpop (xrf0);
	(pc) =	sbr.rel @p0 .LBB2_74-.Ltmp50, $4  }
0x372: {  	v22 =	vsel vm4, $0x1, v1;
	v23 =	vsel vm5, $0x1, v1;
	v17 =	vld [tilespmem:s12+$0xFFFFFFC0];
	v14 =	vadd.s32 v8, v21;
	v12, _, _ =	vpop (xrf0);
	(xrf0) =	vadd.scan.msk.s32 $0xffff, v15  }
0x373: {  	v25 =	vsel vm3, $0x1, v1;
	v21 =	vsel vm0, $0x1, v1;
	v19 =	vld [tilespmem:s12+$0xFFFFFFD0];
	v15 =	vadd.s32 v14, v16;
	(xrf0) =	vadd.scan.msk.s32 $0xffff, v22  }
0x374: {  	v16 =	vadd.s32 v18, v24;
	v12 =	vadd.s32 v12, v20;
	v22 =	vsel vm2, $0x1, v1;
	v20 =	vld [tilespmem:s12+$0xFFFFFFE0];
	(xrf0) =	vadd.scan.msk.s32 $0xffff, v23  }
0x375: {  	v18 =	vadd.s32 $0xFFFFFFFF, v16;
	v16 =	vadd.s32 $0xFFFFFFFF, v12;
	v12 =	vld [tilespmem:s10+$0x20];
	(xrf0) =	vadd.scan.msk.s32 $0xffff, v25  }
0x376: {  	(v2sf) =	vpush v15, $0x0;
	_ =	sdelay $0x6  }
0x377: {  	(xrf0) =	vadd.scan.msk.s32 $0xffff, v21  }
0x378: {  	(xrf0) =	vadd.scan.msk.s32 $0xffff, v22  }
0x379: {  	v48, _, _ =	vpop (xrf0)  }
0x37a: {  	v49 =	vld [tilespmem:s12+$0xFFFFFFF0];
	v17 =	vshll.u32 v17, $0xC;
	v19 =	vshll.u32 v19, $0xC;
	v50, _, _ =	vpop (xrf0);
	v13 =	vadd.s32 v48, v13  }
0x37b: {  	v23 =	vld [tilespmem:s12+$0x0];
	v7 =	vor.u32 v7, v17;
	v51, _, _ =	vpop (xrf0);
	v13 =	vadd.s32 $0xFFFFFFFF, v13;
	v11 =	vadd.s32 v50, v11  }
0x37c: {  	v24 =	vld [tilespmem:s12+$0x10];
	v20 =	vshll.u32 v20, $0xC;
	v52, _, _ =	vpop (xrf0);
	v11 =	vadd.s32 $0xFFFFFFFF, v11;
	v10 =	vadd.s32 v51, v10  }
0x37d: {  	v57 =	vld [tilespmem:s12+$0x20];
	v6 =	vor.u32 v6, v19;
	v54, _, _ =	vpop (xrf0);
	v10 =	vadd.s32 $0xFFFFFFFF, v10;
	v9 =	vadd.s32 v52, v9  }
0x37e: {  	v55 =	vld [tilespmem:s12+$0x30];
	[tilespmem:v18+s4+$0x0] =	vst.idx.msk vm6, v7;
	v4 =	vor.u32 v4, v20;
	v56, _, _ =	vpop (xrf0);
	v9 =	vadd.s32 $0xFFFFFFFF, v9;
	v59 =	vadd.s32 v54, v8  }
0x37f: {  	v53 =	vld [tilespmem:s10+$0x30];
	[tilespmem:v16+s4+$0x0] =	vst.idx.msk vm7, v6;
	v58 =	vshll.u32 v49, $0xC;
	v14 =	vadd.s32 v56, v14;
	v6 =	vadd.s32 $0xFFFFFFFF, v59;
	s12 =	spop (v2sf)  }
0x380: {  	v61 =	vshll.u32 v23, $0xC;
	v2 =	vor.u32 v2, v58;
	v60 =	vadd.s32 $0xFFFFFFFF, v14;
	[tilespmem:v13+s4+$0x0] =	vst.idx.msk vm1, v4;
	p0 =	slt.s32 s12, $0x1  }
.Ltmp51:
0x381: {  	v62 =	vshll.u32 v24, $0xC;
	[tilespmem:v11+s4+$0x0] =	vst.idx.msk vm4, v2;
	v2 =	vor.u32 v3, v61;
	(pc) =	sbr.rel @p0 .LBB2_85-.Ltmp51, $4  }
0x382: {  	v3 =	vor.u32 v5, v62;
	[tilespmem:v10+s4+$0x0] =	vst.idx.msk vm5, v2;
	v2 =	vshll.u32 v57, $0xC  }
0x383: {  	v63 =	vshll.u32 v55, $0xC;
	[tilespmem:v9+s4+$0x0] =	vst.idx.msk vm3, v3;
	v2 =	vor.u32 v12, v2  }
0x384: {  	v4 =	vor.u32 v53, v63;
	[tilespmem:v6+s4+$0x0] =	vst.idx.msk vm0, v2  }
0x385: {  	[tilespmem:v60+s4+$0x0] =	vst.idx.msk vm2, v4  }
0x386: {  	s10 =	sadd.s32 $0x7F, s12  }
0x387: {  	s11 =	sand.u32 $0x7F, s10  }
0x388: {  	s13 =	sshra.s32 s10, $0x1F;
	p0 =	slt.s32 s10, $0x0;
	p1 =	sne.s32 s11, $0x0  }
0x389: {  	s14 =	sshrl.u32 s13, $0x19;
	p0 =	por !p0, !p1  }
0x38a: {  	s11 =	simm.s32 $0x1;
	s10 =	sadd.s32 s14, s10;
	p0 =	por !p0, !p0  }
0x38b: {  	s10 =	sshra.s32 s10, $0x7;
	s11 =	simm.s32 @!p0 $0x0  }
0x38c: {  	s10 =	ssub.s32 s10, s11  }
0x38d: {  	s11 =	sshrl.u32 s10, $0x1F  }
0x38e: {  	v2 =	vld.msk [tilespmem:$0x18000 ss:$0x0], $0xffff;
	s11 =	sadd.s32 s11, s10  }
0x38f: {  	s15 =	sand.u32 $0xFFFFFFFE, s11  }
0x390: {  	p5 =	slt.s32 s10, $0x1;
	p6 =	sne.s32 s10, s15  }
0x391: {  	p0 =	por !p5, !p6  }
0x392: {  	s13 =	simm.s32 $0x1;
	p0 =	por !p0, !p0  }
0x393: {  	[tilespmem:s12+$0x18000] =	vst v2;
	s11 =	sshra.s32 s11, $0x1;
	s13 =	simm.s32 @!p0 $0x0  }
0x394: {  	[tilespmem:s12+$0x18010] =	vst v2;
	s11 =	ssub.s32 s11, s13  }
0x395: {  	[tilespmem:s12+$0x18020] =	vst v2;
	p1 =	slt.s32 s11, $0x1  }
.Ltmp52:
0x396: {  	[tilespmem:s12+$0x18030] =	vst v2;
	(pc) =	sbr.rel @p1 .LBB2_80-.Ltmp52, $4  }
0x397: {  	[tilespmem:s12+$0x18040] =	vst v2  }
0x398: {  	[tilespmem:s12+$0x18050] =	vst v2  }
0x399: {  	[tilespmem:s12+$0x18060] =	vst v2  }
0x39a: {  	[tilespmem:s12+$0x18070] =	vst v2;
	s12 =	simm.s32 $0x18080  }
0x39b: {  	p0 =	sne.s32 s11, $0x1  }
.Ltmp53:
0x39c: {  	_ = 	snop;
	(pc) =	sbr.rel @!p0 .LBB2_79-.Ltmp53, $4  }
0x39d: {  	_ = 	snop  }
0x39e: {  	s13 =	simm.s32 $0x18000  }
0x39f: {  	[hbm4b:s28+s5] =	stream.indirect.scatter [tilespmem:s6], [sflag:$0x2], $0x1, s13, s5, $0xb8;
	[tilespmem:$0x1C180] =	vst v63  }
0x3a0: {  	s14 =	simm.s32 $0x18180;
	s13 =	sadd.s32 $0xFFFFFFFF, s11  }
.LBB2_78:
0x3a1: {  	[hbm4b:s28+s5] =	stream.indirect.scatter [tilespmem:s6], [sflag:$0x3], $0x1, s12, s5, $0xb8;
	[tilespmem:$0x1C180] =	vst v63  }
0x3a2: {  	p0 =	sne.s32 s13, $0x1  }
.Ltmp54:
0x3a3: {  	s13 =	sadd.s32 $0xFFFFFFFF, s13;
	(pc) =	sbr.rel @p0 .LBB2_78-.Ltmp54, $4  }
0x3a4: {  	s12 =	smov.u32 s14  }
0x3a5: {  	s15 =	sadd.s32 $0xFFFFFF80, s14  }
0x3a6: {  	[hbm4b:s28+s5] =	stream.indirect.scatter [tilespmem:s6], [sflag:$0x2], $0x1, s15, s5, $0xb8;
	[tilespmem:$0x1C180] =	vst v63  }
0x3a7: {  	s14 =	sadd.s32 $0x100, s14  }
.LBB2_79:
0x3a8: {  	[hbm4b:s28+s5] =	stream.indirect.scatter [tilespmem:s6], [sflag:$0x3], $0x1, s12, s5, $0xb8;
	[tilespmem:$0x1C180] =	vst v63  }
.LBB2_80:
0x3a9: {  	s12 =	sand.u32 $0x1, s10  }
.Ltmp55:
0x3aa: {  	p0 =	seq.s32 s12, $0x0;
	(pc) =	sbr.rel @p1 .LBB2_84-.Ltmp55, $4  }
0x3ab: {  	s10 =	sshll.u32 @!p0 s10, $0x9  }
0x3ac: {  	s10 =	sshra.s32 @!p0 s10, $0x2  }
0x3ad: {  	s12 =	simm.s32 @!p0 $0x80;
	s13 =	simm.s32 @!p0 $0x1C100;
	s10 =	sadd.s32 @!p0 $0x17F80, s10  }
0x3ae: {  	[hbm4b:s28+s12] =	stream.indirect.scatter @!p0 [tilespmem:s13], [sflag:$0x2], $0x1, s10, s12, $0xb8;
	[tilespmem:$0x1C180] =	vst v63  }
0x3af: {  	p1 =	sne.s32 s11, $0x1  }
.Ltmp56:
0x3b0: {  	_ =	swait.ge [sflag:s7], $0x80;
	(pc) =	sbr.rel @!p1 .LBB2_83-.Ltmp56, $4  }
0x3b1: {  	[sflag:s7] =	ssyncset.done $0x0  }
0x3b2: {  	[sflag:s7] =	ssyncadd.s32 $0xFFFFFF80  }
0x3b3: {  	_ =	swait.ge [sflag:s8], $0x80  }
0x3b4: {  	s10 =	sadd.s32 $0xFFFFFFFF, s11;
	[sflag:s8] =	ssyncset.done $0x0  }
.LBB2_82:
0x3b5: {  	p1 =	sne.s32 s10, $0x1;
	s10 =	sadd.s32 $0xFFFFFFFF, s10;
	[sflag:s8] =	ssyncadd.s32 $0xFFFFFF80  }
.Ltmp57:
0x3b6: {  	_ =	swait.ge [sflag:s7], $0x80;
	(pc) =	sbr.rel @p1 .LBB2_82-.Ltmp57, $4  }
0x3b7: {  	[sflag:s7] =	ssyncset.done $0x0  }
0x3b8: {  	[sflag:s7] =	ssyncadd.s32 $0xFFFFFF80  }
0x3b9: {  	_ =	swait.ge [sflag:s8], $0x80  }
0x3ba: {  	[sflag:s8] =	ssyncset.done $0x0  }
.LBB2_83:
0x3bb: {  	[sflag:s8] =	ssyncadd.s32 $0xFFFFFF80  }
.LBB2_84:
0x3bc: {  	s10 =	simm.s32 @!p0 $0x2  }
0x3bd: {  	_ =	swait.ge @!p0 [sflag:s10], $0x80  }
0x3be: {  	[sflag:s10] =	ssyncset.done @!p0 $0x0  }
0x3bf: {  	[sflag:s10] =	ssyncadd.s32 @!p0 $0xFFFFFF80  }
.LBB2_85:
0x3c0: {  	_ =	swait.ge [sflag:s21], $0x4000  }
0x3c1: {  	[sflag:s21] =	ssyncset.done $0x0  }
0x3c2: {  	[sflag:s21] =	ssyncadd.s32 $0xFFFFC000  }
0x3c3: {  	_ =	swait.ge [sflag:s21], $0x4000  }
0x3c4: {  	[sflag:s21] =	ssyncset.done $0x0  }
0x3c5: {  	[sflag:s21] =	ssyncadd.s32 $0xFFFFC000  }
0x3c6: {  	_ =	swait.ge [sflag:s21], $0x4000  }
0x3c7: {  	[sflag:s21] =	ssyncset.done $0x0  }
0x3c8: {  	s11 =	simm.s32 $0x14040;
	[sflag:s21] =	ssyncadd.s32 $0xFFFFC000  }
0x3c9: {  	v2 =	vld [tilespmem:s11+$0xFFFFFFC0]  }
0x3ca: {  	v3 =	vld [tilespmem:s11+$0xFFFFFFD0]  }
0x3cb: {  	v4 =	vld [tilespmem:s11+$0xFFFFFFE0]  }
0x3cc: {  	v5 =	vld [tilespmem:s11+$0xFFFFFFF0]  }
0x3cd: {  	v8 =	vld [tilespmem:s11+$0x0];
	_ =	sdelay $0x1  }
0x3ce: {  	vm7 =	veq.f32 v3, $0.0e+00;
	v3 =	vld [tilespmem:s11+$0x20]  }
0x3cf: {  	v12 =	vimm.s32 $0x0;
	vm6 =	veq.f32 v2, $0.0e+00;
	v2 =	vld [tilespmem:s11+$0x10];
	vm1 =	veq.f32 v4, $0.0e+00  }
0x3d0: {  	s10 =	simm.s32 $0xC040;
	v14 =	vld [tilespmem:s11+$0x30];
	vm4 =	veq.f32 v5, $0.0e+00;
	v6 =	vsel vm6, $0x1, v1;
	v9 =	vmpcnt.ones.xlane vm6  }
0x3d1: {  	s12 =	simm.s32 $0x4040;
	v7 =	vld [tilespmem:s10+$0xFFFFFFC0];
	vm5 =	veq.f32 v8, $0.0e+00;
	v10 =	vsel vm7, $0x1, v1;
	v11 =	vmpcnt.ones.xlane vm7;
	(xrf0) =	vadd.scan.msk.s32 $0xffff, v6  }
0x3d2: {  	v17 =	vld [tilespmem:s12+$0xFFFFFFC0];
	v5 =	vmpcnt.ones.xlane vm4;
	v16 =	vadd.s32 v12, v9;
	v9 =	vmpcnt.ones.xlane vm1;
	(xrf0) =	vadd.scan.msk.s32 $0xffff, v10  }
0x3d3: {  	v19 =	vld [tilespmem:s12+$0xFFFFFFD0];
	v8 =	vmpcnt.ones.xlane vm5;
	v13 =	vadd.s32 v16, v11;
	vm0 =	veq.f32 v3, $0.0e+00  }
0x3d4: {  	v4 =	vld [tilespmem:s10+$0xFFFFFFE0];
	v11 =	vadd.s32 v13, v9;
	vm3 =	veq.f32 v2, $0.0e+00;
	v18 =	vmpcnt.ones.xlane vm0  }
0x3d5: {  	vm2 =	veq.f32 v14, $0.0e+00;
	v6 =	vld [tilespmem:s10+$0xFFFFFFD0];
	v10 =	vadd.s32 v11, v5;
	v15 =	vmpcnt.ones.xlane vm3  }
0x3d6: {  	v14 =	vsel vm1, $0x1, v1;
	v22 =	vsel vm4, $0x1, v1;
	v2 =	vld [tilespmem:s10+$0xFFFFFFF0];
	v9 =	vadd.s32 v10, v8  }
0x3d7: {  	v23 =	vsel vm5, $0x1, v1;
	v3 =	vld [tilespmem:s10+$0x0];
	v24 =	vsel vm3, $0x1, v1;
	v8 =	vadd.s32 v9, v15;
	v20, _, _ =	vpop (xrf0);
	(xrf0) =	vadd.scan.msk.s32 $0xffff, v14  }
0x3d8: {  	v5 =	vld [tilespmem:s10+$0x10];
	v21 =	vsel vm0, $0x1, v1;
	v15 =	vmpcnt.ones.xlane vm2;
	v14 =	vadd.s32 v8, v18;
	(xrf0) =	vadd.scan.msk.s32 $0xffff, v22;
	v18, _, _ =	vpop (xrf0)  }
0x3d9: {  	v12 =	vadd.s32 v20, v12;
	v20 =	vld [tilespmem:s12+$0xFFFFFFE0];
	v22 =	vsel vm2, $0x1, v1;
	(xrf0) =	vadd.scan.msk.s32 $0xffff, v23;
	v16 =	vadd.s32 v18, v16  }
0x3da: {  	s13 =	simm.s32 $0x0;
	v15 =	vadd.s32 v14, v15;
	v18 =	vadd.s32 $0xFFFFFFFF, v12;
	v12 =	vld [tilespmem:s10+$0x20];
	(xrf0) =	vadd.scan.msk.s32 $0xffff, v24;
	v16 =	vadd.s32 $0xFFFFFFFF, v16  }
.LBB2_86:
0x3db: {  	s13 =	sadd.s32 $0x80, s13;
	v23 =	vld [tilespmem:s12+$0xFFFFFFF0];
	(xrf0) =	vadd.scan.msk.s32 $0xffff, v21;
	v24 =	vmov v15  }
0x3dc: {  	p0 =	slt.u32 s13, $0x3F80;
	v21 =	vld [tilespmem:s12+$0x0];
	(xrf0) =	vadd.scan.msk.s32 $0xffff, v22  }
0x3dd: {  	v17 =	vshll.u32 v17, $0xC;
	v19 =	vshll.u32 v19, $0xC;
	v22 =	vld [tilespmem:s12+$0x10];
	v25, _, _ =	vpop (xrf0)  }
0x3de: {  	v7 =	vor.u32 v7, v17;
	v17 =	vshll.u32 v20, $0xC;
	v13 =	vadd.s32 v25, v13;
	v20 =	vld [tilespmem:s10+$0x30];
	v25, _, _ =	vpop (xrf0)  }
0x3df: {  	v6 =	vor.u32 v6, v19;
	[tilespmem:v18+s4+$0x0] =	vst.idx.msk vm6, v7;
	v7 =	vadd.s32 $0xFFFFFFFF, v13;
	v11 =	vadd.s32 v25, v11;
	v13 =	vld [tilespmem:s12+$0x20];
	v18, _, _ =	vpop (xrf0)  }
0x3e0: {  	s11 =	sadd.s32 $0x80, s11;
	[tilespmem:v16+s4+$0x0] =	vst.idx.msk vm7, v6;
	v6 =	vshll.u32 v23, $0xC;
	v11 =	vadd.s32 $0xFFFFFFFF, v11;
	v10 =	vadd.s32 v18, v10;
	v16 =	vld [tilespmem:s12+$0x30];
	v18, _, _ =	vpop (xrf0)  }
0x3e1: {  	v19 =	vld [tilespmem:s11+$0xFFFFFFC0];
	v21 =	vshll.u32 v21, $0xC;
	v10 =	vadd.s32 $0xFFFFFFFF, v10;
	v9 =	vadd.s32 v18, v9;
	v18, _, _ =	vpop (xrf0)  }
0x3e2: {  	v23 =	vld [tilespmem:s11+$0xFFFFFFD0];
	v22 =	vshll.u32 v22, $0xC;
	v9 =	vadd.s32 $0xFFFFFFFF, v9;
	v8 =	vadd.s32 v18, v8;
	v18, _, _ =	vpop (xrf0)  }
0x3e3: {  	v4 =	vor.u32 v4, v17;
	v25 =	vld [tilespmem:s11+$0xFFFFFFE0];
	v8 =	vadd.s32 $0xFFFFFFFF, v8;
	v14 =	vadd.s32 v18, v14  }
0x3e4: {  	v2 =	vor.u32 v2, v6;
	v17 =	vld [tilespmem:s11+$0xFFFFFFF0];
	[tilespmem:v7+s4+$0x0] =	vst.idx.msk vm1, v4;
	v4 =	vshll.u32 v13, $0xC;
	v14 =	vadd.s32 $0xFFFFFFFF, v14  }
0x3e5: {  	v18 =	vld [tilespmem:s11+$0x0];
	[tilespmem:v11+s4+$0x0] =	vst.idx.msk vm4, v2;
	v2 =	vor.u32 v3, v21;
	v3 =	vor.u32 v5, v22;
	v5 =	vshll.u32 v16, $0xC  }
0x3e6: {  	vm6 =	veq.f32 v19, $0.0e+00;
	v16 =	vld [tilespmem:s11+$0x10];
	[tilespmem:v10+s4+$0x0] =	vst.idx.msk vm5, v2;
	v2 =	vor.u32 v12, v4;
	v4 =	vor.u32 v20, v5  }
0x3e7: {  	v5 =	vsel vm6, $0x1, v1;
	v6 =	vmpcnt.ones.xlane vm6;
	vm7 =	veq.f32 v23, $0.0e+00;
	v12 =	vld [tilespmem:s11+$0x20];
	[tilespmem:v9+s4+$0x0] =	vst.idx.msk vm3, v3  }
0x3e8: {  	s10 =	sadd.s32 $0x80, s10;
	v3 =	vsel vm7, $0x1, v1;
	v9 =	vmpcnt.ones.xlane vm7;
	vm1 =	veq.f32 v25, $0.0e+00;
	v19 =	vld [tilespmem:s11+$0x30];
	(xrf0) =	vadd.scan.msk.s32 $0xffff, v5  }
0x3e9: {  	v7 =	vld [tilespmem:s10+$0xFFFFFFC0];
	v20 =	vadd.s32 v15, v6;
	v5 =	vmpcnt.ones.xlane vm1;
	vm4 =	veq.f32 v17, $0.0e+00;
	(xrf0) =	vadd.scan.msk.s32 $0xffff, v3  }
0x3ea: {  	v6 =	vld [tilespmem:s10+$0xFFFFFFD0];
	v13 =	vadd.s32 v20, v9;
	v3 =	vmpcnt.ones.xlane vm4;
	vm5 =	veq.f32 v18, $0.0e+00;
	[tilespmem:v14+s4+$0x0] =	vst.idx.msk vm2, v4  }
0x3eb: {  	v4 =	vld [tilespmem:s10+$0xFFFFFFE0];
	v11 =	vadd.s32 v13, v5;
	v5 =	vmpcnt.ones.xlane vm5;
	vm3 =	veq.f32 v16, $0.0e+00;
	[tilespmem:v8+s4+$0x0] =	vst.idx.msk vm0, v2  }
0x3ec: {  	v2 =	vld [tilespmem:s10+$0xFFFFFFF0];
	v10 =	vadd.s32 v11, v3;
	v8 =	vmpcnt.ones.xlane vm3;
	vm0 =	veq.f32 v12, $0.0e+00  }
0x3ed: {  	v3 =	vld [tilespmem:s10+$0x0];
	v9 =	vadd.s32 v10, v5;
	v21 =	vmpcnt.ones.xlane vm0;
	vm2 =	veq.f32 v19, $0.0e+00  }
.Ltmp58:
0x3ee: {  	s12 =	sadd.s32 $0x80, s12;
	v15 =	vsel vm1, $0x1, v1;
	v5 =	vld [tilespmem:s10+$0x10];
	v8 =	vadd.s32 v9, v8;
	v16 =	vmpcnt.ones.xlane vm2;
	v18, _, _ =	vpop (xrf0);
	(pc) =	sbr.rel @p0 .LBB2_86-.Ltmp58, $4  }
0x3ef: {  	v22 =	vsel vm4, $0x1, v1;
	v23 =	vsel vm5, $0x1, v1;
	v17 =	vld [tilespmem:s12+$0xFFFFFFC0];
	v14 =	vadd.s32 v8, v21;
	v12, _, _ =	vpop (xrf0);
	(xrf0) =	vadd.scan.msk.s32 $0xffff, v15  }
0x3f0: {  	v25 =	vsel vm3, $0x1, v1;
	v21 =	vsel vm0, $0x1, v1;
	v19 =	vld [tilespmem:s12+$0xFFFFFFD0];
	v15 =	vadd.s32 v14, v16;
	(xrf0) =	vadd.scan.msk.s32 $0xffff, v22  }
0x3f1: {  	v16 =	vadd.s32 v18, v24;
	v12 =	vadd.s32 v12, v20;
	v22 =	vsel vm2, $0x1, v1;
	v20 =	vld [tilespmem:s12+$0xFFFFFFE0];
	(xrf0) =	vadd.scan.msk.s32 $0xffff, v23  }
0x3f2: {  	v18 =	vadd.s32 $0xFFFFFFFF, v16;
	v16 =	vadd.s32 $0xFFFFFFFF, v12;
	v12 =	vld [tilespmem:s10+$0x20];
	(xrf0) =	vadd.scan.msk.s32 $0xffff, v25  }
0x3f3: {  	(v2sf) =	vpush v15, $0x0;
	_ =	sdelay $0x6  }
0x3f4: {  	(xrf0) =	vadd.scan.msk.s32 $0xffff, v21  }
0x3f5: {  	(xrf0) =	vadd.scan.msk.s32 $0xffff, v22  }
0x3f6: {  	v48, _, _ =	vpop (xrf0)  }
0x3f7: {  	v49 =	vld [tilespmem:s12+$0xFFFFFFF0];
	v17 =	vshll.u32 v17, $0xC;
	v19 =	vshll.u32 v19, $0xC;
	v50, _, _ =	vpop (xrf0);
	v13 =	vadd.s32 v48, v13  }
0x3f8: {  	v23 =	vld [tilespmem:s12+$0x0];
	v7 =	vor.u32 v7, v17;
	v51, _, _ =	vpop (xrf0);
	v13 =	vadd.s32 $0xFFFFFFFF, v13;
	v11 =	vadd.s32 v50, v11  }
0x3f9: {  	v24 =	vld [tilespmem:s12+$0x10];
	v20 =	vshll.u32 v20, $0xC;
	v52, _, _ =	vpop (xrf0);
	v11 =	vadd.s32 $0xFFFFFFFF, v11;
	v10 =	vadd.s32 v51, v10  }
0x3fa: {  	v57 =	vld [tilespmem:s12+$0x20];
	v6 =	vor.u32 v6, v19;
	v54, _, _ =	vpop (xrf0);
	v10 =	vadd.s32 $0xFFFFFFFF, v10;
	v9 =	vadd.s32 v52, v9  }
0x3fb: {  	v55 =	vld [tilespmem:s12+$0x30];
	[tilespmem:v18+s4+$0x0] =	vst.idx.msk vm6, v7;
	v4 =	vor.u32 v4, v20;
	v56, _, _ =	vpop (xrf0);
	v9 =	vadd.s32 $0xFFFFFFFF, v9;
	v59 =	vadd.s32 v54, v8  }
0x3fc: {  	v53 =	vld [tilespmem:s10+$0x30];
	[tilespmem:v16+s4+$0x0] =	vst.idx.msk vm7, v6;
	v58 =	vshll.u32 v49, $0xC;
	v14 =	vadd.s32 v56, v14;
	v6 =	vadd.s32 $0xFFFFFFFF, v59;
	s12 =	spop (v2sf)  }
0x3fd: {  	v61 =	vshll.u32 v23, $0xC;
	v2 =	vor.u32 v2, v58;
	v60 =	vadd.s32 $0xFFFFFFFF, v14;
	[tilespmem:v13+s4+$0x0] =	vst.idx.msk vm1, v4;
	p0 =	slt.s32 s12, $0x1  }
.Ltmp59:
0x3fe: {  	v62 =	vshll.u32 v24, $0xC;
	[tilespmem:v11+s4+$0x0] =	vst.idx.msk vm4, v2;
	v2 =	vor.u32 v3, v61;
	(pc) =	sbr.rel @p0 .LBB2_97-.Ltmp59, $4  }
0x3ff: {  	v3 =	vor.u32 v5, v62;
	[tilespmem:v10+s4+$0x0] =	vst.idx.msk vm5, v2;
	v2 =	vshll.u32 v57, $0xC  }
0x400: {  	v63 =	vshll.u32 v55, $0xC;
	[tilespmem:v9+s4+$0x0] =	vst.idx.msk vm3, v3;
	v2 =	vor.u32 v12, v2  }
0x401: {  	v4 =	vor.u32 v53, v63;
	[tilespmem:v6+s4+$0x0] =	vst.idx.msk vm0, v2  }
0x402: {  	[tilespmem:v60+s4+$0x0] =	vst.idx.msk vm2, v4  }
0x403: {  	s10 =	sadd.s32 $0x7F, s12  }
0x404: {  	s11 =	sand.u32 $0x7F, s10  }
0x405: {  	s13 =	sshra.s32 s10, $0x1F;
	p0 =	slt.s32 s10, $0x0;
	p1 =	sne.s32 s11, $0x0  }
0x406: {  	s14 =	sshrl.u32 s13, $0x19;
	p0 =	por !p0, !p1  }
0x407: {  	s11 =	simm.s32 $0x1;
	s10 =	sadd.s32 s14, s10;
	p0 =	por !p0, !p0  }
0x408: {  	s10 =	sshra.s32 s10, $0x7;
	s11 =	simm.s32 @!p0 $0x0  }
0x409: {  	s10 =	ssub.s32 s10, s11  }
0x40a: {  	s11 =	sshrl.u32 s10, $0x1F  }
0x40b: {  	v2 =	vld.msk [tilespmem:$0x18000 ss:$0x0], $0xffff;
	s11 =	sadd.s32 s11, s10  }
0x40c: {  	s15 =	sand.u32 $0xFFFFFFFE, s11  }
0x40d: {  	p5 =	slt.s32 s10, $0x1;
	p6 =	sne.s32 s10, s15  }
0x40e: {  	p0 =	por !p5, !p6  }
0x40f: {  	s13 =	simm.s32 $0x1;
	p0 =	por !p0, !p0  }
0x410: {  	[tilespmem:s12+$0x18000] =	vst v2;
	s11 =	sshra.s32 s11, $0x1;
	s13 =	simm.s32 @!p0 $0x0  }
0x411: {  	[tilespmem:s12+$0x18010] =	vst v2;
	s11 =	ssub.s32 s11, s13  }
0x412: {  	[tilespmem:s12+$0x18020] =	vst v2;
	p1 =	slt.s32 s11, $0x1  }
.Ltmp60:
0x413: {  	[tilespmem:s12+$0x18030] =	vst v2;
	(pc) =	sbr.rel @p1 .LBB2_92-.Ltmp60, $4  }
0x414: {  	[tilespmem:s12+$0x18040] =	vst v2  }
0x415: {  	[tilespmem:s12+$0x18050] =	vst v2  }
0x416: {  	[tilespmem:s12+$0x18060] =	vst v2  }
0x417: {  	[tilespmem:s12+$0x18070] =	vst v2;
	s12 =	simm.s32 $0x18080  }
0x418: {  	p0 =	sne.s32 s11, $0x1  }
.Ltmp61:
0x419: {  	_ = 	snop;
	(pc) =	sbr.rel @!p0 .LBB2_91-.Ltmp61, $4  }
0x41a: {  	_ = 	snop  }
0x41b: {  	s13 =	simm.s32 $0x18000  }
0x41c: {  	[hbm4b:s28+s5] =	stream.indirect.scatter [tilespmem:s6], [sflag:$0x2], $0x1, s13, s5, $0xb8;
	[tilespmem:$0x1C180] =	vst v63  }
0x41d: {  	s14 =	simm.s32 $0x18180;
	s13 =	sadd.s32 $0xFFFFFFFF, s11  }
.LBB2_90:
0x41e: {  	[hbm4b:s28+s5] =	stream.indirect.scatter [tilespmem:s6], [sflag:$0x3], $0x1, s12, s5, $0xb8;
	[tilespmem:$0x1C180] =	vst v63  }
0x41f: {  	p0 =	sne.s32 s13, $0x1  }
.Ltmp62:
0x420: {  	s13 =	sadd.s32 $0xFFFFFFFF, s13;
	(pc) =	sbr.rel @p0 .LBB2_90-.Ltmp62, $4  }
0x421: {  	s12 =	smov.u32 s14  }
0x422: {  	s15 =	sadd.s32 $0xFFFFFF80, s14  }
0x423: {  	[hbm4b:s28+s5] =	stream.indirect.scatter [tilespmem:s6], [sflag:$0x2], $0x1, s15, s5, $0xb8;
	[tilespmem:$0x1C180] =	vst v63  }
0x424: {  	s14 =	sadd.s32 $0x100, s14  }
.LBB2_91:
0x425: {  	[hbm4b:s28+s5] =	stream.indirect.scatter [tilespmem:s6], [sflag:$0x3], $0x1, s12, s5, $0xb8;
	[tilespmem:$0x1C180] =	vst v63  }
.LBB2_92:
0x426: {  	s12 =	sand.u32 $0x1, s10  }
.Ltmp63:
0x427: {  	p0 =	seq.s32 s12, $0x0;
	(pc) =	sbr.rel @p1 .LBB2_96-.Ltmp63, $4  }
0x428: {  	s10 =	sshll.u32 @!p0 s10, $0x9  }
0x429: {  	s10 =	sshra.s32 @!p0 s10, $0x2  }
0x42a: {  	s12 =	simm.s32 @!p0 $0x80;
	s13 =	simm.s32 @!p0 $0x1C100;
	s10 =	sadd.s32 @!p0 $0x17F80, s10  }
0x42b: {  	[hbm4b:s28+s12] =	stream.indirect.scatter @!p0 [tilespmem:s13], [sflag:$0x2], $0x1, s10, s12, $0xb8;
	[tilespmem:$0x1C180] =	vst v63  }
0x42c: {  	p1 =	sne.s32 s11, $0x1  }
.Ltmp64:
0x42d: {  	_ =	swait.ge [sflag:s7], $0x80;
	(pc) =	sbr.rel @!p1 .LBB2_95-.Ltmp64, $4  }
0x42e: {  	[sflag:s7] =	ssyncset.done $0x0  }
0x42f: {  	[sflag:s7] =	ssyncadd.s32 $0xFFFFFF80  }
0x430: {  	_ =	swait.ge [sflag:s8], $0x80  }
0x431: {  	s10 =	sadd.s32 $0xFFFFFFFF, s11;
	[sflag:s8] =	ssyncset.done $0x0  }
.LBB2_94:
0x432: {  	p1 =	sne.s32 s10, $0x1;
	s10 =	sadd.s32 $0xFFFFFFFF, s10;
	[sflag:s8] =	ssyncadd.s32 $0xFFFFFF80  }
.Ltmp65:
0x433: {  	_ =	swait.ge [sflag:s7], $0x80;
	(pc) =	sbr.rel @p1 .LBB2_94-.Ltmp65, $4  }
0x434: {  	[sflag:s7] =	ssyncset.done $0x0  }
0x435: {  	[sflag:s7] =	ssyncadd.s32 $0xFFFFFF80  }
0x436: {  	_ =	swait.ge [sflag:s8], $0x80  }
0x437: {  	[sflag:s8] =	ssyncset.done $0x0  }
.Ltmp66:
0x438: {  	_ = 	snop;
	(pc) =	sbr.rel .LBB2_95-.Ltmp66, $1  }
0x439: {  	_ =	sdelay $0x3  }
.LBB2_98:
0x43a: {  	_ =	sfence.sel $0x180000  }
0x43b: {  	[bflag:$0x0] =	sbarrier.arrive $0xFFFF  }
0x43c: {  	_ =	strace $0x9000004A  }
0x43d: {  	s0 =	stileid.u32;
	[bflag:$0x2] =	sbarrier.arrive $0xFFFF  }
0x43e: {  	p0 =	sne.s32 s0, $0x0;
	s0 =	rddreg [dreg:$0x4]  }
0x43f: {  	s0 =	sadd.s32 @!p0 $0x100000, s0  }
0x440: {  	[sflag:s0] =	ssyncadd.tile.s32 @!p0 $0x1;
	_ =	shalt  }
.Lfunc_end2:
_tile_overlayer_lowered:
.L_overlay_start_2:
0x441: {  	(tag) =	ssettag $0x2  }
0x442: {  	s0 =	rddreg [dreg:$0x0];
	s2 =	stileid.u32  }
0x443: {  	s1 =	rddreg [dreg:$0x1];
	p0 =	sne.s32 s2, $0x0  }
0x444: {  	s3 =	rddreg [dreg:$0x2];
	[bflag:$0x3] =	sbarrier.arrive $0xFFFF;
	s2 =	simm.s32 @!p0 $0x1C04  }
0x445: {  	[timem:s3], [sflag:s2] =	dma.local @!p0 [hbm:s0], s1  }
0x446: {  	s0 =	simm.s32 @!p0 $0x4  }
0x447: {  	_ =	swait.ge @!p0 [sflag:s0], s1  }
0x448: {  	s1 =	ssub.s32 @!p0 $0x0, s1;
	[sflag:s0] =	ssyncset.done @!p0 $0x0  }
0x449: {  	[sflag:s0] =	ssyncadd.s32 @!p0 s1  }
0x44a: {  	[bflag:$0x3] =	sbarrier.arrive $0xFFFF  }
0x44b: {  	_ =	shalt  }

// kernel: sparse-core-data-format-call.cloned.1.call-start
scs
called_computation_lowered:
.L_overlay_start_0:
0x0: {  	s2 =	sld [smem:$0x3FD9]  }
0x1: {  	s3 =	sld [smem:$0x3FFE];
	_ =	sdelay $0x1  }
0x2: {  	s1 =	srdreg.scid  }
0x3: {  	s0 =	sand.u32 $0x1, s1  }
0x4: {  	s18 =	sshll.u32 s0, $0xA;
	s2 =	sadd.s32 s3, s2  }
0x5: {  	s2 =	sadd.s32 s2, s18  }
0x6: {  	[smem:$0x3FC4] =	sst s2  }
0x7: {  	_ = 	snop  }
0x8: {  	s2 =	sld [smem:$0x3FC9];
	(tm) =	ssettm $0x1  }
0x9: {  	s19 =	sld [smem:$0x3FFB];
	_ =	sdelay $0x3  }
0xa: {  	_ =	strace s19  }
0xb: {  	s3 =	sld [smem:$0x3FFC];
	_ =	sdelay $0x3  }
0xc: {  	_ =	strace s3  }
0xd: {  	s3 =	sld [smem:$0x3FFD];
	_ =	sdelay $0x3  }
0xe: {  	_ =	strace s3  }
0xf: {  	_ =	strace $0x8FFFFFFF  }
0x10: {  	s20 =	sld [smem:$0x3FDB];
	_ =	sdelay $0x1  }
0x11: {  	s4 =	simm.s32 $_scs_section_size  }
0x12: {  	s5 =	simm.s32 $_size__tile_overlayer_lowered;
	s6 =	simm.s32 $_tile_overlayer_lowered  }
0x13: {  	s23 =	simm.s32 $0x1BFF;
	s22 =	sshll.u32 s6, $0x1;
	s3 =	sadd.s32 s4, s20  }
0x14: {  	s7 =	simm.s32 $0x0;
	s21 =	sshll.u32 s5, $0x1;
	s5 =	sadd.s32 s22, s3  }
0x15: {  	[timem:s7], [sflag:s23] =	dma.local [hbm:s5], s21  }
0x16: {  	_ =	swait.ge [sflag:s23], s21  }
0x17: {  	s4 =	ssub.s32 $0x0, s21;
	[sflag:s23] =	ssyncset.done $0x0  }
0x18: {  	[sflag:s23] =	ssyncadd.s32 s4;
	_ =	sdelay $0x1  }
0x19: {  	s24 =	simm.s32 $0x1B8B  }
0x1a: {  	_ =	swait.ge [sflag:s24], $0x1  }
0x1b: {  	[sflag:s24] =	ssyncset.done $0x0  }
0x1c: {  	s26 =	simm.s32 $0x1B8E;
	s25 =	sld [smem:$0x3FFE];
	[sflag:s24] =	ssyncadd.s32 $0xFFFFFFFF  }
0x1d: {  	s27 =	simm.s32 $execute0_lowered;
	[smem:$0x3FD2] =	sst s26  }
0x1e: {  	s5 =	sshll.u32 s27, $0x1;
	_ =	strace $0x80000046;
	[dreg:$0x1] =	wrdreg $0xFFFFFFFF  }
0x1f: {  	s28 =	simm.s32 $_size_execute0_lowered;
	s3 =	sadd.s32 s3, s5;
	[dreg:$0x0] =	wrdreg $0x0  }
0x20: {  	s5 =	sshll.u32 s28, $0x1;
	[dreg:$0x2] =	wrdreg s3  }
0x21: {  	[dreg:$0x3] =	wrdreg s5  }
0x22: {  	[dreg:$0x4] =	wrdreg $0xC0  }
0x23: {  	_ =	task [dreg:s7], $0x5FFFF  }
0x24: {  	[dreg:$0x1] =	wrdreg $0xFFFFFFFF  }
0x25: {  	[dreg:$0x0] =	wrdreg $0x60  }
0x26: {  	[dreg:$0x2] =	wrdreg s2  }
0x27: {  	[dreg:$0x3] =	wrdreg s25  }
0x28: {  	[dreg:$0x4] =	wrdreg $0x9  }
0x29: {  	_ =	task.clear_ibuf [dreg:s7], $0x5FFFF;
	_ =	strace $0x90000046  }
0x2a: {  	s29 =	simm.s32 $0x9;
	_ =	strace $0x80000048  }
0x2b: {  	_ =	swait.ge [sflag:s29], $0x1  }
0x2c: {  	[sflag:s29] =	ssyncadd.s32 $0xFFFFFFFF  }
0x2d: {  	_ =	strace $0x90000048  }
0x2e: {  	_ =	sfence  }
0x2f: {  	s30 =	sld [smem:$0x0];
	_ =	sdelay $0x2  }
0x30: {  	s31 =	sshll.u32 s1, $0xD;
	s1 =	sshrl.u32 s1, $0x2  }
0x31: {  	s3 =	sand.u32 $0x4000, s31;
	s1 =	sadd.s32 s1, s30  }
0x32: {  	s0 =	sor.u32 s3, s0;
	s1 =	sshll.u32 s1, $0x11  }
0x33: {  	s0 =	sor.u32 s1, s0  }
0x34: {  	s0 =	sadd.s32 $0x8F2B, s0  }
0x35: {  	[sflag:s0] =	ssyncadd.remote.s32 $0x1  }
0x36: {  	_ =	sfence.sel $0xFFFF  }
0x37: {  	[dreg:$0x0] =	wrdreg $0xFFFFFFFF;
	(pc) =	sbr.abs _section_cstart, $3  }
0x38: {  	[dreg:$0x1] =	wrdreg $0xFFFFFFFF  }
0x39: {  	_ =	task.clear_ibuf [dreg:s7], $0x2FFFF;
	_ =	strace $0x9FFFFFFF  }
0x3a: {  	(tm) =	ssettm $0x7FFFFFFF  }
0x3b: {  	_ =	shalt  }
tec
execute0_lowered:
.L_overlay_start_1:
0x0: {  	(tag) =	ssettag $0x1  }
0x1: {  	s2 =	rddreg [dreg:$0x0]  }
0x2: {  	s1 =	rddreg [dreg:$0x1]  }
0x3: {  	s0 =	rddreg [dreg:$0x2];
	_ =	strace $0x80000047;
	s4 =	srdreg.scid  }
0x4: {  	s6 =	simm.s32 $0x2;
	s11 =	simm.s32 $0x0;
	p0 =	por $0x0, $0x0  }
.Ltmp0:
0x5: {  	s7 =	simm.s32 $0x1000;
	s12 =	simm.s32 $0x0;
	(pc) =	sbr.rel .LBB1_1-.Ltmp0, $4  }
0x6: {  	s9 =	simm.s32 $0x0;
	s3 =	sadd.s32 $0x800, s1;
	s5 =	sshll.u32 s4, $0x4  }
0x7: {  	s1 =	stileid.u32;
	s4 =	simm.s32 $0x1;
	s5 =	sand.u32 $0x10, s5  }
0x8: {  	s8 =	simm.s32 $0x0;
	[sflag:s4] =	ssyncpa.u1 $0x0;
	s5 =	sor.u32 s1, s5  }
0x9: {  	[sflag:s6] =	ssyncpa.u1 $0x0;
	s6 =	simm.s32 $0x800;
	s10 =	smov.u32 s5  }
.LBB1_7:
0xa: {  	s13 =	sadd.s32 $0x10, s9  }
0xb: {  	s11 =	sadd.s32 $0x20, s10;
	s15 =	smov.u32 s10;
	p2 =	sgt.s32 s13, $0x1F  }
0xc: {  	p1 =	slt.u32 s8, $0x2;
	s15 =	smov.u32 @p2 s11  }
0xd: {  	s8 =	sadd.s32 $0x1, s8;
	s13 =	simm.s32 @p2 $0x0;
	p2 =	sgt.s32 s15, $0x1FF  }
0xe: {  	s15 =	smov.u32 @p2 s5;
	p2 =	sne.s32 s8, $0x22  }
.Ltmp1:
0xf: {  	_ = 	snop;
	(pc) =	sbr.rel @!p2 .LBB1_8-.Ltmp1, $4  }
0x10: {  	s14 =	simm.s32 @!p1 $0x2  }
0x11: {  	s12 =	smov.u32 s10;
	_ =	swait.ge @!p1 [sflag:s14], $0x4000  }
0x12: {  	p0 =	por !p0, !p0;
	s11 =	smov.u32 s9;
	[sflag:s14] =	ssyncset.done @!p1 $0x0  }
0x13: {  	s9 =	smov.u32 s13;
	[sflag:s14] =	ssyncadd.s32 @!p1 $0xFFFFC000;
	s10 =	smov.u32 s15  }
.LBB1_1:
0x14: {  	p1 =	sgt.u32 s8, $0x1F  }
0x15: {  	s13 =	sxor.u32 @!p1 $0xFFFFFFFF, s8;
	s14 =	sshll.u32 @!p1 s10, $0xC  }
0x16: {  	s15 =	sshll.u32 @!p1 s9, $0x7;
	s13 =	sshll.u32 @!p1 s13, $0xE;
	s14 =	sadd.s32 @!p1 s2, s14  }
0x17: {  	s13 =	sand.u32 @!p1 $0x4000, s13;
	s14 =	sadd.s32 @!p1 s15, s14;
	s15 =	simm.s32 @!p1 $0x0  }
0x18: {  	[tilespmem:s13], [sflag:$0x1] =	stream.linear.gather @!p1 [hbm4b:s14+s15], $0x4000, $0x38;
	[tilespmem:$0x10000] =	vst v63  }
0x19: {  	p1 =	seq.s32 s8, $0x0  }
0x1a: {  	p2 =	seq.s32 @!p1 s8, $0x21  }
0x1b: {  	p1 =	por p1, p2  }
.Ltmp2:
0x1c: {  	_ = 	snop;
	(pc) =	sbr.rel @p1 .LBB1_7-.Ltmp2, $1  }
0x1d: {  	_ =	sdelay $0x3  }
0x1e: {  	s13 =	simm.s32 $0x1;
	_ =	swait.ge [sflag:s4], $0x4000;
	s16 =	sshll.u32 s8, $0xE  }
0x1f: {  	s13 =	simm.s32 @!p0 $0x0;
	[sflag:s4] =	ssyncset.done $0x0;
	s31 =	sand.u32 $0x4000, s16  }
0x20: {  	s16 =	simm.s32 $0x0;
	s14 =	sshll.u32 s13, $0xE;
	[sflag:s4] =	ssyncadd.s32 $0xFFFFC000  }
0x21: {  	s13 =	sor.u32 $0x8040, s14;
	s15 =	sor.u32 $0x40, s14;
	s14 =	sor.u32 $0x8000, s31  }
.LBB1_3:
0x22: {  	v0 =	vmov s15;
	_ =	sdelay $0x3  }
0x23: {  	s18 =	simm.s32 $0x0  }
0x24: {  	v6 =	vld.idx.msk [tilespmem:v0+s18+$0x30 ss:$0x1], $0xffff  }
0x25: {  	v7 =	vld.idx.msk [tilespmem:v0+s18+$0xFFFFFFC0 ss:$0x1], $0xffff  }
0x26: {  	v5 =	vld.idx.msk [tilespmem:v0+s18+$0xFFFFFFD0 ss:$0x1], $0xffff  }
0x27: {  	v4 =	vld.idx.msk [tilespmem:v0+s18+$0xFFFFFFE0 ss:$0x1], $0xffff  }
0x28: {  	v3 =	vld.idx.msk [tilespmem:v0+s18+$0xFFFFFFF0 ss:$0x1], $0xffff  }
0x29: {  	v1 =	vld.idx.msk [tilespmem:v0+s18+$0x0 ss:$0x1], $0xffff  }
0x2a: {  	v2 =	vld.idx.msk [tilespmem:v0+s18+$0x10 ss:$0x1], $0xffff;
	[tilespmem:s13+$0x30] =	vst v6  }
0x2b: {  	s17 =	simm.s32 $0x80;
	s19 =	simm.s32 $0x400;
	[tilespmem:s13+$0xFFFFFFC0] =	vst v7;
	v6 =	vld.idx.msk [tilespmem:v0+s18+$0x20 ss:$0x1], $0xffff;
	s18 =	smov.u32 s13  }
.LBB1_4:
0x2c: {  	p1 =	sne.s32 s19, $0xE00;
	v7 =	vld.idx.msk [tilespmem:v0+s17+$0x30 ss:$0x1], $0xffff;
	[tilespmem:s18+$0xFFFFFFD0] =	vst v5  }
0x2d: {  	v8 =	vld.idx.msk [tilespmem:v0+s17+$0xFFFFFFC0 ss:$0x1], $0xffff;
	[tilespmem:s18+$0xFFFFFFE0] =	vst v4  }
0x2e: {  	v5 =	vld.idx.msk [tilespmem:v0+s17+$0xFFFFFFD0 ss:$0x1], $0xffff;
	[tilespmem:s18+$0xFFFFFFF0] =	vst v3  }
.Ltmp3:
0x2f: {  	v4 =	vld.idx.msk [tilespmem:v0+s17+$0xFFFFFFE0 ss:$0x1], $0xffff;
	[tilespmem:s18+$0x0] =	vst v1;
	(pc) =	sbr.rel @p1 .LBB1_4-.Ltmp3, $4  }
0x30: {  	v3 =	vld.idx.msk [tilespmem:v0+s17+$0xFFFFFFF0 ss:$0x1], $0xffff;
	[tilespmem:s18+$0x10] =	vst v2  }
0x31: {  	v1 =	vld.idx.msk [tilespmem:v0+s17+$0x0 ss:$0x1], $0xffff;
	[tilespmem:s18+$0x20] =	vst v6;
	s18 =	sadd.s32 $0x800, s18  }
0x32: {  	v2 =	vld.idx.msk [tilespmem:v0+s17+$0x10 ss:$0x1], $0xffff;
	[tilespmem:s18+$0x30] =	vst v7  }
0x33: {  	[tilespmem:s18+$0xFFFFFFC0] =	vst v8;
	v6 =	vld.idx.msk [tilespmem:v0+s17+$0x20 ss:$0x1], $0xffff;
	s17 =	sshra.s32 s19, $0x2;
	s19 =	sadd.s32 $0x200, s19  }
0x34: {  	_ =	sdelay $0x2  }
0x35: {  	[tilespmem:s18+$0xFFFFFFD0] =	vst v5  }
0x36: {  	v56 =	vld.idx.msk [tilespmem:v0+s17+$0x30 ss:$0x1], $0xffff;
	[tilespmem:s18+$0xFFFFFFE0] =	vst v4  }
0x37: {  	v57 =	vld.idx.msk [tilespmem:v0+s17+$0xFFFFFFC0 ss:$0x1], $0xffff;
	[tilespmem:s18+$0xFFFFFFF0] =	vst v3  }
0x38: {  	v58 =	vld.idx.msk [tilespmem:v0+s17+$0xFFFFFFD0 ss:$0x1], $0xffff;
	[tilespmem:s18+$0x0] =	vst v1  }
0x39: {  	v59 =	vld.idx.msk [tilespmem:v0+s17+$0xFFFFFFE0 ss:$0x1], $0xffff;
	[tilespmem:s18+$0x10] =	vst v2  }
0x3a: {  	v60 =	vld.idx.msk [tilespmem:v0+s17+$0xFFFFFFF0 ss:$0x1], $0xffff;
	s31 =	sadd.s32 $0x800, s18;
	[tilespmem:s18+$0x20] =	vst v6  }
0x3b: {  	v61 =	vld.idx.msk [tilespmem:v0+s17+$0x0 ss:$0x1], $0xffff;
	[tilespmem:s31+$0x30] =	vst v56  }
0x3c: {  	v62 =	vld.idx.msk [tilespmem:v0+s17+$0x10 ss:$0x1], $0xffff;
	s16 =	sadd.s32 $0x1, s16;
	[tilespmem:s31+$0xFFFFFFC0] =	vst v57  }
0x3d: {  	v63 =	vld.idx.msk [tilespmem:v0+s17+$0x20 ss:$0x1], $0xffff;
	p1 =	sne.s32 s16, $0x10;
	[tilespmem:s31+$0xFFFFFFD0] =	vst v58  }
.Ltmp4:
0x3e: {  	[tilespmem:s31+$0xFFFFFFE0] =	vst v59;
	(pc) =	sbr.rel @p1 .LBB1_3-.Ltmp4, $4  }
0x3f: {  	[tilespmem:s31+$0xFFFFFFF0] =	vst v60  }
0x40: {  	[tilespmem:s31+$0x0] =	vst v61  }
0x41: {  	[tilespmem:s31+$0x10] =	vst v62  }
0x42: {  	s13 =	sadd.s32 $0x80, s13;
	s15 =	sadd.s32 $0x400, s15;
	[tilespmem:s31+$0x20] =	vst v63  }
.Ltmp5:
0x43: {  	(pc) =	sbr.rel .LBB1_7-.Ltmp5, $4  }
0x44: {  	s12 =	sshll.u32 s12, $0xC;
	s11 =	sshll.u32 s11, $0x4  }
0x45: {  	s11 =	sand.u32 $0x1F0, s11;
	s12 =	sadd.s32 s3, s12  }
0x46: {  	s11 =	sadd.s32 s11, s12  }
0x47: {  	[hbm4b:s11+s6] =	stream.strided.scatter [tilespmem:s14], [sflag:$0x2], $0x4000, s7, s6, $0x38;
	[tilespmem:$0x10000] =	vst v63  }
.LBB1_8:
0x48: {  	_ =	sfence.sel $0x180000  }
0x49: {  	s2 =	simm.s32 $0x1;
	[bflag:$0x0] =	sbarrier.arrive $0xFFFF  }
0x4a: {  	s31 =	simm.s32 $0x2;
	[sflag:s2] =	ssyncpa.u1 $0x1  }
0x4b: {  	[sflag:s31] =	ssyncpa.u1 $0x1  }
0x4c: {  	p0 =	sne.s32 s1, $0x0;
	_ =	strace $0x90000047  }
0x4d: {  	s0 =	sadd.s32 @!p0 $0x100000, s0;
	[bflag:$0x2] =	sbarrier.arrive $0xFFFF  }
0x4e: {  	[sflag:s0] =	ssyncadd.tile.s32 @!p0 $0x1;
	_ =	shalt  }
.Lfunc_end1:
_tile_overlayer_lowered:
.L_overlay_start_2:
0x4f: {  	(tag) =	ssettag $0x2  }
0x50: {  	s0 =	rddreg [dreg:$0x0];
	s2 =	stileid.u32  }
0x51: {  	s1 =	rddreg [dreg:$0x1];
	p0 =	sne.s32 s2, $0x0  }
0x52: {  	s3 =	rddreg [dreg:$0x2];
	[bflag:$0x3] =	sbarrier.arrive $0xFFFF;
	s2 =	simm.s32 @!p0 $0x1C01  }
0x53: {  	[timem:s3], [sflag:s2] =	dma.local @!p0 [hbm:s0], s1  }
0x54: {  	s0 =	simm.s32 @!p0 $0x1  }
0x55: {  	_ =	swait.ge @!p0 [sflag:s0], s1  }
0x56: {  	s1 =	ssub.s32 @!p0 $0x0, s1;
	[sflag:s0] =	ssyncset.done @!p0 $0x0  }
0x57: {  	[sflag:s0] =	ssyncadd.s32 @!p0 s1  }
0x58: {  	[bflag:$0x3] =	sbarrier.arrive $0xFFFF  }
0x59: {  	_ =	shalt  }

</sc_bundles>
